<compile_context>
chip_gen: v7x
topology: tpu7x:2x2x1
jax: 0.10.2.dev20260603
libtpu: 0.0.44.dev20260713+nightly
codegen_flags: <defaults>
</compile_context>

<pallas_src>
import functools
import jax
import jax.numpy as jnp
from jax import lax
from jax.experimental import pallas as pl
from jax.experimental.pallas import tpu as pltpu, tpu_sc as plsc

N = 10000
D = 128
F = 64
E = 320000
NC = 2
NS = 16
NW = NC * NS
EPW = E // NW
CHP = 80
NCHP = EPW // CHP

_mesh = functools.partial(
    plsc.VectorSubcoreMesh, core_axis_name="c", subcore_axis_name="s")


def _wid():
    return lax.axis_index("c") * NS + lax.axis_index("s")


@functools.partial(
    pl.kernel,
    out_type=jax.ShapeDtypeStruct((NW, N), jnp.float32),
    mesh=_mesh(),
    compiler_params=pltpu.CompilerParams(needs_layout_passes=False, use_tc_tiling_on_sc=False),
    scratch_types=[
        pltpu.VMEM((EPW,), jnp.int32),
        pltpu.VMEM((N,), jnp.float32),
    ],
)
def _sc_deg(dst_hbm, zeros1_hbm, out_hbm, dstv, degv):
    wid = _wid()
    base = wid * EPW

    pltpu.sync_copy(zeros1_hbm, degv)
    pltpu.sync_copy(dst_hbm.at[pl.ds(base, EPW)], dstv)

    one16 = jnp.ones((16,), jnp.float32)

    def body(i, _):
        idx = dstv[pl.ds(i * 16, 16)]
        plsc.addupdate_scatter(degv, [idx], one16)
        return 0
    lax.fori_loop(0, EPW // 16, body, 0)

    pltpu.sync_copy(degv, out_hbm.at[wid])


@functools.partial(
    pl.kernel,
    out_type=jax.ShapeDtypeStruct((NC, N, F), jnp.float32),
    mesh=_mesh(),
    compiler_params=pltpu.CompilerParams(needs_layout_passes=False, use_tc_tiling_on_sc=False),
    scratch_types=[
        pltpu.VMEM((NCHP, CHP), jnp.int32),
        pltpu.VMEM((NCHP, CHP), jnp.int32),
        pltpu.VMEM((CHP, F), jnp.float32),
        pltpu.VMEM((CHP, F), jnp.float32),
        pltpu.VMEM_SHARED((N, F), jnp.float32),
        pltpu.VMEM_SHARED((N, F), jnp.float32),
        pltpu.SemaphoreType.DMA,
        pltpu.SemaphoreType.DMA,
    ],
)
def _sc_prop(tp_hbm, src2_hbm, dst2_hbm, zeros_hbm, out_hbm,
             srcv, dstv, rowsa, rowsb, acc, tsh, sema, semb):
    c = lax.axis_index("c")
    s = lax.axis_index("s")
    row0 = _wid() * NCHP

    @pl.when(s < 10)
    def _():
        pltpu.sync_copy(zeros_hbm.at[pl.ds(s * 1000, 1000)],
                        acc.at[pl.ds(s * 1000, 1000)])

    @pl.when(s >= 6)
    def _():
        pltpu.sync_copy(tp_hbm.at[pl.ds((s - 6) * 1000, 1000)],
                        tsh.at[pl.ds((s - 6) * 1000, 1000)])
    pltpu.sync_copy(src2_hbm.at[pl.ds(row0, NCHP)], srcv)
    pltpu.sync_copy(dst2_hbm.at[pl.ds(row0, NCHP)], dstv)
    plsc.subcore_barrier()

    def start(j, buf, sem):
        pltpu.async_copy(tsh.at[srcv.at[j]], buf, sem)

    def wait(buf, sem):
        pltpu.make_async_copy(tsh.at[srcv.at[0]], buf, sem).wait()

    def scat(j, buf):
        pltpu.sync_copy(buf, acc.at[dstv.at[j]], add=True)

    start(0, rowsa, sema)

    def pair(jj, _):
        j = 2 * jj
        start(j + 1, rowsb, semb)
        wait(rowsa, sema)
        scat(j, rowsa)

        @pl.when(jj < NCHP // 2 - 1)
        def _():
            start(j + 2, rowsa, sema)
        wait(rowsb, semb)
        scat(j + 1, rowsb)
        return 0
    lax.fori_loop(0, NCHP // 2, pair, 0)

    start(NCHP - 1, rowsa, sema)
    wait(rowsa, sema)
    scat(NCHP - 1, rowsa)

    plsc.subcore_barrier()

    @pl.when(s < 10)
    def _():
        pltpu.sync_copy(acc.at[pl.ds(s * 1000, 1000)],
                        out_hbm.at[c, pl.ds(s * 1000, 1000)])


@functools.partial(
    pl.kernel,
    out_type=jax.ShapeDtypeStruct((E,), jnp.float32),
    mesh=_mesh(),
    compiler_params=pltpu.CompilerParams(needs_layout_passes=False, use_tc_tiling_on_sc=False),
    scratch_types=[
        pltpu.VMEM((NCHP, CHP), jnp.int32),
        pltpu.VMEM((NCHP, CHP), jnp.int32),
        pltpu.VMEM((CHP, F), jnp.float32),
        pltpu.VMEM((CHP, F), jnp.float32),
        pltpu.VMEM((CHP, F), jnp.float32),
        pltpu.VMEM((CHP, F), jnp.float32),
        pltpu.VMEM((EPW,), jnp.float32),
        pltpu.VMEM((16, 16), jnp.float32),
        pltpu.VMEM((16,), jnp.float32),
        pltpu.VMEM_SHARED((N, F), jnp.float32),
        pltpu.VMEM_SHARED((N, F), jnp.float32),
        pltpu.SemaphoreType.DMA,
        pltpu.SemaphoreType.DMA,
    ],
)
def _sc_score(u_hbm, h_hbm, src2_hbm, dst2_hbm, bb_hbm, out_hbm,
              srcv, dstv, ua, ha, ub, hb, scores, ptile, bbv, ush, hsh,
              sema, semb):
    s = lax.axis_index("s")
    row0 = _wid() * NCHP
    pltpu.sync_copy(bb_hbm, bbv)
    bbvec = bbv[...]
    pltpu.sync_copy(src2_hbm.at[pl.ds(row0, NCHP)], srcv)
    pltpu.sync_copy(dst2_hbm.at[pl.ds(row0, NCHP)], dstv)

    @pl.when(s < 10)
    def _():
        pltpu.sync_copy(u_hbm.at[pl.ds(s * 1000, 1000)],
                        ush.at[pl.ds(s * 1000, 1000)])

    @pl.when(s >= 6)
    def _():
        pltpu.sync_copy(h_hbm.at[pl.ds((s - 6) * 1000, 1000)],
                        hsh.at[pl.ds((s - 6) * 1000, 1000)])
    plsc.subcore_barrier()

    iota16 = lax.iota(jnp.int32, 16)

    def start(j, ubuf, hbuf, sem):
        pltpu.async_copy(ush.at[srcv.at[j]], ubuf, sem)
        pltpu.async_copy(hsh.at[dstv.at[j]], hbuf, sem)

    def wait(ubuf, hbuf, sem):
        pltpu.make_async_copy(ush.at[srcv.at[0]], ubuf, sem).wait()
        pltpu.make_async_copy(hsh.at[dstv.at[0]], hbuf, sem).wait()

    def compute(j, ubuf, hbuf):
        def group(g, _):
            for e in range(16):
                erow = ubuf.at[g * 16 + e]
                hrow = hbuf.at[g * 16 + e]
                p0 = erow[pl.ds(0, 16)] * hrow[pl.ds(0, 16)]
                p1 = erow[pl.ds(16, 16)] * hrow[pl.ds(16, 16)]
                p2 = erow[pl.ds(32, 16)] * hrow[pl.ds(32, 16)]
                p3 = erow[pl.ds(48, 16)] * hrow[pl.ds(48, 16)]
                ptile[e] = (p0 + p1) + (p2 + p3)
            acc = bbvec
            for c in range(16):
                colc = jnp.full((16,), c, jnp.int32)
                acc = acc + plsc.load_gather(ptile, [iota16, colc])
            scores[pl.ds(j * CHP + g * 16, 16)] = acc
            return 0
        lax.fori_loop(0, CHP // 16, group, 0)

    start(0, ua, ha, sema)

    def pair(jj, _):
        j = 2 * jj
        start(j + 1, ub, hb, semb)
        wait(ua, ha, sema)
        compute(j, ua, ha)

        @pl.when(jj < NCHP // 2 - 1)
        def _():
            start(j + 2, ua, ha, sema)
        wait(ub, hb, semb)
        compute(j + 1, ub, hb)
        return 0
    lax.fori_loop(0, NCHP // 2, pair, 0)

    start(NCHP - 1, ua, ha, sema)
    wait(ua, ha, sema)
    compute(NCHP - 1, ua, ha)

    pltpu.sync_copy(scores, out_hbm.at[pl.ds(_wid() * EPW, EPW)])


def _tc1_body(x_ref, w0_ref, b0_ref, w1_ref, deg_ref, t1p_ref, dinv_ref):
    h0 = jnp.dot(x_ref[...], w0_ref[...],
                 preferred_element_type=jnp.float32) + b0_ref[...]
    t1 = jnp.dot(h0, w1_ref[...], preferred_element_type=jnp.float32)
    deg = jnp.sum(deg_ref[...], axis=1, keepdims=True) + 1.0
    dinv = lax.rsqrt(deg)
    dinv_ref[...] = dinv
    t1p_ref[...] = t1 * dinv


def _tc1(x, W0, b0, W1, deg3):
    return pl.pallas_call(
        _tc1_body,
        out_shape=[jax.ShapeDtypeStruct((N, F), jnp.float32),
                   jax.ShapeDtypeStruct((N, 1), jnp.float32)],
    )(x, W0, b0, W1, deg3)


def _tc2_body(pa_ref, pb_ref, tp_ref, dinv_ref, b1_ref, w2_ref, out_ref):
    dinv = dinv_ref[...]
    ssum = pa_ref[...] + pb_ref[...] + tp_ref[...]
    h1 = jnp.maximum(ssum * dinv + b1_ref[...], 0.0)
    t2 = jnp.dot(h1, w2_ref[...], preferred_element_type=jnp.float32)
    out_ref[...] = t2 * dinv


def _tc2(pa, pb, tp, dinv, b1, W2):
    return pl.pallas_call(
        _tc2_body,
        out_shape=jax.ShapeDtypeStruct((N, F), jnp.float32),
    )(pa, pb, tp, dinv, b1, W2)


def _tc3_body(pa_ref, pb_ref, tp_ref, dinv_ref, b2_ref, wb_ref,
              h2_ref, u_ref):
    ssum = pa_ref[...] + pb_ref[...] + tp_ref[...]
    h2 = ssum * dinv_ref[...] + b2_ref[...]
    h2_ref[...] = h2
    u_ref[...] = jnp.dot(h2, wb_ref[...], preferred_element_type=jnp.float32)


def _tc3(pa, pb, tp, dinv, b2, Wb0):
    return pl.pallas_call(
        _tc3_body,
        out_shape=[jax.ShapeDtypeStruct((N, F), jnp.float32),
                   jax.ShapeDtypeStruct((N, F), jnp.float32)],
    )(pa, pb, tp, dinv, b2, Wb0)


def kernel(x, edge_index, W0, b0, W1, b1, W2, b2, Wb, bb):
    src = edge_index[0]
    dst = edge_index[1]
    src2 = src.reshape(E // CHP, CHP)
    dst2 = dst.reshape(E // CHP, CHP)

    zeros1 = jnp.zeros((N,), jnp.float32)
    degp = _sc_deg(dst, zeros1)
    t1p, dinv = _tc1(x, W0, b0, W1, degp.T)

    zeros = jnp.zeros((N, F), jnp.float32)
    p1 = _sc_prop(t1p, src2, dst2, zeros)
    t2p = _tc2(p1[0], p1[1], t1p, dinv, b1, W2)
    p2 = _sc_prop(t2p, src2, dst2, zeros)
    h2, u = _tc3(p2[0], p2[1], t2p, dinv, b2, Wb[0])

    bb16 = jnp.full((16,), bb[0], jnp.float32)
    return _sc_score(u, h2, src2, dst2, bb16)

# --- scband reference (transcript-rebuilt; emitter-appended) ---
"""Pipeline reference for scband-gnn-gcnconv-homogen-72971494359491 (READ-ONLY COPY).

The authoritative reference and input builder live on the scoring server;
editing this copy changes nothing except your own understanding.
"""

import jax, jax.numpy as jnp
import numpy as np

N, D, E = 10000, 128, 320000
H1, H2 = D // 2, 64

def _gcn_norm(edge_index, n):
    loop = jnp.arange(n, dtype=edge_index.dtype)
    src = jnp.concatenate([edge_index[0], loop])
    dst = jnp.concatenate([edge_index[1], loop])
    deg = jax.ops.segment_sum(jnp.ones(src.shape[0], jnp.float32), dst, num_segments=n)
    dinv = jnp.where(deg > 0, deg ** -0.5, 0.0)
    norm = dinv[src] * dinv[dst]
    return src, dst, norm

def setup_inputs(seed: int = 0):
    key = jax.random.key(seed)
    ks = jax.random.split(key, 12)
    x = jax.random.normal(ks[0], (N, D), dtype=jnp.float32)
    edge_index = jax.random.randint(ks[1], (2, E), 0, N, dtype=jnp.int32)
    W0 = jax.random.normal(ks[2], (D, D), dtype=jnp.float32) / np.sqrt(D)
    b0 = jnp.zeros((D,), jnp.float32)
    W1 = jax.random.normal(ks[3], (D, H1), dtype=jnp.float32) / np.sqrt(D)
    b1 = jnp.zeros((H1,), jnp.float32)
    W2 = jax.random.normal(ks[4], (H1, H2), dtype=jnp.float32) / np.sqrt(H1)
    b2 = jnp.zeros((H2,), jnp.float32)
    Wb = jax.random.normal(ks[5], (1, H2, H2), dtype=jnp.float32) / np.sqrt(H2)
    bb = jnp.zeros((1,), jnp.float32)
    return {"x": x, "edge_index": edge_index, "W0": W0, "b0": b0, "W1": W1, "b1": b1, "W2": W2, "b2": b2, "Wb": Wb, "bb": bb}

def reference(x, edge_index, W0, b0, W1, b1, W2, b2, Wb, bb):
    n = x.shape[0]
    src, dst, norm = _gcn_norm(edge_index, n)
    # init linear
    h = x @ W0 + b0
    # GCNConv 1: transform, normalize-propagate, bias
    h = h @ W1
    h = jax.ops.segment_sum(h[src] * norm[:, None], dst, num_segments=n) + b1
    h = jax.nn.relu(h)
    # GCNConv 2
    h = h @ W2
    h = jax.ops.segment_sum(h[src] * norm[:, None], dst, num_segments=n) + b2
    # bilinear scoring on original edges
    x1 = h[edge_index[0]]
    x2 = h[edge_index[1]]
    out = jnp.einsum('ei,kij,ej->ek', x1, Wb, x2) + bb
    return out.reshape(-1)

if __name__ == "__main__":
    import jax
    _d = setup_inputs()
    print(jax.jit(kernel)(*tuple(_d.values())))

</pallas_src>

<mosaic_0001>
#map = affine_map<(d0, d1) -> (0, 0)>
#map1 = affine_map<(d0, d1) -> (0, 0, 0)>
module attributes {stable_mosaic.version = 14 : i64} {
  func.func @_sc_prop(%arg0: i32, %arg1: i32, %arg2: memref<10000x64xf32, #tpu.memory_space<hbm>>, %arg3: memref<4000x80xi32, #tpu.memory_space<hbm>>, %arg4: memref<4000x80xi32, #tpu.memory_space<hbm>>, %arg5: memref<10000x64xf32, #tpu.memory_space<hbm>>, %arg6: memref<2x10000x64xf32, #tpu.memory_space<hbm>>, %arg7: memref<125x80xi32, #tpu.memory_space<vmem>>, %arg8: memref<125x80xi32, #tpu.memory_space<vmem>>, %arg9: memref<80x64xf32, #tpu.memory_space<vmem>>, %arg10: memref<80x64xf32, #tpu.memory_space<vmem>>, %arg11: memref<10000x64xf32, #tpu.memory_space<vmem_shared>>, %arg12: memref<10000x64xf32, #tpu.memory_space<vmem_shared>>, %arg13: memref<!tpu.dma_semaphore, #tpu.memory_space<semaphore_mem>>, %arg14: memref<!tpu.dma_semaphore, #tpu.memory_space<semaphore_mem>>) attributes {dimension_semantics = [#tpu.dimension_semantics<core_parallel>, #tpu.dimension_semantics<subcore_parallel>], iteration_bounds = array<i64: 2, 16>, scalar_prefetch = 0 : i64, scratch_operands = 8 : i64, tpu.core_type = #tpu.core_type<sc_vector_subcore>, window_params = [{transform_indices = #map}, {transform_indices = #map}, {transform_indices = #map}, {transform_indices = #map}, {transform_indices = #map1}]} {
    %mul3A = arith.constant 16 : i32
    %mul3A_0 = arith.muli %arg0, %mul3A : i32
    %add3A = arith.addi %mul3A_0, %arg1 : i32
    %mul3A_1 = arith.constant 125 : i32
    %mul3A_2 = arith.muli %add3A, %mul3A_1 : i32
    %lt3A = arith.constant 10 : i32
    %lt3A_3 = arith.cmpi slt, %arg1, %lt3A : i32
    %convert_element_type3A = arith.extui %lt3A_3 : i1 to i32
    %cond3A = arith.constant 0 : i32
    %cond3A_4 = arith.cmpi ne, %convert_element_type3A, %cond3A : i32
    scf.if %cond3A_4 {
      %mul3A_40 = arith.constant 1000 : i32
      %mul3A_41 = arith.muli %arg1, %mul3A_40 : i32
      %mul3A_42 = arith.constant 1000 : i32
      %mul3A_43 = arith.muli %arg1, %mul3A_42 : i32
      "tpu.region"() ({
        %run_scoped3A_44 = tpu.sem_alloc : memref<!tpu.dma_semaphore, #tpu.memory_space<semaphore_mem>>
        %dma_start3A_45 = arith.constant 0 : i32
        %dma_start3A_46 = tpu.memref_slice %arg11[%mul3A_43, %dma_start3A_45] : memref<10000x64xf32, #tpu.memory_space<vmem_shared>> -> memref<1000x64xf32, #tpu.memory_space<vmem_shared>>
        %dma_start3A_47 = arith.constant 0 : i32
        %dma_start3A_48 = tpu.memref_slice %arg5[%mul3A_41, %dma_start3A_47] : memref<10000x64xf32, #tpu.memory_space<hbm>> -> memref<1000x64xf32, #tpu.memory_space<hbm>>
        tpu.enqueue_dma source(%dma_start3A_48 : memref<1000x64xf32, #tpu.memory_space<hbm>>) target(%dma_start3A_46 : memref<1000x64xf32, #tpu.memory_space<vmem_shared>>) target_semaphore(%run_scoped3A_44 : memref<!tpu.dma_semaphore, #tpu.memory_space<semaphore_mem>>)
        %dma_wait3A_49 = arith.constant 0 : i32
        %dma_wait3A_50 = tpu.memref_slice %arg11[%mul3A_43, %dma_wait3A_49] : memref<10000x64xf32, #tpu.memory_space<vmem_shared>> -> memref<1000x64xf32, #tpu.memory_space<vmem_shared>>
        %dma_wait3A_51 = arith.constant 0 : i32
        %dma_wait3A_52 = tpu.memref_slice %arg5[%mul3A_41, %dma_wait3A_51] : memref<10000x64xf32, #tpu.memory_space<hbm>> -> memref<1000x64xf32, #tpu.memory_space<hbm>>
        tpu.wait_dma2 semaphore(%run_scoped3A_44 : memref<!tpu.dma_semaphore, #tpu.memory_space<semaphore_mem>>) src(%dma_wait3A_52 : memref<1000x64xf32, #tpu.memory_space<hbm>>) dst(%dma_wait3A_50 : memref<1000x64xf32, #tpu.memory_space<vmem_shared>>)
        tpu.yield
      }) : () -> ()
    } else {
    }
    %ge3A = arith.constant 6 : i32
    %ge3A_5 = arith.cmpi sge, %arg1, %ge3A : i32
    %convert_element_type3A_6 = arith.extui %ge3A_5 : i1 to i32
    %cond3A_7 = arith.constant 0 : i32
    %cond3A_8 = arith.cmpi ne, %convert_element_type3A_6, %cond3A_7 : i32
    scf.if %cond3A_8 {
      %sub3A = arith.constant 6 : i32
      %sub3A_40 = arith.subi %arg1, %sub3A : i32
      %mul3A_41 = arith.constant 1000 : i32
      %mul3A_42 = arith.muli %sub3A_40, %mul3A_41 : i32
      %sub3A_43 = arith.constant 6 : i32
      %sub3A_44 = arith.subi %arg1, %sub3A_43 : i32
      %mul3A_45 = arith.constant 1000 : i32
      %mul3A_46 = arith.muli %sub3A_44, %mul3A_45 : i32
      "tpu.region"() ({
        %run_scoped3A_47 = tpu.sem_alloc : memref<!tpu.dma_semaphore, #tpu.memory_space<semaphore_mem>>
        %dma_start3A_48 = arith.constant 0 : i32
        %dma_start3A_49 = tpu.memref_slice %arg12[%mul3A_46, %dma_start3A_48] : memref<10000x64xf32, #tpu.memory_space<vmem_shared>> -> memref<1000x64xf32, #tpu.memory_space<vmem_shared>>
        %dma_start3A_50 = arith.constant 0 : i32
        %dma_start3A_51 = tpu.memref_slice %arg2[%mul3A_42, %dma_start3A_50] : memref<10000x64xf32, #tpu.memory_space<hbm>> -> memref<1000x64xf32, #tpu.memory_space<hbm>>
        tpu.enqueue_dma source(%dma_start3A_51 : memref<1000x64xf32, #tpu.memory_space<hbm>>) target(%dma_start3A_49 : memref<1000x64xf32, #tpu.memory_space<vmem_shared>>) target_semaphore(%run_scoped3A_47 : memref<!tpu.dma_semaphore, #tpu.memory_space<semaphore_mem>>)
        %dma_wait3A_52 = arith.constant 0 : i32
        %dma_wait3A_53 = tpu.memref_slice %arg12[%mul3A_46, %dma_wait3A_52] : memref<10000x64xf32, #tpu.memory_space<vmem_shared>> -> memref<1000x64xf32, #tpu.memory_space<vmem_shared>>
        %dma_wait3A_54 = arith.constant 0 : i32
        %dma_wait3A_55 = tpu.memref_slice %arg2[%mul3A_42, %dma_wait3A_54] : memref<10000x64xf32, #tpu.memory_space<hbm>> -> memref<1000x64xf32, #tpu.memory_space<hbm>>
        tpu.wait_dma2 semaphore(%run_scoped3A_47 : memref<!tpu.dma_semaphore, #tpu.memory_space<semaphore_mem>>) src(%dma_wait3A_55 : memref<1000x64xf32, #tpu.memory_space<hbm>>) dst(%dma_wait3A_53 : memref<1000x64xf32, #tpu.memory_space<vmem_shared>>)
        tpu.yield
      }) : () -> ()
    } else {
    }
    "tpu.region"() ({
      %run_scoped3A_40 = tpu.sem_alloc : memref<!tpu.dma_semaphore, #tpu.memory_space<semaphore_mem>>
      %dma_start3A_41 = arith.constant 0 : i32
      %dma_start3A_42 = tpu.memref_slice %arg3[%mul3A_2, %dma_start3A_41] : memref<4000x80xi32, #tpu.memory_space<hbm>> -> memref<125x80xi32, #tpu.memory_space<hbm>>
      %dma_start3A_43 = arith.constant 0 : i32
      %dma_start3A_44 = tpu.memref_slice %arg3[%mul3A_2, %dma_start3A_43] : memref<4000x80xi32, #tpu.memory_space<hbm>> -> memref<125x80xi32, #tpu.memory_space<hbm>>
      tpu.enqueue_dma source(%dma_start3A_44 : memref<125x80xi32, #tpu.memory_space<hbm>>) target(%arg7 : memref<125x80xi32, #tpu.memory_space<vmem>>) target_semaphore(%run_scoped3A_40 : memref<!tpu.dma_semaphore, #tpu.memory_space<semaphore_mem>>)
      %dma_wait3A_45 = arith.constant 0 : i32
      %dma_wait3A_46 = tpu.memref_slice %arg3[%mul3A_2, %dma_wait3A_45] : memref<4000x80xi32, #tpu.memory_space<hbm>> -> memref<125x80xi32, #tpu.memory_space<hbm>>
      %dma_wait3A_47 = arith.constant 0 : i32
      %dma_wait3A_48 = tpu.memref_slice %arg3[%mul3A_2, %dma_wait3A_47] : memref<4000x80xi32, #tpu.memory_space<hbm>> -> memref<125x80xi32, #tpu.memory_space<hbm>>
      tpu.wait_dma2 semaphore(%run_scoped3A_40 : memref<!tpu.dma_semaphore, #tpu.memory_space<semaphore_mem>>) src(%dma_wait3A_48 : memref<125x80xi32, #tpu.memory_space<hbm>>) dst(%arg7 : memref<125x80xi32, #tpu.memory_space<vmem>>)
      tpu.yield
    }) : () -> ()
    "tpu.region"() ({
      %run_scoped3A_40 = tpu.sem_alloc : memref<!tpu.dma_semaphore, #tpu.memory_space<semaphore_mem>>
      %dma_start3A_41 = arith.constant 0 : i32
      %dma_start3A_42 = tpu.memref_slice %arg4[%mul3A_2, %dma_start3A_41] : memref<4000x80xi32, #tpu.memory_space<hbm>> -> memref<125x80xi32, #tpu.memory_space<hbm>>
      %dma_start3A_43 = arith.constant 0 : i32
      %dma_start3A_44 = tpu.memref_slice %arg4[%mul3A_2, %dma_start3A_43] : memref<4000x80xi32, #tpu.memory_space<hbm>> -> memref<125x80xi32, #tpu.memory_space<hbm>>
      tpu.enqueue_dma source(%dma_start3A_44 : memref<125x80xi32, #tpu.memory_space<hbm>>) target(%arg8 : memref<125x80xi32, #tpu.memory_space<vmem>>) target_semaphore(%run_scoped3A_40 : memref<!tpu.dma_semaphore, #tpu.memory_space<semaphore_mem>>)
      %dma_wait3A_45 = arith.constant 0 : i32
      %dma_wait3A_46 = tpu.memref_slice %arg4[%mul3A_2, %dma_wait3A_45] : memref<4000x80xi32, #tpu.memory_space<hbm>> -> memref<125x80xi32, #tpu.memory_space<hbm>>
      %dma_wait3A_47 = arith.constant 0 : i32
      %dma_wait3A_48 = tpu.memref_slice %arg4[%mul3A_2, %dma_wait3A_47] : memref<4000x80xi32, #tpu.memory_space<hbm>> -> memref<125x80xi32, #tpu.memory_space<hbm>>
      tpu.wait_dma2 semaphore(%run_scoped3A_40 : memref<!tpu.dma_semaphore, #tpu.memory_space<semaphore_mem>>) src(%dma_wait3A_48 : memref<125x80xi32, #tpu.memory_space<hbm>>) dst(%arg8 : memref<125x80xi32, #tpu.memory_space<vmem>>)
      tpu.yield
    }) : () -> ()
    %barrier3A = arith.constant 0 : index
    tpu.barrier barrier_id(%barrier3A)
    %dma_start3A = arith.constant 0 : i32
    %dma_start3A_9 = arith.constant 0 : i32
    %dma_start3A_10 = tpu.memref_slice %arg7[%dma_start3A, %dma_start3A_9] : memref<125x80xi32, #tpu.memory_space<vmem>> -> memref<1x80xi32, #tpu.memory_space<vmem>>
    %dma_start3A_11 = tpu.memref_squeeze %dma_start3A_10 : memref<1x80xi32, #tpu.memory_space<vmem>> -> memref<80xi32, #tpu.memory_space<vmem>>
    %dma_start3A_12 = arith.constant 0 : i32
    %dma_start3A_13 = arith.constant 0 : i32
    %dma_start3A_14 = tpu.memref_slice %arg12[%dma_start3A_12, %dma_start3A_13] : memref<10000x64xf32, #tpu.memory_space<vmem_shared>> -> memref<10000x64xf32, #tpu.memory_space<vmem_shared>>
    tpu.enqueue_indirect_dma source(%dma_start3A_14 : memref<10000x64xf32, #tpu.memory_space<vmem_shared>>) target(%arg9 : memref<80x64xf32, #tpu.memory_space<vmem>>) offsets(%dma_start3A_11 : memref<80xi32, #tpu.memory_space<vmem>>) semaphore(%arg13 : memref<!tpu.dma_semaphore, #tpu.memory_space<semaphore_mem>>)
    %scan3A = arith.constant 0 : i32
    %scan3A_15 = arith.constant 0 : i32
    %scan3A_16 = arith.constant 62 : i32
    %scan3A_17 = arith.addi %scan3A_15, %scan3A_16 : i32
    %scan3A_18 = arith.constant 1 : i32
    %scan3A_19 = scf.for %scan3A_40 = %scan3A_15 to %scan3A_17 step %scan3A_18 iter_args(%scan3A_41 = %scan3A) -> (i32)  : i32 {
      %mul3A_42 = arith.constant 2 : i32
      %mul3A_43 = arith.muli %mul3A_42, %scan3A_40 : i32
      %add3A_44 = arith.constant 1 : i32
      %add3A_45 = arith.addi %mul3A_43, %add3A_44 : i32
      %dma_start3A_46 = arith.constant 0 : i32
      %dma_start3A_47 = tpu.memref_slice %arg7[%add3A_45, %dma_start3A_46] : memref<125x80xi32, #tpu.memory_space<vmem>> -> memref<1x80xi32, #tpu.memory_space<vmem>>
      %dma_start3A_48 = tpu.memref_squeeze %dma_start3A_47 : memref<1x80xi32, #tpu.memory_space<vmem>> -> memref<80xi32, #tpu.memory_space<vmem>>
      %dma_start3A_49 = arith.constant 0 : i32
      %dma_start3A_50 = arith.constant 0 : i32
      %dma_start3A_51 = tpu.memref_slice %arg12[%dma_start3A_49, %dma_start3A_50] : memref<10000x64xf32, #tpu.memory_space<vmem_shared>> -> memref<10000x64xf32, #tpu.memory_space<vmem_shared>>
      tpu.enqueue_indirect_dma source(%dma_start3A_51 : memref<10000x64xf32, #tpu.memory_space<vmem_shared>>) target(%arg10 : memref<80x64xf32, #tpu.memory_space<vmem>>) offsets(%dma_start3A_48 : memref<80xi32, #tpu.memory_space<vmem>>) semaphore(%arg14 : memref<!tpu.dma_semaphore, #tpu.memory_space<semaphore_mem>>)
      %dma_wait3A_52 = arith.constant 0 : i32
      %dma_wait3A_53 = arith.constant 0 : i32
      %dma_wait3A_54 = tpu.memref_slice %arg7[%dma_wait3A_52, %dma_wait3A_53] : memref<125x80xi32, #tpu.memory_space<vmem>> -> memref<1x80xi32, #tpu.memory_space<vmem>>
      %dma_wait3A_55 = tpu.memref_squeeze %dma_wait3A_54 : memref<1x80xi32, #tpu.memory_space<vmem>> -> memref<80xi32, #tpu.memory_space<vmem>>
      %dma_wait3A_56 = arith.constant 0 : i32
      %dma_wait3A_57 = arith.constant 0 : i32
      %dma_wait3A_58 = tpu.memref_slice %arg12[%dma_wait3A_56, %dma_wait3A_57] : memref<10000x64xf32, #tpu.memory_space<vmem_shared>> -> memref<10000x64xf32, #tpu.memory_space<vmem_shared>>
      tpu.wait_indirect_dma semaphore(%arg13 : memref<!tpu.dma_semaphore, #tpu.memory_space<semaphore_mem>>) src(%dma_wait3A_58 : memref<10000x64xf32, #tpu.memory_space<vmem_shared>>) dst(%arg9 : memref<80x64xf32, #tpu.memory_space<vmem>>)
      "tpu.region"() ({
        %run_scoped3A_74 = tpu.sem_alloc : memref<!tpu.dma_semaphore, #tpu.memory_space<semaphore_mem>>
        %dma_start3A_75 = arith.constant 0 : i32
        %dma_start3A_76 = tpu.memref_slice %arg8[%mul3A_43, %dma_start3A_75] : memref<125x80xi32, #tpu.memory_space<vmem>> -> memref<1x80xi32, #tpu.memory_space<vmem>>
        %dma_start3A_77 = tpu.memref_squeeze %dma_start3A_76 : memref<1x80xi32, #tpu.memory_space<vmem>> -> memref<80xi32, #tpu.memory_space<vmem>>
        %dma_start3A_78 = arith.constant 0 : i32
        %dma_start3A_79 = arith.constant 0 : i32
        %dma_start3A_80 = tpu.memref_slice %arg11[%dma_start3A_78, %dma_start3A_79] : memref<10000x64xf32, #tpu.memory_space<vmem_shared>> -> memref<10000x64xf32, #tpu.memory_space<vmem_shared>>
        tpu.enqueue_indirect_dma source(%arg9 : memref<80x64xf32, #tpu.memory_space<vmem>>) target(%dma_start3A_80 : memref<10000x64xf32, #tpu.memory_space<vmem_shared>>) offsets(%dma_start3A_77 : memref<80xi32, #tpu.memory_space<vmem>>) semaphore(%run_scoped3A_74 : memref<!tpu.dma_semaphore, #tpu.memory_space<semaphore_mem>>) {add = true}
        %dma_wait3A_81 = arith.constant 0 : i32
        %dma_wait3A_82 = tpu.memref_slice %arg8[%mul3A_43, %dma_wait3A_81] : memref<125x80xi32, #tpu.memory_space<vmem>> -> memref<1x80xi32, #tpu.memory_space<vmem>>
        %dma_wait3A_83 = tpu.memref_squeeze %dma_wait3A_82 : memref<1x80xi32, #tpu.memory_space<vmem>> -> memref<80xi32, #tpu.memory_space<vmem>>
        %dma_wait3A_84 = arith.constant 0 : i32
        %dma_wait3A_85 = arith.constant 0 : i32
        %dma_wait3A_86 = tpu.memref_slice %arg11[%dma_wait3A_84, %dma_wait3A_85] : memref<10000x64xf32, #tpu.memory_space<vmem_shared>> -> memref<10000x64xf32, #tpu.memory_space<vmem_shared>>
        tpu.wait_indirect_dma semaphore(%run_scoped3A_74 : memref<!tpu.dma_semaphore, #tpu.memory_space<semaphore_mem>>) src(%arg9 : memref<80x64xf32, #tpu.memory_space<vmem>>) dst(%dma_wait3A_86 : memref<10000x64xf32, #tpu.memory_space<vmem_shared>>)
        tpu.yield
      }) : () -> ()
      %lt3A_59 = arith.constant 61 : i32
      %lt3A_60 = arith.cmpi slt, %scan3A_40, %lt3A_59 : i32
      %convert_element_type3A_61 = arith.extui %lt3A_60 : i1 to i32
      %cond3A_62 = arith.constant 0 : i32
      %cond3A_63 = arith.cmpi ne, %convert_element_type3A_61, %cond3A_62 : i32
      scf.if %cond3A_63 {
        %add3A_74 = arith.constant 2 : i32
        %add3A_75 = arith.addi %mul3A_43, %add3A_74 : i32
        %dma_start3A_76 = arith.constant 0 : i32
        %dma_start3A_77 = tpu.memref_slice %arg7[%add3A_75, %dma_start3A_76] : memref<125x80xi32, #tpu.memory_space<vmem>> -> memref<1x80xi32, #tpu.memory_space<vmem>>
        %dma_start3A_78 = tpu.memref_squeeze %dma_start3A_77 : memref<1x80xi32, #tpu.memory_space<vmem>> -> memref<80xi32, #tpu.memory_space<vmem>>
        %dma_start3A_79 = arith.constant 0 : i32
        %dma_start3A_80 = arith.constant 0 : i32
        %dma_start3A_81 = tpu.memref_slice %arg12[%dma_start3A_79, %dma_start3A_80] : memref<10000x64xf32, #tpu.memory_space<vmem_shared>> -> memref<10000x64xf32, #tpu.memory_space<vmem_shared>>
        tpu.enqueue_indirect_dma source(%dma_start3A_81 : memref<10000x64xf32, #tpu.memory_space<vmem_shared>>) target(%arg9 : memref<80x64xf32, #tpu.memory_space<vmem>>) offsets(%dma_start3A_78 : memref<80xi32, #tpu.memory_space<vmem>>) semaphore(%arg13 : memref<!tpu.dma_semaphore, #tpu.memory_space<semaphore_mem>>)
      } else {
      }
      %dma_wait3A_64 = arith.constant 0 : i32
      %dma_wait3A_65 = arith.constant 0 : i32
      %dma_wait3A_66 = tpu.memref_slice %arg7[%dma_wait3A_64, %dma_wait3A_65] : memref<125x80xi32, #tpu.memory_space<vmem>> -> memref<1x80xi32, #tpu.memory_space<vmem>>
      %dma_wait3A_67 = tpu.memref_squeeze %dma_wait3A_66 : memref<1x80xi32, #tpu.memory_space<vmem>> -> memref<80xi32, #tpu.memory_space<vmem>>
      %dma_wait3A_68 = arith.constant 0 : i32
      %dma_wait3A_69 = arith.constant 0 : i32
      %dma_wait3A_70 = tpu.memref_slice %arg12[%dma_wait3A_68, %dma_wait3A_69] : memref<10000x64xf32, #tpu.memory_space<vmem_shared>> -> memref<10000x64xf32, #tpu.memory_space<vmem_shared>>
      tpu.wait_indirect_dma semaphore(%arg14 : memref<!tpu.dma_semaphore, #tpu.memory_space<semaphore_mem>>) src(%dma_wait3A_70 : memref<10000x64xf32, #tpu.memory_space<vmem_shared>>) dst(%arg10 : memref<80x64xf32, #tpu.memory_space<vmem>>)
      %add3A_71 = arith.constant 1 : i32
      %add3A_72 = arith.addi %mul3A_43, %add3A_71 : i32
      "tpu.region"() ({
        %run_scoped3A_74 = tpu.sem_alloc : memref<!tpu.dma_semaphore, #tpu.memory_space<semaphore_mem>>
        %dma_start3A_75 = arith.constant 0 : i32
        %dma_start3A_76 = tpu.memref_slice %arg8[%add3A_72, %dma_start3A_75] : memref<125x80xi32, #tpu.memory_space<vmem>> -> memref<1x80xi32, #tpu.memory_space<vmem>>
        %dma_start3A_77 = tpu.memref_squeeze %dma_start3A_76 : memref<1x80xi32, #tpu.memory_space<vmem>> -> memref<80xi32, #tpu.memory_space<vmem>>
        %dma_start3A_78 = arith.constant 0 : i32
        %dma_start3A_79 = arith.constant 0 : i32
        %dma_start3A_80 = tpu.memref_slice %arg11[%dma_start3A_78, %dma_start3A_79] : memref<10000x64xf32, #tpu.memory_space<vmem_shared>> -> memref<10000x64xf32, #tpu.memory_space<vmem_shared>>
        tpu.enqueue_indirect_dma source(%arg10 : memref<80x64xf32, #tpu.memory_space<vmem>>) target(%dma_start3A_80 : memref<10000x64xf32, #tpu.memory_space<vmem_shared>>) offsets(%dma_start3A_77 : memref<80xi32, #tpu.memory_space<vmem>>) semaphore(%run_scoped3A_74 : memref<!tpu.dma_semaphore, #tpu.memory_space<semaphore_mem>>) {add = true}
        %dma_wait3A_81 = arith.constant 0 : i32
        %dma_wait3A_82 = tpu.memref_slice %arg8[%add3A_72, %dma_wait3A_81] : memref<125x80xi32, #tpu.memory_space<vmem>> -> memref<1x80xi32, #tpu.memory_space<vmem>>
        %dma_wait3A_83 = tpu.memref_squeeze %dma_wait3A_82 : memref<1x80xi32, #tpu.memory_space<vmem>> -> memref<80xi32, #tpu.memory_space<vmem>>
        %dma_wait3A_84 = arith.constant 0 : i32
        %dma_wait3A_85 = arith.constant 0 : i32
        %dma_wait3A_86 = tpu.memref_slice %arg11[%dma_wait3A_84, %dma_wait3A_85] : memref<10000x64xf32, #tpu.memory_space<vmem_shared>> -> memref<10000x64xf32, #tpu.memory_space<vmem_shared>>
        tpu.wait_indirect_dma semaphore(%run_scoped3A_74 : memref<!tpu.dma_semaphore, #tpu.memory_space<semaphore_mem>>) src(%arg10 : memref<80x64xf32, #tpu.memory_space<vmem>>) dst(%dma_wait3A_86 : memref<10000x64xf32, #tpu.memory_space<vmem_shared>>)
        tpu.yield
      }) : () -> ()
      %scan3A_73 = arith.constant 0 : i32
      scf.yield %scan3A_73 : i32
    }
    %scan3A_20 = arith.constant 62 : i32
    %dma_start3A_21 = arith.constant 124 : i32
    %dma_start3A_22 = arith.constant 0 : i32
    %dma_start3A_23 = tpu.memref_slice %arg7[%dma_start3A_21, %dma_start3A_22] : memref<125x80xi32, #tpu.memory_space<vmem>> -> memref<1x80xi32, #tpu.memory_space<vmem>>
    %dma_start3A_24 = tpu.memref_squeeze %dma_start3A_23 : memref<1x80xi32, #tpu.memory_space<vmem>> -> memref<80xi32, #tpu.memory_space<vmem>>
    %dma_start3A_25 = arith.constant 0 : i32
    %dma_start3A_26 = arith.constant 0 : i32
    %dma_start3A_27 = tpu.memref_slice %arg12[%dma_start3A_25, %dma_start3A_26] : memref<10000x64xf32, #tpu.memory_space<vmem_shared>> -> memref<10000x64xf32, #tpu.memory_space<vmem_shared>>
    tpu.enqueue_indirect_dma source(%dma_start3A_27 : memref<10000x64xf32, #tpu.memory_space<vmem_shared>>) target(%arg9 : memref<80x64xf32, #tpu.memory_space<vmem>>) offsets(%dma_start3A_24 : memref<80xi32, #tpu.memory_space<vmem>>) semaphore(%arg13 : memref<!tpu.dma_semaphore, #tpu.memory_space<semaphore_mem>>)
    %dma_wait3A = arith.constant 0 : i32
    %dma_wait3A_28 = arith.constant 0 : i32
    %dma_wait3A_29 = tpu.memref_slice %arg7[%dma_wait3A, %dma_wait3A_28] : memref<125x80xi32, #tpu.memory_space<vmem>> -> memref<1x80xi32, #tpu.memory_space<vmem>>
    %dma_wait3A_30 = tpu.memref_squeeze %dma_wait3A_29 : memref<1x80xi32, #tpu.memory_space<vmem>> -> memref<80xi32, #tpu.memory_space<vmem>>
    %dma_wait3A_31 = arith.constant 0 : i32
    %dma_wait3A_32 = arith.constant 0 : i32
    %dma_wait3A_33 = tpu.memref_slice %arg12[%dma_wait3A_31, %dma_wait3A_32] : memref<10000x64xf32, #tpu.memory_space<vmem_shared>> -> memref<10000x64xf32, #tpu.memory_space<vmem_shared>>
    tpu.wait_indirect_dma semaphore(%arg13 : memref<!tpu.dma_semaphore, #tpu.memory_space<semaphore_mem>>) src(%dma_wait3A_33 : memref<10000x64xf32, #tpu.memory_space<vmem_shared>>) dst(%arg9 : memref<80x64xf32, #tpu.memory_space<vmem>>)
    %run_scoped3A = arith.constant 124 : i32
    "tpu.region"() ({
      %run_scoped3A_40 = tpu.sem_alloc : memref<!tpu.dma_semaphore, #tpu.memory_space<semaphore_mem>>
      %dma_start3A_41 = arith.constant 0 : i32
      %dma_start3A_42 = tpu.memref_slice %arg8[%run_scoped3A, %dma_start3A_41] : memref<125x80xi32, #tpu.memory_space<vmem>> -> memref<1x80xi32, #tpu.memory_space<vmem>>
      %dma_start3A_43 = tpu.memref_squeeze %dma_start3A_42 : memref<1x80xi32, #tpu.memory_space<vmem>> -> memref<80xi32, #tpu.memory_space<vmem>>
      %dma_start3A_44 = arith.constant 0 : i32
      %dma_start3A_45 = arith.constant 0 : i32
      %dma_start3A_46 = tpu.memref_slice %arg11[%dma_start3A_44, %dma_start3A_45] : memref<10000x64xf32, #tpu.memory_space<vmem_shared>> -> memref<10000x64xf32, #tpu.memory_space<vmem_shared>>
      tpu.enqueue_indirect_dma source(%arg9 : memref<80x64xf32, #tpu.memory_space<vmem>>) target(%dma_start3A_46 : memref<10000x64xf32, #tpu.memory_space<vmem_shared>>) offsets(%dma_start3A_43 : memref<80xi32, #tpu.memory_space<vmem>>) semaphore(%run_scoped3A_40 : memref<!tpu.dma_semaphore, #tpu.memory_space<semaphore_mem>>) {add = true}
      %dma_wait3A_47 = arith.constant 0 : i32
      %dma_wait3A_48 = tpu.memref_slice %arg8[%run_scoped3A, %dma_wait3A_47] : memref<125x80xi32, #tpu.memory_space<vmem>> -> memref<1x80xi32, #tpu.memory_space<vmem>>
      %dma_wait3A_49 = tpu.memref_squeeze %dma_wait3A_48 : memref<1x80xi32, #tpu.memory_space<vmem>> -> memref<80xi32, #tpu.memory_space<vmem>>
      %dma_wait3A_50 = arith.constant 0 : i32
      %dma_wait3A_51 = arith.constant 0 : i32
      %dma_wait3A_52 = tpu.memref_slice %arg11[%dma_wait3A_50, %dma_wait3A_51] : memref<10000x64xf32, #tpu.memory_space<vmem_shared>> -> memref<10000x64xf32, #tpu.memory_space<vmem_shared>>
      tpu.wait_indirect_dma semaphore(%run_scoped3A_40 : memref<!tpu.dma_semaphore, #tpu.memory_space<semaphore_mem>>) src(%arg9 : memref<80x64xf32, #tpu.memory_space<vmem>>) dst(%dma_wait3A_52 : memref<10000x64xf32, #tpu.memory_space<vmem_shared>>)
      tpu.yield
    }) : () -> ()
    %barrier3A_34 = arith.constant 0 : index
    tpu.barrier barrier_id(%barrier3A_34)
    %lt3A_35 = arith.constant 10 : i32
    %lt3A_36 = arith.cmpi slt, %arg1, %lt3A_35 : i32
    %convert_element_type3A_37 = arith.extui %lt3A_36 : i1 to i32
    %cond3A_38 = arith.constant 0 : i32
    %cond3A_39 = arith.cmpi ne, %convert_element_type3A_37, %cond3A_38 : i32
    scf.if %cond3A_39 {
      %mul3A_40 = arith.constant 1000 : i32
      %mul3A_41 = arith.muli %arg1, %mul3A_40 : i32
      %mul3A_42 = arith.constant 1000 : i32
      %mul3A_43 = arith.muli %arg1, %mul3A_42 : i32
      "tpu.region"() ({
        %run_scoped3A_44 = tpu.sem_alloc : memref<!tpu.dma_semaphore, #tpu.memory_space<semaphore_mem>>
        %dma_start3A_45 = arith.constant 0 : i32
        %dma_start3A_46 = tpu.memref_slice %arg6[%arg0, %mul3A_43, %dma_start3A_45] : memref<2x10000x64xf32, #tpu.memory_space<hbm>> -> memref<1x1000x64xf32, #tpu.memory_space<hbm>>
        %dma_start3A_47 = tpu.memref_squeeze %dma_start3A_46 : memref<1x1000x64xf32, #tpu.memory_space<hbm>> -> memref<1000x64xf32, #tpu.memory_space<hbm>>
        %dma_start3A_48 = arith.constant 0 : i32
        %dma_start3A_49 = tpu.memref_slice %arg11[%mul3A_41, %dma_start3A_48] : memref<10000x64xf32, #tpu.memory_space<vmem_shared>> -> memref<1000x64xf32, #tpu.memory_space<vmem_shared>>
        tpu.enqueue_dma source(%dma_start3A_49 : memref<1000x64xf32, #tpu.memory_space<vmem_shared>>) target(%dma_start3A_47 : memref<1000x64xf32, #tpu.memory_space<hbm>>) target_semaphore(%run_scoped3A_44 : memref<!tpu.dma_semaphore, #tpu.memory_space<semaphore_mem>>)
        %dma_wait3A_50 = arith.constant 0 : i32
        %dma_wait3A_51 = tpu.memref_slice %arg6[%arg0, %mul3A_43, %dma_wait3A_50] : memref<2x10000x64xf32, #tpu.memory_space<hbm>> -> memref<1x1000x64xf32, #tpu.memory_space<hbm>>
        %dma_wait3A_52 = tpu.memref_squeeze %dma_wait3A_51 : memref<1x1000x64xf32, #tpu.memory_space<hbm>> -> memref<1000x64xf32, #tpu.memory_space<hbm>>
        %dma_wait3A_53 = arith.constant 0 : i32
        %dma_wait3A_54 = tpu.memref_slice %arg11[%mul3A_41, %dma_wait3A_53] : memref<10000x64xf32, #tpu.memory_space<vmem_shared>> -> memref<1000x64xf32, #tpu.memory_space<vmem_shared>>
        tpu.wait_dma2 semaphore(%run_scoped3A_44 : memref<!tpu.dma_semaphore, #tpu.memory_space<semaphore_mem>>) src(%dma_wait3A_54 : memref<1000x64xf32, #tpu.memory_space<vmem_shared>>) dst(%dma_wait3A_52 : memref<1000x64xf32, #tpu.memory_space<hbm>>)
        tpu.yield
      }) : () -> ()
    } else {
    }
    return
  }
}

#map = affine_map<(d0, d1) -> (0)>
#map1 = affine_map<(d0, d1) -> (0, 0)>
module attributes {stable_mosaic.version = 14 : i64} {
  func.func @_sc_deg(%arg0: i32, %arg1: i32, %arg2: memref<320000xi32, #tpu.memory_space<hbm>>, %arg3: memref<10000xf32, #tpu.memory_space<hbm>>, %arg4: memref<32x10000xf32, #tpu.memory_space<hbm>>, %arg5: memref<10000xi32, #tpu.memory_space<vmem>>, %arg6: memref<10000xf32, #tpu.memory_space<vmem>>) attributes {dimension_semantics = [#tpu.dimension_semantics<core_parallel>, #tpu.dimension_semantics<subcore_parallel>], iteration_bounds = array<i64: 2, 16>, scalar_prefetch = 0 : i64, scratch_operands = 2 : i64, tpu.core_type = #tpu.core_type<sc_vector_subcore>, window_params = [{transform_indices = #map}, {transform_indices = #map}, {transform_indices = #map1}]} {
    %mul3A = arith.constant 16 : i32
    %mul3A_0 = arith.muli %arg0, %mul3A : i32
    %add3A = arith.addi %mul3A_0, %arg1 : i32
    %mul3A_1 = arith.constant 10000 : i32
    %mul3A_2 = arith.muli %add3A, %mul3A_1 : i32
    "tpu.region"() ({
      %run_scoped3A = tpu.sem_alloc : memref<!tpu.dma_semaphore, #tpu.memory_space<semaphore_mem>>
      tpu.enqueue_dma source(%arg3 : memref<10000xf32, #tpu.memory_space<hbm>>) target(%arg6 : memref<10000xf32, #tpu.memory_space<vmem>>) target_semaphore(%run_scoped3A : memref<!tpu.dma_semaphore, #tpu.memory_space<semaphore_mem>>)
      tpu.wait_dma2 semaphore(%run_scoped3A : memref<!tpu.dma_semaphore, #tpu.memory_space<semaphore_mem>>) src(%arg3 : memref<10000xf32, #tpu.memory_space<hbm>>) dst(%arg6 : memref<10000xf32, #tpu.memory_space<vmem>>)
      tpu.yield
    }) : () -> ()
    "tpu.region"() ({
      %run_scoped3A = tpu.sem_alloc : memref<!tpu.dma_semaphore, #tpu.memory_space<semaphore_mem>>
      %dma_start3A = tpu.memref_slice %arg2[%mul3A_2] : memref<320000xi32, #tpu.memory_space<hbm>> -> memref<10000xi32, #tpu.memory_space<hbm>>
      %dma_start3A_10 = tpu.memref_slice %arg2[%mul3A_2] : memref<320000xi32, #tpu.memory_space<hbm>> -> memref<10000xi32, #tpu.memory_space<hbm>>
      tpu.enqueue_dma source(%dma_start3A_10 : memref<10000xi32, #tpu.memory_space<hbm>>) target(%arg5 : memref<10000xi32, #tpu.memory_space<vmem>>) target_semaphore(%run_scoped3A : memref<!tpu.dma_semaphore, #tpu.memory_space<semaphore_mem>>)
      %dma_wait3A = tpu.memref_slice %arg2[%mul3A_2] : memref<320000xi32, #tpu.memory_space<hbm>> -> memref<10000xi32, #tpu.memory_space<hbm>>
      %dma_wait3A_11 = tpu.memref_slice %arg2[%mul3A_2] : memref<320000xi32, #tpu.memory_space<hbm>> -> memref<10000xi32, #tpu.memory_space<hbm>>
      tpu.wait_dma2 semaphore(%run_scoped3A : memref<!tpu.dma_semaphore, #tpu.memory_space<semaphore_mem>>) src(%dma_wait3A_11 : memref<10000xi32, #tpu.memory_space<hbm>>) dst(%arg5 : memref<10000xi32, #tpu.memory_space<vmem>>)
      tpu.yield
    }) : () -> ()
    %broadcast_in_dim3A = arith.constant 1.000000e+00 : f32
    %broadcast_in_dim3A_3 = vector.broadcast %broadcast_in_dim3A : f32 to vector<16xf32>
    %scan3A = arith.constant 0 : i32
    %scan3A_4 = arith.constant 0 : i32
    %scan3A_5 = arith.constant 625 : i32
    %scan3A_6 = arith.addi %scan3A_4, %scan3A_5 : i32
    %scan3A_7 = arith.constant 1 : i32
    %scan3A_8 = scf.for %scan3A_10 = %scan3A_4 to %scan3A_6 step %scan3A_7 iter_args(%scan3A_11 = %scan3A) -> (i32)  : i32 {
      %mul3A_12 = arith.constant 16 : i32
      %mul3A_13 = arith.muli %scan3A_10, %mul3A_12 : i32
      %get3A = arith.index_cast %mul3A_13 : i32 to index
      %get3A_14 = tpu.vector_load %arg5[%get3A] {strides = array<i32>} : memref<10000xi32, #tpu.memory_space<vmem>>, vector<16xi32>,
      tpu.vector_store_idx %arg6[%get3A_14], %broadcast_in_dim3A_3 {add = true} : memref<10000xf32, #tpu.memory_space<vmem>>[vector<16xi32>], vector<16xf32>,
      %scan3A_15 = arith.constant 0 : i32
      scf.yield %scan3A_15 : i32
    }
    %scan3A_9 = arith.constant 625 : i32
    "tpu.region"() ({
      %run_scoped3A = tpu.sem_alloc : memref<!tpu.dma_semaphore, #tpu.memory_space<semaphore_mem>>
      %dma_start3A = arith.constant 0 : i32
      %dma_start3A_10 = tpu.memref_slice %arg4[%add3A, %dma_start3A] : memref<32x10000xf32, #tpu.memory_space<hbm>> -> memref<1x10000xf32, #tpu.memory_space<hbm>>
      %dma_start3A_11 = tpu.memref_squeeze %dma_start3A_10 : memref<1x10000xf32, #tpu.memory_space<hbm>> -> memref<10000xf32, #tpu.memory_space<hbm>>
      %dma_start3A_12 = arith.constant 0 : i32
      %dma_start3A_13 = tpu.memref_slice %arg4[%add3A, %dma_start3A_12] : memref<32x10000xf32, #tpu.memory_space<hbm>> -> memref<1x10000xf32, #tpu.memory_space<hbm>>
      %dma_start3A_14 = tpu.memref_squeeze %dma_start3A_13 : memref<1x10000xf32, #tpu.memory_space<hbm>> -> memref<10000xf32, #tpu.memory_space<hbm>>
      tpu.enqueue_dma source(%arg6 : memref<10000xf32, #tpu.memory_space<vmem>>) target(%dma_start3A_14 : memref<10000xf32, #tpu.memory_space<hbm>>) target_semaphore(%run_scoped3A : memref<!tpu.dma_semaphore, #tpu.memory_space<semaphore_mem>>)
      %dma_wait3A = arith.constant 0 : i32
      %dma_wait3A_15 = tpu.memref_slice %arg4[%add3A, %dma_wait3A] : memref<32x10000xf32, #tpu.memory_space<hbm>> -> memref<1x10000xf32, #tpu.memory_space<hbm>>
      %dma_wait3A_16 = tpu.memref_squeeze %dma_wait3A_15 : memref<1x10000xf32, #tpu.memory_space<hbm>> -> memref<10000xf32, #tpu.memory_space<hbm>>
      %dma_wait3A_17 = arith.constant 0 : i32
      %dma_wait3A_18 = tpu.memref_slice %arg4[%add3A, %dma_wait3A_17] : memref<32x10000xf32, #tpu.memory_space<hbm>> -> memref<1x10000xf32, #tpu.memory_space<hbm>>
      %dma_wait3A_19 = tpu.memref_squeeze %dma_wait3A_18 : memref<1x10000xf32, #tpu.memory_space<hbm>> -> memref<10000xf32, #tpu.memory_space<hbm>>
      tpu.wait_dma2 semaphore(%run_scoped3A : memref<!tpu.dma_semaphore, #tpu.memory_space<semaphore_mem>>) src(%arg6 : memref<10000xf32, #tpu.memory_space<vmem>>) dst(%dma_wait3A_19 : memref<10000xf32, #tpu.memory_space<hbm>>)
      tpu.yield
    }) : () -> ()
    return
  }
}

#map = affine_map<(d0, d1) -> (0, 0)>
#map1 = affine_map<(d0, d1) -> (0)>
module attributes {stable_mosaic.version = 14 : i64} {
  func.func @_sc_score(%arg0: i32, %arg1: i32, %arg2: memref<10000x64xf32, #tpu.memory_space<hbm>>, %arg3: memref<10000x64xf32, #tpu.memory_space<hbm>>, %arg4: memref<4000x80xi32, #tpu.memory_space<hbm>>, %arg5: memref<4000x80xi32, #tpu.memory_space<hbm>>, %arg6: memref<16xf32, #tpu.memory_space<hbm>>, %arg7: memref<320000xf32, #tpu.memory_space<hbm>>, %arg8: memref<125x80xi32, #tpu.memory_space<vmem>>, %arg9: memref<125x80xi32, #tpu.memory_space<vmem>>, %arg10: memref<80x64xf32, #tpu.memory_space<vmem>>, %arg11: memref<80x64xf32, #tpu.memory_space<vmem>>, %arg12: memref<80x64xf32, #tpu.memory_space<vmem>>, %arg13: memref<80x64xf32, #tpu.memory_space<vmem>>, %arg14: memref<10000xf32, #tpu.memory_space<vmem>>, %arg15: memref<16x16xf32, #tpu.memory_space<vmem>>, %arg16: memref<16xf32, #tpu.memory_space<vmem>>, %arg17: memref<10000x64xf32, #tpu.memory_space<vmem_shared>>, %arg18: memref<10000x64xf32, #tpu.memory_space<vmem_shared>>, %arg19: memref<!tpu.dma_semaphore, #tpu.memory_space<semaphore_mem>>, %arg20: memref<!tpu.dma_semaphore, #tpu.memory_space<semaphore_mem>>) attributes {dimension_semantics = [#tpu.dimension_semantics<core_parallel>, #tpu.dimension_semantics<subcore_parallel>], iteration_bounds = array<i64: 2, 16>, scalar_prefetch = 0 : i64, scratch_operands = 13 : i64, tpu.core_type = #tpu.core_type<sc_vector_subcore>, window_params = [{transform_indices = #map}, {transform_indices = #map}, {transform_indices = #map}, {transform_indices = #map}, {transform_indices = #map1}, {transform_indices = #map1}]} {
    %mul3A = arith.constant 16 : i32
    %mul3A_0 = arith.muli %arg0, %mul3A : i32
    %add3A = arith.addi %mul3A_0, %arg1 : i32
    %mul3A_1 = arith.constant 125 : i32
    %mul3A_2 = arith.muli %add3A, %mul3A_1 : i32
    "tpu.region"() ({
      %run_scoped3A = tpu.sem_alloc : memref<!tpu.dma_semaphore, #tpu.memory_space<semaphore_mem>>
      tpu.enqueue_dma source(%arg6 : memref<16xf32, #tpu.memory_space<hbm>>) target(%arg16 : memref<16xf32, #tpu.memory_space<vmem>>) target_semaphore(%run_scoped3A : memref<!tpu.dma_semaphore, #tpu.memory_space<semaphore_mem>>)
      tpu.wait_dma2 semaphore(%run_scoped3A : memref<!tpu.dma_semaphore, #tpu.memory_space<semaphore_mem>>) src(%arg6 : memref<16xf32, #tpu.memory_space<hbm>>) dst(%arg16 : memref<16xf32, #tpu.memory_space<vmem>>)
      tpu.yield
    }) : () -> ()
    %get3A = arith.constant 0 : index
    %get3A_3 = tpu.vector_load %arg16[%get3A] {strides = array<i32>} : memref<16xf32, #tpu.memory_space<vmem>>, vector<16xf32>,
    "tpu.region"() ({
      %run_scoped3A = tpu.sem_alloc : memref<!tpu.dma_semaphore, #tpu.memory_space<semaphore_mem>>
      %dma_start3A_68 = arith.constant 0 : i32
      %dma_start3A_69 = tpu.memref_slice %arg4[%mul3A_2, %dma_start3A_68] : memref<4000x80xi32, #tpu.memory_space<hbm>> -> memref<125x80xi32, #tpu.memory_space<hbm>>
      %dma_start3A_70 = arith.constant 0 : i32
      %dma_start3A_71 = tpu.memref_slice %arg4[%mul3A_2, %dma_start3A_70] : memref<4000x80xi32, #tpu.memory_space<hbm>> -> memref<125x80xi32, #tpu.memory_space<hbm>>
      tpu.enqueue_dma source(%dma_start3A_71 : memref<125x80xi32, #tpu.memory_space<hbm>>) target(%arg8 : memref<125x80xi32, #tpu.memory_space<vmem>>) target_semaphore(%run_scoped3A : memref<!tpu.dma_semaphore, #tpu.memory_space<semaphore_mem>>)
      %dma_wait3A_72 = arith.constant 0 : i32
      %dma_wait3A_73 = tpu.memref_slice %arg4[%mul3A_2, %dma_wait3A_72] : memref<4000x80xi32, #tpu.memory_space<hbm>> -> memref<125x80xi32, #tpu.memory_space<hbm>>
      %dma_wait3A_74 = arith.constant 0 : i32
      %dma_wait3A_75 = tpu.memref_slice %arg4[%mul3A_2, %dma_wait3A_74] : memref<4000x80xi32, #tpu.memory_space<hbm>> -> memref<125x80xi32, #tpu.memory_space<hbm>>
      tpu.wait_dma2 semaphore(%run_scoped3A : memref<!tpu.dma_semaphore, #tpu.memory_space<semaphore_mem>>) src(%dma_wait3A_75 : memref<125x80xi32, #tpu.memory_space<hbm>>) dst(%arg8 : memref<125x80xi32, #tpu.memory_space<vmem>>)
      tpu.yield
    }) : () -> ()
    "tpu.region"() ({
      %run_scoped3A = tpu.sem_alloc : memref<!tpu.dma_semaphore, #tpu.memory_space<semaphore_mem>>
      %dma_start3A_68 = arith.constant 0 : i32
      %dma_start3A_69 = tpu.memref_slice %arg5[%mul3A_2, %dma_start3A_68] : memref<4000x80xi32, #tpu.memory_space<hbm>> -> memref<125x80xi32, #tpu.memory_space<hbm>>
      %dma_start3A_70 = arith.constant 0 : i32
      %dma_start3A_71 = tpu.memref_slice %arg5[%mul3A_2, %dma_start3A_70] : memref<4000x80xi32, #tpu.memory_space<hbm>> -> memref<125x80xi32, #tpu.memory_space<hbm>>
      tpu.enqueue_dma source(%dma_start3A_71 : memref<125x80xi32, #tpu.memory_space<hbm>>) target(%arg9 : memref<125x80xi32, #tpu.memory_space<vmem>>) target_semaphore(%run_scoped3A : memref<!tpu.dma_semaphore, #tpu.memory_space<semaphore_mem>>)
      %dma_wait3A_72 = arith.constant 0 : i32
      %dma_wait3A_73 = tpu.memref_slice %arg5[%mul3A_2, %dma_wait3A_72] : memref<4000x80xi32, #tpu.memory_space<hbm>> -> memref<125x80xi32, #tpu.memory_space<hbm>>
      %dma_wait3A_74 = arith.constant 0 : i32
      %dma_wait3A_75 = tpu.memref_slice %arg5[%mul3A_2, %dma_wait3A_74] : memref<4000x80xi32, #tpu.memory_space<hbm>> -> memref<125x80xi32, #tpu.memory_space<hbm>>
      tpu.wait_dma2 semaphore(%run_scoped3A : memref<!tpu.dma_semaphore, #tpu.memory_space<semaphore_mem>>) src(%dma_wait3A_75 : memref<125x80xi32, #tpu.memory_space<hbm>>) dst(%arg9 : memref<125x80xi32, #tpu.memory_space<vmem>>)
      tpu.yield
    }) : () -> ()
    %lt3A = arith.constant 10 : i32
    %lt3A_4 = arith.cmpi slt, %arg1, %lt3A : i32
    %convert_element_type3A = arith.extui %lt3A_4 : i1 to i32
    %cond3A = arith.constant 0 : i32
    %cond3A_5 = arith.cmpi ne, %convert_element_type3A, %cond3A : i32
    scf.if %cond3A_5 {
      %mul3A_68 = arith.constant 1000 : i32
      %mul3A_69 = arith.muli %arg1, %mul3A_68 : i32
      %mul3A_70 = arith.constant 1000 : i32
      %mul3A_71 = arith.muli %arg1, %mul3A_70 : i32
      "tpu.region"() ({
        %run_scoped3A = tpu.sem_alloc : memref<!tpu.dma_semaphore, #tpu.memory_space<semaphore_mem>>
        %dma_start3A_72 = arith.constant 0 : i32
        %dma_start3A_73 = tpu.memref_slice %arg17[%mul3A_71, %dma_start3A_72] : memref<10000x64xf32, #tpu.memory_space<vmem_shared>> -> memref<1000x64xf32, #tpu.memory_space<vmem_shared>>
        %dma_start3A_74 = arith.constant 0 : i32
        %dma_start3A_75 = tpu.memref_slice %arg2[%mul3A_69, %dma_start3A_74] : memref<10000x64xf32, #tpu.memory_space<hbm>> -> memref<1000x64xf32, #tpu.memory_space<hbm>>
        tpu.enqueue_dma source(%dma_start3A_75 : memref<1000x64xf32, #tpu.memory_space<hbm>>) target(%dma_start3A_73 : memref<1000x64xf32, #tpu.memory_space<vmem_shared>>) target_semaphore(%run_scoped3A : memref<!tpu.dma_semaphore, #tpu.memory_space<semaphore_mem>>)
        %dma_wait3A_76 = arith.constant 0 : i32
        %dma_wait3A_77 = tpu.memref_slice %arg17[%mul3A_71, %dma_wait3A_76] : memref<10000x64xf32, #tpu.memory_space<vmem_shared>> -> memref<1000x64xf32, #tpu.memory_space<vmem_shared>>
        %dma_wait3A_78 = arith.constant 0 : i32
        %dma_wait3A_79 = tpu.memref_slice %arg2[%mul3A_69, %dma_wait3A_78] : memref<10000x64xf32, #tpu.memory_space<hbm>> -> memref<1000x64xf32, #tpu.memory_space<hbm>>
        tpu.wait_dma2 semaphore(%run_scoped3A : memref<!tpu.dma_semaphore, #tpu.memory_space<semaphore_mem>>) src(%dma_wait3A_79 : memref<1000x64xf32, #tpu.memory_space<hbm>>) dst(%dma_wait3A_77 : memref<1000x64xf32, #tpu.memory_space<vmem_shared>>)
        tpu.yield
      }) : () -> ()
    } else {
    }
    %ge3A = arith.constant 6 : i32
    %ge3A_6 = arith.cmpi sge, %arg1, %ge3A : i32
    %convert_element_type3A_7 = arith.extui %ge3A_6 : i1 to i32
    %cond3A_8 = arith.constant 0 : i32
    %cond3A_9 = arith.cmpi ne, %convert_element_type3A_7, %cond3A_8 : i32
    scf.if %cond3A_9 {
      %sub3A = arith.constant 6 : i32
      %sub3A_68 = arith.subi %arg1, %sub3A : i32
      %mul3A_69 = arith.constant 1000 : i32
      %mul3A_70 = arith.muli %sub3A_68, %mul3A_69 : i32
      %sub3A_71 = arith.constant 6 : i32
      %sub3A_72 = arith.subi %arg1, %sub3A_71 : i32
      %mul3A_73 = arith.constant 1000 : i32
      %mul3A_74 = arith.muli %sub3A_72, %mul3A_73 : i32
      "tpu.region"() ({
        %run_scoped3A = tpu.sem_alloc : memref<!tpu.dma_semaphore, #tpu.memory_space<semaphore_mem>>
        %dma_start3A_75 = arith.constant 0 : i32
        %dma_start3A_76 = tpu.memref_slice %arg18[%mul3A_74, %dma_start3A_75] : memref<10000x64xf32, #tpu.memory_space<vmem_shared>> -> memref<1000x64xf32, #tpu.memory_space<vmem_shared>>
        %dma_start3A_77 = arith.constant 0 : i32
        %dma_start3A_78 = tpu.memref_slice %arg3[%mul3A_70, %dma_start3A_77] : memref<10000x64xf32, #tpu.memory_space<hbm>> -> memref<1000x64xf32, #tpu.memory_space<hbm>>
        tpu.enqueue_dma source(%dma_start3A_78 : memref<1000x64xf32, #tpu.memory_space<hbm>>) target(%dma_start3A_76 : memref<1000x64xf32, #tpu.memory_space<vmem_shared>>) target_semaphore(%run_scoped3A : memref<!tpu.dma_semaphore, #tpu.memory_space<semaphore_mem>>)
        %dma_wait3A_79 = arith.constant 0 : i32
        %dma_wait3A_80 = tpu.memref_slice %arg18[%mul3A_74, %dma_wait3A_79] : memref<10000x64xf32, #tpu.memory_space<vmem_shared>> -> memref<1000x64xf32, #tpu.memory_space<vmem_shared>>
        %dma_wait3A_81 = arith.constant 0 : i32
        %dma_wait3A_82 = tpu.memref_slice %arg3[%mul3A_70, %dma_wait3A_81] : memref<10000x64xf32, #tpu.memory_space<hbm>> -> memref<1000x64xf32, #tpu.memory_space<hbm>>
        tpu.wait_dma2 semaphore(%run_scoped3A : memref<!tpu.dma_semaphore, #tpu.memory_space<semaphore_mem>>) src(%dma_wait3A_82 : memref<1000x64xf32, #tpu.memory_space<hbm>>) dst(%dma_wait3A_80 : memref<1000x64xf32, #tpu.memory_space<vmem_shared>>)
        tpu.yield
      }) : () -> ()
    } else {
    }
    %barrier3A = arith.constant 0 : index
    tpu.barrier barrier_id(%barrier3A)
    %iota3A = tpu.iota {dimensions = array<i32: 0>} : vector<16xi32>
    %dma_start3A = arith.constant 0 : i32
    %dma_start3A_10 = arith.constant 0 : i32
    %dma_start3A_11 = tpu.memref_slice %arg8[%dma_start3A, %dma_start3A_10] : memref<125x80xi32, #tpu.memory_space<vmem>> -> memref<1x80xi32, #tpu.memory_space<vmem>>
    %dma_start3A_12 = tpu.memref_squeeze %dma_start3A_11 : memref<1x80xi32, #tpu.memory_space<vmem>> -> memref<80xi32, #tpu.memory_space<vmem>>
    %dma_start3A_13 = arith.constant 0 : i32
    %dma_start3A_14 = arith.constant 0 : i32
    %dma_start3A_15 = tpu.memref_slice %arg17[%dma_start3A_13, %dma_start3A_14] : memref<10000x64xf32, #tpu.memory_space<vmem_shared>> -> memref<10000x64xf32, #tpu.memory_space<vmem_shared>>
    tpu.enqueue_indirect_dma source(%dma_start3A_15 : memref<10000x64xf32, #tpu.memory_space<vmem_shared>>) target(%arg10 : memref<80x64xf32, #tpu.memory_space<vmem>>) offsets(%dma_start3A_12 : memref<80xi32, #tpu.memory_space<vmem>>) semaphore(%arg19 : memref<!tpu.dma_semaphore, #tpu.memory_space<semaphore_mem>>)
    %dma_start3A_16 = arith.constant 0 : i32
    %dma_start3A_17 = arith.constant 0 : i32
    %dma_start3A_18 = tpu.memref_slice %arg9[%dma_start3A_16, %dma_start3A_17] : memref<125x80xi32, #tpu.memory_space<vmem>> -> memref<1x80xi32, #tpu.memory_space<vmem>>
    %dma_start3A_19 = tpu.memref_squeeze %dma_start3A_18 : memref<1x80xi32, #tpu.memory_space<vmem>> -> memref<80xi32, #tpu.memory_space<vmem>>
    %dma_start3A_20 = arith.constant 0 : i32
    %dma_start3A_21 = arith.constant 0 : i32
    %dma_start3A_22 = tpu.memref_slice %arg18[%dma_start3A_20, %dma_start3A_21] : memref<10000x64xf32, #tpu.memory_space<vmem_shared>> -> memref<10000x64xf32, #tpu.memory_space<vmem_shared>>
    tpu.enqueue_indirect_dma source(%dma_start3A_22 : memref<10000x64xf32, #tpu.memory_space<vmem_shared>>) target(%arg11 : memref<80x64xf32, #tpu.memory_space<vmem>>) offsets(%dma_start3A_19 : memref<80xi32, #tpu.memory_space<vmem>>) semaphore(%arg19 : memref<!tpu.dma_semaphore, #tpu.memory_space<semaphore_mem>>)
    %scan3A = arith.constant 0 : i32
    %scan3A_23 = arith.constant 0 : i32
    %scan3A_24 = arith.constant 62 : i32
    %scan3A_25 = arith.addi %scan3A_23, %scan3A_24 : i32
    %scan3A_26 = arith.constant 1 : i32
    %scan3A_27 = scf.for %scan3A_68 = %scan3A_23 to %scan3A_25 step %scan3A_26 iter_args(%scan3A_69 = %scan3A) -> (i32)  : i32 {
      %mul3A_70 = arith.constant 2 : i32
      %mul3A_71 = arith.muli %mul3A_70, %scan3A_68 : i32
      %add3A_72 = arith.constant 1 : i32
      %add3A_73 = arith.addi %mul3A_71, %add3A_72 : i32
      %dma_start3A_74 = arith.constant 0 : i32
      %dma_start3A_75 = tpu.memref_slice %arg8[%add3A_73, %dma_start3A_74] : memref<125x80xi32, #tpu.memory_space<vmem>> -> memref<1x80xi32, #tpu.memory_space<vmem>>
      %dma_start3A_76 = tpu.memref_squeeze %dma_start3A_75 : memref<1x80xi32, #tpu.memory_space<vmem>> -> memref<80xi32, #tpu.memory_space<vmem>>
      %dma_start3A_77 = arith.constant 0 : i32
      %dma_start3A_78 = arith.constant 0 : i32
      %dma_start3A_79 = tpu.memref_slice %arg17[%dma_start3A_77, %dma_start3A_78] : memref<10000x64xf32, #tpu.memory_space<vmem_shared>> -> memref<10000x64xf32, #tpu.memory_space<vmem_shared>>
      tpu.enqueue_indirect_dma source(%dma_start3A_79 : memref<10000x64xf32, #tpu.memory_space<vmem_shared>>) target(%arg12 : memref<80x64xf32, #tpu.memory_space<vmem>>) offsets(%dma_start3A_76 : memref<80xi32, #tpu.memory_space<vmem>>) semaphore(%arg20 : memref<!tpu.dma_semaphore, #tpu.memory_space<semaphore_mem>>)
      %dma_start3A_80 = arith.constant 0 : i32
      %dma_start3A_81 = tpu.memref_slice %arg9[%add3A_73, %dma_start3A_80] : memref<125x80xi32, #tpu.memory_space<vmem>> -> memref<1x80xi32, #tpu.memory_space<vmem>>
      %dma_start3A_82 = tpu.memref_squeeze %dma_start3A_81 : memref<1x80xi32, #tpu.memory_space<vmem>> -> memref<80xi32, #tpu.memory_space<vmem>>
      %dma_start3A_83 = arith.constant 0 : i32
      %dma_start3A_84 = arith.constant 0 : i32
      %dma_start3A_85 = tpu.memref_slice %arg18[%dma_start3A_83, %dma_start3A_84] : memref<10000x64xf32, #tpu.memory_space<vmem_shared>> -> memref<10000x64xf32, #tpu.memory_space<vmem_shared>>
      tpu.enqueue_indirect_dma source(%dma_start3A_85 : memref<10000x64xf32, #tpu.memory_space<vmem_shared>>) target(%arg13 : memref<80x64xf32, #tpu.memory_space<vmem>>) offsets(%dma_start3A_82 : memref<80xi32, #tpu.memory_space<vmem>>) semaphore(%arg20 : memref<!tpu.dma_semaphore, #tpu.memory_space<semaphore_mem>>)
      %dma_wait3A_86 = arith.constant 0 : i32
      %dma_wait3A_87 = arith.constant 0 : i32
      %dma_wait3A_88 = tpu.memref_slice %arg8[%dma_wait3A_86, %dma_wait3A_87] : memref<125x80xi32, #tpu.memory_space<vmem>> -> memref<1x80xi32, #tpu.memory_space<vmem>>
      %dma_wait3A_89 = tpu.memref_squeeze %dma_wait3A_88 : memref<1x80xi32, #tpu.memory_space<vmem>> -> memref<80xi32, #tpu.memory_space<vmem>>
      %dma_wait3A_90 = arith.constant 0 : i32
      %dma_wait3A_91 = arith.constant 0 : i32
      %dma_wait3A_92 = tpu.memref_slice %arg17[%dma_wait3A_90, %dma_wait3A_91] : memref<10000x64xf32, #tpu.memory_space<vmem_shared>> -> memref<10000x64xf32, #tpu.memory_space<vmem_shared>>
      tpu.wait_indirect_dma semaphore(%arg19 : memref<!tpu.dma_semaphore, #tpu.memory_space<semaphore_mem>>) src(%dma_wait3A_92 : memref<10000x64xf32, #tpu.memory_space<vmem_shared>>) dst(%arg10 : memref<80x64xf32, #tpu.memory_space<vmem>>)
      %dma_wait3A_93 = arith.constant 0 : i32
      %dma_wait3A_94 = arith.constant 0 : i32
      %dma_wait3A_95 = tpu.memref_slice %arg9[%dma_wait3A_93, %dma_wait3A_94] : memref<125x80xi32, #tpu.memory_space<vmem>> -> memref<1x80xi32, #tpu.memory_space<vmem>>
      %dma_wait3A_96 = tpu.memref_squeeze %dma_wait3A_95 : memref<1x80xi32, #tpu.memory_space<vmem>> -> memref<80xi32, #tpu.memory_space<vmem>>
      %dma_wait3A_97 = arith.constant 0 : i32
      %dma_wait3A_98 = arith.constant 0 : i32
      %dma_wait3A_99 = tpu.memref_slice %arg18[%dma_wait3A_97, %dma_wait3A_98] : memref<10000x64xf32, #tpu.memory_space<vmem_shared>> -> memref<10000x64xf32, #tpu.memory_space<vmem_shared>>
      tpu.wait_indirect_dma semaphore(%arg19 : memref<!tpu.dma_semaphore, #tpu.memory_space<semaphore_mem>>) src(%dma_wait3A_99 : memref<10000x64xf32, #tpu.memory_space<vmem_shared>>) dst(%arg11 : memref<80x64xf32, #tpu.memory_space<vmem>>)
      %scan3A_100 = arith.constant 0 : i32
      %scan3A_101 = arith.constant 0 : i32
      %scan3A_102 = arith.constant 5 : i32
      %scan3A_103 = arith.addi %scan3A_101, %scan3A_102 : i32
      %scan3A_104 = arith.constant 1 : i32
      %scan3A_105 = scf.for %scan3A_136 = %scan3A_101 to %scan3A_103 step %scan3A_104 iter_args(%scan3A_137 = %scan3A_100) -> (i32)  : i32 {
        %mul3A_138 = arith.constant 16 : i32
        %mul3A_139 = arith.muli %scan3A_136, %mul3A_138 : i32
        %add3A_140 = arith.constant 0 : i32
        %add3A_141 = arith.addi %mul3A_139, %add3A_140 : i32
        %mul3A_142 = arith.constant 16 : i32
        %mul3A_143 = arith.muli %scan3A_136, %mul3A_142 : i32
        %add3A_144 = arith.constant 0 : i32
        %add3A_145 = arith.addi %mul3A_143, %add3A_144 : i32
        %get3A_146 = arith.constant 0 : i32
        %get3A_147 = tpu.memref_slice %arg10[%add3A_141, %get3A_146] : memref<80x64xf32, #tpu.memory_space<vmem>> -> memref<1x64xf32, #tpu.memory_space<vmem>>
        %get3A_148 = tpu.memref_squeeze %get3A_147 : memref<1x64xf32, #tpu.memory_space<vmem>> -> memref<64xf32, #tpu.memory_space<vmem>>
        %get3A_149 = arith.constant 0 : index
        %get3A_150 = tpu.vector_load %get3A_148[%get3A_149] {strides = array<i32>} : memref<64xf32, #tpu.memory_space<vmem>>, vector<16xf32>,
        %get3A_151 = arith.constant 0 : i32
        %get3A_152 = tpu.memref_slice %arg11[%add3A_145, %get3A_151] : memref<80x64xf32, #tpu.memory_space<vmem>> -> memref<1x64xf32, #tpu.memory_space<vmem>>
        %get3A_153 = tpu.memref_squeeze %get3A_152 : memref<1x64xf32, #tpu.memory_space<vmem>> -> memref<64xf32, #tpu.memory_space<vmem>>
        %get3A_154 = arith.constant 0 : index
        %get3A_155 = tpu.vector_load %get3A_153[%get3A_154] {strides = array<i32>} : memref<64xf32, #tpu.memory_space<vmem>>, vector<16xf32>,
        %mul3A_156 = arith.mulf %get3A_150, %get3A_155 : vector<16xf32>
        %get3A_157 = arith.constant 0 : i32
        %get3A_158 = tpu.memref_slice %arg10[%add3A_141, %get3A_157] : memref<80x64xf32, #tpu.memory_space<vmem>> -> memref<1x64xf32, #tpu.memory_space<vmem>>
        %get3A_159 = tpu.memref_squeeze %get3A_158 : memref<1x64xf32, #tpu.memory_space<vmem>> -> memref<64xf32, #tpu.memory_space<vmem>>
        %get3A_160 = arith.constant 16 : index
        %get3A_161 = tpu.vector_load %get3A_159[%get3A_160] {strides = array<i32>} : memref<64xf32, #tpu.memory_space<vmem>>, vector<16xf32>,
        %get3A_162 = arith.constant 0 : i32
        %get3A_163 = tpu.memref_slice %arg11[%add3A_145, %get3A_162] : memref<80x64xf32, #tpu.memory_space<vmem>> -> memref<1x64xf32, #tpu.memory_space<vmem>>
        %get3A_164 = tpu.memref_squeeze %get3A_163 : memref<1x64xf32, #tpu.memory_space<vmem>> -> memref<64xf32, #tpu.memory_space<vmem>>
        %get3A_165 = arith.constant 16 : index
        %get3A_166 = tpu.vector_load %get3A_164[%get3A_165] {strides = array<i32>} : memref<64xf32, #tpu.memory_space<vmem>>, vector<16xf32>,
        %mul3A_167 = arith.mulf %get3A_161, %get3A_166 : vector<16xf32>
        %get3A_168 = arith.constant 0 : i32
        %get3A_169 = tpu.memref_slice %arg10[%add3A_141, %get3A_168] : memref<80x64xf32, #tpu.memory_space<vmem>> -> memref<1x64xf32, #tpu.memory_space<vmem>>
        %get3A_170 = tpu.memref_squeeze %get3A_169 : memref<1x64xf32, #tpu.memory_space<vmem>> -> memref<64xf32, #tpu.memory_space<vmem>>
        %get3A_171 = arith.constant 32 : index
        %get3A_172 = tpu.vector_load %get3A_170[%get3A_171] {strides = array<i32>} : memref<64xf32, #tpu.memory_space<vmem>>, vector<16xf32>,
        %get3A_173 = arith.constant 0 : i32
        %get3A_174 = tpu.memref_slice %arg11[%add3A_145, %get3A_173] : memref<80x64xf32, #tpu.memory_space<vmem>> -> memref<1x64xf32, #tpu.memory_space<vmem>>
        %get3A_175 = tpu.memref_squeeze %get3A_174 : memref<1x64xf32, #tpu.memory_space<vmem>> -> memref<64xf32, #tpu.memory_space<vmem>>
        %get3A_176 = arith.constant 32 : index
        %get3A_177 = tpu.vector_load %get3A_175[%get3A_176] {strides = array<i32>} : memref<64xf32, #tpu.memory_space<vmem>>, vector<16xf32>,
        %mul3A_178 = arith.mulf %get3A_172, %get3A_177 : vector<16xf32>
        %get3A_179 = arith.constant 0 : i32
        %get3A_180 = tpu.memref_slice %arg10[%add3A_141, %get3A_179] : memref<80x64xf32, #tpu.memory_space<vmem>> -> memref<1x64xf32, #tpu.memory_space<vmem>>
        %get3A_181 = tpu.memref_squeeze %get3A_180 : memref<1x64xf32, #tpu.memory_space<vmem>> -> memref<64xf32, #tpu.memory_space<vmem>>
        %get3A_182 = arith.constant 48 : index
        %get3A_183 = tpu.vector_load %get3A_181[%get3A_182] {strides = array<i32>} : memref<64xf32, #tpu.memory_space<vmem>>, vector<16xf32>,
        %get3A_184 = arith.constant 0 : i32
        %get3A_185 = tpu.memref_slice %arg11[%add3A_145, %get3A_184] : memref<80x64xf32, #tpu.memory_space<vmem>> -> memref<1x64xf32, #tpu.memory_space<vmem>>
        %get3A_186 = tpu.memref_squeeze %get3A_185 : memref<1x64xf32, #tpu.memory_space<vmem>> -> memref<64xf32, #tpu.memory_space<vmem>>
        %get3A_187 = arith.constant 48 : index
        %get3A_188 = tpu.vector_load %get3A_186[%get3A_187] {strides = array<i32>} : memref<64xf32, #tpu.memory_space<vmem>>, vector<16xf32>,
        %mul3A_189 = arith.mulf %get3A_183, %get3A_188 : vector<16xf32>
        %add3A_190 = arith.addf %mul3A_156, %mul3A_167 : vector<16xf32>
        %add3A_191 = arith.addf %mul3A_178, %mul3A_189 : vector<16xf32>
        %add3A_192 = arith.addf %add3A_190, %add3A_191 : vector<16xf32>
        %swap3A = arith.constant 0 : i32
        %swap3A_193 = arith.index_cast %swap3A : i32 to index
        %swap3A_194 = arith.constant 0 : index
        %swap3A_195 = tpu.vector_load %arg15[%swap3A_193, %swap3A_194] {strides = array<i32>} : memref<16x16xf32, #tpu.memory_space<vmem>>, vector<16xf32>,
        tpu.vector_store %arg15[%swap3A_193, %swap3A_194], %add3A_192 {strides = array<i32>} : memref<16x16xf32, #tpu.memory_space<vmem>>, vector<16xf32>,
        %mul3A_196 = arith.constant 16 : i32
        %mul3A_197 = arith.muli %scan3A_136, %mul3A_196 : i32
        %add3A_198 = arith.constant 1 : i32
        %add3A_199 = arith.addi %mul3A_197, %add3A_198 : i32
        %mul3A_200 = arith.constant 16 : i32
        %mul3A_201 = arith.muli %scan3A_136, %mul3A_200 : i32
        %add3A_202 = arith.constant 1 : i32
        %add3A_203 = arith.addi %mul3A_201, %add3A_202 : i32
        %get3A_204 = arith.constant 0 : i32
        %get3A_205 = tpu.memref_slice %arg10[%add3A_199, %get3A_204] : memref<80x64xf32, #tpu.memory_space<vmem>> -> memref<1x64xf32, #tpu.memory_space<vmem>>
        %get3A_206 = tpu.memref_squeeze %get3A_205 : memref<1x64xf32, #tpu.memory_space<vmem>> -> memref<64xf32, #tpu.memory_space<vmem>>
        %get3A_207 = arith.constant 0 : index
        %get3A_208 = tpu.vector_load %get3A_206[%get3A_207] {strides = array<i32>} : memref<64xf32, #tpu.memory_space<vmem>>, vector<16xf32>,
        %get3A_209 = arith.constant 0 : i32
        %get3A_210 = tpu.memref_slice %arg11[%add3A_203, %get3A_209] : memref<80x64xf32, #tpu.memory_space<vmem>> -> memref<1x64xf32, #tpu.memory_space<vmem>>
        %get3A_211 = tpu.memref_squeeze %get3A_210 : memref<1x64xf32, #tpu.memory_space<vmem>> -> memref<64xf32, #tpu.memory_space<vmem>>
        %get3A_212 = arith.constant 0 : index
        %get3A_213 = tpu.vector_load %get3A_211[%get3A_212] {strides = array<i32>} : memref<64xf32, #tpu.memory_space<vmem>>, vector<16xf32>,
        %mul3A_214 = arith.mulf %get3A_208, %get3A_213 : vector<16xf32>
        %get3A_215 = arith.constant 0 : i32
        %get3A_216 = tpu.memref_slice %arg10[%add3A_199, %get3A_215] : memref<80x64xf32, #tpu.memory_space<vmem>> -> memref<1x64xf32, #tpu.memory_space<vmem>>
        %get3A_217 = tpu.memref_squeeze %get3A_216 : memref<1x64xf32, #tpu.memory_space<vmem>> -> memref<64xf32, #tpu.memory_space<vmem>>
        %get3A_218 = arith.constant 16 : index
        %get3A_219 = tpu.vector_load %get3A_217[%get3A_218] {strides = array<i32>} : memref<64xf32, #tpu.memory_space<vmem>>, vector<16xf32>,
        %get3A_220 = arith.constant 0 : i32
        %get3A_221 = tpu.memref_slice %arg11[%add3A_203, %get3A_220] : memref<80x64xf32, #tpu.memory_space<vmem>> -> memref<1x64xf32, #tpu.memory_space<vmem>>
        %get3A_222 = tpu.memref_squeeze %get3A_221 : memref<1x64xf32, #tpu.memory_space<vmem>> -> memref<64xf32, #tpu.memory_space<vmem>>
        %get3A_223 = arith.constant 16 : index
        %get3A_224 = tpu.vector_load %get3A_222[%get3A_223] {strides = array<i32>} : memref<64xf32, #tpu.memory_space<vmem>>, vector<16xf32>,
        %mul3A_225 = arith.mulf %get3A_219, %get3A_224 : vector<16xf32>
        %get3A_226 = arith.constant 0 : i32
        %get3A_227 = tpu.memref_slice %arg10[%add3A_199, %get3A_226] : memref<80x64xf32, #tpu.memory_space<vmem>> -> memref<1x64xf32, #tpu.memory_space<vmem>>
        %get3A_228 = tpu.memref_squeeze %get3A_227 : memref<1x64xf32, #tpu.memory_space<vmem>> -> memref<64xf32, #tpu.memory_space<vmem>>
        %get3A_229 = arith.constant 32 : index
        %get3A_230 = tpu.vector_load %get3A_228[%get3A_229] {strides = array<i32>} : memref<64xf32, #tpu.memory_space<vmem>>, vector<16xf32>,
        %get3A_231 = arith.constant 0 : i32
        %get3A_232 = tpu.memref_slice %arg11[%add3A_203, %get3A_231] : memref<80x64xf32, #tpu.memory_space<vmem>> -> memref<1x64xf32, #tpu.memory_space<vmem>>
        %get3A_233 = tpu.memref_squeeze %get3A_232 : memref<1x64xf32, #tpu.memory_space<vmem>> -> memref<64xf32, #tpu.memory_space<vmem>>
        %get3A_234 = arith.constant 32 : index
        %get3A_235 = tpu.vector_load %get3A_233[%get3A_234] {strides = array<i32>} : memref<64xf32, #tpu.memory_space<vmem>>, vector<16xf32>,
        %mul3A_236 = arith.mulf %get3A_230, %get3A_235 : vector<16xf32>
        %get3A_237 = arith.constant 0 : i32
        %get3A_238 = tpu.memref_slice %arg10[%add3A_199, %get3A_237] : memref<80x64xf32, #tpu.memory_space<vmem>> -> memref<1x64xf32, #tpu.memory_space<vmem>>
        %get3A_239 = tpu.memref_squeeze %get3A_238 : memref<1x64xf32, #tpu.memory_space<vmem>> -> memref<64xf32, #tpu.memory_space<vmem>>
        %get3A_240 = arith.constant 48 : index
        %get3A_241 = tpu.vector_load %get3A_239[%get3A_240] {strides = array<i32>} : memref<64xf32, #tpu.memory_space<vmem>>, vector<16xf32>,
        %get3A_242 = arith.constant 0 : i32
        %get3A_243 = tpu.memref_slice %arg11[%add3A_203, %get3A_242] : memref<80x64xf32, #tpu.memory_space<vmem>> -> memref<1x64xf32, #tpu.memory_space<vmem>>
        %get3A_244 = tpu.memref_squeeze %get3A_243 : memref<1x64xf32, #tpu.memory_space<vmem>> -> memref<64xf32, #tpu.memory_space<vmem>>
        %get3A_245 = arith.constant 48 : index
        %get3A_246 = tpu.vector_load %get3A_244[%get3A_245] {strides = array<i32>} : memref<64xf32, #tpu.memory_space<vmem>>, vector<16xf32>,
        %mul3A_247 = arith.mulf %get3A_241, %get3A_246 : vector<16xf32>
        %add3A_248 = arith.addf %mul3A_214, %mul3A_225 : vector<16xf32>
        %add3A_249 = arith.addf %mul3A_236, %mul3A_247 : vector<16xf32>
        %add3A_250 = arith.addf %add3A_248, %add3A_249 : vector<16xf32>
        %swap3A_251 = arith.constant 1 : i32
        %swap3A_252 = arith.index_cast %swap3A_251 : i32 to index
        %swap3A_253 = arith.constant 0 : index
        %swap3A_254 = tpu.vector_load %arg15[%swap3A_252, %swap3A_253] {strides = array<i32>} : memref<16x16xf32, #tpu.memory_space<vmem>>, vector<16xf32>,
        tpu.vector_store %arg15[%swap3A_252, %swap3A_253], %add3A_250 {strides = array<i32>} : memref<16x16xf32, #tpu.memory_space<vmem>>, vector<16xf32>,
        %mul3A_255 = arith.constant 16 : i32
        %mul3A_256 = arith.muli %scan3A_136, %mul3A_255 : i32
        %add3A_257 = arith.constant 2 : i32
        %add3A_258 = arith.addi %mul3A_256, %add3A_257 : i32
        %mul3A_259 = arith.constant 16 : i32
        %mul3A_260 = arith.muli %scan3A_136, %mul3A_259 : i32
        %add3A_261 = arith.constant 2 : i32
        %add3A_262 = arith.addi %mul3A_260, %add3A_261 : i32
        %get3A_263 = arith.constant 0 : i32
        %get3A_264 = tpu.memref_slice %arg10[%add3A_258, %get3A_263] : memref<80x64xf32, #tpu.memory_space<vmem>> -> memref<1x64xf32, #tpu.memory_space<vmem>>
        %get3A_265 = tpu.memref_squeeze %get3A_264 : memref<1x64xf32, #tpu.memory_space<vmem>> -> memref<64xf32, #tpu.memory_space<vmem>>
        %get3A_266 = arith.constant 0 : index
        %get3A_267 = tpu.vector_load %get3A_265[%get3A_266] {strides = array<i32>} : memref<64xf32, #tpu.memory_space<vmem>>, vector<16xf32>,
        %get3A_268 = arith.constant 0 : i32
        %get3A_269 = tpu.memref_slice %arg11[%add3A_262, %get3A_268] : memref<80x64xf32, #tpu.memory_space<vmem>> -> memref<1x64xf32, #tpu.memory_space<vmem>>
        %get3A_270 = tpu.memref_squeeze %get3A_269 : memref<1x64xf32, #tpu.memory_space<vmem>> -> memref<64xf32, #tpu.memory_space<vmem>>
        %get3A_271 = arith.constant 0 : index
        %get3A_272 = tpu.vector_load %get3A_270[%get3A_271] {strides = array<i32>} : memref<64xf32, #tpu.memory_space<vmem>>, vector<16xf32>,
        %mul3A_273 = arith.mulf %get3A_267, %get3A_272 : vector<16xf32>
        %get3A_274 = arith.constant 0 : i32
        %get3A_275 = tpu.memref_slice %arg10[%add3A_258, %get3A_274] : memref<80x64xf32, #tpu.memory_space<vmem>> -> memref<1x64xf32, #tpu.memory_space<vmem>>
        %get3A_276 = tpu.memref_squeeze %get3A_275 : memref<1x64xf32, #tpu.memory_space<vmem>> -> memref<64xf32, #tpu.memory_space<vmem>>
        %get3A_277 = arith.constant 16 : index
        %get3A_278 = tpu.vector_load %get3A_276[%get3A_277] {strides = array<i32>} : memref<64xf32, #tpu.memory_space<vmem>>, vector<16xf32>,
        %get3A_279 = arith.constant 0 : i32
        %get3A_280 = tpu.memref_slice %arg11[%add3A_262, %get3A_279] : memref<80x64xf32, #tpu.memory_space<vmem>> -> memref<1x64xf32, #tpu.memory_space<vmem>>
        %get3A_281 = tpu.memref_squeeze %get3A_280 : memref<1x64xf32, #tpu.memory_space<vmem>> -> memref<64xf32, #tpu.memory_space<vmem>>
        %get3A_282 = arith.constant 16 : index
        %get3A_283 = tpu.vector_load %get3A_281[%get3A_282] {strides = array<i32>} : memref<64xf32, #tpu.memory_space<vmem>>, vector<16xf32>,
        %mul3A_284 = arith.mulf %get3A_278, %get3A_283 : vector<16xf32>
        %get3A_285 = arith.constant 0 : i32
        %get3A_286 = tpu.memref_slice %arg10[%add3A_258, %get3A_285] : memref<80x64xf32, #tpu.memory_space<vmem>> -> memref<1x64xf32, #tpu.memory_space<vmem>>
        %get3A_287 = tpu.memref_squeeze %get3A_286 : memref<1x64xf32, #tpu.memory_space<vmem>> -> memref<64xf32, #tpu.memory_space<vmem>>
        %get3A_288 = arith.constant 32 : index
        %get3A_289 = tpu.vector_load %get3A_287[%get3A_288] {strides = array<i32>} : memref<64xf32, #tpu.memory_space<vmem>>, vector<16xf32>,
        %get3A_290 = arith.constant 0 : i32
        %get3A_291 = tpu.memref_slice %arg11[%add3A_262, %get3A_290] : memref<80x64xf32, #tpu.memory_space<vmem>> -> memref<1x64xf32, #tpu.memory_space<vmem>>
        %get3A_292 = tpu.memref_squeeze %get3A_291 : memref<1x64xf32, #tpu.memory_space<vmem>> -> memref<64xf32, #tpu.memory_space<vmem>>
        %get3A_293 = arith.constant 32 : index
        %get3A_294 = tpu.vector_load %get3A_292[%get3A_293] {strides = array<i32>} : memref<64xf32, #tpu.memory_space<vmem>>, vector<16xf32>,
        %mul3A_295 = arith.mulf %get3A_289, %get3A_294 : vector<16xf32>
        %get3A_296 = arith.constant 0 : i32
        %get3A_297 = tpu.memref_slice %arg10[%add3A_258, %get3A_296] : memref<80x64xf32, #tpu.memory_space<vmem>> -> memref<1x64xf32, #tpu.memory_space<vmem>>
        %get3A_298 = tpu.memref_squeeze %get3A_297 : memref<1x64xf32, #tpu.memory_space<vmem>> -> memref<64xf32, #tpu.memory_space<vmem>>
        %get3A_299 = arith.constant 48 : index
        %get3A_300 = tpu.vector_load %get3A_298[%get3A_299] {strides = array<i32>} : memref<64xf32, #tpu.memory_space<vmem>>, vector<16xf32>,
        %get3A_301 = arith.constant 0 : i32
        %get3A_302 = tpu.memref_slice %arg11[%add3A_262, %get3A_301] : memref<80x64xf32, #tpu.memory_space<vmem>> -> memref<1x64xf32, #tpu.memory_space<vmem>>
        %get3A_303 = tpu.memref_squeeze %get3A_302 : memref<1x64xf32, #tpu.memory_space<vmem>> -> memref<64xf32, #tpu.memory_space<vmem>>
        %get3A_304 = arith.constant 48 : index
        %get3A_305 = tpu.vector_load %get3A_303[%get3A_304] {strides = array<i32>} : memref<64xf32, #tpu.memory_space<vmem>>, vector<16xf32>,
        %mul3A_306 = arith.mulf %get3A_300, %get3A_305 : vector<16xf32>
        %add3A_307 = arith.addf %mul3A_273, %mul3A_284 : vector<16xf32>
        %add3A_308 = arith.addf %mul3A_295, %mul3A_306 : vector<16xf32>
        %add3A_309 = arith.addf %add3A_307, %add3A_308 : vector<16xf32>
        %swap3A_310 = arith.constant 2 : i32
        %swap3A_311 = arith.index_cast %swap3A_310 : i32 to index
        %swap3A_312 = arith.constant 0 : index
        %swap3A_313 = tpu.vector_load %arg15[%swap3A_311, %swap3A_312] {strides = array<i32>} : memref<16x16xf32, #tpu.memory_space<vmem>>, vector<16xf32>,
        tpu.vector_store %arg15[%swap3A_311, %swap3A_312], %add3A_309 {strides = array<i32>} : memref<16x16xf32, #tpu.memory_space<vmem>>, vector<16xf32>,
        %mul3A_314 = arith.constant 16 : i32
        %mul3A_315 = arith.muli %scan3A_136, %mul3A_314 : i32
        %add3A_316 = arith.constant 3 : i32
        %add3A_317 = arith.addi %mul3A_315, %add3A_316 : i32
        %mul3A_318 = arith.constant 16 : i32
        %mul3A_319 = arith.muli %scan3A_136, %mul3A_318 : i32
        %add3A_320 = arith.constant 3 : i32
        %add3A_321 = arith.addi %mul3A_319, %add3A_320 : i32
        %get3A_322 = arith.constant 0 : i32
        %get3A_323 = tpu.memref_slice %arg10[%add3A_317, %get3A_322] : memref<80x64xf32, #tpu.memory_space<vmem>> -> memref<1x64xf32, #tpu.memory_space<vmem>>
        %get3A_324 = tpu.memref_squeeze %get3A_323 : memref<1x64xf32, #tpu.memory_space<vmem>> -> memref<64xf32, #tpu.memory_space<vmem>>
        %get3A_325 = arith.constant 0 : index
        %get3A_326 = tpu.vector_load %get3A_324[%get3A_325] {strides = array<i32>} : memref<64xf32, #tpu.memory_space<vmem>>, vector<16xf32>,
        %get3A_327 = arith.constant 0 : i32
        %get3A_328 = tpu.memref_slice %arg11[%add3A_321, %get3A_327] : memref<80x64xf32, #tpu.memory_space<vmem>> -> memref<1x64xf32, #tpu.memory_space<vmem>>
        %get3A_329 = tpu.memref_squeeze %get3A_328 : memref<1x64xf32, #tpu.memory_space<vmem>> -> memref<64xf32, #tpu.memory_space<vmem>>
        %get3A_330 = arith.constant 0 : index
        %get3A_331 = tpu.vector_load %get3A_329[%get3A_330] {strides = array<i32>} : memref<64xf32, #tpu.memory_space<vmem>>, vector<16xf32>,
        %mul3A_332 = arith.mulf %get3A_326, %get3A_331 : vector<16xf32>
        %get3A_333 = arith.constant 0 : i32
        %get3A_334 = tpu.memref_slice %arg10[%add3A_317, %get3A_333] : memref<80x64xf32, #tpu.memory_space<vmem>> -> memref<1x64xf32, #tpu.memory_space<vmem>>
        %get3A_335 = tpu.memref_squeeze %get3A_334 : memref<1x64xf32, #tpu.memory_space<vmem>> -> memref<64xf32, #tpu.memory_space<vmem>>
        %get3A_336 = arith.constant 16 : index
        %get3A_337 = tpu.vector_load %get3A_335[%get3A_336] {strides = array<i32>} : memref<64xf32, #tpu.memory_space<vmem>>, vector<16xf32>,
        %get3A_338 = arith.constant 0 : i32
        %get3A_339 = tpu.memref_slice %arg11[%add3A_321, %get3A_338] : memref<80x64xf32, #tpu.memory_space<vmem>> -> memref<1x64xf32, #tpu.memory_space<vmem>>
        %get3A_340 = tpu.memref_squeeze %get3A_339 : memref<1x64xf32, #tpu.memory_space<vmem>> -> memref<64xf32, #tpu.memory_space<vmem>>
        %get3A_341 = arith.constant 16 : index
        %get3A_342 = tpu.vector_load %get3A_340[%get3A_341] {strides = array<i32>} : memref<64xf32, #tpu.memory_space<vmem>>, vector<16xf32>,
        %mul3A_343 = arith.mulf %get3A_337, %get3A_342 : vector<16xf32>
        %get3A_344 = arith.constant 0 : i32
        %get3A_345 = tpu.memref_slice %arg10[%add3A_317, %get3A_344] : memref<80x64xf32, #tpu.memory_space<vmem>> -> memref<1x64xf32, #tpu.memory_space<vmem>>
        %get3A_346 = tpu.memref_squeeze %get3A_345 : memref<1x64xf32, #tpu.memory_space<vmem>> -> memref<64xf32, #tpu.memory_space<vmem>>
        %get3A_347 = arith.constant 32 : index
        %get3A_348 = tpu.vector_load %get3A_346[%get3A_347] {strides = array<i32>} : memref<64xf32, #tpu.memory_space<vmem>>, vector<16xf32>,
        %get3A_349 = arith.constant 0 : i32
        %get3A_350 = tpu.memref_slice %arg11[%add3A_321, %get3A_349] : memref<80x64xf32, #tpu.memory_space<vmem>> -> memref<1x64xf32, #tpu.memory_space<vmem>>
        %get3A_351 = tpu.memref_squeeze %get3A_350 : memref<1x64xf32, #tpu.memory_space<vmem>> -> memref<64xf32, #tpu.memory_space<vmem>>
        %get3A_352 = arith.constant 32 : index
        %get3A_353 = tpu.vector_load %get3A_351[%get3A_352] {strides = array<i32>} : memref<64xf32, #tpu.memory_space<vmem>>, vector<16xf32>,
        %mul3A_354 = arith.mulf %get3A_348, %get3A_353 : vector<16xf32>
        %get3A_355 = arith.constant 0 : i32
        %get3A_356 = tpu.memref_slice %arg10[%add3A_317, %get3A_355] : memref<80x64xf32, #tpu.memory_space<vmem>> -> memref<1x64xf32, #tpu.memory_space<vmem>>
        %get3A_357 = tpu.memref_squeeze %get3A_356 : memref<1x64xf32, #tpu.memory_space<vmem>> -> memref<64xf32, #tpu.memory_space<vmem>>
        %get3A_358 = arith.constant 48 : index
        %get3A_359 = tpu.vector_load %get3A_357[%get3A_358] {strides = array<i32>} : memref<64xf32, #tpu.memory_space<vmem>>, vector<16xf32>,
        %get3A_360 = arith.constant 0 : i32
        %get3A_361 = tpu.memref_slice %arg11[%add3A_321, %get3A_360] : memref<80x64xf32, #tpu.memory_space<vmem>> -> memref<1x64xf32, #tpu.memory_space<vmem>>
        %get3A_362 = tpu.memref_squeeze %get3A_361 : memref<1x64xf32, #tpu.memory_space<vmem>> -> memref<64xf32, #tpu.memory_space<vmem>>
        %get3A_363 = arith.constant 48 : index
        %get3A_364 = tpu.vector_load %get3A_362[%get3A_363] {strides = array<i32>} : memref<64xf32, #tpu.memory_space<vmem>>, vector<16xf32>,
        %mul3A_365 = arith.mulf %get3A_359, %get3A_364 : vector<16xf32>
        %add3A_366 = arith.addf %mul3A_332, %mul3A_343 : vector<16xf32>
        %add3A_367 = arith.addf %mul3A_354, %mul3A_365 : vector<16xf32>
        %add3A_368 = arith.addf %add3A_366, %add3A_367 : vector<16xf32>
        %swap3A_369 = arith.constant 3 : i32
        %swap3A_370 = arith.index_cast %swap3A_369 : i32 to index
        %swap3A_371 = arith.constant 0 : index
        %swap3A_372 = tpu.vector_load %arg15[%swap3A_370, %swap3A_371] {strides = array<i32>} : memref<16x16xf32, #tpu.memory_space<vmem>>, vector<16xf32>,
        tpu.vector_store %arg15[%swap3A_370, %swap3A_371], %add3A_368 {strides = array<i32>} : memref<16x16xf32, #tpu.memory_space<vmem>>, vector<16xf32>,
        %mul3A_373 = arith.constant 16 : i32
        %mul3A_374 = arith.muli %scan3A_136, %mul3A_373 : i32
        %add3A_375 = arith.constant 4 : i32
        %add3A_376 = arith.addi %mul3A_374, %add3A_375 : i32
        %mul3A_377 = arith.constant 16 : i32
        %mul3A_378 = arith.muli %scan3A_136, %mul3A_377 : i32
        %add3A_379 = arith.constant 4 : i32
        %add3A_380 = arith.addi %mul3A_378, %add3A_379 : i32
        %get3A_381 = arith.constant 0 : i32
        %get3A_382 = tpu.memref_slice %arg10[%add3A_376, %get3A_381] : memref<80x64xf32, #tpu.memory_space<vmem>> -> memref<1x64xf32, #tpu.memory_space<vmem>>
        %get3A_383 = tpu.memref_squeeze %get3A_382 : memref<1x64xf32, #tpu.memory_space<vmem>> -> memref<64xf32, #tpu.memory_space<vmem>>
        %get3A_384 = arith.constant 0 : index
        %get3A_385 = tpu.vector_load %get3A_383[%get3A_384] {strides = array<i32>} : memref<64xf32, #tpu.memory_space<vmem>>, vector<16xf32>,
        %get3A_386 = arith.constant 0 : i32
        %get3A_387 = tpu.memref_slice %arg11[%add3A_380, %get3A_386] : memref<80x64xf32, #tpu.memory_space<vmem>> -> memref<1x64xf32, #tpu.memory_space<vmem>>
        %get3A_388 = tpu.memref_squeeze %get3A_387 : memref<1x64xf32, #tpu.memory_space<vmem>> -> memref<64xf32, #tpu.memory_space<vmem>>
        %get3A_389 = arith.constant 0 : index
        %get3A_390 = tpu.vector_load %get3A_388[%get3A_389] {strides = array<i32>} : memref<64xf32, #tpu.memory_space<vmem>>, vector<16xf32>,
        %mul3A_391 = arith.mulf %get3A_385, %get3A_390 : vector<16xf32>
        %get3A_392 = arith.constant 0 : i32
        %get3A_393 = tpu.memref_slice %arg10[%add3A_376, %get3A_392] : memref<80x64xf32, #tpu.memory_space<vmem>> -> memref<1x64xf32, #tpu.memory_space<vmem>>
        %get3A_394 = tpu.memref_squeeze %get3A_393 : memref<1x64xf32, #tpu.memory_space<vmem>> -> memref<64xf32, #tpu.memory_space<vmem>>
        %get3A_395 = arith.constant 16 : index
        %get3A_396 = tpu.vector_load %get3A_394[%get3A_395] {strides = array<i32>} : memref<64xf32, #tpu.memory_space<vmem>>, vector<16xf32>,
        %get3A_397 = arith.constant 0 : i32
        %get3A_398 = tpu.memref_slice %arg11[%add3A_380, %get3A_397] : memref<80x64xf32, #tpu.memory_space<vmem>> -> memref<1x64xf32, #tpu.memory_space<vmem>>
        %get3A_399 = tpu.memref_squeeze %get3A_398 : memref<1x64xf32, #tpu.memory_space<vmem>> -> memref<64xf32, #tpu.memory_space<vmem>>
        %get3A_400 = arith.constant 16 : index
        %get3A_401 = tpu.vector_load %get3A_399[%get3A_400] {strides = array<i32>} : memref<64xf32, #tpu.memory_space<vmem>>, vector<16xf32>,
        %mul3A_402 = arith.mulf %get3A_396, %get3A_401 : vector<16xf32>
        %get3A_403 = arith.constant 0 : i32
        %get3A_404 = tpu.memref_slice %arg10[%add3A_376, %get3A_403] : memref<80x64xf32, #tpu.memory_space<vmem>> -> memref<1x64xf32, #tpu.memory_space<vmem>>
        %get3A_405 = tpu.memref_squeeze %get3A_404 : memref<1x64xf32, #tpu.memory_space<vmem>> -> memref<64xf32, #tpu.memory_space<vmem>>
        %get3A_406 = arith.constant 32 : index
        %get3A_407 = tpu.vector_load %get3A_405[%get3A_406] {strides = array<i32>} : memref<64xf32, #tpu.memory_space<vmem>>, vector<16xf32>,
        %get3A_408 = arith.constant 0 : i32
        %get3A_409 = tpu.memref_slice %arg11[%add3A_380, %get3A_408] : memref<80x64xf32, #tpu.memory_space<vmem>> -> memref<1x64xf32, #tpu.memory_space<vmem>>
        %get3A_410 = tpu.memref_squeeze %get3A_409 : memref<1x64xf32, #tpu.memory_space<vmem>> -> memref<64xf32, #tpu.memory_space<vmem>>
        %get3A_411 = arith.constant 32 : index
        %get3A_412 = tpu.vector_load %get3A_410[%get3A_411] {strides = array<i32>} : memref<64xf32, #tpu.memory_space<vmem>>, vector<16xf32>,
        %mul3A_413 = arith.mulf %get3A_407, %get3A_412 : vector<16xf32>
        %get3A_414 = arith.constant 0 : i32
        %get3A_415 = tpu.memref_slice %arg10[%add3A_376, %get3A_414] : memref<80x64xf32, #tpu.memory_space<vmem>> -> memref<1x64xf32, #tpu.memory_space<vmem>>
        %get3A_416 = tpu.memref_squeeze %get3A_415 : memref<1x64xf32, #tpu.memory_space<vmem>> -> memref<64xf32, #tpu.memory_space<vmem>>
        %get3A_417 = arith.constant 48 : index
        %get3A_418 = tpu.vector_load %get3A_416[%get3A_417] {strides = array<i32>} : memref<64xf32, #tpu.memory_space<vmem>>, vector<16xf32>,
        %get3A_419 = arith.constant 0 : i32
        %get3A_420 = tpu.memref_slice %arg11[%add3A_380, %get3A_419] : memref<80x64xf32, #tpu.memory_space<vmem>> -> memref<1x64xf32, #tpu.memory_space<vmem>>
        %get3A_421 = tpu.memref_squeeze %get3A_420 : memref<1x64xf32, #tpu.memory_space<vmem>> -> memref<64xf32, #tpu.memory_space<vmem>>
        %get3A_422 = arith.constant 48 : index
        %get3A_423 = tpu.vector_load %get3A_421[%get3A_422] {strides = array<i32>} : memref<64xf32, #tpu.memory_space<vmem>>, vector<16xf32>,
        %mul3A_424 = arith.mulf %get3A_418, %get3A_423 : vector<16xf32>
        %add3A_425 = arith.addf %mul3A_391, %mul3A_402 : vector<16xf32>
        %add3A_426 = arith.addf %mul3A_413, %mul3A_424 : vector<16xf32>
        %add3A_427 = arith.addf %add3A_425, %add3A_426 : vector<16xf32>
        %swap3A_428 = arith.constant 4 : i32
        %swap3A_429 = arith.index_cast %swap3A_428 : i32 to index
        %swap3A_430 = arith.constant 0 : index
        %swap3A_431 = tpu.vector_load %arg15[%swap3A_429, %swap3A_430] {strides = array<i32>} : memref<16x16xf32, #tpu.memory_space<vmem>>, vector<16xf32>,
        tpu.vector_store %arg15[%swap3A_429, %swap3A_430], %add3A_427 {strides = array<i32>} : memref<16x16xf32, #tpu.memory_space<vmem>>, vector<16xf32>,
        %mul3A_432 = arith.constant 16 : i32
        %mul3A_433 = arith.muli %scan3A_136, %mul3A_432 : i32
        %add3A_434 = arith.constant 5 : i32
        %add3A_435 = arith.addi %mul3A_433, %add3A_434 : i32
        %mul3A_436 = arith.constant 16 : i32
        %mul3A_437 = arith.muli %scan3A_136, %mul3A_436 : i32
        %add3A_438 = arith.constant 5 : i32
        %add3A_439 = arith.addi %mul3A_437, %add3A_438 : i32
        %get3A_440 = arith.constant 0 : i32
        %get3A_441 = tpu.memref_slice %arg10[%add3A_435, %get3A_440] : memref<80x64xf32, #tpu.memory_space<vmem>> -> memref<1x64xf32, #tpu.memory_space<vmem>>
        %get3A_442 = tpu.memref_squeeze %get3A_441 : memref<1x64xf32, #tpu.memory_space<vmem>> -> memref<64xf32, #tpu.memory_space<vmem>>
        %get3A_443 = arith.constant 0 : index
        %get3A_444 = tpu.vector_load %get3A_442[%get3A_443] {strides = array<i32>} : memref<64xf32, #tpu.memory_space<vmem>>, vector<16xf32>,
        %get3A_445 = arith.constant 0 : i32
        %get3A_446 = tpu.memref_slice %arg11[%add3A_439, %get3A_445] : memref<80x64xf32, #tpu.memory_space<vmem>> -> memref<1x64xf32, #tpu.memory_space<vmem>>
        %get3A_447 = tpu.memref_squeeze %get3A_446 : memref<1x64xf32, #tpu.memory_space<vmem>> -> memref<64xf32, #tpu.memory_space<vmem>>
        %get3A_448 = arith.constant 0 : index
        %get3A_449 = tpu.vector_load %get3A_447[%get3A_448] {strides = array<i32>} : memref<64xf32, #tpu.memory_space<vmem>>, vector<16xf32>,
        %mul3A_450 = arith.mulf %get3A_444, %get3A_449 : vector<16xf32>
        %get3A_451 = arith.constant 0 : i32
        %get3A_452 = tpu.memref_slice %arg10[%add3A_435, %get3A_451] : memref<80x64xf32, #tpu.memory_space<vmem>> -> memref<1x64xf32, #tpu.memory_space<vmem>>
        %get3A_453 = tpu.memref_squeeze %get3A_452 : memref<1x64xf32, #tpu.memory_space<vmem>> -> memref<64xf32, #tpu.memory_space<vmem>>
        %get3A_454 = arith.constant 16 : index
        %get3A_455 = tpu.vector_load %get3A_453[%get3A_454] {strides = array<i32>} : memref<64xf32, #tpu.memory_space<vmem>>, vector<16xf32>,
        %get3A_456 = arith.constant 0 : i32
        %get3A_457 = tpu.memref_slice %arg11[%add3A_439, %get3A_456] : memref<80x64xf32, #tpu.memory_space<vmem>> -> memref<1x64xf32, #tpu.memory_space<vmem>>
        %get3A_458 = tpu.memref_squeeze %get3A_457 : memref<1x64xf32, #tpu.memory_space<vmem>> -> memref<64xf32, #tpu.memory_space<vmem>>
        %get3A_459 = arith.constant 16 : index
        %get3A_460 = tpu.vector_load %get3A_458[%get3A_459] {strides = array<i32>} : memref<64xf32, #tpu.memory_space<vmem>>, vector<16xf32>,
        %mul3A_461 = arith.mulf %get3A_455, %get3A_460 : vector<16xf32>
        %get3A_462 = arith.constant 0 : i32
        %get3A_463 = tpu.memref_slice %arg10[%add3A_435, %get3A_462] : memref<80x64xf32, #tpu.memory_space<vmem>> -> memref<1x64xf32, #tpu.memory_space<vmem>>
        %get3A_464 = tpu.memref_squeeze %get3A_463 : memref<1x64xf32, #tpu.memory_space<vmem>> -> memref<64xf32, #tpu.memory_space<vmem>>
        %get3A_465 = arith.constant 32 : index
        %get3A_466 = tpu.vector_load %get3A_464[%get3A_465] {strides = array<i32>} : memref<64xf32, #tpu.memory_space<vmem>>, vector<16xf32>,
        %get3A_467 = arith.constant 0 : i32
        %get3A_468 = tpu.memref_slice %arg11[%add3A_439, %get3A_467] : memref<80x64xf32, #tpu.memory_space<vmem>> -> memref<1x64xf32, #tpu.memory_space<vmem>>
        %get3A_469 = tpu.memref_squeeze %get3A_468 : memref<1x64xf32, #tpu.memory_space<vmem>> -> memref<64xf32, #tpu.memory_space<vmem>>
        %get3A_470 = arith.constant 32 : index
        %get3A_471 = tpu.vector_load %get3A_469[%get3A_470] {strides = array<i32>} : memref<64xf32, #tpu.memory_space<vmem>>, vector<16xf32>,
        %mul3A_472 = arith.mulf %get3A_466, %get3A_471 : vector<16xf32>
        %get3A_473 = arith.constant 0 : i32
        %get3A_474 = tpu.memref_slice %arg10[%add3A_435, %get3A_473] : memref<80x64xf32, #tpu.memory_space<vmem>> -> memref<1x64xf32, #tpu.memory_space<vmem>>
        %get3A_475 = tpu.memref_squeeze %get3A_474 : memref<1x64xf32, #tpu.memory_space<vmem>> -> memref<64xf32, #tpu.memory_space<vmem>>
        %get3A_476 = arith.constant 48 : index
        %get3A_477 = tpu.vector_load %get3A_475[%get3A_476] {strides = array<i32>} : memref<64xf32, #tpu.memory_space<vmem>>, vector<16xf32>,
        %get3A_478 = arith.constant 0 : i32
        %get3A_479 = tpu.memref_slice %arg11[%add3A_439, %get3A_478] : memref<80x64xf32, #tpu.memory_space<vmem>> -> memref<1x64xf32, #tpu.memory_space<vmem>>
        %get3A_480 = tpu.memref_squeeze %get3A_479 : memref<1x64xf32, #tpu.memory_space<vmem>> -> memref<64xf32, #tpu.memory_space<vmem>>
        %get3A_481 = arith.constant 48 : index
        %get3A_482 = tpu.vector_load %get3A_480[%get3A_481] {strides = array<i32>} : memref<64xf32, #tpu.memory_space<vmem>>, vector<16xf32>,
        %mul3A_483 = arith.mulf %get3A_477, %get3A_482 : vector<16xf32>
        %add3A_484 = arith.addf %mul3A_450, %mul3A_461 : vector<16xf32>
        %add3A_485 = arith.addf %mul3A_472, %mul3A_483 : vector<16xf32>
        %add3A_486 = arith.addf %add3A_484, %add3A_485 : vector<16xf32>
        %swap3A_487 = arith.constant 5 : i32
        %swap3A_488 = arith.index_cast %swap3A_487 : i32 to index
        %swap3A_489 = arith.constant 0 : index
        %swap3A_490 = tpu.vector_load %arg15[%swap3A_488, %swap3A_489] {strides = array<i32>} : memref<16x16xf32, #tpu.memory_space<vmem>>, vector<16xf32>,
        tpu.vector_store %arg15[%swap3A_488, %swap3A_489], %add3A_486 {strides = array<i32>} : memref<16x16xf32, #tpu.memory_space<vmem>>, vector<16xf32>,
        %mul3A_491 = arith.constant 16 : i32
        %mul3A_492 = arith.muli %scan3A_136, %mul3A_491 : i32
        %add3A_493 = arith.constant 6 : i32
        %add3A_494 = arith.addi %mul3A_492, %add3A_493 : i32
        %mul3A_495 = arith.constant 16 : i32
        %mul3A_496 = arith.muli %scan3A_136, %mul3A_495 : i32
        %add3A_497 = arith.constant 6 : i32
        %add3A_498 = arith.addi %mul3A_496, %add3A_497 : i32
        %get3A_499 = arith.constant 0 : i32
        %get3A_500 = tpu.memref_slice %arg10[%add3A_494, %get3A_499] : memref<80x64xf32, #tpu.memory_space<vmem>> -> memref<1x64xf32, #tpu.memory_space<vmem>>
        %get3A_501 = tpu.memref_squeeze %get3A_500 : memref<1x64xf32, #tpu.memory_space<vmem>> -> memref<64xf32, #tpu.memory_space<vmem>>
        %get3A_502 = arith.constant 0 : index
        %get3A_503 = tpu.vector_load %get3A_501[%get3A_502] {strides = array<i32>} : memref<64xf32, #tpu.memory_space<vmem>>, vector<16xf32>,
        %get3A_504 = arith.constant 0 : i32
        %get3A_505 = tpu.memref_slice %arg11[%add3A_498, %get3A_504] : memref<80x64xf32, #tpu.memory_space<vmem>> -> memref<1x64xf32, #tpu.memory_space<vmem>>
        %get3A_506 = tpu.memref_squeeze %get3A_505 : memref<1x64xf32, #tpu.memory_space<vmem>> -> memref<64xf32, #tpu.memory_space<vmem>>
        %get3A_507 = arith.constant 0 : index
        %get3A_508 = tpu.vector_load %get3A_506[%get3A_507] {strides = array<i32>} : memref<64xf32, #tpu.memory_space<vmem>>, vector<16xf32>,
        %mul3A_509 = arith.mulf %get3A_503, %get3A_508 : vector<16xf32>
        %get3A_510 = arith.constant 0 : i32
        %get3A_511 = tpu.memref_slice %arg10[%add3A_494, %get3A_510] : memref<80x64xf32, #tpu.memory_space<vmem>> -> memref<1x64xf32, #tpu.memory_space<vmem>>
        %get3A_512 = tpu.memref_squeeze %get3A_511 : memref<1x64xf32, #tpu.memory_space<vmem>> -> memref<64xf32, #tpu.memory_space<vmem>>
        %get3A_513 = arith.constant 16 : index
        %get3A_514 = tpu.vector_load %get3A_512[%get3A_513] {strides = array<i32>} : memref<64xf32, #tpu.memory_space<vmem>>, vector<16xf32>,
        %get3A_515 = arith.constant 0 : i32
        %get3A_516 = tpu.memref_slice %arg11[%add3A_498, %get3A_515] : memref<80x64xf32, #tpu.memory_space<vmem>> -> memref<1x64xf32, #tpu.memory_space<vmem>>
        %get3A_517 = tpu.memref_squeeze %get3A_516 : memref<1x64xf32, #tpu.memory_space<vmem>> -> memref<64xf32, #tpu.memory_space<vmem>>
        %get3A_518 = arith.constant 16 : index
        %get3A_519 = tpu.vector_load %get3A_517[%get3A_518] {strides = array<i32>} : memref<64xf32, #tpu.memory_space<vmem>>, vector<16xf32>,
        %mul3A_520 = arith.mulf %get3A_514, %get3A_519 : vector<16xf32>
        %get3A_521 = arith.constant 0 : i32
        %get3A_522 = tpu.memref_slice %arg10[%add3A_494, %get3A_521] : memref<80x64xf32, #tpu.memory_space<vmem>> -> memref<1x64xf32, #tpu.memory_space<vmem>>
        %get3A_523 = tpu.memref_squeeze %get3A_522 : memref<1x64xf32, #tpu.memory_space<vmem>> -> memref<64xf32, #tpu.memory_space<vmem>>
        %get3A_524 = arith.constant 32 : index
        %get3A_525 = tpu.vector_load %get3A_523[%get3A_524] {strides = array<i32>} : memref<64xf32, #tpu.memory_space<vmem>>, vector<16xf32>,
        %get3A_526 = arith.constant 0 : i32
        %get3A_527 = tpu.memref_slice %arg11[%add3A_498, %get3A_526] : memref<80x64xf32, #tpu.memory_space<vmem>> -> memref<1x64xf32, #tpu.memory_space<vmem>>
        %get3A_528 = tpu.memref_squeeze %get3A_527 : memref<1x64xf32, #tpu.memory_space<vmem>> -> memref<64xf32, #tpu.memory_space<vmem>>
        %get3A_529 = arith.constant 32 : index
        %get3A_530 = tpu.vector_load %get3A_528[%get3A_529] {strides = array<i32>} : memref<64xf32, #tpu.memory_space<vmem>>, vector<16xf32>,
        %mul3A_531 = arith.mulf %get3A_525, %get3A_530 : vector<16xf32>
        %get3A_532 = arith.constant 0 : i32
        %get3A_533 = tpu.memref_slice %arg10[%add3A_494, %get3A_532] : memref<80x64xf32, #tpu.memory_space<vmem>> -> memref<1x64xf32, #tpu.memory_space<vmem>>
        %get3A_534 = tpu.memref_squeeze %get3A_533 : memref<1x64xf32, #tpu.memory_space<vmem>> -> memref<64xf32, #tpu.memory_space<vmem>>
        %get3A_535 = arith.constant 48 : index
        %get3A_536 = tpu.vector_load %get3A_534[%get3A_535] {strides = array<i32>} : memref<64xf32, #tpu.memory_space<vmem>>, vector<16xf32>,
        %get3A_537 = arith.constant 0 : i32
        %get3A_538 = tpu.memref_slice %arg11[%add3A_498, %get3A_537] : memref<80x64xf32, #tpu.memory_space<vmem>> -> memref<1x64xf32, #tpu.memory_space<vmem>>
        %get3A_539 = tpu.memref_squeeze %get3A_538 : memref<1x64xf32, #tpu.memory_space<vmem>> -> memref<64xf32, #tpu.memory_space<vmem>>
        %get3A_540 = arith.constant 48 : index
        %get3A_541 = tpu.vector_load %get3A_539[%get3A_540] {strides = array<i32>} : memref<64xf32, #tpu.memory_space<vmem>>, vector<16xf32>,
        %mul3A_542 = arith.mulf %get3A_536, %get3A_541 : vector<16xf32>
        %add3A_543 = arith.addf %mul3A_509, %mul3A_520 : vector<16xf32>
        %add3A_544 = arith.addf %mul3A_531, %mul3A_542 : vector<16xf32>
        %add3A_545 = arith.addf %add3A_543, %add3A_544 : vector<16xf32>
        %swap3A_546 = arith.constant 6 : i32
        %swap3A_547 = arith.index_cast %swap3A_546 : i32 to index
        %swap3A_548 = arith.constant 0 : index
        %swap3A_549 = tpu.vector_load %arg15[%swap3A_547, %swap3A_548] {strides = array<i32>} : memref<16x16xf32, #tpu.memory_space<vmem>>, vector<16xf32>,
        tpu.vector_store %arg15[%swap3A_547, %swap3A_548], %add3A_545 {strides = array<i32>} : memref<16x16xf32, #tpu.memory_space<vmem>>, vector<16xf32>,
        %mul3A_550 = arith.constant 16 : i32
        %mul3A_551 = arith.muli %scan3A_136, %mul3A_550 : i32
        %add3A_552 = arith.constant 7 : i32
        %add3A_553 = arith.addi %mul3A_551, %add3A_552 : i32
        %mul3A_554 = arith.constant 16 : i32
        %mul3A_555 = arith.muli %scan3A_136, %mul3A_554 : i32
        %add3A_556 = arith.constant 7 : i32
        %add3A_557 = arith.addi %mul3A_555, %add3A_556 : i32
        %get3A_558 = arith.constant 0 : i32
        %get3A_559 = tpu.memref_slice %arg10[%add3A_553, %get3A_558] : memref<80x64xf32, #tpu.memory_space<vmem>> -> memref<1x64xf32, #tpu.memory_space<vmem>>
        %get3A_560 = tpu.memref_squeeze %get3A_559 : memref<1x64xf32, #tpu.memory_space<vmem>> -> memref<64xf32, #tpu.memory_space<vmem>>
        %get3A_561 = arith.constant 0 : index
        %get3A_562 = tpu.vector_load %get3A_560[%get3A_561] {strides = array<i32>} : memref<64xf32, #tpu.memory_space<vmem>>, vector<16xf32>,
        %get3A_563 = arith.constant 0 : i32
        %get3A_564 = tpu.memref_slice %arg11[%add3A_557, %get3A_563] : memref<80x64xf32, #tpu.memory_space<vmem>> -> memref<1x64xf32, #tpu.memory_space<vmem>>
        %get3A_565 = tpu.memref_squeeze %get3A_564 : memref<1x64xf32, #tpu.memory_space<vmem>> -> memref<64xf32, #tpu.memory_space<vmem>>
        %get3A_566 = arith.constant 0 : index
        %get3A_567 = tpu.vector_load %get3A_565[%get3A_566] {strides = array<i32>} : memref<64xf32, #tpu.memory_space<vmem>>, vector<16xf32>,
        %mul3A_568 = arith.mulf %get3A_562, %get3A_567 : vector<16xf32>
        %get3A_569 = arith.constant 0 : i32
        %get3A_570 = tpu.memref_slice %arg10[%add3A_553, %get3A_569] : memref<80x64xf32, #tpu.memory_space<vmem>> -> memref<1x64xf32, #tpu.memory_space<vmem>>
        %get3A_571 = tpu.memref_squeeze %get3A_570 : memref<1x64xf32, #tpu.memory_space<vmem>> -> memref<64xf32, #tpu.memory_space<vmem>>
        %get3A_572 = arith.constant 16 : index
        %get3A_573 = tpu.vector_load %get3A_571[%get3A_572] {strides = array<i32>} : memref<64xf32, #tpu.memory_space<vmem>>, vector<16xf32>,
        %get3A_574 = arith.constant 0 : i32
        %get3A_575 = tpu.memref_slice %arg11[%add3A_557, %get3A_574] : memref<80x64xf32, #tpu.memory_space<vmem>> -> memref<1x64xf32, #tpu.memory_space<vmem>>
        %get3A_576 = tpu.memref_squeeze %get3A_575 : memref<1x64xf32, #tpu.memory_space<vmem>> -> memref<64xf32, #tpu.memory_space<vmem>>
        %get3A_577 = arith.constant 16 : index
        %get3A_578 = tpu.vector_load %get3A_576[%get3A_577] {strides = array<i32>} : memref<64xf32, #tpu.memory_space<vmem>>, vector<16xf32>,
        %mul3A_579 = arith.mulf %get3A_573, %get3A_578 : vector<16xf32>
        %get3A_580 = arith.constant 0 : i32
        %get3A_581 = tpu.memref_slice %arg10[%add3A_553, %get3A_580] : memref<80x64xf32, #tpu.memory_space<vmem>> -> memref<1x64xf32, #tpu.memory_space<vmem>>
        %get3A_582 = tpu.memref_squeeze %get3A_581 : memref<1x64xf32, #tpu.memory_space<vmem>> -> memref<64xf32, #tpu.memory_space<vmem>>
        %get3A_583 = arith.constant 32 : index
        %get3A_584 = tpu.vector_load %get3A_582[%get3A_583] {strides = array<i32>} : memref<64xf32, #tpu.memory_space<vmem>>, vector<16xf32>,
        %get3A_585 = arith.constant 0 : i32
        %get3A_586 = tpu.memref_slice %arg11[%add3A_557, %get3A_585] : memref<80x64xf32, #tpu.memory_space<vmem>> -> memref<1x64xf32, #tpu.memory_space<vmem>>
        %get3A_587 = tpu.memref_squeeze %get3A_586 : memref<1x64xf32, #tpu.memory_space<vmem>> -> memref<64xf32, #tpu.memory_space<vmem>>
        %get3A_588 = arith.constant 32 : index
        %get3A_589 = tpu.vector_load %get3A_587[%get3A_588] {strides = array<i32>} : memref<64xf32, #tpu.memory_space<vmem>>, vector<16xf32>,
        %mul3A_590 = arith.mulf %get3A_584, %get3A_589 : vector<16xf32>
        %get3A_591 = arith.constant 0 : i32
        %get3A_592 = tpu.memref_slice %arg10[%add3A_553, %get3A_591] : memref<80x64xf32, #tpu.memory_space<vmem>> -> memref<1x64xf32, #tpu.memory_space<vmem>>
        %get3A_593 = tpu.memref_squeeze %get3A_592 : memref<1x64xf32, #tpu.memory_space<vmem>> -> memref<64xf32, #tpu.memory_space<vmem>>
        %get3A_594 = arith.constant 48 : index
        %get3A_595 = tpu.vector_load %get3A_593[%get3A_594] {strides = array<i32>} : memref<64xf32, #tpu.memory_space<vmem>>, vector<16xf32>,
        %get3A_596 = arith.constant 0 : i32
        %get3A_597 = tpu.memref_slice %arg11[%add3A_557, %get3A_596] : memref<80x64xf32, #tpu.memory_space<vmem>> -> memref<1x64xf32, #tpu.memory_space<vmem>>
        %get3A_598 = tpu.memref_squeeze %get3A_597 : memref<1x64xf32, #tpu.memory_space<vmem>> -> memref<64xf32, #tpu.memory_space<vmem>>
        %get3A_599 = arith.constant 48 : index
        %get3A_600 = tpu.vector_load %get3A_598[%get3A_599] {strides = array<i32>} : memref<64xf32, #tpu.memory_space<vmem>>, vector<16xf32>,
        %mul3A_601 = arith.mulf %get3A_595, %get3A_600 : vector<16xf32>
        %add3A_602 = arith.addf %mul3A_568, %mul3A_579 : vector<16xf32>
        %add3A_603 = arith.addf %mul3A_590, %mul3A_601 : vector<16xf32>
        %add3A_604 = arith.addf %add3A_602, %add3A_603 : vector<16xf32>
        %swap3A_605 = arith.constant 7 : i32
        %swap3A_606 = arith.index_cast %swap3A_605 : i32 to index
        %swap3A_607 = arith.constant 0 : index
        %swap3A_608 = tpu.vector_load %arg15[%swap3A_606, %swap3A_607] {strides = array<i32>} : memref<16x16xf32, #tpu.memory_space<vmem>>, vector<16xf32>,
        tpu.vector_store %arg15[%swap3A_606, %swap3A_607], %add3A_604 {strides = array<i32>} : memref<16x16xf32, #tpu.memory_space<vmem>>, vector<16xf32>,
        %mul3A_609 = arith.constant 16 : i32
        %mul3A_610 = arith.muli %scan3A_136, %mul3A_609 : i32
        %add3A_611 = arith.constant 8 : i32
        %add3A_612 = arith.addi %mul3A_610, %add3A_611 : i32
        %mul3A_613 = arith.constant 16 : i32
        %mul3A_614 = arith.muli %scan3A_136, %mul3A_613 : i32
        %add3A_615 = arith.constant 8 : i32
        %add3A_616 = arith.addi %mul3A_614, %add3A_615 : i32
        %get3A_617 = arith.constant 0 : i32
        %get3A_618 = tpu.memref_slice %arg10[%add3A_612, %get3A_617] : memref<80x64xf32, #tpu.memory_space<vmem>> -> memref<1x64xf32, #tpu.memory_space<vmem>>
        %get3A_619 = tpu.memref_squeeze %get3A_618 : memref<1x64xf32, #tpu.memory_space<vmem>> -> memref<64xf32, #tpu.memory_space<vmem>>
        %get3A_620 = arith.constant 0 : index
        %get3A_621 = tpu.vector_load %get3A_619[%get3A_620] {strides = array<i32>} : memref<64xf32, #tpu.memory_space<vmem>>, vector<16xf32>,
        %get3A_622 = arith.constant 0 : i32
        %get3A_623 = tpu.memref_slice %arg11[%add3A_616, %get3A_622] : memref<80x64xf32, #tpu.memory_space<vmem>> -> memref<1x64xf32, #tpu.memory_space<vmem>>
        %get3A_624 = tpu.memref_squeeze %get3A_623 : memref<1x64xf32, #tpu.memory_space<vmem>> -> memref<64xf32, #tpu.memory_space<vmem>>
        %get3A_625 = arith.constant 0 : index
        %get3A_626 = tpu.vector_load %get3A_624[%get3A_625] {strides = array<i32>} : memref<64xf32, #tpu.memory_space<vmem>>, vector<16xf32>,
        %mul3A_627 = arith.mulf %get3A_621, %get3A_626 : vector<16xf32>
        %get3A_628 = arith.constant 0 : i32
        %get3A_629 = tpu.memref_slice %arg10[%add3A_612, %get3A_628] : memref<80x64xf32, #tpu.memory_space<vmem>> -> memref<1x64xf32, #tpu.memory_space<vmem>>
        %get3A_630 = tpu.memref_squeeze %get3A_629 : memref<1x64xf32, #tpu.memory_space<vmem>> -> memref<64xf32, #tpu.memory_space<vmem>>
        %get3A_631 = arith.constant 16 : index
        %get3A_632 = tpu.vector_load %get3A_630[%get3A_631] {strides = array<i32>} : memref<64xf32, #tpu.memory_space<vmem>>, vector<16xf32>,
        %get3A_633 = arith.constant 0 : i32
        %get3A_634 = tpu.memref_slice %arg11[%add3A_616, %get3A_633] : memref<80x64xf32, #tpu.memory_space<vmem>> -> memref<1x64xf32, #tpu.memory_space<vmem>>
        %get3A_635 = tpu.memref_squeeze %get3A_634 : memref<1x64xf32, #tpu.memory_space<vmem>> -> memref<64xf32, #tpu.memory_space<vmem>>
        %get3A_636 = arith.constant 16 : index
        %get3A_637 = tpu.vector_load %get3A_635[%get3A_636] {strides = array<i32>} : memref<64xf32, #tpu.memory_space<vmem>>, vector<16xf32>,
        %mul3A_638 = arith.mulf %get3A_632, %get3A_637 : vector<16xf32>
        %get3A_639 = arith.constant 0 : i32
        %get3A_640 = tpu.memref_slice %arg10[%add3A_612, %get3A_639] : memref<80x64xf32, #tpu.memory_space<vmem>> -> memref<1x64xf32, #tpu.memory_space<vmem>>
        %get3A_641 = tpu.memref_squeeze %get3A_640 : memref<1x64xf32, #tpu.memory_space<vmem>> -> memref<64xf32, #tpu.memory_space<vmem>>
        %get3A_642 = arith.constant 32 : index
        %get3A_643 = tpu.vector_load %get3A_641[%get3A_642] {strides = array<i32>} : memref<64xf32, #tpu.memory_space<vmem>>, vector<16xf32>,
        %get3A_644 = arith.constant 0 : i32
        %get3A_645 = tpu.memref_slice %arg11[%add3A_616, %get3A_644] : memref<80x64xf32, #tpu.memory_space<vmem>> -> memref<1x64xf32, #tpu.memory_space<vmem>>
        %get3A_646 = tpu.memref_squeeze %get3A_645 : memref<1x64xf32, #tpu.memory_space<vmem>> -> memref<64xf32, #tpu.memory_space<vmem>>
        %get3A_647 = arith.constant 32 : index
        %get3A_648 = tpu.vector_load %get3A_646[%get3A_647] {strides = array<i32>} : memref<64xf32, #tpu.memory_space<vmem>>, vector<16xf32>,
        %mul3A_649 = arith.mulf %get3A_643, %get3A_648 : vector<16xf32>
        %get3A_650 = arith.constant 0 : i32
        %get3A_651 = tpu.memref_slice %arg10[%add3A_612, %get3A_650] : memref<80x64xf32, #tpu.memory_space<vmem>> -> memref<1x64xf32, #tpu.memory_space<vmem>>
        %get3A_652 = tpu.memref_squeeze %get3A_651 : memref<1x64xf32, #tpu.memory_space<vmem>> -> memref<64xf32, #tpu.memory_space<vmem>>
        %get3A_653 = arith.constant 48 : index
        %get3A_654 = tpu.vector_load %get3A_652[%get3A_653] {strides = array<i32>} : memref<64xf32, #tpu.memory_space<vmem>>, vector<16xf32>,
        %get3A_655 = arith.constant 0 : i32
        %get3A_656 = tpu.memref_slice %arg11[%add3A_616, %get3A_655] : memref<80x64xf32, #tpu.memory_space<vmem>> -> memref<1x64xf32, #tpu.memory_space<vmem>>
        %get3A_657 = tpu.memref_squeeze %get3A_656 : memref<1x64xf32, #tpu.memory_space<vmem>> -> memref<64xf32, #tpu.memory_space<vmem>>
        %get3A_658 = arith.constant 48 : index
        %get3A_659 = tpu.vector_load %get3A_657[%get3A_658] {strides = array<i32>} : memref<64xf32, #tpu.memory_space<vmem>>, vector<16xf32>,
        %mul3A_660 = arith.mulf %get3A_654, %get3A_659 : vector<16xf32>
        %add3A_661 = arith.addf %mul3A_627, %mul3A_638 : vector<16xf32>
        %add3A_662 = arith.addf %mul3A_649, %mul3A_660 : vector<16xf32>
        %add3A_663 = arith.addf %add3A_661, %add3A_662 : vector<16xf32>
        %swap3A_664 = arith.constant 8 : i32
        %swap3A_665 = arith.index_cast %swap3A_664 : i32 to index
        %swap3A_666 = arith.constant 0 : index
        %swap3A_667 = tpu.vector_load %arg15[%swap3A_665, %swap3A_666] {strides = array<i32>} : memref<16x16xf32, #tpu.memory_space<vmem>>, vector<16xf32>,
        tpu.vector_store %arg15[%swap3A_665, %swap3A_666], %add3A_663 {strides = array<i32>} : memref<16x16xf32, #tpu.memory_space<vmem>>, vector<16xf32>,
        %mul3A_668 = arith.constant 16 : i32
        %mul3A_669 = arith.muli %scan3A_136, %mul3A_668 : i32
        %add3A_670 = arith.constant 9 : i32
        %add3A_671 = arith.addi %mul3A_669, %add3A_670 : i32
        %mul3A_672 = arith.constant 16 : i32
        %mul3A_673 = arith.muli %scan3A_136, %mul3A_672 : i32
        %add3A_674 = arith.constant 9 : i32
        %add3A_675 = arith.addi %mul3A_673, %add3A_674 : i32
        %get3A_676 = arith.constant 0 : i32
        %get3A_677 = tpu.memref_slice %arg10[%add3A_671, %get3A_676] : memref<80x64xf32, #tpu.memory_space<vmem>> -> memref<1x64xf32, #tpu.memory_space<vmem>>
        %get3A_678 = tpu.memref_squeeze %get3A_677 : memref<1x64xf32, #tpu.memory_space<vmem>> -> memref<64xf32, #tpu.memory_space<vmem>>
        %get3A_679 = arith.constant 0 : index
        %get3A_680 = tpu.vector_load %get3A_678[%get3A_679] {strides = array<i32>} : memref<64xf32, #tpu.memory_space<vmem>>, vector<16xf32>,
        %get3A_681 = arith.constant 0 : i32
        %get3A_682 = tpu.memref_slice %arg11[%add3A_675, %get3A_681] : memref<80x64xf32, #tpu.memory_space<vmem>> -> memref<1x64xf32, #tpu.memory_space<vmem>>
        %get3A_683 = tpu.memref_squeeze %get3A_682 : memref<1x64xf32, #tpu.memory_space<vmem>> -> memref<64xf32, #tpu.memory_space<vmem>>
        %get3A_684 = arith.constant 0 : index
        %get3A_685 = tpu.vector_load %get3A_683[%get3A_684] {strides = array<i32>} : memref<64xf32, #tpu.memory_space<vmem>>, vector<16xf32>,
        %mul3A_686 = arith.mulf %get3A_680, %get3A_685 : vector<16xf32>
        %get3A_687 = arith.constant 0 : i32
        %get3A_688 = tpu.memref_slice %arg10[%add3A_671, %get3A_687] : memref<80x64xf32, #tpu.memory_space<vmem>> -> memref<1x64xf32, #tpu.memory_space<vmem>>
        %get3A_689 = tpu.memref_squeeze %get3A_688 : memref<1x64xf32, #tpu.memory_space<vmem>> -> memref<64xf32, #tpu.memory_space<vmem>>
        %get3A_690 = arith.constant 16 : index
        %get3A_691 = tpu.vector_load %get3A_689[%get3A_690] {strides = array<i32>} : memref<64xf32, #tpu.memory_space<vmem>>, vector<16xf32>,
        %get3A_692 = arith.constant 0 : i32
        %get3A_693 = tpu.memref_slice %arg11[%add3A_675, %get3A_692] : memref<80x64xf32, #tpu.memory_space<vmem>> -> memref<1x64xf32, #tpu.memory_space<vmem>>
        %get3A_694 = tpu.memref_squeeze %get3A_693 : memref<1x64xf32, #tpu.memory_space<vmem>> -> memref<64xf32, #tpu.memory_space<vmem>>
        %get3A_695 = arith.constant 16 : index
        %get3A_696 = tpu.vector_load %get3A_694[%get3A_695] {strides = array<i32>} : memref<64xf32, #tpu.memory_space<vmem>>, vector<16xf32>,
        %mul3A_697 = arith.mulf %get3A_691, %get3A_696 : vector<16xf32>
        %get3A_698 = arith.constant 0 : i32
        %get3A_699 = tpu.memref_slice %arg10[%add3A_671, %get3A_698] : memref<80x64xf32, #tpu.memory_space<vmem>> -> memref<1x64xf32, #tpu.memory_space<vmem>>
        %get3A_700 = tpu.memref_squeeze %get3A_699 : memref<1x64xf32, #tpu.memory_space<vmem>> -> memref<64xf32, #tpu.memory_space<vmem>>
        %get3A_701 = arith.constant 32 : index
        %get3A_702 = tpu.vector_load %get3A_700[%get3A_701] {strides = array<i32>} : memref<64xf32, #tpu.memory_space<vmem>>, vector<16xf32>,
        %get3A_703 = arith.constant 0 : i32
        %get3A_704 = tpu.memref_slice %arg11[%add3A_675, %get3A_703] : memref<80x64xf32, #tpu.memory_space<vmem>> -> memref<1x64xf32, #tpu.memory_space<vmem>>
        %get3A_705 = tpu.memref_squeeze %get3A_704 : memref<1x64xf32, #tpu.memory_space<vmem>> -> memref<64xf32, #tpu.memory_space<vmem>>
        %get3A_706 = arith.constant 32 : index
        %get3A_707 = tpu.vector_load %get3A_705[%get3A_706] {strides = array<i32>} : memref<64xf32, #tpu.memory_space<vmem>>, vector<16xf32>,
        %mul3A_708 = arith.mulf %get3A_702, %get3A_707 : vector<16xf32>
        %get3A_709 = arith.constant 0 : i32
        %get3A_710 = tpu.memref_slice %arg10[%add3A_671, %get3A_709] : memref<80x64xf32, #tpu.memory_space<vmem>> -> memref<1x64xf32, #tpu.memory_space<vmem>>
        %get3A_711 = tpu.memref_squeeze %get3A_710 : memref<1x64xf32, #tpu.memory_space<vmem>> -> memref<64xf32, #tpu.memory_space<vmem>>
        %get3A_712 = arith.constant 48 : index
        %get3A_713 = tpu.vector_load %get3A_711[%get3A_712] {strides = array<i32>} : memref<64xf32, #tpu.memory_space<vmem>>, vector<16xf32>,
        %get3A_714 = arith.constant 0 : i32
        %get3A_715 = tpu.memref_slice %arg11[%add3A_675, %get3A_714] : memref<80x64xf32, #tpu.memory_space<vmem>> -> memref<1x64xf32, #tpu.memory_space<vmem>>
        %get3A_716 = tpu.memref_squeeze %get3A_715 : memref<1x64xf32, #tpu.memory_space<vmem>> -> memref<64xf32, #tpu.memory_space<vmem>>
        %get3A_717 = arith.constant 48 : index
        %get3A_718 = tpu.vector_load %get3A_716[%get3A_717] {strides = array<i32>} : memref<64xf32, #tpu.memory_space<vmem>>, vector<16xf32>,
        %mul3A_719 = arith.mulf %get3A_713, %get3A_718 : vector<16xf32>
        %add3A_720 = arith.addf %mul3A_686, %mul3A_697 : vector<16xf32>
        %add3A_721 = arith.addf %mul3A_708, %mul3A_719 : vector<16xf32>
        %add3A_722 = arith.addf %add3A_720, %add3A_721 : vector<16xf32>
        %swap3A_723 = arith.constant 9 : i32
        %swap3A_724 = arith.index_cast %swap3A_723 : i32 to index
        %swap3A_725 = arith.constant 0 : index
        %swap3A_726 = tpu.vector_load %arg15[%swap3A_724, %swap3A_725] {strides = array<i32>} : memref<16x16xf32, #tpu.memory_space<vmem>>, vector<16xf32>,
        tpu.vector_store %arg15[%swap3A_724, %swap3A_725], %add3A_722 {strides = array<i32>} : memref<16x16xf32, #tpu.memory_space<vmem>>, vector<16xf32>,
        %mul3A_727 = arith.constant 16 : i32
        %mul3A_728 = arith.muli %scan3A_136, %mul3A_727 : i32
        %add3A_729 = arith.constant 10 : i32
        %add3A_730 = arith.addi %mul3A_728, %add3A_729 : i32
        %mul3A_731 = arith.constant 16 : i32
        %mul3A_732 = arith.muli %scan3A_136, %mul3A_731 : i32
        %add3A_733 = arith.constant 10 : i32
        %add3A_734 = arith.addi %mul3A_732, %add3A_733 : i32
        %get3A_735 = arith.constant 0 : i32
        %get3A_736 = tpu.memref_slice %arg10[%add3A_730, %get3A_735] : memref<80x64xf32, #tpu.memory_space<vmem>> -> memref<1x64xf32, #tpu.memory_space<vmem>>
        %get3A_737 = tpu.memref_squeeze %get3A_736 : memref<1x64xf32, #tpu.memory_space<vmem>> -> memref<64xf32, #tpu.memory_space<vmem>>
        %get3A_738 = arith.constant 0 : index
        %get3A_739 = tpu.vector_load %get3A_737[%get3A_738] {strides = array<i32>} : memref<64xf32, #tpu.memory_space<vmem>>, vector<16xf32>,
        %get3A_740 = arith.constant 0 : i32
        %get3A_741 = tpu.memref_slice %arg11[%add3A_734, %get3A_740] : memref<80x64xf32, #tpu.memory_space<vmem>> -> memref<1x64xf32, #tpu.memory_space<vmem>>
        %get3A_742 = tpu.memref_squeeze %get3A_741 : memref<1x64xf32, #tpu.memory_space<vmem>> -> memref<64xf32, #tpu.memory_space<vmem>>
        %get3A_743 = arith.constant 0 : index
        %get3A_744 = tpu.vector_load %get3A_742[%get3A_743] {strides = array<i32>} : memref<64xf32, #tpu.memory_space<vmem>>, vector<16xf32>,
        %mul3A_745 = arith.mulf %get3A_739, %get3A_744 : vector<16xf32>
        %get3A_746 = arith.constant 0 : i32
        %get3A_747 = tpu.memref_slice %arg10[%add3A_730, %get3A_746] : memref<80x64xf32, #tpu.memory_space<vmem>> -> memref<1x64xf32, #tpu.memory_space<vmem>>
        %get3A_748 = tpu.memref_squeeze %get3A_747 : memref<1x64xf32, #tpu.memory_space<vmem>> -> memref<64xf32, #tpu.memory_space<vmem>>
        %get3A_749 = arith.constant 16 : index
        %get3A_750 = tpu.vector_load %get3A_748[%get3A_749] {strides = array<i32>} : memref<64xf32, #tpu.memory_space<vmem>>, vector<16xf32>,
        %get3A_751 = arith.constant 0 : i32
        %get3A_752 = tpu.memref_slice %arg11[%add3A_734, %get3A_751] : memref<80x64xf32, #tpu.memory_space<vmem>> -> memref<1x64xf32, #tpu.memory_space<vmem>>
        %get3A_753 = tpu.memref_squeeze %get3A_752 : memref<1x64xf32, #tpu.memory_space<vmem>> -> memref<64xf32, #tpu.memory_space<vmem>>
        %get3A_754 = arith.constant 16 : index
        %get3A_755 = tpu.vector_load %get3A_753[%get3A_754] {strides = array<i32>} : memref<64xf32, #tpu.memory_space<vmem>>, vector<16xf32>,
        %mul3A_756 = arith.mulf %get3A_750, %get3A_755 : vector<16xf32>
        %get3A_757 = arith.constant 0 : i32
        %get3A_758 = tpu.memref_slice %arg10[%add3A_730, %get3A_757] : memref<80x64xf32, #tpu.memory_space<vmem>> -> memref<1x64xf32, #tpu.memory_space<vmem>>
        %get3A_759 = tpu.memref_squeeze %get3A_758 : memref<1x64xf32, #tpu.memory_space<vmem>> -> memref<64xf32, #tpu.memory_space<vmem>>
        %get3A_760 = arith.constant 32 : index
        %get3A_761 = tpu.vector_load %get3A_759[%get3A_760] {strides = array<i32>} : memref<64xf32, #tpu.memory_space<vmem>>, vector<16xf32>,
        %get3A_762 = arith.constant 0 : i32
        %get3A_763 = tpu.memref_slice %arg11[%add3A_734, %get3A_762] : memref<80x64xf32, #tpu.memory_space<vmem>> -> memref<1x64xf32, #tpu.memory_space<vmem>>
        %get3A_764 = tpu.memref_squeeze %get3A_763 : memref<1x64xf32, #tpu.memory_space<vmem>> -> memref<64xf32, #tpu.memory_space<vmem>>
        %get3A_765 = arith.constant 32 : index
        %get3A_766 = tpu.vector_load %get3A_764[%get3A_765] {strides = array<i32>} : memref<64xf32, #tpu.memory_space<vmem>>, vector<16xf32>,
        %mul3A_767 = arith.mulf %get3A_761, %get3A_766 : vector<16xf32>
        %get3A_768 = arith.constant 0 : i32
        %get3A_769 = tpu.memref_slice %arg10[%add3A_730, %get3A_768] : memref<80x64xf32, #tpu.memory_space<vmem>> -> memref<1x64xf32, #tpu.memory_space<vmem>>
        %get3A_770 = tpu.memref_squeeze %get3A_769 : memref<1x64xf32, #tpu.memory_space<vmem>> -> memref<64xf32, #tpu.memory_space<vmem>>
        %get3A_771 = arith.constant 48 : index
        %get3A_772 = tpu.vector_load %get3A_770[%get3A_771] {strides = array<i32>} : memref<64xf32, #tpu.memory_space<vmem>>, vector<16xf32>,
        %get3A_773 = arith.constant 0 : i32
        %get3A_774 = tpu.memref_slice %arg11[%add3A_734, %get3A_773] : memref<80x64xf32, #tpu.memory_space<vmem>> -> memref<1x64xf32, #tpu.memory_space<vmem>>
        %get3A_775 = tpu.memref_squeeze %get3A_774 : memref<1x64xf32, #tpu.memory_space<vmem>> -> memref<64xf32, #tpu.memory_space<vmem>>
        %get3A_776 = arith.constant 48 : index
        %get3A_777 = tpu.vector_load %get3A_775[%get3A_776] {strides = array<i32>} : memref<64xf32, #tpu.memory_space<vmem>>, vector<16xf32>,
        %mul3A_778 = arith.mulf %get3A_772, %get3A_777 : vector<16xf32>
        %add3A_779 = arith.addf %mul3A_745, %mul3A_756 : vector<16xf32>
        %add3A_780 = arith.addf %mul3A_767, %mul3A_778 : vector<16xf32>
        %add3A_781 = arith.addf %add3A_779, %add3A_780 : vector<16xf32>
        %swap3A_782 = arith.constant 10 : i32
        %swap3A_783 = arith.index_cast %swap3A_782 : i32 to index
        %swap3A_784 = arith.constant 0 : index
        %swap3A_785 = tpu.vector_load %arg15[%swap3A_783, %swap3A_784] {strides = array<i32>} : memref<16x16xf32, #tpu.memory_space<vmem>>, vector<16xf32>,
        tpu.vector_store %arg15[%swap3A_783, %swap3A_784], %add3A_781 {strides = array<i32>} : memref<16x16xf32, #tpu.memory_space<vmem>>, vector<16xf32>,
        %mul3A_786 = arith.constant 16 : i32
        %mul3A_787 = arith.muli %scan3A_136, %mul3A_786 : i32
        %add3A_788 = arith.constant 11 : i32
        %add3A_789 = arith.addi %mul3A_787, %add3A_788 : i32
        %mul3A_790 = arith.constant 16 : i32
        %mul3A_791 = arith.muli %scan3A_136, %mul3A_790 : i32
        %add3A_792 = arith.constant 11 : i32
        %add3A_793 = arith.addi %mul3A_791, %add3A_792 : i32
        %get3A_794 = arith.constant 0 : i32
        %get3A_795 = tpu.memref_slice %arg10[%add3A_789, %get3A_794] : memref<80x64xf32, #tpu.memory_space<vmem>> -> memref<1x64xf32, #tpu.memory_space<vmem>>
        %get3A_796 = tpu.memref_squeeze %get3A_795 : memref<1x64xf32, #tpu.memory_space<vmem>> -> memref<64xf32, #tpu.memory_space<vmem>>
        %get3A_797 = arith.constant 0 : index
        %get3A_798 = tpu.vector_load %get3A_796[%get3A_797] {strides = array<i32>} : memref<64xf32, #tpu.memory_space<vmem>>, vector<16xf32>,
        %get3A_799 = arith.constant 0 : i32
        %get3A_800 = tpu.memref_slice %arg11[%add3A_793, %get3A_799] : memref<80x64xf32, #tpu.memory_space<vmem>> -> memref<1x64xf32, #tpu.memory_space<vmem>>
        %get3A_801 = tpu.memref_squeeze %get3A_800 : memref<1x64xf32, #tpu.memory_space<vmem>> -> memref<64xf32, #tpu.memory_space<vmem>>
        %get3A_802 = arith.constant 0 : index
        %get3A_803 = tpu.vector_load %get3A_801[%get3A_802] {strides = array<i32>} : memref<64xf32, #tpu.memory_space<vmem>>, vector<16xf32>,
        %mul3A_804 = arith.mulf %get3A_798, %get3A_803 : vector<16xf32>
        %get3A_805 = arith.constant 0 : i32
        %get3A_806 = tpu.memref_slice %arg10[%add3A_789, %get3A_805] : memref<80x64xf32, #tpu.memory_space<vmem>> -> memref<1x64xf32, #tpu.memory_space<vmem>>
        %get3A_807 = tpu.memref_squeeze %get3A_806 : memref<1x64xf32, #tpu.memory_space<vmem>> -> memref<64xf32, #tpu.memory_space<vmem>>
        %get3A_808 = arith.constant 16 : index
        %get3A_809 = tpu.vector_load %get3A_807[%get3A_808] {strides = array<i32>} : memref<64xf32, #tpu.memory_space<vmem>>, vector<16xf32>,
        %get3A_810 = arith.constant 0 : i32
        %get3A_811 = tpu.memref_slice %arg11[%add3A_793, %get3A_810] : memref<80x64xf32, #tpu.memory_space<vmem>> -> memref<1x64xf32, #tpu.memory_space<vmem>>
        %get3A_812 = tpu.memref_squeeze %get3A_811 : memref<1x64xf32, #tpu.memory_space<vmem>> -> memref<64xf32, #tpu.memory_space<vmem>>
        %get3A_813 = arith.constant 16 : index
        %get3A_814 = tpu.vector_load %get3A_812[%get3A_813] {strides = array<i32>} : memref<64xf32, #tpu.memory_space<vmem>>, vector<16xf32>,
        %mul3A_815 = arith.mulf %get3A_809, %get3A_814 : vector<16xf32>
        %get3A_816 = arith.constant 0 : i32
        %get3A_817 = tpu.memref_slice %arg10[%add3A_789, %get3A_816] : memref<80x64xf32, #tpu.memory_space<vmem>> -> memref<1x64xf32, #tpu.memory_space<vmem>>
        %get3A_818 = tpu.memref_squeeze %get3A_817 : memref<1x64xf32, #tpu.memory_space<vmem>> -> memref<64xf32, #tpu.memory_space<vmem>>
        %get3A_819 = arith.constant 32 : index
        %get3A_820 = tpu.vector_load %get3A_818[%get3A_819] {strides = array<i32>} : memref<64xf32, #tpu.memory_space<vmem>>, vector<16xf32>,
        %get3A_821 = arith.constant 0 : i32
        %get3A_822 = tpu.memref_slice %arg11[%add3A_793, %get3A_821] : memref<80x64xf32, #tpu.memory_space<vmem>> -> memref<1x64xf32, #tpu.memory_space<vmem>>
        %get3A_823 = tpu.memref_squeeze %get3A_822 : memref<1x64xf32, #tpu.memory_space<vmem>> -> memref<64xf32, #tpu.memory_space<vmem>>
        %get3A_824 = arith.constant 32 : index
        %get3A_825 = tpu.vector_load %get3A_823[%get3A_824] {strides = array<i32>} : memref<64xf32, #tpu.memory_space<vmem>>, vector<16xf32>,
        %mul3A_826 = arith.mulf %get3A_820, %get3A_825 : vector<16xf32>
        %get3A_827 = arith.constant 0 : i32
        %get3A_828 = tpu.memref_slice %arg10[%add3A_789, %get3A_827] : memref<80x64xf32, #tpu.memory_space<vmem>> -> memref<1x64xf32, #tpu.memory_space<vmem>>
        %get3A_829 = tpu.memref_squeeze %get3A_828 : memref<1x64xf32, #tpu.memory_space<vmem>> -> memref<64xf32, #tpu.memory_space<vmem>>
        %get3A_830 = arith.constant 48 : index
        %get3A_831 = tpu.vector_load %get3A_829[%get3A_830] {strides = array<i32>} : memref<64xf32, #tpu.memory_space<vmem>>, vector<16xf32>,
        %get3A_832 = arith.constant 0 : i32
        %get3A_833 = tpu.memref_slice %arg11[%add3A_793, %get3A_832] : memref<80x64xf32, #tpu.memory_space<vmem>> -> memref<1x64xf32, #tpu.memory_space<vmem>>
        %get3A_834 = tpu.memref_squeeze %get3A_833 : memref<1x64xf32, #tpu.memory_space<vmem>> -> memref<64xf32, #tpu.memory_space<vmem>>
        %get3A_835 = arith.constant 48 : index
        %get3A_836 = tpu.vector_load %get3A_834[%get3A_835] {strides = array<i32>} : memref<64xf32, #tpu.memory_space<vmem>>, vector<16xf32>,
        %mul3A_837 = arith.mulf %get3A_831, %get3A_836 : vector<16xf32>
        %add3A_838 = arith.addf %mul3A_804, %mul3A_815 : vector<16xf32>
        %add3A_839 = arith.addf %mul3A_826, %mul3A_837 : vector<16xf32>
        %add3A_840 = arith.addf %add3A_838, %add3A_839 : vector<16xf32>
        %swap3A_841 = arith.constant 11 : i32
        %swap3A_842 = arith.index_cast %swap3A_841 : i32 to index
        %swap3A_843 = arith.constant 0 : index
        %swap3A_844 = tpu.vector_load %arg15[%swap3A_842, %swap3A_843] {strides = array<i32>} : memref<16x16xf32, #tpu.memory_space<vmem>>, vector<16xf32>,
        tpu.vector_store %arg15[%swap3A_842, %swap3A_843], %add3A_840 {strides = array<i32>} : memref<16x16xf32, #tpu.memory_space<vmem>>, vector<16xf32>,
        %mul3A_845 = arith.constant 16 : i32
        %mul3A_846 = arith.muli %scan3A_136, %mul3A_845 : i32
        %add3A_847 = arith.constant 12 : i32
        %add3A_848 = arith.addi %mul3A_846, %add3A_847 : i32
        %mul3A_849 = arith.constant 16 : i32
        %mul3A_850 = arith.muli %scan3A_136, %mul3A_849 : i32
        %add3A_851 = arith.constant 12 : i32
        %add3A_852 = arith.addi %mul3A_850, %add3A_851 : i32
        %get3A_853 = arith.constant 0 : i32
        %get3A_854 = tpu.memref_slice %arg10[%add3A_848, %get3A_853] : memref<80x64xf32, #tpu.memory_space<vmem>> -> memref<1x64xf32, #tpu.memory_space<vmem>>
        %get3A_855 = tpu.memref_squeeze %get3A_854 : memref<1x64xf32, #tpu.memory_space<vmem>> -> memref<64xf32, #tpu.memory_space<vmem>>
        %get3A_856 = arith.constant 0 : index
        %get3A_857 = tpu.vector_load %get3A_855[%get3A_856] {strides = array<i32>} : memref<64xf32, #tpu.memory_space<vmem>>, vector<16xf32>,
        %get3A_858 = arith.constant 0 : i32
        %get3A_859 = tpu.memref_slice %arg11[%add3A_852, %get3A_858] : memref<80x64xf32, #tpu.memory_space<vmem>> -> memref<1x64xf32, #tpu.memory_space<vmem>>
        %get3A_860 = tpu.memref_squeeze %get3A_859 : memref<1x64xf32, #tpu.memory_space<vmem>> -> memref<64xf32, #tpu.memory_space<vmem>>
        %get3A_861 = arith.constant 0 : index
        %get3A_862 = tpu.vector_load %get3A_860[%get3A_861] {strides = array<i32>} : memref<64xf32, #tpu.memory_space<vmem>>, vector<16xf32>,
        %mul3A_863 = arith.mulf %get3A_857, %get3A_862 : vector<16xf32>
        %get3A_864 = arith.constant 0 : i32
        %get3A_865 = tpu.memref_slice %arg10[%add3A_848, %get3A_864] : memref<80x64xf32, #tpu.memory_space<vmem>> -> memref<1x64xf32, #tpu.memory_space<vmem>>
        %get3A_866 = tpu.memref_squeeze %get3A_865 : memref<1x64xf32, #tpu.memory_space<vmem>> -> memref<64xf32, #tpu.memory_space<vmem>>
        %get3A_867 = arith.constant 16 : index
        %get3A_868 = tpu.vector_load %get3A_866[%get3A_867] {strides = array<i32>} : memref<64xf32, #tpu.memory_space<vmem>>, vector<16xf32>,
        %get3A_869 = arith.constant 0 : i32
        %get3A_870 = tpu.memref_slice %arg11[%add3A_852, %get3A_869] : memref<80x64xf32, #tpu.memory_space<vmem>> -> memref<1x64xf32, #tpu.memory_space<vmem>>
        %get3A_871 = tpu.memref_squeeze %get3A_870 : memref<1x64xf32, #tpu.memory_space<vmem>> -> memref<64xf32, #tpu.memory_space<vmem>>
        %get3A_872 = arith.constant 16 : index
        %get3A_873 = tpu.vector_load %get3A_871[%get3A_872] {strides = array<i32>} : memref<64xf32, #tpu.memory_space<vmem>>, vector<16xf32>,
        %mul3A_874 = arith.mulf %get3A_868, %get3A_873 : vector<16xf32>
        %get3A_875 = arith.constant 0 : i32
        %get3A_876 = tpu.memref_slice %arg10[%add3A_848, %get3A_875] : memref<80x64xf32, #tpu.memory_space<vmem>> -> memref<1x64xf32, #tpu.memory_space<vmem>>
        %get3A_877 = tpu.memref_squeeze %get3A_876 : memref<1x64xf32, #tpu.memory_space<vmem>> -> memref<64xf32, #tpu.memory_space<vmem>>
        %get3A_878 = arith.constant 32 : index
        %get3A_879 = tpu.vector_load %get3A_877[%get3A_878] {strides = array<i32>} : memref<64xf32, #tpu.memory_space<vmem>>, vector<16xf32>,
        %get3A_880 = arith.constant 0 : i32
        %get3A_881 = tpu.memref_slice %arg11[%add3A_852, %get3A_880] : memref<80x64xf32, #tpu.memory_space<vmem>> -> memref<1x64xf32, #tpu.memory_space<vmem>>
        %get3A_882 = tpu.memref_squeeze %get3A_881 : memref<1x64xf32, #tpu.memory_space<vmem>> -> memref<64xf32, #tpu.memory_space<vmem>>
        %get3A_883 = arith.constant 32 : index
        %get3A_884 = tpu.vector_load %get3A_882[%get3A_883] {strides = array<i32>} : memref<64xf32, #tpu.memory_space<vmem>>, vector<16xf32>,
        %mul3A_885 = arith.mulf %get3A_879, %get3A_884 : vector<16xf32>
        %get3A_886 = arith.constant 0 : i32
        %get3A_887 = tpu.memref_slice %arg10[%add3A_848, %get3A_886] : memref<80x64xf32, #tpu.memory_space<vmem>> -> memref<1x64xf32, #tpu.memory_space<vmem>>
        %get3A_888 = tpu.memref_squeeze %get3A_887 : memref<1x64xf32, #tpu.memory_space<vmem>> -> memref<64xf32, #tpu.memory_space<vmem>>
        %get3A_889 = arith.constant 48 : index
        %get3A_890 = tpu.vector_load %get3A_888[%get3A_889] {strides = array<i32>} : memref<64xf32, #tpu.memory_space<vmem>>, vector<16xf32>,
        %get3A_891 = arith.constant 0 : i32
        %get3A_892 = tpu.memref_slice %arg11[%add3A_852, %get3A_891] : memref<80x64xf32, #tpu.memory_space<vmem>> -> memref<1x64xf32, #tpu.memory_space<vmem>>
        %get3A_893 = tpu.memref_squeeze %get3A_892 : memref<1x64xf32, #tpu.memory_space<vmem>> -> memref<64xf32, #tpu.memory_space<vmem>>
        %get3A_894 = arith.constant 48 : index
        %get3A_895 = tpu.vector_load %get3A_893[%get3A_894] {strides = array<i32>} : memref<64xf32, #tpu.memory_space<vmem>>, vector<16xf32>,
        %mul3A_896 = arith.mulf %get3A_890, %get3A_895 : vector<16xf32>
        %add3A_897 = arith.addf %mul3A_863, %mul3A_874 : vector<16xf32>
        %add3A_898 = arith.addf %mul3A_885, %mul3A_896 : vector<16xf32>
        %add3A_899 = arith.addf %add3A_897, %add3A_898 : vector<16xf32>
        %swap3A_900 = arith.constant 12 : i32
        %swap3A_901 = arith.index_cast %swap3A_900 : i32 to index
        %swap3A_902 = arith.constant 0 : index
        %swap3A_903 = tpu.vector_load %arg15[%swap3A_901, %swap3A_902] {strides = array<i32>} : memref<16x16xf32, #tpu.memory_space<vmem>>, vector<16xf32>,
        tpu.vector_store %arg15[%swap3A_901, %swap3A_902], %add3A_899 {strides = array<i32>} : memref<16x16xf32, #tpu.memory_space<vmem>>, vector<16xf32>,
        %mul3A_904 = arith.constant 16 : i32
        %mul3A_905 = arith.muli %scan3A_136, %mul3A_904 : i32
        %add3A_906 = arith.constant 13 : i32
        %add3A_907 = arith.addi %mul3A_905, %add3A_906 : i32
        %mul3A_908 = arith.constant 16 : i32
        %mul3A_909 = arith.muli %scan3A_136, %mul3A_908 : i32
        %add3A_910 = arith.constant 13 : i32
        %add3A_911 = arith.addi %mul3A_909, %add3A_910 : i32
        %get3A_912 = arith.constant 0 : i32
        %get3A_913 = tpu.memref_slice %arg10[%add3A_907, %get3A_912] : memref<80x64xf32, #tpu.memory_space<vmem>> -> memref<1x64xf32, #tpu.memory_space<vmem>>
        %get3A_914 = tpu.memref_squeeze %get3A_913 : memref<1x64xf32, #tpu.memory_space<vmem>> -> memref<64xf32, #tpu.memory_space<vmem>>
        %get3A_915 = arith.constant 0 : index
        %get3A_916 = tpu.vector_load %get3A_914[%get3A_915] {strides = array<i32>} : memref<64xf32, #tpu.memory_space<vmem>>, vector<16xf32>,
        %get3A_917 = arith.constant 0 : i32
        %get3A_918 = tpu.memref_slice %arg11[%add3A_911, %get3A_917] : memref<80x64xf32, #tpu.memory_space<vmem>> -> memref<1x64xf32, #tpu.memory_space<vmem>>
        %get3A_919 = tpu.memref_squeeze %get3A_918 : memref<1x64xf32, #tpu.memory_space<vmem>> -> memref<64xf32, #tpu.memory_space<vmem>>
        %get3A_920 = arith.constant 0 : index
        %get3A_921 = tpu.vector_load %get3A_919[%get3A_920] {strides = array<i32>} : memref<64xf32, #tpu.memory_space<vmem>>, vector<16xf32>,
        %mul3A_922 = arith.mulf %get3A_916, %get3A_921 : vector<16xf32>
        %get3A_923 = arith.constant 0 : i32
        %get3A_924 = tpu.memref_slice %arg10[%add3A_907, %get3A_923] : memref<80x64xf32, #tpu.memory_space<vmem>> -> memref<1x64xf32, #tpu.memory_space<vmem>>
        %get3A_925 = tpu.memref_squeeze %get3A_924 : memref<1x64xf32, #tpu.memory_space<vmem>> -> memref<64xf32, #tpu.memory_space<vmem>>
        %get3A_926 = arith.constant 16 : index
        %get3A_927 = tpu.vector_load %get3A_925[%get3A_926] {strides = array<i32>} : memref<64xf32, #tpu.memory_space<vmem>>, vector<16xf32>,
        %get3A_928 = arith.constant 0 : i32
        %get3A_929 = tpu.memref_slice %arg11[%add3A_911, %get3A_928] : memref<80x64xf32, #tpu.memory_space<vmem>> -> memref<1x64xf32, #tpu.memory_space<vmem>>
        %get3A_930 = tpu.memref_squeeze %get3A_929 : memref<1x64xf32, #tpu.memory_space<vmem>> -> memref<64xf32, #tpu.memory_space<vmem>>
        %get3A_931 = arith.constant 16 : index
        %get3A_932 = tpu.vector_load %get3A_930[%get3A_931] {strides = array<i32>} : memref<64xf32, #tpu.memory_space<vmem>>, vector<16xf32>,
        %mul3A_933 = arith.mulf %get3A_927, %get3A_932 : vector<16xf32>
        %get3A_934 = arith.constant 0 : i32
        %get3A_935 = tpu.memref_slice %arg10[%add3A_907, %get3A_934] : memref<80x64xf32, #tpu.memory_space<vmem>> -> memref<1x64xf32, #tpu.memory_space<vmem>>
        %get3A_936 = tpu.memref_squeeze %get3A_935 : memref<1x64xf32, #tpu.memory_space<vmem>> -> memref<64xf32, #tpu.memory_space<vmem>>
        %get3A_937 = arith.constant 32 : index
        %get3A_938 = tpu.vector_load %get3A_936[%get3A_937] {strides = array<i32>} : memref<64xf32, #tpu.memory_space<vmem>>, vector<16xf32>,
        %get3A_939 = arith.constant 0 : i32
        %get3A_940 = tpu.memref_slice %arg11[%add3A_911, %get3A_939] : memref<80x64xf32, #tpu.memory_space<vmem>> -> memref<1x64xf32, #tpu.memory_space<vmem>>
        %get3A_941 = tpu.memref_squeeze %get3A_940 : memref<1x64xf32, #tpu.memory_space<vmem>> -> memref<64xf32, #tpu.memory_space<vmem>>
        %get3A_942 = arith.constant 32 : index
        %get3A_943 = tpu.vector_load %get3A_941[%get3A_942] {strides = array<i32>} : memref<64xf32, #tpu.memory_space<vmem>>, vector<16xf32>,
        %mul3A_944 = arith.mulf %get3A_938, %get3A_943 : vector<16xf32>
        %get3A_945 = arith.constant 0 : i32
        %get3A_946 = tpu.memref_slice %arg10[%add3A_907, %get3A_945] : memref<80x64xf32, #tpu.memory_space<vmem>> -> memref<1x64xf32, #tpu.memory_space<vmem>>
        %get3A_947 = tpu.memref_squeeze %get3A_946 : memref<1x64xf32, #tpu.memory_space<vmem>> -> memref<64xf32, #tpu.memory_space<vmem>>
        %get3A_948 = arith.constant 48 : index
        %get3A_949 = tpu.vector_load %get3A_947[%get3A_948] {strides = array<i32>} : memref<64xf32, #tpu.memory_space<vmem>>, vector<16xf32>,
        %get3A_950 = arith.constant 0 : i32
        %get3A_951 = tpu.memref_slice %arg11[%add3A_911, %get3A_950] : memref<80x64xf32, #tpu.memory_space<vmem>> -> memref<1x64xf32, #tpu.memory_space<vmem>>
        %get3A_952 = tpu.memref_squeeze %get3A_951 : memref<1x64xf32, #tpu.memory_space<vmem>> -> memref<64xf32, #tpu.memory_space<vmem>>
        %get3A_953 = arith.constant 48 : index
        %get3A_954 = tpu.vector_load %get3A_952[%get3A_953] {strides = array<i32>} : memref<64xf32, #tpu.memory_space<vmem>>, vector<16xf32>,
        %mul3A_955 = arith.mulf %get3A_949, %get3A_954 : vector<16xf32>
        %add3A_956 = arith.addf %mul3A_922, %mul3A_933 : vector<16xf32>
        %add3A_957 = arith.addf %mul3A_944, %mul3A_955 : vector<16xf32>
        %add3A_958 = arith.addf %add3A_956, %add3A_957 : vector<16xf32>
        %swap3A_959 = arith.constant 13 : i32
        %swap3A_960 = arith.index_cast %swap3A_959 : i32 to index
        %swap3A_961 = arith.constant 0 : index
        %swap3A_962 = tpu.vector_load %arg15[%swap3A_960, %swap3A_961] {strides = array<i32>} : memref<16x16xf32, #tpu.memory_space<vmem>>, vector<16xf32>,
        tpu.vector_store %arg15[%swap3A_960, %swap3A_961], %add3A_958 {strides = array<i32>} : memref<16x16xf32, #tpu.memory_space<vmem>>, vector<16xf32>,
        %mul3A_963 = arith.constant 16 : i32
        %mul3A_964 = arith.muli %scan3A_136, %mul3A_963 : i32
        %add3A_965 = arith.constant 14 : i32
        %add3A_966 = arith.addi %mul3A_964, %add3A_965 : i32
        %mul3A_967 = arith.constant 16 : i32
        %mul3A_968 = arith.muli %scan3A_136, %mul3A_967 : i32
        %add3A_969 = arith.constant 14 : i32
        %add3A_970 = arith.addi %mul3A_968, %add3A_969 : i32
        %get3A_971 = arith.constant 0 : i32
        %get3A_972 = tpu.memref_slice %arg10[%add3A_966, %get3A_971] : memref<80x64xf32, #tpu.memory_space<vmem>> -> memref<1x64xf32, #tpu.memory_space<vmem>>
        %get3A_973 = tpu.memref_squeeze %get3A_972 : memref<1x64xf32, #tpu.memory_space<vmem>> -> memref<64xf32, #tpu.memory_space<vmem>>
        %get3A_974 = arith.constant 0 : index
        %get3A_975 = tpu.vector_load %get3A_973[%get3A_974] {strides = array<i32>} : memref<64xf32, #tpu.memory_space<vmem>>, vector<16xf32>,
        %get3A_976 = arith.constant 0 : i32
        %get3A_977 = tpu.memref_slice %arg11[%add3A_970, %get3A_976] : memref<80x64xf32, #tpu.memory_space<vmem>> -> memref<1x64xf32, #tpu.memory_space<vmem>>
        %get3A_978 = tpu.memref_squeeze %get3A_977 : memref<1x64xf32, #tpu.memory_space<vmem>> -> memref<64xf32, #tpu.memory_space<vmem>>
        %get3A_979 = arith.constant 0 : index
        %get3A_980 = tpu.vector_load %get3A_978[%get3A_979] {strides = array<i32>} : memref<64xf32, #tpu.memory_space<vmem>>, vector<16xf32>,
        %mul3A_981 = arith.mulf %get3A_975, %get3A_980 : vector<16xf32>
        %get3A_982 = arith.constant 0 : i32
        %get3A_983 = tpu.memref_slice %arg10[%add3A_966, %get3A_982] : memref<80x64xf32, #tpu.memory_space<vmem>> -> memref<1x64xf32, #tpu.memory_space<vmem>>
        %get3A_984 = tpu.memref_squeeze %get3A_983 : memref<1x64xf32, #tpu.memory_space<vmem>> -> memref<64xf32, #tpu.memory_space<vmem>>
        %get3A_985 = arith.constant 16 : index
        %get3A_986 = tpu.vector_load %get3A_984[%get3A_985] {strides = array<i32>} : memref<64xf32, #tpu.memory_space<vmem>>, vector<16xf32>,
        %get3A_987 = arith.constant 0 : i32
        %get3A_988 = tpu.memref_slice %arg11[%add3A_970, %get3A_987] : memref<80x64xf32, #tpu.memory_space<vmem>> -> memref<1x64xf32, #tpu.memory_space<vmem>>
        %get3A_989 = tpu.memref_squeeze %get3A_988 : memref<1x64xf32, #tpu.memory_space<vmem>> -> memref<64xf32, #tpu.memory_space<vmem>>
        %get3A_990 = arith.constant 16 : index
        %get3A_991 = tpu.vector_load %get3A_989[%get3A_990] {strides = array<i32>} : memref<64xf32, #tpu.memory_space<vmem>>, vector<16xf32>,
        %mul3A_992 = arith.mulf %get3A_986, %get3A_991 : vector<16xf32>
        %get3A_993 = arith.constant 0 : i32
        %get3A_994 = tpu.memref_slice %arg10[%add3A_966, %get3A_993] : memref<80x64xf32, #tpu.memory_space<vmem>> -> memref<1x64xf32, #tpu.memory_space<vmem>>
        %get3A_995 = tpu.memref_squeeze %get3A_994 : memref<1x64xf32, #tpu.memory_space<vmem>> -> memref<64xf32, #tpu.memory_space<vmem>>
        %get3A_996 = arith.constant 32 : index
        %get3A_997 = tpu.vector_load %get3A_995[%get3A_996] {strides = array<i32>} : memref<64xf32, #tpu.memory_space<vmem>>, vector<16xf32>,
        %get3A_998 = arith.constant 0 : i32
        %get3A_999 = tpu.memref_slice %arg11[%add3A_970, %get3A_998] : memref<80x64xf32, #tpu.memory_space<vmem>> -> memref<1x64xf32, #tpu.memory_space<vmem>>
        %get3A_1000 = tpu.memref_squeeze %get3A_999 : memref<1x64xf32, #tpu.memory_space<vmem>> -> memref<64xf32, #tpu.memory_space<vmem>>
        %get3A_1001 = arith.constant 32 : index
        %get3A_1002 = tpu.vector_load %get3A_1000[%get3A_1001] {strides = array<i32>} : memref<64xf32, #tpu.memory_space<vmem>>, vector<16xf32>,
        %mul3A_1003 = arith.mulf %get3A_997, %get3A_1002 : vector<16xf32>
        %get3A_1004 = arith.constant 0 : i32
        %get3A_1005 = tpu.memref_slice %arg10[%add3A_966, %get3A_1004] : memref<80x64xf32, #tpu.memory_space<vmem>> -> memref<1x64xf32, #tpu.memory_space<vmem>>
        %get3A_1006 = tpu.memref_squeeze %get3A_1005 : memref<1x64xf32, #tpu.memory_space<vmem>> -> memref<64xf32, #tpu.memory_space<vmem>>
        %get3A_1007 = arith.constant 48 : index
        %get3A_1008 = tpu.vector_load %get3A_1006[%get3A_1007] {strides = array<i32>} : memref<64xf32, #tpu.memory_space<vmem>>, vector<16xf32>,
        %get3A_1009 = arith.constant 0 : i32
        %get3A_1010 = tpu.memref_slice %arg11[%add3A_970, %get3A_1009] : memref<80x64xf32, #tpu.memory_space<vmem>> -> memref<1x64xf32, #tpu.memory_space<vmem>>
        %get3A_1011 = tpu.memref_squeeze %get3A_1010 : memref<1x64xf32, #tpu.memory_space<vmem>> -> memref<64xf32, #tpu.memory_space<vmem>>
        %get3A_1012 = arith.constant 48 : index
        %get3A_1013 = tpu.vector_load %get3A_1011[%get3A_1012] {strides = array<i32>} : memref<64xf32, #tpu.memory_space<vmem>>, vector<16xf32>,
        %mul3A_1014 = arith.mulf %get3A_1008, %get3A_1013 : vector<16xf32>
        %add3A_1015 = arith.addf %mul3A_981, %mul3A_992 : vector<16xf32>
        %add3A_1016 = arith.addf %mul3A_1003, %mul3A_1014 : vector<16xf32>
        %add3A_1017 = arith.addf %add3A_1015, %add3A_1016 : vector<16xf32>
        %swap3A_1018 = arith.constant 14 : i32
        %swap3A_1019 = arith.index_cast %swap3A_1018 : i32 to index
        %swap3A_1020 = arith.constant 0 : index
        %swap3A_1021 = tpu.vector_load %arg15[%swap3A_1019, %swap3A_1020] {strides = array<i32>} : memref<16x16xf32, #tpu.memory_space<vmem>>, vector<16xf32>,
        tpu.vector_store %arg15[%swap3A_1019, %swap3A_1020], %add3A_1017 {strides = array<i32>} : memref<16x16xf32, #tpu.memory_space<vmem>>, vector<16xf32>,
        %mul3A_1022 = arith.constant 16 : i32
        %mul3A_1023 = arith.muli %scan3A_136, %mul3A_1022 : i32
        %add3A_1024 = arith.constant 15 : i32
        %add3A_1025 = arith.addi %mul3A_1023, %add3A_1024 : i32
        %mul3A_1026 = arith.constant 16 : i32
        %mul3A_1027 = arith.muli %scan3A_136, %mul3A_1026 : i32
        %add3A_1028 = arith.constant 15 : i32
        %add3A_1029 = arith.addi %mul3A_1027, %add3A_1028 : i32
        %get3A_1030 = arith.constant 0 : i32
        %get3A_1031 = tpu.memref_slice %arg10[%add3A_1025, %get3A_1030] : memref<80x64xf32, #tpu.memory_space<vmem>> -> memref<1x64xf32, #tpu.memory_space<vmem>>
        %get3A_1032 = tpu.memref_squeeze %get3A_1031 : memref<1x64xf32, #tpu.memory_space<vmem>> -> memref<64xf32, #tpu.memory_space<vmem>>
        %get3A_1033 = arith.constant 0 : index
        %get3A_1034 = tpu.vector_load %get3A_1032[%get3A_1033] {strides = array<i32>} : memref<64xf32, #tpu.memory_space<vmem>>, vector<16xf32>,
        %get3A_1035 = arith.constant 0 : i32
        %get3A_1036 = tpu.memref_slice %arg11[%add3A_1029, %get3A_1035] : memref<80x64xf32, #tpu.memory_space<vmem>> -> memref<1x64xf32, #tpu.memory_space<vmem>>
        %get3A_1037 = tpu.memref_squeeze %get3A_1036 : memref<1x64xf32, #tpu.memory_space<vmem>> -> memref<64xf32, #tpu.memory_space<vmem>>
        %get3A_1038 = arith.constant 0 : index
        %get3A_1039 = tpu.vector_load %get3A_1037[%get3A_1038] {strides = array<i32>} : memref<64xf32, #tpu.memory_space<vmem>>, vector<16xf32>,
        %mul3A_1040 = arith.mulf %get3A_1034, %get3A_1039 : vector<16xf32>
        %get3A_1041 = arith.constant 0 : i32
        %get3A_1042 = tpu.memref_slice %arg10[%add3A_1025, %get3A_1041] : memref<80x64xf32, #tpu.memory_space<vmem>> -> memref<1x64xf32, #tpu.memory_space<vmem>>
        %get3A_1043 = tpu.memref_squeeze %get3A_1042 : memref<1x64xf32, #tpu.memory_space<vmem>> -> memref<64xf32, #tpu.memory_space<vmem>>
        %get3A_1044 = arith.constant 16 : index
        %get3A_1045 = tpu.vector_load %get3A_1043[%get3A_1044] {strides = array<i32>} : memref<64xf32, #tpu.memory_space<vmem>>, vector<16xf32>,
        %get3A_1046 = arith.constant 0 : i32
        %get3A_1047 = tpu.memref_slice %arg11[%add3A_1029, %get3A_1046] : memref<80x64xf32, #tpu.memory_space<vmem>> -> memref<1x64xf32, #tpu.memory_space<vmem>>
        %get3A_1048 = tpu.memref_squeeze %get3A_1047 : memref<1x64xf32, #tpu.memory_space<vmem>> -> memref<64xf32, #tpu.memory_space<vmem>>
        %get3A_1049 = arith.constant 16 : index
        %get3A_1050 = tpu.vector_load %get3A_1048[%get3A_1049] {strides = array<i32>} : memref<64xf32, #tpu.memory_space<vmem>>, vector<16xf32>,
        %mul3A_1051 = arith.mulf %get3A_1045, %get3A_1050 : vector<16xf32>
        %get3A_1052 = arith.constant 0 : i32
        %get3A_1053 = tpu.memref_slice %arg10[%add3A_1025, %get3A_1052] : memref<80x64xf32, #tpu.memory_space<vmem>> -> memref<1x64xf32, #tpu.memory_space<vmem>>
        %get3A_1054 = tpu.memref_squeeze %get3A_1053 : memref<1x64xf32, #tpu.memory_space<vmem>> -> memref<64xf32, #tpu.memory_space<vmem>>
        %get3A_1055 = arith.constant 32 : index
        %get3A_1056 = tpu.vector_load %get3A_1054[%get3A_1055] {strides = array<i32>} : memref<64xf32, #tpu.memory_space<vmem>>, vector<16xf32>,
        %get3A_1057 = arith.constant 0 : i32
        %get3A_1058 = tpu.memref_slice %arg11[%add3A_1029, %get3A_1057] : memref<80x64xf32, #tpu.memory_space<vmem>> -> memref<1x64xf32, #tpu.memory_space<vmem>>
        %get3A_1059 = tpu.memref_squeeze %get3A_1058 : memref<1x64xf32, #tpu.memory_space<vmem>> -> memref<64xf32, #tpu.memory_space<vmem>>
        %get3A_1060 = arith.constant 32 : index
        %get3A_1061 = tpu.vector_load %get3A_1059[%get3A_1060] {strides = array<i32>} : memref<64xf32, #tpu.memory_space<vmem>>, vector<16xf32>,
        %mul3A_1062 = arith.mulf %get3A_1056, %get3A_1061 : vector<16xf32>
        %get3A_1063 = arith.constant 0 : i32
        %get3A_1064 = tpu.memref_slice %arg10[%add3A_1025, %get3A_1063] : memref<80x64xf32, #tpu.memory_space<vmem>> -> memref<1x64xf32, #tpu.memory_space<vmem>>
        %get3A_1065 = tpu.memref_squeeze %get3A_1064 : memref<1x64xf32, #tpu.memory_space<vmem>> -> memref<64xf32, #tpu.memory_space<vmem>>
        %get3A_1066 = arith.constant 48 : index
        %get3A_1067 = tpu.vector_load %get3A_1065[%get3A_1066] {strides = array<i32>} : memref<64xf32, #tpu.memory_space<vmem>>, vector<16xf32>,
        %get3A_1068 = arith.constant 0 : i32
        %get3A_1069 = tpu.memref_slice %arg11[%add3A_1029, %get3A_1068] : memref<80x64xf32, #tpu.memory_space<vmem>> -> memref<1x64xf32, #tpu.memory_space<vmem>>
        %get3A_1070 = tpu.memref_squeeze %get3A_1069 : memref<1x64xf32, #tpu.memory_space<vmem>> -> memref<64xf32, #tpu.memory_space<vmem>>
        %get3A_1071 = arith.constant 48 : index
        %get3A_1072 = tpu.vector_load %get3A_1070[%get3A_1071] {strides = array<i32>} : memref<64xf32, #tpu.memory_space<vmem>>, vector<16xf32>,
        %mul3A_1073 = arith.mulf %get3A_1067, %get3A_1072 : vector<16xf32>
        %add3A_1074 = arith.addf %mul3A_1040, %mul3A_1051 : vector<16xf32>
        %add3A_1075 = arith.addf %mul3A_1062, %mul3A_1073 : vector<16xf32>
        %add3A_1076 = arith.addf %add3A_1074, %add3A_1075 : vector<16xf32>
        %swap3A_1077 = arith.constant 15 : i32
        %swap3A_1078 = arith.index_cast %swap3A_1077 : i32 to index
        %swap3A_1079 = arith.constant 0 : index
        %swap3A_1080 = tpu.vector_load %arg15[%swap3A_1078, %swap3A_1079] {strides = array<i32>} : memref<16x16xf32, #tpu.memory_space<vmem>>, vector<16xf32>,
        tpu.vector_store %arg15[%swap3A_1078, %swap3A_1079], %add3A_1076 {strides = array<i32>} : memref<16x16xf32, #tpu.memory_space<vmem>>, vector<16xf32>,
        %broadcast_in_dim3A = arith.constant 0 : i32
        %broadcast_in_dim3A_1081 = vector.broadcast %broadcast_in_dim3A : i32 to vector<16xi32>
        %gather3A = tpu.vector_load_idx %arg15[%iota3A, %broadcast_in_dim3A_1081] : memref<16x16xf32, #tpu.memory_space<vmem>>[vector<16xi32>, vector<16xi32>], vector<16xf32>,
        %add3A_1082 = arith.addf %get3A_3, %gather3A : vector<16xf32>
        %broadcast_in_dim3A_1083 = arith.constant 1 : i32
        %broadcast_in_dim3A_1084 = vector.broadcast %broadcast_in_dim3A_1083 : i32 to vector<16xi32>
        %gather3A_1085 = tpu.vector_load_idx %arg15[%iota3A, %broadcast_in_dim3A_1084] : memref<16x16xf32, #tpu.memory_space<vmem>>[vector<16xi32>, vector<16xi32>], vector<16xf32>,
        %add3A_1086 = arith.addf %add3A_1082, %gather3A_1085 : vector<16xf32>
        %broadcast_in_dim3A_1087 = arith.constant 2 : i32
        %broadcast_in_dim3A_1088 = vector.broadcast %broadcast_in_dim3A_1087 : i32 to vector<16xi32>
        %gather3A_1089 = tpu.vector_load_idx %arg15[%iota3A, %broadcast_in_dim3A_1088] : memref<16x16xf32, #tpu.memory_space<vmem>>[vector<16xi32>, vector<16xi32>], vector<16xf32>,
        %add3A_1090 = arith.addf %add3A_1086, %gather3A_1089 : vector<16xf32>
        %broadcast_in_dim3A_1091 = arith.constant 3 : i32
        %broadcast_in_dim3A_1092 = vector.broadcast %broadcast_in_dim3A_1091 : i32 to vector<16xi32>
        %gather3A_1093 = tpu.vector_load_idx %arg15[%iota3A, %broadcast_in_dim3A_1092] : memref<16x16xf32, #tpu.memory_space<vmem>>[vector<16xi32>, vector<16xi32>], vector<16xf32>,
        %add3A_1094 = arith.addf %add3A_1090, %gather3A_1093 : vector<16xf32>
        %broadcast_in_dim3A_1095 = arith.constant 4 : i32
        %broadcast_in_dim3A_1096 = vector.broadcast %broadcast_in_dim3A_1095 : i32 to vector<16xi32>
        %gather3A_1097 = tpu.vector_load_idx %arg15[%iota3A, %broadcast_in_dim3A_1096] : memref<16x16xf32, #tpu.memory_space<vmem>>[vector<16xi32>, vector<16xi32>], vector<16xf32>,
        %add3A_1098 = arith.addf %add3A_1094, %gather3A_1097 : vector<16xf32>
        %broadcast_in_dim3A_1099 = arith.constant 5 : i32
        %broadcast_in_dim3A_1100 = vector.broadcast %broadcast_in_dim3A_1099 : i32 to vector<16xi32>
        %gather3A_1101 = tpu.vector_load_idx %arg15[%iota3A, %broadcast_in_dim3A_1100] : memref<16x16xf32, #tpu.memory_space<vmem>>[vector<16xi32>, vector<16xi32>], vector<16xf32>,
        %add3A_1102 = arith.addf %add3A_1098, %gather3A_1101 : vector<16xf32>
        %broadcast_in_dim3A_1103 = arith.constant 6 : i32
        %broadcast_in_dim3A_1104 = vector.broadcast %broadcast_in_dim3A_1103 : i32 to vector<16xi32>
        %gather3A_1105 = tpu.vector_load_idx %arg15[%iota3A, %broadcast_in_dim3A_1104] : memref<16x16xf32, #tpu.memory_space<vmem>>[vector<16xi32>, vector<16xi32>], vector<16xf32>,
        %add3A_1106 = arith.addf %add3A_1102, %gather3A_1105 : vector<16xf32>
        %broadcast_in_dim3A_1107 = arith.constant 7 : i32
        %broadcast_in_dim3A_1108 = vector.broadcast %broadcast_in_dim3A_1107 : i32 to vector<16xi32>
        %gather3A_1109 = tpu.vector_load_idx %arg15[%iota3A, %broadcast_in_dim3A_1108] : memref<16x16xf32, #tpu.memory_space<vmem>>[vector<16xi32>, vector<16xi32>], vector<16xf32>,
        %add3A_1110 = arith.addf %add3A_1106, %gather3A_1109 : vector<16xf32>
        %broadcast_in_dim3A_1111 = arith.constant 8 : i32
        %broadcast_in_dim3A_1112 = vector.broadcast %broadcast_in_dim3A_1111 : i32 to vector<16xi32>
        %gather3A_1113 = tpu.vector_load_idx %arg15[%iota3A, %broadcast_in_dim3A_1112] : memref<16x16xf32, #tpu.memory_space<vmem>>[vector<16xi32>, vector<16xi32>], vector<16xf32>,
        %add3A_1114 = arith.addf %add3A_1110, %gather3A_1113 : vector<16xf32>
        %broadcast_in_dim3A_1115 = arith.constant 9 : i32
        %broadcast_in_dim3A_1116 = vector.broadcast %broadcast_in_dim3A_1115 : i32 to vector<16xi32>
        %gather3A_1117 = tpu.vector_load_idx %arg15[%iota3A, %broadcast_in_dim3A_1116] : memref<16x16xf32, #tpu.memory_space<vmem>>[vector<16xi32>, vector<16xi32>], vector<16xf32>,
        %add3A_1118 = arith.addf %add3A_1114, %gather3A_1117 : vector<16xf32>
        %broadcast_in_dim3A_1119 = arith.constant 10 : i32
        %broadcast_in_dim3A_1120 = vector.broadcast %broadcast_in_dim3A_1119 : i32 to vector<16xi32>
        %gather3A_1121 = tpu.vector_load_idx %arg15[%iota3A, %broadcast_in_dim3A_1120] : memref<16x16xf32, #tpu.memory_space<vmem>>[vector<16xi32>, vector<16xi32>], vector<16xf32>,
        %add3A_1122 = arith.addf %add3A_1118, %gather3A_1121 : vector<16xf32>
        %broadcast_in_dim3A_1123 = arith.constant 11 : i32
        %broadcast_in_dim3A_1124 = vector.broadcast %broadcast_in_dim3A_1123 : i32 to vector<16xi32>
        %gather3A_1125 = tpu.vector_load_idx %arg15[%iota3A, %broadcast_in_dim3A_1124] : memref<16x16xf32, #tpu.memory_space<vmem>>[vector<16xi32>, vector<16xi32>], vector<16xf32>,
        %add3A_1126 = arith.addf %add3A_1122, %gather3A_1125 : vector<16xf32>
        %broadcast_in_dim3A_1127 = arith.constant 12 : i32
        %broadcast_in_dim3A_1128 = vector.broadcast %broadcast_in_dim3A_1127 : i32 to vector<16xi32>
        %gather3A_1129 = tpu.vector_load_idx %arg15[%iota3A, %broadcast_in_dim3A_1128] : memref<16x16xf32, #tpu.memory_space<vmem>>[vector<16xi32>, vector<16xi32>], vector<16xf32>,
        %add3A_1130 = arith.addf %add3A_1126, %gather3A_1129 : vector<16xf32>
        %broadcast_in_dim3A_1131 = arith.constant 13 : i32
        %broadcast_in_dim3A_1132 = vector.broadcast %broadcast_in_dim3A_1131 : i32 to vector<16xi32>
        %gather3A_1133 = tpu.vector_load_idx %arg15[%iota3A, %broadcast_in_dim3A_1132] : memref<16x16xf32, #tpu.memory_space<vmem>>[vector<16xi32>, vector<16xi32>], vector<16xf32>,
        %add3A_1134 = arith.addf %add3A_1130, %gather3A_1133 : vector<16xf32>
        %broadcast_in_dim3A_1135 = arith.constant 14 : i32
        %broadcast_in_dim3A_1136 = vector.broadcast %broadcast_in_dim3A_1135 : i32 to vector<16xi32>
        %gather3A_1137 = tpu.vector_load_idx %arg15[%iota3A, %broadcast_in_dim3A_1136] : memref<16x16xf32, #tpu.memory_space<vmem>>[vector<16xi32>, vector<16xi32>], vector<16xf32>,
        %add3A_1138 = arith.addf %add3A_1134, %gather3A_1137 : vector<16xf32>
        %broadcast_in_dim3A_1139 = arith.constant 15 : i32
        %broadcast_in_dim3A_1140 = vector.broadcast %broadcast_in_dim3A_1139 : i32 to vector<16xi32>
        %gather3A_1141 = tpu.vector_load_idx %arg15[%iota3A, %broadcast_in_dim3A_1140] : memref<16x16xf32, #tpu.memory_space<vmem>>[vector<16xi32>, vector<16xi32>], vector<16xf32>,
        %add3A_1142 = arith.addf %add3A_1138, %gather3A_1141 : vector<16xf32>
        %mul3A_1143 = arith.constant 80 : i32
        %mul3A_1144 = arith.muli %mul3A_71, %mul3A_1143 : i32
        %mul3A_1145 = arith.constant 16 : i32
        %mul3A_1146 = arith.muli %scan3A_136, %mul3A_1145 : i32
        %add3A_1147 = arith.addi %mul3A_1144, %mul3A_1146 : i32
        %swap3A_1148 = arith.index_cast %add3A_1147 : i32 to index
        %swap3A_1149 = tpu.vector_load %arg14[%swap3A_1148] {strides = array<i32>} : memref<10000xf32, #tpu.memory_space<vmem>>, vector<16xf32>,
        tpu.vector_store %arg14[%swap3A_1148], %add3A_1142 {strides = array<i32>} : memref<10000xf32, #tpu.memory_space<vmem>>, vector<16xf32>,
        %scan3A_1150 = arith.constant 0 : i32
        scf.yield %scan3A_1150 : i32
      }
      %scan3A_106 = arith.constant 5 : i32
      %lt3A_107 = arith.constant 61 : i32
      %lt3A_108 = arith.cmpi slt, %scan3A_68, %lt3A_107 : i32
      %convert_element_type3A_109 = arith.extui %lt3A_108 : i1 to i32
      %cond3A_110 = arith.constant 0 : i32
      %cond3A_111 = arith.cmpi ne, %convert_element_type3A_109, %cond3A_110 : i32
      scf.if %cond3A_111 {
        %add3A_136 = arith.constant 2 : i32
        %add3A_137 = arith.addi %mul3A_71, %add3A_136 : i32
        %dma_start3A_138 = arith.constant 0 : i32
        %dma_start3A_139 = tpu.memref_slice %arg8[%add3A_137, %dma_start3A_138] : memref<125x80xi32, #tpu.memory_space<vmem>> -> memref<1x80xi32, #tpu.memory_space<vmem>>
        %dma_start3A_140 = tpu.memref_squeeze %dma_start3A_139 : memref<1x80xi32, #tpu.memory_space<vmem>> -> memref<80xi32, #tpu.memory_space<vmem>>
        %dma_start3A_141 = arith.constant 0 : i32
        %dma_start3A_142 = arith.constant 0 : i32
        %dma_start3A_143 = tpu.memref_slice %arg17[%dma_start3A_141, %dma_start3A_142] : memref<10000x64xf32, #tpu.memory_space<vmem_shared>> -> memref<10000x64xf32, #tpu.memory_space<vmem_shared>>
        tpu.enqueue_indirect_dma source(%dma_start3A_143 : memref<10000x64xf32, #tpu.memory_space<vmem_shared>>) target(%arg10 : memref<80x64xf32, #tpu.memory_space<vmem>>) offsets(%dma_start3A_140 : memref<80xi32, #tpu.memory_space<vmem>>) semaphore(%arg19 : memref<!tpu.dma_semaphore, #tpu.memory_space<semaphore_mem>>)
        %dma_start3A_144 = arith.constant 0 : i32
        %dma_start3A_145 = tpu.memref_slice %arg9[%add3A_137, %dma_start3A_144] : memref<125x80xi32, #tpu.memory_space<vmem>> -> memref<1x80xi32, #tpu.memory_space<vmem>>
        %dma_start3A_146 = tpu.memref_squeeze %dma_start3A_145 : memref<1x80xi32, #tpu.memory_space<vmem>> -> memref<80xi32, #tpu.memory_space<vmem>>
        %dma_start3A_147 = arith.constant 0 : i32
        %dma_start3A_148 = arith.constant 0 : i32
        %dma_start3A_149 = tpu.memref_slice %arg18[%dma_start3A_147, %dma_start3A_148] : memref<10000x64xf32, #tpu.memory_space<vmem_shared>> -> memref<10000x64xf32, #tpu.memory_space<vmem_shared>>
        tpu.enqueue_indirect_dma source(%dma_start3A_149 : memref<10000x64xf32, #tpu.memory_space<vmem_shared>>) target(%arg11 : memref<80x64xf32, #tpu.memory_space<vmem>>) offsets(%dma_start3A_146 : memref<80xi32, #tpu.memory_space<vmem>>) semaphore(%arg19 : memref<!tpu.dma_semaphore, #tpu.memory_space<semaphore_mem>>)
      } else {
      }
      %dma_wait3A_112 = arith.constant 0 : i32
      %dma_wait3A_113 = arith.constant 0 : i32
      %dma_wait3A_114 = tpu.memref_slice %arg8[%dma_wait3A_112, %dma_wait3A_113] : memref<125x80xi32, #tpu.memory_space<vmem>> -> memref<1x80xi32, #tpu.memory_space<vmem>>
      %dma_wait3A_115 = tpu.memref_squeeze %dma_wait3A_114 : memref<1x80xi32, #tpu.memory_space<vmem>> -> memref<80xi32, #tpu.memory_space<vmem>>
      %dma_wait3A_116 = arith.constant 0 : i32
      %dma_wait3A_117 = arith.constant 0 : i32
      %dma_wait3A_118 = tpu.memref_slice %arg17[%dma_wait3A_116, %dma_wait3A_117] : memref<10000x64xf32, #tpu.memory_space<vmem_shared>> -> memref<10000x64xf32, #tpu.memory_space<vmem_shared>>
      tpu.wait_indirect_dma semaphore(%arg20 : memref<!tpu.dma_semaphore, #tpu.memory_space<semaphore_mem>>) src(%dma_wait3A_118 : memref<10000x64xf32, #tpu.memory_space<vmem_shared>>) dst(%arg12 : memref<80x64xf32, #tpu.memory_space<vmem>>)
      %dma_wait3A_119 = arith.constant 0 : i32
      %dma_wait3A_120 = arith.constant 0 : i32
      %dma_wait3A_121 = tpu.memref_slice %arg9[%dma_wait3A_119, %dma_wait3A_120] : memref<125x80xi32, #tpu.memory_space<vmem>> -> memref<1x80xi32, #tpu.memory_space<vmem>>
      %dma_wait3A_122 = tpu.memref_squeeze %dma_wait3A_121 : memref<1x80xi32, #tpu.memory_space<vmem>> -> memref<80xi32, #tpu.memory_space<vmem>>
      %dma_wait3A_123 = arith.constant 0 : i32
      %dma_wait3A_124 = arith.constant 0 : i32
      %dma_wait3A_125 = tpu.memref_slice %arg18[%dma_wait3A_123, %dma_wait3A_124] : memref<10000x64xf32, #tpu.memory_space<vmem_shared>> -> memref<10000x64xf32, #tpu.memory_space<vmem_shared>>
      tpu.wait_indirect_dma semaphore(%arg20 : memref<!tpu.dma_semaphore, #tpu.memory_space<semaphore_mem>>) src(%dma_wait3A_125 : memref<10000x64xf32, #tpu.memory_space<vmem_shared>>) dst(%arg13 : memref<80x64xf32, #tpu.memory_space<vmem>>)
      %add3A_126 = arith.constant 1 : i32
      %add3A_127 = arith.addi %mul3A_71, %add3A_126 : i32
      %scan3A_128 = arith.constant 0 : i32
      %scan3A_129 = arith.constant 0 : i32
      %scan3A_130 = arith.constant 5 : i32
      %scan3A_131 = arith.addi %scan3A_129, %scan3A_130 : i32
      %scan3A_132 = arith.constant 1 : i32
      %scan3A_133 = scf.for %scan3A_136 = %scan3A_129 to %scan3A_131 step %scan3A_132 iter_args(%scan3A_137 = %scan3A_128) -> (i32)  : i32 {
        %mul3A_138 = arith.constant 16 : i32
        %mul3A_139 = arith.muli %scan3A_136, %mul3A_138 : i32
        %add3A_140 = arith.constant 0 : i32
        %add3A_141 = arith.addi %mul3A_139, %add3A_140 : i32
        %mul3A_142 = arith.constant 16 : i32
        %mul3A_143 = arith.muli %scan3A_136, %mul3A_142 : i32
        %add3A_144 = arith.constant 0 : i32
        %add3A_145 = arith.addi %mul3A_143, %add3A_144 : i32
        %get3A_146 = arith.constant 0 : i32
        %get3A_147 = tpu.memref_slice %arg12[%add3A_141, %get3A_146] : memref<80x64xf32, #tpu.memory_space<vmem>> -> memref<1x64xf32, #tpu.memory_space<vmem>>
        %get3A_148 = tpu.memref_squeeze %get3A_147 : memref<1x64xf32, #tpu.memory_space<vmem>> -> memref<64xf32, #tpu.memory_space<vmem>>
        %get3A_149 = arith.constant 0 : index
        %get3A_150 = tpu.vector_load %get3A_148[%get3A_149] {strides = array<i32>} : memref<64xf32, #tpu.memory_space<vmem>>, vector<16xf32>,
        %get3A_151 = arith.constant 0 : i32
        %get3A_152 = tpu.memref_slice %arg13[%add3A_145, %get3A_151] : memref<80x64xf32, #tpu.memory_space<vmem>> -> memref<1x64xf32, #tpu.memory_space<vmem>>
        %get3A_153 = tpu.memref_squeeze %get3A_152 : memref<1x64xf32, #tpu.memory_space<vmem>> -> memref<64xf32, #tpu.memory_space<vmem>>
        %get3A_154 = arith.constant 0 : index
        %get3A_155 = tpu.vector_load %get3A_153[%get3A_154] {strides = array<i32>} : memref<64xf32, #tpu.memory_space<vmem>>, vector<16xf32>,
        %mul3A_156 = arith.mulf %get3A_150, %get3A_155 : vector<16xf32>
        %get3A_157 = arith.constant 0 : i32
        %get3A_158 = tpu.memref_slice %arg12[%add3A_141, %get3A_157] : memref<80x64xf32, #tpu.memory_space<vmem>> -> memref<1x64xf32, #tpu.memory_space<vmem>>
        %get3A_159 = tpu.memref_squeeze %get3A_158 : memref<1x64xf32, #tpu.memory_space<vmem>> -> memref<64xf32, #tpu.memory_space<vmem>>
        %get3A_160 = arith.constant 16 : index
        %get3A_161 = tpu.vector_load %get3A_159[%get3A_160] {strides = array<i32>} : memref<64xf32, #tpu.memory_space<vmem>>, vector<16xf32>,
        %get3A_162 = arith.constant 0 : i32
        %get3A_163 = tpu.memref_slice %arg13[%add3A_145, %get3A_162] : memref<80x64xf32, #tpu.memory_space<vmem>> -> memref<1x64xf32, #tpu.memory_space<vmem>>
        %get3A_164 = tpu.memref_squeeze %get3A_163 : memref<1x64xf32, #tpu.memory_space<vmem>> -> memref<64xf32, #tpu.memory_space<vmem>>
        %get3A_165 = arith.constant 16 : index
        %get3A_166 = tpu.vector_load %get3A_164[%get3A_165] {strides = array<i32>} : memref<64xf32, #tpu.memory_space<vmem>>, vector<16xf32>,
        %mul3A_167 = arith.mulf %get3A_161, %get3A_166 : vector<16xf32>
        %get3A_168 = arith.constant 0 : i32
        %get3A_169 = tpu.memref_slice %arg12[%add3A_141, %get3A_168] : memref<80x64xf32, #tpu.memory_space<vmem>> -> memref<1x64xf32, #tpu.memory_space<vmem>>
        %get3A_170 = tpu.memref_squeeze %get3A_169 : memref<1x64xf32, #tpu.memory_space<vmem>> -> memref<64xf32, #tpu.memory_space<vmem>>
        %get3A_171 = arith.constant 32 : index
        %get3A_172 = tpu.vector_load %get3A_170[%get3A_171] {strides = array<i32>} : memref<64xf32, #tpu.memory_space<vmem>>, vector<16xf32>,
        %get3A_173 = arith.constant 0 : i32
        %get3A_174 = tpu.memref_slice %arg13[%add3A_145, %get3A_173] : memref<80x64xf32, #tpu.memory_space<vmem>> -> memref<1x64xf32, #tpu.memory_space<vmem>>
        %get3A_175 = tpu.memref_squeeze %get3A_174 : memref<1x64xf32, #tpu.memory_space<vmem>> -> memref<64xf32, #tpu.memory_space<vmem>>
        %get3A_176 = arith.constant 32 : index
        %get3A_177 = tpu.vector_load %get3A_175[%get3A_176] {strides = array<i32>} : memref<64xf32, #tpu.memory_space<vmem>>, vector<16xf32>,
        %mul3A_178 = arith.mulf %get3A_172, %get3A_177 : vector<16xf32>
        %get3A_179 = arith.constant 0 : i32
        %get3A_180 = tpu.memref_slice %arg12[%add3A_141, %get3A_179] : memref<80x64xf32, #tpu.memory_space<vmem>> -> memref<1x64xf32, #tpu.memory_space<vmem>>
        %get3A_181 = tpu.memref_squeeze %get3A_180 : memref<1x64xf32, #tpu.memory_space<vmem>> -> memref<64xf32, #tpu.memory_space<vmem>>
        %get3A_182 = arith.constant 48 : index
        %get3A_183 = tpu.vector_load %get3A_181[%get3A_182] {strides = array<i32>} : memref<64xf32, #tpu.memory_space<vmem>>, vector<16xf32>,
        %get3A_184 = arith.constant 0 : i32
        %get3A_185 = tpu.memref_slice %arg13[%add3A_145, %get3A_184] : memref<80x64xf32, #tpu.memory_space<vmem>> -> memref<1x64xf32, #tpu.memory_space<vmem>>
        %get3A_186 = tpu.memref_squeeze %get3A_185 : memref<1x64xf32, #tpu.memory_space<vmem>> -> memref<64xf32, #tpu.memory_space<vmem>>
        %get3A_187 = arith.constant 48 : index
        %get3A_188 = tpu.vector_load %get3A_186[%get3A_187] {strides = array<i32>} : memref<64xf32, #tpu.memory_space<vmem>>, vector<16xf32>,
        %mul3A_189 = arith.mulf %get3A_183, %get3A_188 : vector<16xf32>
        %add3A_190 = arith.addf %mul3A_156, %mul3A_167 : vector<16xf32>
        %add3A_191 = arith.addf %mul3A_178, %mul3A_189 : vector<16xf32>
        %add3A_192 = arith.addf %add3A_190, %add3A_191 : vector<16xf32>
        %swap3A = arith.constant 0 : i32
        %swap3A_193 = arith.index_cast %swap3A : i32 to index
        %swap3A_194 = arith.constant 0 : index
        %swap3A_195 = tpu.vector_load %arg15[%swap3A_193, %swap3A_194] {strides = array<i32>} : memref<16x16xf32, #tpu.memory_space<vmem>>, vector<16xf32>,
        tpu.vector_store %arg15[%swap3A_193, %swap3A_194], %add3A_192 {strides = array<i32>} : memref<16x16xf32, #tpu.memory_space<vmem>>, vector<16xf32>,
        %mul3A_196 = arith.constant 16 : i32
        %mul3A_197 = arith.muli %scan3A_136, %mul3A_196 : i32
        %add3A_198 = arith.constant 1 : i32
        %add3A_199 = arith.addi %mul3A_197, %add3A_198 : i32
        %mul3A_200 = arith.constant 16 : i32
        %mul3A_201 = arith.muli %scan3A_136, %mul3A_200 : i32
        %add3A_202 = arith.constant 1 : i32
        %add3A_203 = arith.addi %mul3A_201, %add3A_202 : i32
        %get3A_204 = arith.constant 0 : i32
        %get3A_205 = tpu.memref_slice %arg12[%add3A_199, %get3A_204] : memref<80x64xf32, #tpu.memory_space<vmem>> -> memref<1x64xf32, #tpu.memory_space<vmem>>
        %get3A_206 = tpu.memref_squeeze %get3A_205 : memref<1x64xf32, #tpu.memory_space<vmem>> -> memref<64xf32, #tpu.memory_space<vmem>>
        %get3A_207 = arith.constant 0 : index
        %get3A_208 = tpu.vector_load %get3A_206[%get3A_207] {strides = array<i32>} : memref<64xf32, #tpu.memory_space<vmem>>, vector<16xf32>,
        %get3A_209 = arith.constant 0 : i32
        %get3A_210 = tpu.memref_slice %arg13[%add3A_203, %get3A_209] : memref<80x64xf32, #tpu.memory_space<vmem>> -> memref<1x64xf32, #tpu.memory_space<vmem>>
        %get3A_211 = tpu.memref_squeeze %get3A_210 : memref<1x64xf32, #tpu.memory_space<vmem>> -> memref<64xf32, #tpu.memory_space<vmem>>
        %get3A_212 = arith.constant 0 : index
        %get3A_213 = tpu.vector_load %get3A_211[%get3A_212] {strides = array<i32>} : memref<64xf32, #tpu.memory_space<vmem>>, vector<16xf32>,
        %mul3A_214 = arith.mulf %get3A_208, %get3A_213 : vector<16xf32>
        %get3A_215 = arith.constant 0 : i32
        %get3A_216 = tpu.memref_slice %arg12[%add3A_199, %get3A_215] : memref<80x64xf32, #tpu.memory_space<vmem>> -> memref<1x64xf32, #tpu.memory_space<vmem>>
        %get3A_217 = tpu.memref_squeeze %get3A_216 : memref<1x64xf32, #tpu.memory_space<vmem>> -> memref<64xf32, #tpu.memory_space<vmem>>
        %get3A_218 = arith.constant 16 : index
        %get3A_219 = tpu.vector_load %get3A_217[%get3A_218] {strides = array<i32>} : memref<64xf32, #tpu.memory_space<vmem>>, vector<16xf32>,
        %get3A_220 = arith.constant 0 : i32
        %get3A_221 = tpu.memref_slice %arg13[%add3A_203, %get3A_220] : memref<80x64xf32, #tpu.memory_space<vmem>> -> memref<1x64xf32, #tpu.memory_space<vmem>>
        %get3A_222 = tpu.memref_squeeze %get3A_221 : memref<1x64xf32, #tpu.memory_space<vmem>> -> memref<64xf32, #tpu.memory_space<vmem>>
        %get3A_223 = arith.constant 16 : index
        %get3A_224 = tpu.vector_load %get3A_222[%get3A_223] {strides = array<i32>} : memref<64xf32, #tpu.memory_space<vmem>>, vector<16xf32>,
        %mul3A_225 = arith.mulf %get3A_219, %get3A_224 : vector<16xf32>
        %get3A_226 = arith.constant 0 : i32
        %get3A_227 = tpu.memref_slice %arg12[%add3A_199, %get3A_226] : memref<80x64xf32, #tpu.memory_space<vmem>> -> memref<1x64xf32, #tpu.memory_space<vmem>>
        %get3A_228 = tpu.memref_squeeze %get3A_227 : memref<1x64xf32, #tpu.memory_space<vmem>> -> memref<64xf32, #tpu.memory_space<vmem>>
        %get3A_229 = arith.constant 32 : index
        %get3A_230 = tpu.vector_load %get3A_228[%get3A_229] {strides = array<i32>} : memref<64xf32, #tpu.memory_space<vmem>>, vector<16xf32>,
        %get3A_231 = arith.constant 0 : i32
        %get3A_232 = tpu.memref_slice %arg13[%add3A_203, %get3A_231] : memref<80x64xf32, #tpu.memory_space<vmem>> -> memref<1x64xf32, #tpu.memory_space<vmem>>
        %get3A_233 = tpu.memref_squeeze %get3A_232 : memref<1x64xf32, #tpu.memory_space<vmem>> -> memref<64xf32, #tpu.memory_space<vmem>>
        %get3A_234 = arith.constant 32 : index
        %get3A_235 = tpu.vector_load %get3A_233[%get3A_234] {strides = array<i32>} : memref<64xf32, #tpu.memory_space<vmem>>, vector<16xf32>,
        %mul3A_236 = arith.mulf %get3A_230, %get3A_235 : vector<16xf32>
        %get3A_237 = arith.constant 0 : i32
        %get3A_238 = tpu.memref_slice %arg12[%add3A_199, %get3A_237] : memref<80x64xf32, #tpu.memory_space<vmem>> -> memref<1x64xf32, #tpu.memory_space<vmem>>
        %get3A_239 = tpu.memref_squeeze %get3A_238 : memref<1x64xf32, #tpu.memory_space<vmem>> -> memref<64xf32, #tpu.memory_space<vmem>>
        %get3A_240 = arith.constant 48 : index
        %get3A_241 = tpu.vector_load %get3A_239[%get3A_240] {strides = array<i32>} : memref<64xf32, #tpu.memory_space<vmem>>, vector<16xf32>,
        %get3A_242 = arith.constant 0 : i32
        %get3A_243 = tpu.memref_slice %arg13[%add3A_203, %get3A_242] : memref<80x64xf32, #tpu.memory_space<vmem>> -> memref<1x64xf32, #tpu.memory_space<vmem>>
        %get3A_244 = tpu.memref_squeeze %get3A_243 : memref<1x64xf32, #tpu.memory_space<vmem>> -> memref<64xf32, #tpu.memory_space<vmem>>
        %get3A_245 = arith.constant 48 : index
        %get3A_246 = tpu.vector_load %get3A_244[%get3A_245] {strides = array<i32>} : memref<64xf32, #tpu.memory_space<vmem>>, vector<16xf32>,
        %mul3A_247 = arith.mulf %get3A_241, %get3A_246 : vector<16xf32>
        %add3A_248 = arith.addf %mul3A_214, %mul3A_225 : vector<16xf32>
        %add3A_249 = arith.addf %mul3A_236, %mul3A_247 : vector<16xf32>
        %add3A_250 = arith.addf %add3A_248, %add3A_249 : vector<16xf32>
        %swap3A_251 = arith.constant 1 : i32
        %swap3A_252 = arith.index_cast %swap3A_251 : i32 to index
        %swap3A_253 = arith.constant 0 : index
        %swap3A_254 = tpu.vector_load %arg15[%swap3A_252, %swap3A_253] {strides = array<i32>} : memref<16x16xf32, #tpu.memory_space<vmem>>, vector<16xf32>,
        tpu.vector_store %arg15[%swap3A_252, %swap3A_253], %add3A_250 {strides = array<i32>} : memref<16x16xf32, #tpu.memory_space<vmem>>, vector<16xf32>,
        %mul3A_255 = arith.constant 16 : i32
        %mul3A_256 = arith.muli %scan3A_136, %mul3A_255 : i32
        %add3A_257 = arith.constant 2 : i32
        %add3A_258 = arith.addi %mul3A_256, %add3A_257 : i32
        %mul3A_259 = arith.constant 16 : i32
        %mul3A_260 = arith.muli %scan3A_136, %mul3A_259 : i32
        %add3A_261 = arith.constant 2 : i32
        %add3A_262 = arith.addi %mul3A_260, %add3A_261 : i32
        %get3A_263 = arith.constant 0 : i32
        %get3A_264 = tpu.memref_slice %arg12[%add3A_258, %get3A_263] : memref<80x64xf32, #tpu.memory_space<vmem>> -> memref<1x64xf32, #tpu.memory_space<vmem>>
        %get3A_265 = tpu.memref_squeeze %get3A_264 : memref<1x64xf32, #tpu.memory_space<vmem>> -> memref<64xf32, #tpu.memory_space<vmem>>
        %get3A_266 = arith.constant 0 : index
        %get3A_267 = tpu.vector_load %get3A_265[%get3A_266] {strides = array<i32>} : memref<64xf32, #tpu.memory_space<vmem>>, vector<16xf32>,
        %get3A_268 = arith.constant 0 : i32
        %get3A_269 = tpu.memref_slice %arg13[%add3A_262, %get3A_268] : memref<80x64xf32, #tpu.memory_space<vmem>> -> memref<1x64xf32, #tpu.memory_space<vmem>>
        %get3A_270 = tpu.memref_squeeze %get3A_269 : memref<1x64xf32, #tpu.memory_space<vmem>> -> memref<64xf32, #tpu.memory_space<vmem>>
        %get3A_271 = arith.constant 0 : index
        %get3A_272 = tpu.vector_load %get3A_270[%get3A_271] {strides = array<i32>} : memref<64xf32, #tpu.memory_space<vmem>>, vector<16xf32>,
        %mul3A_273 = arith.mulf %get3A_267, %get3A_272 : vector<16xf32>
        %get3A_274 = arith.constant 0 : i32
        %get3A_275 = tpu.memref_slice %arg12[%add3A_258, %get3A_274] : memref<80x64xf32, #tpu.memory_space<vmem>> -> memref<1x64xf32, #tpu.memory_space<vmem>>
        %get3A_276 = tpu.memref_squeeze %get3A_275 : memref<1x64xf32, #tpu.memory_space<vmem>> -> memref<64xf32, #tpu.memory_space<vmem>>
        %get3A_277 = arith.constant 16 : index
        %get3A_278 = tpu.vector_load %get3A_276[%get3A_277] {strides = array<i32>} : memref<64xf32, #tpu.memory_space<vmem>>, vector<16xf32>,
        %get3A_279 = arith.constant 0 : i32
        %get3A_280 = tpu.memref_slice %arg13[%add3A_262, %get3A_279] : memref<80x64xf32, #tpu.memory_space<vmem>> -> memref<1x64xf32, #tpu.memory_space<vmem>>
        %get3A_281 = tpu.memref_squeeze %get3A_280 : memref<1x64xf32, #tpu.memory_space<vmem>> -> memref<64xf32, #tpu.memory_space<vmem>>
        %get3A_282 = arith.constant 16 : index
        %get3A_283 = tpu.vector_load %get3A_281[%get3A_282] {strides = array<i32>} : memref<64xf32, #tpu.memory_space<vmem>>, vector<16xf32>,
        %mul3A_284 = arith.mulf %get3A_278, %get3A_283 : vector<16xf32>
        %get3A_285 = arith.constant 0 : i32
        %get3A_286 = tpu.memref_slice %arg12[%add3A_258, %get3A_285] : memref<80x64xf32, #tpu.memory_space<vmem>> -> memref<1x64xf32, #tpu.memory_space<vmem>>
        %get3A_287 = tpu.memref_squeeze %get3A_286 : memref<1x64xf32, #tpu.memory_space<vmem>> -> memref<64xf32, #tpu.memory_space<vmem>>
        %get3A_288 = arith.constant 32 : index
        %get3A_289 = tpu.vector_load %get3A_287[%get3A_288] {strides = array<i32>} : memref<64xf32, #tpu.memory_space<vmem>>, vector<16xf32>,
        %get3A_290 = arith.constant 0 : i32
        %get3A_291 = tpu.memref_slice %arg13[%add3A_262, %get3A_290] : memref<80x64xf32, #tpu.memory_space<vmem>> -> memref<1x64xf32, #tpu.memory_space<vmem>>
        %get3A_292 = tpu.memref_squeeze %get3A_291 : memref<1x64xf32, #tpu.memory_space<vmem>> -> memref<64xf32, #tpu.memory_space<vmem>>
        %get3A_293 = arith.constant 32 : index
        %get3A_294 = tpu.vector_load %get3A_292[%get3A_293] {strides = array<i32>} : memref<64xf32, #tpu.memory_space<vmem>>, vector<16xf32>,
        %mul3A_295 = arith.mulf %get3A_289, %get3A_294 : vector<16xf32>
        %get3A_296 = arith.constant 0 : i32
        %get3A_297 = tpu.memref_slice %arg12[%add3A_258, %get3A_296] : memref<80x64xf32, #tpu.memory_space<vmem>> -> memref<1x64xf32, #tpu.memory_space<vmem>>
        %get3A_298 = tpu.memref_squeeze %get3A_297 : memref<1x64xf32, #tpu.memory_space<vmem>> -> memref<64xf32, #tpu.memory_space<vmem>>
        %get3A_299 = arith.constant 48 : index
        %get3A_300 = tpu.vector_load %get3A_298[%get3A_299] {strides = array<i32>} : memref<64xf32, #tpu.memory_space<vmem>>, vector<16xf32>,
        %get3A_301 = arith.constant 0 : i32
        %get3A_302 = tpu.memref_slice %arg13[%add3A_262, %get3A_301] : memref<80x64xf32, #tpu.memory_space<vmem>> -> memref<1x64xf32, #tpu.memory_space<vmem>>
        %get3A_303 = tpu.memref_squeeze %get3A_302 : memref<1x64xf32, #tpu.memory_space<vmem>> -> memref<64xf32, #tpu.memory_space<vmem>>
        %get3A_304 = arith.constant 48 : index
        %get3A_305 = tpu.vector_load %get3A_303[%get3A_304] {strides = array<i32>} : memref<64xf32, #tpu.memory_space<vmem>>, vector<16xf32>,
        %mul3A_306 = arith.mulf %get3A_300, %get3A_305 : vector<16xf32>
        %add3A_307 = arith.addf %mul3A_273, %mul3A_284 : vector<16xf32>
        %add3A_308 = arith.addf %mul3A_295, %mul3A_306 : vector<16xf32>
        %add3A_309 = arith.addf %add3A_307, %add3A_308 : vector<16xf32>
        %swap3A_310 = arith.constant 2 : i32
        %swap3A_311 = arith.index_cast %swap3A_310 : i32 to index
        %swap3A_312 = arith.constant 0 : index
        %swap3A_313 = tpu.vector_load %arg15[%swap3A_311, %swap3A_312] {strides = array<i32>} : memref<16x16xf32, #tpu.memory_space<vmem>>, vector<16xf32>,
        tpu.vector_store %arg15[%swap3A_311, %swap3A_312], %add3A_309 {strides = array<i32>} : memref<16x16xf32, #tpu.memory_space<vmem>>, vector<16xf32>,
        %mul3A_314 = arith.constant 16 : i32
        %mul3A_315 = arith.muli %scan3A_136, %mul3A_314 : i32
        %add3A_316 = arith.constant 3 : i32
        %add3A_317 = arith.addi %mul3A_315, %add3A_316 : i32
        %mul3A_318 = arith.constant 16 : i32
        %mul3A_319 = arith.muli %scan3A_136, %mul3A_318 : i32
        %add3A_320 = arith.constant 3 : i32
        %add3A_321 = arith.addi %mul3A_319, %add3A_320 : i32
        %get3A_322 = arith.constant 0 : i32
        %get3A_323 = tpu.memref_slice %arg12[%add3A_317, %get3A_322] : memref<80x64xf32, #tpu.memory_space<vmem>> -> memref<1x64xf32, #tpu.memory_space<vmem>>
        %get3A_324 = tpu.memref_squeeze %get3A_323 : memref<1x64xf32, #tpu.memory_space<vmem>> -> memref<64xf32, #tpu.memory_space<vmem>>
        %get3A_325 = arith.constant 0 : index
        %get3A_326 = tpu.vector_load %get3A_324[%get3A_325] {strides = array<i32>} : memref<64xf32, #tpu.memory_space<vmem>>, vector<16xf32>,
        %get3A_327 = arith.constant 0 : i32
        %get3A_328 = tpu.memref_slice %arg13[%add3A_321, %get3A_327] : memref<80x64xf32, #tpu.memory_space<vmem>> -> memref<1x64xf32, #tpu.memory_space<vmem>>
        %get3A_329 = tpu.memref_squeeze %get3A_328 : memref<1x64xf32, #tpu.memory_space<vmem>> -> memref<64xf32, #tpu.memory_space<vmem>>
        %get3A_330 = arith.constant 0 : index
        %get3A_331 = tpu.vector_load %get3A_329[%get3A_330] {strides = array<i32>} : memref<64xf32, #tpu.memory_space<vmem>>, vector<16xf32>,
        %mul3A_332 = arith.mulf %get3A_326, %get3A_331 : vector<16xf32>
        %get3A_333 = arith.constant 0 : i32
        %get3A_334 = tpu.memref_slice %arg12[%add3A_317, %get3A_333] : memref<80x64xf32, #tpu.memory_space<vmem>> -> memref<1x64xf32, #tpu.memory_space<vmem>>
        %get3A_335 = tpu.memref_squeeze %get3A_334 : memref<1x64xf32, #tpu.memory_space<vmem>> -> memref<64xf32, #tpu.memory_space<vmem>>
        %get3A_336 = arith.constant 16 : index
        %get3A_337 = tpu.vector_load %get3A_335[%get3A_336] {strides = array<i32>} : memref<64xf32, #tpu.memory_space<vmem>>, vector<16xf32>,
        %get3A_338 = arith.constant 0 : i32
        %get3A_339 = tpu.memref_slice %arg13[%add3A_321, %get3A_338] : memref<80x64xf32, #tpu.memory_space<vmem>> -> memref<1x64xf32, #tpu.memory_space<vmem>>
        %get3A_340 = tpu.memref_squeeze %get3A_339 : memref<1x64xf32, #tpu.memory_space<vmem>> -> memref<64xf32, #tpu.memory_space<vmem>>
        %get3A_341 = arith.constant 16 : index
        %get3A_342 = tpu.vector_load %get3A_340[%get3A_341] {strides = array<i32>} : memref<64xf32, #tpu.memory_space<vmem>>, vector<16xf32>,
        %mul3A_343 = arith.mulf %get3A_337, %get3A_342 : vector<16xf32>
        %get3A_344 = arith.constant 0 : i32
        %get3A_345 = tpu.memref_slice %arg12[%add3A_317, %get3A_344] : memref<80x64xf32, #tpu.memory_space<vmem>> -> memref<1x64xf32, #tpu.memory_space<vmem>>
        %get3A_346 = tpu.memref_squeeze %get3A_345 : memref<1x64xf32, #tpu.memory_space<vmem>> -> memref<64xf32, #tpu.memory_space<vmem>>
        %get3A_347 = arith.constant 32 : index
        %get3A_348 = tpu.vector_load %get3A_346[%get3A_347] {strides = array<i32>} : memref<64xf32, #tpu.memory_space<vmem>>, vector<16xf32>,
        %get3A_349 = arith.constant 0 : i32
        %get3A_350 = tpu.memref_slice %arg13[%add3A_321, %get3A_349] : memref<80x64xf32, #tpu.memory_space<vmem>> -> memref<1x64xf32, #tpu.memory_space<vmem>>
        %get3A_351 = tpu.memref_squeeze %get3A_350 : memref<1x64xf32, #tpu.memory_space<vmem>> -> memref<64xf32, #tpu.memory_space<vmem>>
        %get3A_352 = arith.constant 32 : index
        %get3A_353 = tpu.vector_load %get3A_351[%get3A_352] {strides = array<i32>} : memref<64xf32, #tpu.memory_space<vmem>>, vector<16xf32>,
        %mul3A_354 = arith.mulf %get3A_348, %get3A_353 : vector<16xf32>
        %get3A_355 = arith.constant 0 : i32
        %get3A_356 = tpu.memref_slice %arg12[%add3A_317, %get3A_355] : memref<80x64xf32, #tpu.memory_space<vmem>> -> memref<1x64xf32, #tpu.memory_space<vmem>>
        %get3A_357 = tpu.memref_squeeze %get3A_356 : memref<1x64xf32, #tpu.memory_space<vmem>> -> memref<64xf32, #tpu.memory_space<vmem>>
        %get3A_358 = arith.constant 48 : index
        %get3A_359 = tpu.vector_load %get3A_357[%get3A_358] {strides = array<i32>} : memref<64xf32, #tpu.memory_space<vmem>>, vector<16xf32>,
        %get3A_360 = arith.constant 0 : i32
        %get3A_361 = tpu.memref_slice %arg13[%add3A_321, %get3A_360] : memref<80x64xf32, #tpu.memory_space<vmem>> -> memref<1x64xf32, #tpu.memory_space<vmem>>
        %get3A_362 = tpu.memref_squeeze %get3A_361 : memref<1x64xf32, #tpu.memory_space<vmem>> -> memref<64xf32, #tpu.memory_space<vmem>>
        %get3A_363 = arith.constant 48 : index
        %get3A_364 = tpu.vector_load %get3A_362[%get3A_363] {strides = array<i32>} : memref<64xf32, #tpu.memory_space<vmem>>, vector<16xf32>,
        %mul3A_365 = arith.mulf %get3A_359, %get3A_364 : vector<16xf32>
        %add3A_366 = arith.addf %mul3A_332, %mul3A_343 : vector<16xf32>
        %add3A_367 = arith.addf %mul3A_354, %mul3A_365 : vector<16xf32>
        %add3A_368 = arith.addf %add3A_366, %add3A_367 : vector<16xf32>
        %swap3A_369 = arith.constant 3 : i32
        %swap3A_370 = arith.index_cast %swap3A_369 : i32 to index
        %swap3A_371 = arith.constant 0 : index
        %swap3A_372 = tpu.vector_load %arg15[%swap3A_370, %swap3A_371] {strides = array<i32>} : memref<16x16xf32, #tpu.memory_space<vmem>>, vector<16xf32>,
        tpu.vector_store %arg15[%swap3A_370, %swap3A_371], %add3A_368 {strides = array<i32>} : memref<16x16xf32, #tpu.memory_space<vmem>>, vector<16xf32>,
        %mul3A_373 = arith.constant 16 : i32
        %mul3A_374 = arith.muli %scan3A_136, %mul3A_373 : i32
        %add3A_375 = arith.constant 4 : i32
        %add3A_376 = arith.addi %mul3A_374, %add3A_375 : i32
        %mul3A_377 = arith.constant 16 : i32
        %mul3A_378 = arith.muli %scan3A_136, %mul3A_377 : i32
        %add3A_379 = arith.constant 4 : i32
        %add3A_380 = arith.addi %mul3A_378, %add3A_379 : i32
        %get3A_381 = arith.constant 0 : i32
        %get3A_382 = tpu.memref_slice %arg12[%add3A_376, %get3A_381] : memref<80x64xf32, #tpu.memory_space<vmem>> -> memref<1x64xf32, #tpu.memory_space<vmem>>
        %get3A_383 = tpu.memref_squeeze %get3A_382 : memref<1x64xf32, #tpu.memory_space<vmem>> -> memref<64xf32, #tpu.memory_space<vmem>>
        %get3A_384 = arith.constant 0 : index
        %get3A_385 = tpu.vector_load %get3A_383[%get3A_384] {strides = array<i32>} : memref<64xf32, #tpu.memory_space<vmem>>, vector<16xf32>,
        %get3A_386 = arith.constant 0 : i32
        %get3A_387 = tpu.memref_slice %arg13[%add3A_380, %get3A_386] : memref<80x64xf32, #tpu.memory_space<vmem>> -> memref<1x64xf32, #tpu.memory_space<vmem>>
        %get3A_388 = tpu.memref_squeeze %get3A_387 : memref<1x64xf32, #tpu.memory_space<vmem>> -> memref<64xf32, #tpu.memory_space<vmem>>
        %get3A_389 = arith.constant 0 : index
        %get3A_390 = tpu.vector_load %get3A_388[%get3A_389] {strides = array<i32>} : memref<64xf32, #tpu.memory_space<vmem>>, vector<16xf32>,
        %mul3A_391 = arith.mulf %get3A_385, %get3A_390 : vector<16xf32>
        %get3A_392 = arith.constant 0 : i32
        %get3A_393 = tpu.memref_slice %arg12[%add3A_376, %get3A_392] : memref<80x64xf32, #tpu.memory_space<vmem>> -> memref<1x64xf32, #tpu.memory_space<vmem>>
        %get3A_394 = tpu.memref_squeeze %get3A_393 : memref<1x64xf32, #tpu.memory_space<vmem>> -> memref<64xf32, #tpu.memory_space<vmem>>
        %get3A_395 = arith.constant 16 : index
        %get3A_396 = tpu.vector_load %get3A_394[%get3A_395] {strides = array<i32>} : memref<64xf32, #tpu.memory_space<vmem>>, vector<16xf32>,
        %get3A_397 = arith.constant 0 : i32
        %get3A_398 = tpu.memref_slice %arg13[%add3A_380, %get3A_397] : memref<80x64xf32, #tpu.memory_space<vmem>> -> memref<1x64xf32, #tpu.memory_space<vmem>>
        %get3A_399 = tpu.memref_squeeze %get3A_398 : memref<1x64xf32, #tpu.memory_space<vmem>> -> memref<64xf32, #tpu.memory_space<vmem>>
        %get3A_400 = arith.constant 16 : index
        %get3A_401 = tpu.vector_load %get3A_399[%get3A_400] {strides = array<i32>} : memref<64xf32, #tpu.memory_space<vmem>>, vector<16xf32>,
        %mul3A_402 = arith.mulf %get3A_396, %get3A_401 : vector<16xf32>
        %get3A_403 = arith.constant 0 : i32
        %get3A_404 = tpu.memref_slice %arg12[%add3A_376, %get3A_403] : memref<80x64xf32, #tpu.memory_space<vmem>> -> memref<1x64xf32, #tpu.memory_space<vmem>>
        %get3A_405 = tpu.memref_squeeze %get3A_404 : memref<1x64xf32, #tpu.memory_space<vmem>> -> memref<64xf32, #tpu.memory_space<vmem>>
        %get3A_406 = arith.constant 32 : index
        %get3A_407 = tpu.vector_load %get3A_405[%get3A_406] {strides = array<i32>} : memref<64xf32, #tpu.memory_space<vmem>>, vector<16xf32>,
        %get3A_408 = arith.constant 0 : i32
        %get3A_409 = tpu.memref_slice %arg13[%add3A_380, %get3A_408] : memref<80x64xf32, #tpu.memory_space<vmem>> -> memref<1x64xf32, #tpu.memory_space<vmem>>
        %get3A_410 = tpu.memref_squeeze %get3A_409 : memref<1x64xf32, #tpu.memory_space<vmem>> -> memref<64xf32, #tpu.memory_space<vmem>>
        %get3A_411 = arith.constant 32 : index
        %get3A_412 = tpu.vector_load %get3A_410[%get3A_411] {strides = array<i32>} : memref<64xf32, #tpu.memory_space<vmem>>, vector<16xf32>,
        %mul3A_413 = arith.mulf %get3A_407, %get3A_412 : vector<16xf32>
        %get3A_414 = arith.constant 0 : i32
        %get3A_415 = tpu.memref_slice %arg12[%add3A_376, %get3A_414] : memref<80x64xf32, #tpu.memory_space<vmem>> -> memref<1x64xf32, #tpu.memory_space<vmem>>
        %get3A_416 = tpu.memref_squeeze %get3A_415 : memref<1x64xf32, #tpu.memory_space<vmem>> -> memref<64xf32, #tpu.memory_space<vmem>>
        %get3A_417 = arith.constant 48 : index
        %get3A_418 = tpu.vector_load %get3A_416[%get3A_417] {strides = array<i32>} : memref<64xf32, #tpu.memory_space<vmem>>, vector<16xf32>,
        %get3A_419 = arith.constant 0 : i32
        %get3A_420 = tpu.memref_slice %arg13[%add3A_380, %get3A_419] : memref<80x64xf32, #tpu.memory_space<vmem>> -> memref<1x64xf32, #tpu.memory_space<vmem>>
        %get3A_421 = tpu.memref_squeeze %get3A_420 : memref<1x64xf32, #tpu.memory_space<vmem>> -> memref<64xf32, #tpu.memory_space<vmem>>
        %get3A_422 = arith.constant 48 : index
        %get3A_423 = tpu.vector_load %get3A_421[%get3A_422] {strides = array<i32>} : memref<64xf32, #tpu.memory_space<vmem>>, vector<16xf32>,
        %mul3A_424 = arith.mulf %get3A_418, %get3A_423 : vector<16xf32>
        %add3A_425 = arith.addf %mul3A_391, %mul3A_402 : vector<16xf32>
        %add3A_426 = arith.addf %mul3A_413, %mul3A_424 : vector<16xf32>
        %add3A_427 = arith.addf %add3A_425, %add3A_426 : vector<16xf32>
        %swap3A_428 = arith.constant 4 : i32
        %swap3A_429 = arith.index_cast %swap3A_428 : i32 to index
        %swap3A_430 = arith.constant 0 : index
        %swap3A_431 = tpu.vector_load %arg15[%swap3A_429, %swap3A_430] {strides = array<i32>} : memref<16x16xf32, #tpu.memory_space<vmem>>, vector<16xf32>,
        tpu.vector_store %arg15[%swap3A_429, %swap3A_430], %add3A_427 {strides = array<i32>} : memref<16x16xf32, #tpu.memory_space<vmem>>, vector<16xf32>,
        %mul3A_432 = arith.constant 16 : i32
        %mul3A_433 = arith.muli %scan3A_136, %mul3A_432 : i32
        %add3A_434 = arith.constant 5 : i32
        %add3A_435 = arith.addi %mul3A_433, %add3A_434 : i32
        %mul3A_436 = arith.constant 16 : i32
        %mul3A_437 = arith.muli %scan3A_136, %mul3A_436 : i32
        %add3A_438 = arith.constant 5 : i32
        %add3A_439 = arith.addi %mul3A_437, %add3A_438 : i32
        %get3A_440 = arith.constant 0 : i32
        %get3A_441 = tpu.memref_slice %arg12[%add3A_435, %get3A_440] : memref<80x64xf32, #tpu.memory_space<vmem>> -> memref<1x64xf32, #tpu.memory_space<vmem>>
        %get3A_442 = tpu.memref_squeeze %get3A_441 : memref<1x64xf32, #tpu.memory_space<vmem>> -> memref<64xf32, #tpu.memory_space<vmem>>
        %get3A_443 = arith.constant 0 : index
        %get3A_444 = tpu.vector_load %get3A_442[%get3A_443] {strides = array<i32>} : memref<64xf32, #tpu.memory_space<vmem>>, vector<16xf32>,
        %get3A_445 = arith.constant 0 : i32
        %get3A_446 = tpu.memref_slice %arg13[%add3A_439, %get3A_445] : memref<80x64xf32, #tpu.memory_space<vmem>> -> memref<1x64xf32, #tpu.memory_space<vmem>>
        %get3A_447 = tpu.memref_squeeze %get3A_446 : memref<1x64xf32, #tpu.memory_space<vmem>> -> memref<64xf32, #tpu.memory_space<vmem>>
        %get3A_448 = arith.constant 0 : index
        %get3A_449 = tpu.vector_load %get3A_447[%get3A_448] {strides = array<i32>} : memref<64xf32, #tpu.memory_space<vmem>>, vector<16xf32>,
        %mul3A_450 = arith.mulf %get3A_444, %get3A_449 : vector<16xf32>
        %get3A_451 = arith.constant 0 : i32
        %get3A_452 = tpu.memref_slice %arg12[%add3A_435, %get3A_451] : memref<80x64xf32, #tpu.memory_space<vmem>> -> memref<1x64xf32, #tpu.memory_space<vmem>>
        %get3A_453 = tpu.memref_squeeze %get3A_452 : memref<1x64xf32, #tpu.memory_space<vmem>> -> memref<64xf32, #tpu.memory_space<vmem>>
        %get3A_454 = arith.constant 16 : index
        %get3A_455 = tpu.vector_load %get3A_453[%get3A_454] {strides = array<i32>} : memref<64xf32, #tpu.memory_space<vmem>>, vector<16xf32>,
        %get3A_456 = arith.constant 0 : i32
        %get3A_457 = tpu.memref_slice %arg13[%add3A_439, %get3A_456] : memref<80x64xf32, #tpu.memory_space<vmem>> -> memref<1x64xf32, #tpu.memory_space<vmem>>
        %get3A_458 = tpu.memref_squeeze %get3A_457 : memref<1x64xf32, #tpu.memory_space<vmem>> -> memref<64xf32, #tpu.memory_space<vmem>>
        %get3A_459 = arith.constant 16 : index
        %get3A_460 = tpu.vector_load %get3A_458[%get3A_459] {strides = array<i32>} : memref<64xf32, #tpu.memory_space<vmem>>, vector<16xf32>,
        %mul3A_461 = arith.mulf %get3A_455, %get3A_460 : vector<16xf32>
        %get3A_462 = arith.constant 0 : i32
        %get3A_463 = tpu.memref_slice %arg12[%add3A_435, %get3A_462] : memref<80x64xf32, #tpu.memory_space<vmem>> -> memref<1x64xf32, #tpu.memory_space<vmem>>
        %get3A_464 = tpu.memref_squeeze %get3A_463 : memref<1x64xf32, #tpu.memory_space<vmem>> -> memref<64xf32, #tpu.memory_space<vmem>>
        %get3A_465 = arith.constant 32 : index
        %get3A_466 = tpu.vector_load %get3A_464[%get3A_465] {strides = array<i32>} : memref<64xf32, #tpu.memory_space<vmem>>, vector<16xf32>,
        %get3A_467 = arith.constant 0 : i32
        %get3A_468 = tpu.memref_slice %arg13[%add3A_439, %get3A_467] : memref<80x64xf32, #tpu.memory_space<vmem>> -> memref<1x64xf32, #tpu.memory_space<vmem>>
        %get3A_469 = tpu.memref_squeeze %get3A_468 : memref<1x64xf32, #tpu.memory_space<vmem>> -> memref<64xf32, #tpu.memory_space<vmem>>
        %get3A_470 = arith.constant 32 : index
        %get3A_471 = tpu.vector_load %get3A_469[%get3A_470] {strides = array<i32>} : memref<64xf32, #tpu.memory_space<vmem>>, vector<16xf32>,
        %mul3A_472 = arith.mulf %get3A_466, %get3A_471 : vector<16xf32>
        %get3A_473 = arith.constant 0 : i32
        %get3A_474 = tpu.memref_slice %arg12[%add3A_435, %get3A_473] : memref<80x64xf32, #tpu.memory_space<vmem>> -> memref<1x64xf32, #tpu.memory_space<vmem>>
        %get3A_475 = tpu.memref_squeeze %get3A_474 : memref<1x64xf32, #tpu.memory_space<vmem>> -> memref<64xf32, #tpu.memory_space<vmem>>
        %get3A_476 = arith.constant 48 : index
        %get3A_477 = tpu.vector_load %get3A_475[%get3A_476] {strides = array<i32>} : memref<64xf32, #tpu.memory_space<vmem>>, vector<16xf32>,
        %get3A_478 = arith.constant 0 : i32
        %get3A_479 = tpu.memref_slice %arg13[%add3A_439, %get3A_478] : memref<80x64xf32, #tpu.memory_space<vmem>> -> memref<1x64xf32, #tpu.memory_space<vmem>>
        %get3A_480 = tpu.memref_squeeze %get3A_479 : memref<1x64xf32, #tpu.memory_space<vmem>> -> memref<64xf32, #tpu.memory_space<vmem>>
        %get3A_481 = arith.constant 48 : index
        %get3A_482 = tpu.vector_load %get3A_480[%get3A_481] {strides = array<i32>} : memref<64xf32, #tpu.memory_space<vmem>>, vector<16xf32>,
        %mul3A_483 = arith.mulf %get3A_477, %get3A_482 : vector<16xf32>
        %add3A_484 = arith.addf %mul3A_450, %mul3A_461 : vector<16xf32>
        %add3A_485 = arith.addf %mul3A_472, %mul3A_483 : vector<16xf32>
        %add3A_486 = arith.addf %add3A_484, %add3A_485 : vector<16xf32>
        %swap3A_487 = arith.constant 5 : i32
        %swap3A_488 = arith.index_cast %swap3A_487 : i32 to index
        %swap3A_489 = arith.constant 0 : index
        %swap3A_490 = tpu.vector_load %arg15[%swap3A_488, %swap3A_489] {strides = array<i32>} : memref<16x16xf32, #tpu.memory_space<vmem>>, vector<16xf32>,
        tpu.vector_store %arg15[%swap3A_488, %swap3A_489], %add3A_486 {strides = array<i32>} : memref<16x16xf32, #tpu.memory_space<vmem>>, vector<16xf32>,
        %mul3A_491 = arith.constant 16 : i32
        %mul3A_492 = arith.muli %scan3A_136, %mul3A_491 : i32
        %add3A_493 = arith.constant 6 : i32
        %add3A_494 = arith.addi %mul3A_492, %add3A_493 : i32
        %mul3A_495 = arith.constant 16 : i32
        %mul3A_496 = arith.muli %scan3A_136, %mul3A_495 : i32
        %add3A_497 = arith.constant 6 : i32
        %add3A_498 = arith.addi %mul3A_496, %add3A_497 : i32
        %get3A_499 = arith.constant 0 : i32
        %get3A_500 = tpu.memref_slice %arg12[%add3A_494, %get3A_499] : memref<80x64xf32, #tpu.memory_space<vmem>> -> memref<1x64xf32, #tpu.memory_space<vmem>>
        %get3A_501 = tpu.memref_squeeze %get3A_500 : memref<1x64xf32, #tpu.memory_space<vmem>> -> memref<64xf32, #tpu.memory_space<vmem>>
        %get3A_502 = arith.constant 0 : index
        %get3A_503 = tpu.vector_load %get3A_501[%get3A_502] {strides = array<i32>} : memref<64xf32, #tpu.memory_space<vmem>>, vector<16xf32>,
        %get3A_504 = arith.constant 0 : i32
        %get3A_505 = tpu.memref_slice %arg13[%add3A_498, %get3A_504] : memref<80x64xf32, #tpu.memory_space<vmem>> -> memref<1x64xf32, #tpu.memory_space<vmem>>
        %get3A_506 = tpu.memref_squeeze %get3A_505 : memref<1x64xf32, #tpu.memory_space<vmem>> -> memref<64xf32, #tpu.memory_space<vmem>>
        %get3A_507 = arith.constant 0 : index
        %get3A_508 = tpu.vector_load %get3A_506[%get3A_507] {strides = array<i32>} : memref<64xf32, #tpu.memory_space<vmem>>, vector<16xf32>,
        %mul3A_509 = arith.mulf %get3A_503, %get3A_508 : vector<16xf32>
        %get3A_510 = arith.constant 0 : i32
        %get3A_511 = tpu.memref_slice %arg12[%add3A_494, %get3A_510] : memref<80x64xf32, #tpu.memory_space<vmem>> -> memref<1x64xf32, #tpu.memory_space<vmem>>
        %get3A_512 = tpu.memref_squeeze %get3A_511 : memref<1x64xf32, #tpu.memory_space<vmem>> -> memref<64xf32, #tpu.memory_space<vmem>>
        %get3A_513 = arith.constant 16 : index
        %get3A_514 = tpu.vector_load %get3A_512[%get3A_513] {strides = array<i32>} : memref<64xf32, #tpu.memory_space<vmem>>, vector<16xf32>,
        %get3A_515 = arith.constant 0 : i32
        %get3A_516 = tpu.memref_slice %arg13[%add3A_498, %get3A_515] : memref<80x64xf32, #tpu.memory_space<vmem>> -> memref<1x64xf32, #tpu.memory_space<vmem>>
        %get3A_517 = tpu.memref_squeeze %get3A_516 : memref<1x64xf32, #tpu.memory_space<vmem>> -> memref<64xf32, #tpu.memory_space<vmem>>
        %get3A_518 = arith.constant 16 : index
        %get3A_519 = tpu.vector_load %get3A_517[%get3A_518] {strides = array<i32>} : memref<64xf32, #tpu.memory_space<vmem>>, vector<16xf32>,
        %mul3A_520 = arith.mulf %get3A_514, %get3A_519 : vector<16xf32>
        %get3A_521 = arith.constant 0 : i32
        %get3A_522 = tpu.memref_slice %arg12[%add3A_494, %get3A_521] : memref<80x64xf32, #tpu.memory_space<vmem>> -> memref<1x64xf32, #tpu.memory_space<vmem>>
        %get3A_523 = tpu.memref_squeeze %get3A_522 : memref<1x64xf32, #tpu.memory_space<vmem>> -> memref<64xf32, #tpu.memory_space<vmem>>
        %get3A_524 = arith.constant 32 : index
        %get3A_525 = tpu.vector_load %get3A_523[%get3A_524] {strides = array<i32>} : memref<64xf32, #tpu.memory_space<vmem>>, vector<16xf32>,
        %get3A_526 = arith.constant 0 : i32
        %get3A_527 = tpu.memref_slice %arg13[%add3A_498, %get3A_526] : memref<80x64xf32, #tpu.memory_space<vmem>> -> memref<1x64xf32, #tpu.memory_space<vmem>>
        %get3A_528 = tpu.memref_squeeze %get3A_527 : memref<1x64xf32, #tpu.memory_space<vmem>> -> memref<64xf32, #tpu.memory_space<vmem>>
        %get3A_529 = arith.constant 32 : index
        %get3A_530 = tpu.vector_load %get3A_528[%get3A_529] {strides = array<i32>} : memref<64xf32, #tpu.memory_space<vmem>>, vector<16xf32>,
        %mul3A_531 = arith.mulf %get3A_525, %get3A_530 : vector<16xf32>
        %get3A_532 = arith.constant 0 : i32
        %get3A_533 = tpu.memref_slice %arg12[%add3A_494, %get3A_532] : memref<80x64xf32, #tpu.memory_space<vmem>> -> memref<1x64xf32, #tpu.memory_space<vmem>>
        %get3A_534 = tpu.memref_squeeze %get3A_533 : memref<1x64xf32, #tpu.memory_space<vmem>> -> memref<64xf32, #tpu.memory_space<vmem>>
        %get3A_535 = arith.constant 48 : index
        %get3A_536 = tpu.vector_load %get3A_534[%get3A_535] {strides = array<i32>} : memref<64xf32, #tpu.memory_space<vmem>>, vector<16xf32>,
        %get3A_537 = arith.constant 0 : i32
        %get3A_538 = tpu.memref_slice %arg13[%add3A_498, %get3A_537] : memref<80x64xf32, #tpu.memory_space<vmem>> -> memref<1x64xf32, #tpu.memory_space<vmem>>
        %get3A_539 = tpu.memref_squeeze %get3A_538 : memref<1x64xf32, #tpu.memory_space<vmem>> -> memref<64xf32, #tpu.memory_space<vmem>>
        %get3A_540 = arith.constant 48 : index
        %get3A_541 = tpu.vector_load %get3A_539[%get3A_540] {strides = array<i32>} : memref<64xf32, #tpu.memory_space<vmem>>, vector<16xf32>,
        %mul3A_542 = arith.mulf %get3A_536, %get3A_541 : vector<16xf32>
        %add3A_543 = arith.addf %mul3A_509, %mul3A_520 : vector<16xf32>
        %add3A_544 = arith.addf %mul3A_531, %mul3A_542 : vector<16xf32>
        %add3A_545 = arith.addf %add3A_543, %add3A_544 : vector<16xf32>
        %swap3A_546 = arith.constant 6 : i32
        %swap3A_547 = arith.index_cast %swap3A_546 : i32 to index
        %swap3A_548 = arith.constant 0 : index
        %swap3A_549 = tpu.vector_load %arg15[%swap3A_547, %swap3A_548] {strides = array<i32>} : memref<16x16xf32, #tpu.memory_space<vmem>>, vector<16xf32>,
        tpu.vector_store %arg15[%swap3A_547, %swap3A_548], %add3A_545 {strides = array<i32>} : memref<16x16xf32, #tpu.memory_space<vmem>>, vector<16xf32>,
        %mul3A_550 = arith.constant 16 : i32
        %mul3A_551 = arith.muli %scan3A_136, %mul3A_550 : i32
        %add3A_552 = arith.constant 7 : i32
        %add3A_553 = arith.addi %mul3A_551, %add3A_552 : i32
        %mul3A_554 = arith.constant 16 : i32
        %mul3A_555 = arith.muli %scan3A_136, %mul3A_554 : i32
        %add3A_556 = arith.constant 7 : i32
        %add3A_557 = arith.addi %mul3A_555, %add3A_556 : i32
        %get3A_558 = arith.constant 0 : i32
        %get3A_559 = tpu.memref_slice %arg12[%add3A_553, %get3A_558] : memref<80x64xf32, #tpu.memory_space<vmem>> -> memref<1x64xf32, #tpu.memory_space<vmem>>
        %get3A_560 = tpu.memref_squeeze %get3A_559 : memref<1x64xf32, #tpu.memory_space<vmem>> -> memref<64xf32, #tpu.memory_space<vmem>>
        %get3A_561 = arith.constant 0 : index
        %get3A_562 = tpu.vector_load %get3A_560[%get3A_561] {strides = array<i32>} : memref<64xf32, #tpu.memory_space<vmem>>, vector<16xf32>,
        %get3A_563 = arith.constant 0 : i32
        %get3A_564 = tpu.memref_slice %arg13[%add3A_557, %get3A_563] : memref<80x64xf32, #tpu.memory_space<vmem>> -> memref<1x64xf32, #tpu.memory_space<vmem>>
        %get3A_565 = tpu.memref_squeeze %get3A_564 : memref<1x64xf32, #tpu.memory_space<vmem>> -> memref<64xf32, #tpu.memory_space<vmem>>
        %get3A_566 = arith.constant 0 : index
        %get3A_567 = tpu.vector_load %get3A_565[%get3A_566] {strides = array<i32>} : memref<64xf32, #tpu.memory_space<vmem>>, vector<16xf32>,
        %mul3A_568 = arith.mulf %get3A_562, %get3A_567 : vector<16xf32>
        %get3A_569 = arith.constant 0 : i32
        %get3A_570 = tpu.memref_slice %arg12[%add3A_553, %get3A_569] : memref<80x64xf32, #tpu.memory_space<vmem>> -> memref<1x64xf32, #tpu.memory_space<vmem>>
        %get3A_571 = tpu.memref_squeeze %get3A_570 : memref<1x64xf32, #tpu.memory_space<vmem>> -> memref<64xf32, #tpu.memory_space<vmem>>
        %get3A_572 = arith.constant 16 : index
        %get3A_573 = tpu.vector_load %get3A_571[%get3A_572] {strides = array<i32>} : memref<64xf32, #tpu.memory_space<vmem>>, vector<16xf32>,
        %get3A_574 = arith.constant 0 : i32
        %get3A_575 = tpu.memref_slice %arg13[%add3A_557, %get3A_574] : memref<80x64xf32, #tpu.memory_space<vmem>> -> memref<1x64xf32, #tpu.memory_space<vmem>>
        %get3A_576 = tpu.memref_squeeze %get3A_575 : memref<1x64xf32, #tpu.memory_space<vmem>> -> memref<64xf32, #tpu.memory_space<vmem>>
        %get3A_577 = arith.constant 16 : index
        %get3A_578 = tpu.vector_load %get3A_576[%get3A_577] {strides = array<i32>} : memref<64xf32, #tpu.memory_space<vmem>>, vector<16xf32>,
        %mul3A_579 = arith.mulf %get3A_573, %get3A_578 : vector<16xf32>
        %get3A_580 = arith.constant 0 : i32
        %get3A_581 = tpu.memref_slice %arg12[%add3A_553, %get3A_580] : memref<80x64xf32, #tpu.memory_space<vmem>> -> memref<1x64xf32, #tpu.memory_space<vmem>>
        %get3A_582 = tpu.memref_squeeze %get3A_581 : memref<1x64xf32, #tpu.memory_space<vmem>> -> memref<64xf32, #tpu.memory_space<vmem>>
        %get3A_583 = arith.constant 32 : index
        %get3A_584 = tpu.vector_load %get3A_582[%get3A_583] {strides = array<i32>} : memref<64xf32, #tpu.memory_space<vmem>>, vector<16xf32>,
        %get3A_585 = arith.constant 0 : i32
        %get3A_586 = tpu.memref_slice %arg13[%add3A_557, %get3A_585] : memref<80x64xf32, #tpu.memory_space<vmem>> -> memref<1x64xf32, #tpu.memory_space<vmem>>
        %get3A_587 = tpu.memref_squeeze %get3A_586 : memref<1x64xf32, #tpu.memory_space<vmem>> -> memref<64xf32, #tpu.memory_space<vmem>>
        %get3A_588 = arith.constant 32 : index
        %get3A_589 = tpu.vector_load %get3A_587[%get3A_588] {strides = array<i32>} : memref<64xf32, #tpu.memory_space<vmem>>, vector<16xf32>,
        %mul3A_590 = arith.mulf %get3A_584, %get3A_589 : vector<16xf32>
        %get3A_591 = arith.constant 0 : i32
        %get3A_592 = tpu.memref_slice %arg12[%add3A_553, %get3A_591] : memref<80x64xf32, #tpu.memory_space<vmem>> -> memref<1x64xf32, #tpu.memory_space<vmem>>
        %get3A_593 = tpu.memref_squeeze %get3A_592 : memref<1x64xf32, #tpu.memory_space<vmem>> -> memref<64xf32, #tpu.memory_space<vmem>>
        %get3A_594 = arith.constant 48 : index
        %get3A_595 = tpu.vector_load %get3A_593[%get3A_594] {strides = array<i32>} : memref<64xf32, #tpu.memory_space<vmem>>, vector<16xf32>,
        %get3A_596 = arith.constant 0 : i32
        %get3A_597 = tpu.memref_slice %arg13[%add3A_557, %get3A_596] : memref<80x64xf32, #tpu.memory_space<vmem>> -> memref<1x64xf32, #tpu.memory_space<vmem>>
        %get3A_598 = tpu.memref_squeeze %get3A_597 : memref<1x64xf32, #tpu.memory_space<vmem>> -> memref<64xf32, #tpu.memory_space<vmem>>
        %get3A_599 = arith.constant 48 : index
        %get3A_600 = tpu.vector_load %get3A_598[%get3A_599] {strides = array<i32>} : memref<64xf32, #tpu.memory_space<vmem>>, vector<16xf32>,
        %mul3A_601 = arith.mulf %get3A_595, %get3A_600 : vector<16xf32>
        %add3A_602 = arith.addf %mul3A_568, %mul3A_579 : vector<16xf32>
        %add3A_603 = arith.addf %mul3A_590, %mul3A_601 : vector<16xf32>
        %add3A_604 = arith.addf %add3A_602, %add3A_603 : vector<16xf32>
        %swap3A_605 = arith.constant 7 : i32
        %swap3A_606 = arith.index_cast %swap3A_605 : i32 to index
        %swap3A_607 = arith.constant 0 : index
        %swap3A_608 = tpu.vector_load %arg15[%swap3A_606, %swap3A_607] {strides = array<i32>} : memref<16x16xf32, #tpu.memory_space<vmem>>, vector<16xf32>,
        tpu.vector_store %arg15[%swap3A_606, %swap3A_607], %add3A_604 {strides = array<i32>} : memref<16x16xf32, #tpu.memory_space<vmem>>, vector<16xf32>,
        %mul3A_609 = arith.constant 16 : i32
        %mul3A_610 = arith.muli %scan3A_136, %mul3A_609 : i32
        %add3A_611 = arith.constant 8 : i32
        %add3A_612 = arith.addi %mul3A_610, %add3A_611 : i32
        %mul3A_613 = arith.constant 16 : i32
        %mul3A_614 = arith.muli %scan3A_136, %mul3A_613 : i32
        %add3A_615 = arith.constant 8 : i32
        %add3A_616 = arith.addi %mul3A_614, %add3A_615 : i32
        %get3A_617 = arith.constant 0 : i32
        %get3A_618 = tpu.memref_slice %arg12[%add3A_612, %get3A_617] : memref<80x64xf32, #tpu.memory_space<vmem>> -> memref<1x64xf32, #tpu.memory_space<vmem>>
        %get3A_619 = tpu.memref_squeeze %get3A_618 : memref<1x64xf32, #tpu.memory_space<vmem>> -> memref<64xf32, #tpu.memory_space<vmem>>
        %get3A_620 = arith.constant 0 : index
        %get3A_621 = tpu.vector_load %get3A_619[%get3A_620] {strides = array<i32>} : memref<64xf32, #tpu.memory_space<vmem>>, vector<16xf32>,
        %get3A_622 = arith.constant 0 : i32
        %get3A_623 = tpu.memref_slice %arg13[%add3A_616, %get3A_622] : memref<80x64xf32, #tpu.memory_space<vmem>> -> memref<1x64xf32, #tpu.memory_space<vmem>>
        %get3A_624 = tpu.memref_squeeze %get3A_623 : memref<1x64xf32, #tpu.memory_space<vmem>> -> memref<64xf32, #tpu.memory_space<vmem>>
        %get3A_625 = arith.constant 0 : index
        %get3A_626 = tpu.vector_load %get3A_624[%get3A_625] {strides = array<i32>} : memref<64xf32, #tpu.memory_space<vmem>>, vector<16xf32>,
        %mul3A_627 = arith.mulf %get3A_621, %get3A_626 : vector<16xf32>
        %get3A_628 = arith.constant 0 : i32
        %get3A_629 = tpu.memref_slice %arg12[%add3A_612, %get3A_628] : memref<80x64xf32, #tpu.memory_space<vmem>> -> memref<1x64xf32, #tpu.memory_space<vmem>>
        %get3A_630 = tpu.memref_squeeze %get3A_629 : memref<1x64xf32, #tpu.memory_space<vmem>> -> memref<64xf32, #tpu.memory_space<vmem>>
        %get3A_631 = arith.constant 16 : index
        %get3A_632 = tpu.vector_load %get3A_630[%get3A_631] {strides = array<i32>} : memref<64xf32, #tpu.memory_space<vmem>>, vector<16xf32>,
        %get3A_633 = arith.constant 0 : i32
        %get3A_634 = tpu.memref_slice %arg13[%add3A_616, %get3A_633] : memref<80x64xf32, #tpu.memory_space<vmem>> -> memref<1x64xf32, #tpu.memory_space<vmem>>
        %get3A_635 = tpu.memref_squeeze %get3A_634 : memref<1x64xf32, #tpu.memory_space<vmem>> -> memref<64xf32, #tpu.memory_space<vmem>>
        %get3A_636 = arith.constant 16 : index
        %get3A_637 = tpu.vector_load %get3A_635[%get3A_636] {strides = array<i32>} : memref<64xf32, #tpu.memory_space<vmem>>, vector<16xf32>,
        %mul3A_638 = arith.mulf %get3A_632, %get3A_637 : vector<16xf32>
        %get3A_639 = arith.constant 0 : i32
        %get3A_640 = tpu.memref_slice %arg12[%add3A_612, %get3A_639] : memref<80x64xf32, #tpu.memory_space<vmem>> -> memref<1x64xf32, #tpu.memory_space<vmem>>
        %get3A_641 = tpu.memref_squeeze %get3A_640 : memref<1x64xf32, #tpu.memory_space<vmem>> -> memref<64xf32, #tpu.memory_space<vmem>>
        %get3A_642 = arith.constant 32 : index
        %get3A_643 = tpu.vector_load %get3A_641[%get3A_642] {strides = array<i32>} : memref<64xf32, #tpu.memory_space<vmem>>, vector<16xf32>,
        %get3A_644 = arith.constant 0 : i32
        %get3A_645 = tpu.memref_slice %arg13[%add3A_616, %get3A_644] : memref<80x64xf32, #tpu.memory_space<vmem>> -> memref<1x64xf32, #tpu.memory_space<vmem>>
        %get3A_646 = tpu.memref_squeeze %get3A_645 : memref<1x64xf32, #tpu.memory_space<vmem>> -> memref<64xf32, #tpu.memory_space<vmem>>
        %get3A_647 = arith.constant 32 : index
        %get3A_648 = tpu.vector_load %get3A_646[%get3A_647] {strides = array<i32>} : memref<64xf32, #tpu.memory_space<vmem>>, vector<16xf32>,
        %mul3A_649 = arith.mulf %get3A_643, %get3A_648 : vector<16xf32>
        %get3A_650 = arith.constant 0 : i32
        %get3A_651 = tpu.memref_slice %arg12[%add3A_612, %get3A_650] : memref<80x64xf32, #tpu.memory_space<vmem>> -> memref<1x64xf32, #tpu.memory_space<vmem>>
        %get3A_652 = tpu.memref_squeeze %get3A_651 : memref<1x64xf32, #tpu.memory_space<vmem>> -> memref<64xf32, #tpu.memory_space<vmem>>
        %get3A_653 = arith.constant 48 : index
        %get3A_654 = tpu.vector_load %get3A_652[%get3A_653] {strides = array<i32>} : memref<64xf32, #tpu.memory_space<vmem>>, vector<16xf32>,
        %get3A_655 = arith.constant 0 : i32
        %get3A_656 = tpu.memref_slice %arg13[%add3A_616, %get3A_655] : memref<80x64xf32, #tpu.memory_space<vmem>> -> memref<1x64xf32, #tpu.memory_space<vmem>>
        %get3A_657 = tpu.memref_squeeze %get3A_656 : memref<1x64xf32, #tpu.memory_space<vmem>> -> memref<64xf32, #tpu.memory_space<vmem>>
        %get3A_658 = arith.constant 48 : index
        %get3A_659 = tpu.vector_load %get3A_657[%get3A_658] {strides = array<i32>} : memref<64xf32, #tpu.memory_space<vmem>>, vector<16xf32>,
        %mul3A_660 = arith.mulf %get3A_654, %get3A_659 : vector<16xf32>
        %add3A_661 = arith.addf %mul3A_627, %mul3A_638 : vector<16xf32>
        %add3A_662 = arith.addf %mul3A_649, %mul3A_660 : vector<16xf32>
        %add3A_663 = arith.addf %add3A_661, %add3A_662 : vector<16xf32>
        %swap3A_664 = arith.constant 8 : i32
        %swap3A_665 = arith.index_cast %swap3A_664 : i32 to index
        %swap3A_666 = arith.constant 0 : index
        %swap3A_667 = tpu.vector_load %arg15[%swap3A_665, %swap3A_666] {strides = array<i32>} : memref<16x16xf32, #tpu.memory_space<vmem>>, vector<16xf32>,
        tpu.vector_store %arg15[%swap3A_665, %swap3A_666], %add3A_663 {strides = array<i32>} : memref<16x16xf32, #tpu.memory_space<vmem>>, vector<16xf32>,
        %mul3A_668 = arith.constant 16 : i32
        %mul3A_669 = arith.muli %scan3A_136, %mul3A_668 : i32
        %add3A_670 = arith.constant 9 : i32
        %add3A_671 = arith.addi %mul3A_669, %add3A_670 : i32
        %mul3A_672 = arith.constant 16 : i32
        %mul3A_673 = arith.muli %scan3A_136, %mul3A_672 : i32
        %add3A_674 = arith.constant 9 : i32
        %add3A_675 = arith.addi %mul3A_673, %add3A_674 : i32
        %get3A_676 = arith.constant 0 : i32
        %get3A_677 = tpu.memref_slice %arg12[%add3A_671, %get3A_676] : memref<80x64xf32, #tpu.memory_space<vmem>> -> memref<1x64xf32, #tpu.memory_space<vmem>>
        %get3A_678 = tpu.memref_squeeze %get3A_677 : memref<1x64xf32, #tpu.memory_space<vmem>> -> memref<64xf32, #tpu.memory_space<vmem>>
        %get3A_679 = arith.constant 0 : index
        %get3A_680 = tpu.vector_load %get3A_678[%get3A_679] {strides = array<i32>} : memref<64xf32, #tpu.memory_space<vmem>>, vector<16xf32>,
        %get3A_681 = arith.constant 0 : i32
        %get3A_682 = tpu.memref_slice %arg13[%add3A_675, %get3A_681] : memref<80x64xf32, #tpu.memory_space<vmem>> -> memref<1x64xf32, #tpu.memory_space<vmem>>
        %get3A_683 = tpu.memref_squeeze %get3A_682 : memref<1x64xf32, #tpu.memory_space<vmem>> -> memref<64xf32, #tpu.memory_space<vmem>>
        %get3A_684 = arith.constant 0 : index
        %get3A_685 = tpu.vector_load %get3A_683[%get3A_684] {strides = array<i32>} : memref<64xf32, #tpu.memory_space<vmem>>, vector<16xf32>,
        %mul3A_686 = arith.mulf %get3A_680, %get3A_685 : vector<16xf32>
        %get3A_687 = arith.constant 0 : i32
        %get3A_688 = tpu.memref_slice %arg12[%add3A_671, %get3A_687] : memref<80x64xf32, #tpu.memory_space<vmem>> -> memref<1x64xf32, #tpu.memory_space<vmem>>
        %get3A_689 = tpu.memref_squeeze %get3A_688 : memref<1x64xf32, #tpu.memory_space<vmem>> -> memref<64xf32, #tpu.memory_space<vmem>>
        %get3A_690 = arith.constant 16 : index
        %get3A_691 = tpu.vector_load %get3A_689[%get3A_690] {strides = array<i32>} : memref<64xf32, #tpu.memory_space<vmem>>, vector<16xf32>,
        %get3A_692 = arith.constant 0 : i32
        %get3A_693 = tpu.memref_slice %arg13[%add3A_675, %get3A_692] : memref<80x64xf32, #tpu.memory_space<vmem>> -> memref<1x64xf32, #tpu.memory_space<vmem>>
        %get3A_694 = tpu.memref_squeeze %get3A_693 : memref<1x64xf32, #tpu.memory_space<vmem>> -> memref<64xf32, #tpu.memory_space<vmem>>
        %get3A_695 = arith.constant 16 : index
        %get3A_696 = tpu.vector_load %get3A_694[%get3A_695] {strides = array<i32>} : memref<64xf32, #tpu.memory_space<vmem>>, vector<16xf32>,
        %mul3A_697 = arith.mulf %get3A_691, %get3A_696 : vector<16xf32>
        %get3A_698 = arith.constant 0 : i32
        %get3A_699 = tpu.memref_slice %arg12[%add3A_671, %get3A_698] : memref<80x64xf32, #tpu.memory_space<vmem>> -> memref<1x64xf32, #tpu.memory_space<vmem>>
        %get3A_700 = tpu.memref_squeeze %get3A_699 : memref<1x64xf32, #tpu.memory_space<vmem>> -> memref<64xf32, #tpu.memory_space<vmem>>
        %get3A_701 = arith.constant 32 : index
        %get3A_702 = tpu.vector_load %get3A_700[%get3A_701] {strides = array<i32>} : memref<64xf32, #tpu.memory_space<vmem>>, vector<16xf32>,
        %get3A_703 = arith.constant 0 : i32
        %get3A_704 = tpu.memref_slice %arg13[%add3A_675, %get3A_703] : memref<80x64xf32, #tpu.memory_space<vmem>> -> memref<1x64xf32, #tpu.memory_space<vmem>>
        %get3A_705 = tpu.memref_squeeze %get3A_704 : memref<1x64xf32, #tpu.memory_space<vmem>> -> memref<64xf32, #tpu.memory_space<vmem>>
        %get3A_706 = arith.constant 32 : index
        %get3A_707 = tpu.vector_load %get3A_705[%get3A_706] {strides = array<i32>} : memref<64xf32, #tpu.memory_space<vmem>>, vector<16xf32>,
        %mul3A_708 = arith.mulf %get3A_702, %get3A_707 : vector<16xf32>
        %get3A_709 = arith.constant 0 : i32
        %get3A_710 = tpu.memref_slice %arg12[%add3A_671, %get3A_709] : memref<80x64xf32, #tpu.memory_space<vmem>> -> memref<1x64xf32, #tpu.memory_space<vmem>>
        %get3A_711 = tpu.memref_squeeze %get3A_710 : memref<1x64xf32, #tpu.memory_space<vmem>> -> memref<64xf32, #tpu.memory_space<vmem>>
        %get3A_712 = arith.constant 48 : index
        %get3A_713 = tpu.vector_load %get3A_711[%get3A_712] {strides = array<i32>} : memref<64xf32, #tpu.memory_space<vmem>>, vector<16xf32>,
        %get3A_714 = arith.constant 0 : i32
        %get3A_715 = tpu.memref_slice %arg13[%add3A_675, %get3A_714] : memref<80x64xf32, #tpu.memory_space<vmem>> -> memref<1x64xf32, #tpu.memory_space<vmem>>
        %get3A_716 = tpu.memref_squeeze %get3A_715 : memref<1x64xf32, #tpu.memory_space<vmem>> -> memref<64xf32, #tpu.memory_space<vmem>>
        %get3A_717 = arith.constant 48 : index
        %get3A_718 = tpu.vector_load %get3A_716[%get3A_717] {strides = array<i32>} : memref<64xf32, #tpu.memory_space<vmem>>, vector<16xf32>,
        %mul3A_719 = arith.mulf %get3A_713, %get3A_718 : vector<16xf32>
        %add3A_720 = arith.addf %mul3A_686, %mul3A_697 : vector<16xf32>
        %add3A_721 = arith.addf %mul3A_708, %mul3A_719 : vector<16xf32>
        %add3A_722 = arith.addf %add3A_720, %add3A_721 : vector<16xf32>
        %swap3A_723 = arith.constant 9 : i32
        %swap3A_724 = arith.index_cast %swap3A_723 : i32 to index
        %swap3A_725 = arith.constant 0 : index
        %swap3A_726 = tpu.vector_load %arg15[%swap3A_724, %swap3A_725] {strides = array<i32>} : memref<16x16xf32, #tpu.memory_space<vmem>>, vector<16xf32>,
        tpu.vector_store %arg15[%swap3A_724, %swap3A_725], %add3A_722 {strides = array<i32>} : memref<16x16xf32, #tpu.memory_space<vmem>>, vector<16xf32>,
        %mul3A_727 = arith.constant 16 : i32
        %mul3A_728 = arith.muli %scan3A_136, %mul3A_727 : i32
        %add3A_729 = arith.constant 10 : i32
        %add3A_730 = arith.addi %mul3A_728, %add3A_729 : i32
        %mul3A_731 = arith.constant 16 : i32
        %mul3A_732 = arith.muli %scan3A_136, %mul3A_731 : i32
        %add3A_733 = arith.constant 10 : i32
        %add3A_734 = arith.addi %mul3A_732, %add3A_733 : i32
        %get3A_735 = arith.constant 0 : i32
        %get3A_736 = tpu.memref_slice %arg12[%add3A_730, %get3A_735] : memref<80x64xf32, #tpu.memory_space<vmem>> -> memref<1x64xf32, #tpu.memory_space<vmem>>
        %get3A_737 = tpu.memref_squeeze %get3A_736 : memref<1x64xf32, #tpu.memory_space<vmem>> -> memref<64xf32, #tpu.memory_space<vmem>>
        %get3A_738 = arith.constant 0 : index
        %get3A_739 = tpu.vector_load %get3A_737[%get3A_738] {strides = array<i32>} : memref<64xf32, #tpu.memory_space<vmem>>, vector<16xf32>,
        %get3A_740 = arith.constant 0 : i32
        %get3A_741 = tpu.memref_slice %arg13[%add3A_734, %get3A_740] : memref<80x64xf32, #tpu.memory_space<vmem>> -> memref<1x64xf32, #tpu.memory_space<vmem>>
        %get3A_742 = tpu.memref_squeeze %get3A_741 : memref<1x64xf32, #tpu.memory_space<vmem>> -> memref<64xf32, #tpu.memory_space<vmem>>
        %get3A_743 = arith.constant 0 : index
        %get3A_744 = tpu.vector_load %get3A_742[%get3A_743] {strides = array<i32>} : memref<64xf32, #tpu.memory_space<vmem>>, vector<16xf32>,
        %mul3A_745 = arith.mulf %get3A_739, %get3A_744 : vector<16xf32>
        %get3A_746 = arith.constant 0 : i32
        %get3A_747 = tpu.memref_slice %arg12[%add3A_730, %get3A_746] : memref<80x64xf32, #tpu.memory_space<vmem>> -> memref<1x64xf32, #tpu.memory_space<vmem>>
        %get3A_748 = tpu.memref_squeeze %get3A_747 : memref<1x64xf32, #tpu.memory_space<vmem>> -> memref<64xf32, #tpu.memory_space<vmem>>
        %get3A_749 = arith.constant 16 : index
        %get3A_750 = tpu.vector_load %get3A_748[%get3A_749] {strides = array<i32>} : memref<64xf32, #tpu.memory_space<vmem>>, vector<16xf32>,
        %get3A_751 = arith.constant 0 : i32
        %get3A_752 = tpu.memref_slice %arg13[%add3A_734, %get3A_751] : memref<80x64xf32, #tpu.memory_space<vmem>> -> memref<1x64xf32, #tpu.memory_space<vmem>>
        %get3A_753 = tpu.memref_squeeze %get3A_752 : memref<1x64xf32, #tpu.memory_space<vmem>> -> memref<64xf32, #tpu.memory_space<vmem>>
        %get3A_754 = arith.constant 16 : index
        %get3A_755 = tpu.vector_load %get3A_753[%get3A_754] {strides = array<i32>} : memref<64xf32, #tpu.memory_space<vmem>>, vector<16xf32>,
        %mul3A_756 = arith.mulf %get3A_750, %get3A_755 : vector<16xf32>
        %get3A_757 = arith.constant 0 : i32
        %get3A_758 = tpu.memref_slice %arg12[%add3A_730, %get3A_757] : memref<80x64xf32, #tpu.memory_space<vmem>> -> memref<1x64xf32, #tpu.memory_space<vmem>>
        %get3A_759 = tpu.memref_squeeze %get3A_758 : memref<1x64xf32, #tpu.memory_space<vmem>> -> memref<64xf32, #tpu.memory_space<vmem>>
        %get3A_760 = arith.constant 32 : index
        %get3A_761 = tpu.vector_load %get3A_759[%get3A_760] {strides = array<i32>} : memref<64xf32, #tpu.memory_space<vmem>>, vector<16xf32>,
        %get3A_762 = arith.constant 0 : i32
        %get3A_763 = tpu.memref_slice %arg13[%add3A_734, %get3A_762] : memref<80x64xf32, #tpu.memory_space<vmem>> -> memref<1x64xf32, #tpu.memory_space<vmem>>
        %get3A_764 = tpu.memref_squeeze %get3A_763 : memref<1x64xf32, #tpu.memory_space<vmem>> -> memref<64xf32, #tpu.memory_space<vmem>>
        %get3A_765 = arith.constant 32 : index
        %get3A_766 = tpu.vector_load %get3A_764[%get3A_765] {strides = array<i32>} : memref<64xf32, #tpu.memory_space<vmem>>, vector<16xf32>,
        %mul3A_767 = arith.mulf %get3A_761, %get3A_766 : vector<16xf32>
        %get3A_768 = arith.constant 0 : i32
        %get3A_769 = tpu.memref_slice %arg12[%add3A_730, %get3A_768] : memref<80x64xf32, #tpu.memory_space<vmem>> -> memref<1x64xf32, #tpu.memory_space<vmem>>
        %get3A_770 = tpu.memref_squeeze %get3A_769 : memref<1x64xf32, #tpu.memory_space<vmem>> -> memref<64xf32, #tpu.memory_space<vmem>>
        %get3A_771 = arith.constant 48 : index
        %get3A_772 = tpu.vector_load %get3A_770[%get3A_771] {strides = array<i32>} : memref<64xf32, #tpu.memory_space<vmem>>, vector<16xf32>,
        %get3A_773 = arith.constant 0 : i32
        %get3A_774 = tpu.memref_slice %arg13[%add3A_734, %get3A_773] : memref<80x64xf32, #tpu.memory_space<vmem>> -> memref<1x64xf32, #tpu.memory_space<vmem>>
        %get3A_775 = tpu.memref_squeeze %get3A_774 : memref<1x64xf32, #tpu.memory_space<vmem>> -> memref<64xf32, #tpu.memory_space<vmem>>
        %get3A_776 = arith.constant 48 : index
        %get3A_777 = tpu.vector_load %get3A_775[%get3A_776] {strides = array<i32>} : memref<64xf32, #tpu.memory_space<vmem>>, vector<16xf32>,
        %mul3A_778 = arith.mulf %get3A_772, %get3A_777 : vector<16xf32>
        %add3A_779 = arith.addf %mul3A_745, %mul3A_756 : vector<16xf32>
        %add3A_780 = arith.addf %mul3A_767, %mul3A_778 : vector<16xf32>
        %add3A_781 = arith.addf %add3A_779, %add3A_780 : vector<16xf32>
        %swap3A_782 = arith.constant 10 : i32
        %swap3A_783 = arith.index_cast %swap3A_782 : i32 to index
        %swap3A_784 = arith.constant 0 : index
        %swap3A_785 = tpu.vector_load %arg15[%swap3A_783, %swap3A_784] {strides = array<i32>} : memref<16x16xf32, #tpu.memory_space<vmem>>, vector<16xf32>,
        tpu.vector_store %arg15[%swap3A_783, %swap3A_784], %add3A_781 {strides = array<i32>} : memref<16x16xf32, #tpu.memory_space<vmem>>, vector<16xf32>,
        %mul3A_786 = arith.constant 16 : i32
        %mul3A_787 = arith.muli %scan3A_136, %mul3A_786 : i32
        %add3A_788 = arith.constant 11 : i32
        %add3A_789 = arith.addi %mul3A_787, %add3A_788 : i32
        %mul3A_790 = arith.constant 16 : i32
        %mul3A_791 = arith.muli %scan3A_136, %mul3A_790 : i32
        %add3A_792 = arith.constant 11 : i32
        %add3A_793 = arith.addi %mul3A_791, %add3A_792 : i32
        %get3A_794 = arith.constant 0 : i32
        %get3A_795 = tpu.memref_slice %arg12[%add3A_789, %get3A_794] : memref<80x64xf32, #tpu.memory_space<vmem>> -> memref<1x64xf32, #tpu.memory_space<vmem>>
        %get3A_796 = tpu.memref_squeeze %get3A_795 : memref<1x64xf32, #tpu.memory_space<vmem>> -> memref<64xf32, #tpu.memory_space<vmem>>
        %get3A_797 = arith.constant 0 : index
        %get3A_798 = tpu.vector_load %get3A_796[%get3A_797] {strides = array<i32>} : memref<64xf32, #tpu.memory_space<vmem>>, vector<16xf32>,
        %get3A_799 = arith.constant 0 : i32
        %get3A_800 = tpu.memref_slice %arg13[%add3A_793, %get3A_799] : memref<80x64xf32, #tpu.memory_space<vmem>> -> memref<1x64xf32, #tpu.memory_space<vmem>>
        %get3A_801 = tpu.memref_squeeze %get3A_800 : memref<1x64xf32, #tpu.memory_space<vmem>> -> memref<64xf32, #tpu.memory_space<vmem>>
        %get3A_802 = arith.constant 0 : index
        %get3A_803 = tpu.vector_load %get3A_801[%get3A_802] {strides = array<i32>} : memref<64xf32, #tpu.memory_space<vmem>>, vector<16xf32>,
        %mul3A_804 = arith.mulf %get3A_798, %get3A_803 : vector<16xf32>
        %get3A_805 = arith.constant 0 : i32
        %get3A_806 = tpu.memref_slice %arg12[%add3A_789, %get3A_805] : memref<80x64xf32, #tpu.memory_space<vmem>> -> memref<1x64xf32, #tpu.memory_space<vmem>>
        %get3A_807 = tpu.memref_squeeze %get3A_806 : memref<1x64xf32, #tpu.memory_space<vmem>> -> memref<64xf32, #tpu.memory_space<vmem>>
        %get3A_808 = arith.constant 16 : index
        %get3A_809 = tpu.vector_load %get3A_807[%get3A_808] {strides = array<i32>} : memref<64xf32, #tpu.memory_space<vmem>>, vector<16xf32>,
        %get3A_810 = arith.constant 0 : i32
        %get3A_811 = tpu.memref_slice %arg13[%add3A_793, %get3A_810] : memref<80x64xf32, #tpu.memory_space<vmem>> -> memref<1x64xf32, #tpu.memory_space<vmem>>
        %get3A_812 = tpu.memref_squeeze %get3A_811 : memref<1x64xf32, #tpu.memory_space<vmem>> -> memref<64xf32, #tpu.memory_space<vmem>>
        %get3A_813 = arith.constant 16 : index
        %get3A_814 = tpu.vector_load %get3A_812[%get3A_813] {strides = array<i32>} : memref<64xf32, #tpu.memory_space<vmem>>, vector<16xf32>,
        %mul3A_815 = arith.mulf %get3A_809, %get3A_814 : vector<16xf32>
        %get3A_816 = arith.constant 0 : i32
        %get3A_817 = tpu.memref_slice %arg12[%add3A_789, %get3A_816] : memref<80x64xf32, #tpu.memory_space<vmem>> -> memref<1x64xf32, #tpu.memory_space<vmem>>
        %get3A_818 = tpu.memref_squeeze %get3A_817 : memref<1x64xf32, #tpu.memory_space<vmem>> -> memref<64xf32, #tpu.memory_space<vmem>>
        %get3A_819 = arith.constant 32 : index
        %get3A_820 = tpu.vector_load %get3A_818[%get3A_819] {strides = array<i32>} : memref<64xf32, #tpu.memory_space<vmem>>, vector<16xf32>,
        %get3A_821 = arith.constant 0 : i32
        %get3A_822 = tpu.memref_slice %arg13[%add3A_793, %get3A_821] : memref<80x64xf32, #tpu.memory_space<vmem>> -> memref<1x64xf32, #tpu.memory_space<vmem>>
        %get3A_823 = tpu.memref_squeeze %get3A_822 : memref<1x64xf32, #tpu.memory_space<vmem>> -> memref<64xf32, #tpu.memory_space<vmem>>
        %get3A_824 = arith.constant 32 : index
        %get3A_825 = tpu.vector_load %get3A_823[%get3A_824] {strides = array<i32>} : memref<64xf32, #tpu.memory_space<vmem>>, vector<16xf32>,
        %mul3A_826 = arith.mulf %get3A_820, %get3A_825 : vector<16xf32>
        %get3A_827 = arith.constant 0 : i32
        %get3A_828 = tpu.memref_slice %arg12[%add3A_789, %get3A_827] : memref<80x64xf32, #tpu.memory_space<vmem>> -> memref<1x64xf32, #tpu.memory_space<vmem>>
        %get3A_829 = tpu.memref_squeeze %get3A_828 : memref<1x64xf32, #tpu.memory_space<vmem>> -> memref<64xf32, #tpu.memory_space<vmem>>
        %get3A_830 = arith.constant 48 : index
        %get3A_831 = tpu.vector_load %get3A_829[%get3A_830] {strides = array<i32>} : memref<64xf32, #tpu.memory_space<vmem>>, vector<16xf32>,
        %get3A_832 = arith.constant 0 : i32
        %get3A_833 = tpu.memref_slice %arg13[%add3A_793, %get3A_832] : memref<80x64xf32, #tpu.memory_space<vmem>> -> memref<1x64xf32, #tpu.memory_space<vmem>>
        %get3A_834 = tpu.memref_squeeze %get3A_833 : memref<1x64xf32, #tpu.memory_space<vmem>> -> memref<64xf32, #tpu.memory_space<vmem>>
        %get3A_835 = arith.constant 48 : index
        %get3A_836 = tpu.vector_load %get3A_834[%get3A_835] {strides = array<i32>} : memref<64xf32, #tpu.memory_space<vmem>>, vector<16xf32>,
        %mul3A_837 = arith.mulf %get3A_831, %get3A_836 : vector<16xf32>
        %add3A_838 = arith.addf %mul3A_804, %mul3A_815 : vector<16xf32>
        %add3A_839 = arith.addf %mul3A_826, %mul3A_837 : vector<16xf32>
        %add3A_840 = arith.addf %add3A_838, %add3A_839 : vector<16xf32>
        %swap3A_841 = arith.constant 11 : i32
        %swap3A_842 = arith.index_cast %swap3A_841 : i32 to index
        %swap3A_843 = arith.constant 0 : index
        %swap3A_844 = tpu.vector_load %arg15[%swap3A_842, %swap3A_843] {strides = array<i32>} : memref<16x16xf32, #tpu.memory_space<vmem>>, vector<16xf32>,
        tpu.vector_store %arg15[%swap3A_842, %swap3A_843], %add3A_840 {strides = array<i32>} : memref<16x16xf32, #tpu.memory_space<vmem>>, vector<16xf32>,
        %mul3A_845 = arith.constant 16 : i32
        %mul3A_846 = arith.muli %scan3A_136, %mul3A_845 : i32
        %add3A_847 = arith.constant 12 : i32
        %add3A_848 = arith.addi %mul3A_846, %add3A_847 : i32
        %mul3A_849 = arith.constant 16 : i32
        %mul3A_850 = arith.muli %scan3A_136, %mul3A_849 : i32
        %add3A_851 = arith.constant 12 : i32
        %add3A_852 = arith.addi %mul3A_850, %add3A_851 : i32
        %get3A_853 = arith.constant 0 : i32
        %get3A_854 = tpu.memref_slice %arg12[%add3A_848, %get3A_853] : memref<80x64xf32, #tpu.memory_space<vmem>> -> memref<1x64xf32, #tpu.memory_space<vmem>>
        %get3A_855 = tpu.memref_squeeze %get3A_854 : memref<1x64xf32, #tpu.memory_space<vmem>> -> memref<64xf32, #tpu.memory_space<vmem>>
        %get3A_856 = arith.constant 0 : index
        %get3A_857 = tpu.vector_load %get3A_855[%get3A_856] {strides = array<i32>} : memref<64xf32, #tpu.memory_space<vmem>>, vector<16xf32>,
        %get3A_858 = arith.constant 0 : i32
        %get3A_859 = tpu.memref_slice %arg13[%add3A_852, %get3A_858] : memref<80x64xf32, #tpu.memory_space<vmem>> -> memref<1x64xf32, #tpu.memory_space<vmem>>
        %get3A_860 = tpu.memref_squeeze %get3A_859 : memref<1x64xf32, #tpu.memory_space<vmem>> -> memref<64xf32, #tpu.memory_space<vmem>>
        %get3A_861 = arith.constant 0 : index
        %get3A_862 = tpu.vector_load %get3A_860[%get3A_861] {strides = array<i32>} : memref<64xf32, #tpu.memory_space<vmem>>, vector<16xf32>,
        %mul3A_863 = arith.mulf %get3A_857, %get3A_862 : vector<16xf32>
        %get3A_864 = arith.constant 0 : i32
        %get3A_865 = tpu.memref_slice %arg12[%add3A_848, %get3A_864] : memref<80x64xf32, #tpu.memory_space<vmem>> -> memref<1x64xf32, #tpu.memory_space<vmem>>
        %get3A_866 = tpu.memref_squeeze %get3A_865 : memref<1x64xf32, #tpu.memory_space<vmem>> -> memref<64xf32, #tpu.memory_space<vmem>>
        %get3A_867 = arith.constant 16 : index
        %get3A_868 = tpu.vector_load %get3A_866[%get3A_867] {strides = array<i32>} : memref<64xf32, #tpu.memory_space<vmem>>, vector<16xf32>,
        %get3A_869 = arith.constant 0 : i32
        %get3A_870 = tpu.memref_slice %arg13[%add3A_852, %get3A_869] : memref<80x64xf32, #tpu.memory_space<vmem>> -> memref<1x64xf32, #tpu.memory_space<vmem>>
        %get3A_871 = tpu.memref_squeeze %get3A_870 : memref<1x64xf32, #tpu.memory_space<vmem>> -> memref<64xf32, #tpu.memory_space<vmem>>
        %get3A_872 = arith.constant 16 : index
        %get3A_873 = tpu.vector_load %get3A_871[%get3A_872] {strides = array<i32>} : memref<64xf32, #tpu.memory_space<vmem>>, vector<16xf32>,
        %mul3A_874 = arith.mulf %get3A_868, %get3A_873 : vector<16xf32>
        %get3A_875 = arith.constant 0 : i32
        %get3A_876 = tpu.memref_slice %arg12[%add3A_848, %get3A_875] : memref<80x64xf32, #tpu.memory_space<vmem>> -> memref<1x64xf32, #tpu.memory_space<vmem>>
        %get3A_877 = tpu.memref_squeeze %get3A_876 : memref<1x64xf32, #tpu.memory_space<vmem>> -> memref<64xf32, #tpu.memory_space<vmem>>
        %get3A_878 = arith.constant 32 : index
        %get3A_879 = tpu.vector_load %get3A_877[%get3A_878] {strides = array<i32>} : memref<64xf32, #tpu.memory_space<vmem>>, vector<16xf32>,
        %get3A_880 = arith.constant 0 : i32
        %get3A_881 = tpu.memref_slice %arg13[%add3A_852, %get3A_880] : memref<80x64xf32, #tpu.memory_space<vmem>> -> memref<1x64xf32, #tpu.memory_space<vmem>>
        %get3A_882 = tpu.memref_squeeze %get3A_881 : memref<1x64xf32, #tpu.memory_space<vmem>> -> memref<64xf32, #tpu.memory_space<vmem>>
        %get3A_883 = arith.constant 32 : index
        %get3A_884 = tpu.vector_load %get3A_882[%get3A_883] {strides = array<i32>} : memref<64xf32, #tpu.memory_space<vmem>>, vector<16xf32>,
        %mul3A_885 = arith.mulf %get3A_879, %get3A_884 : vector<16xf32>
        %get3A_886 = arith.constant 0 : i32
        %get3A_887 = tpu.memref_slice %arg12[%add3A_848, %get3A_886] : memref<80x64xf32, #tpu.memory_space<vmem>> -> memref<1x64xf32, #tpu.memory_space<vmem>>
        %get3A_888 = tpu.memref_squeeze %get3A_887 : memref<1x64xf32, #tpu.memory_space<vmem>> -> memref<64xf32, #tpu.memory_space<vmem>>
        %get3A_889 = arith.constant 48 : index
        %get3A_890 = tpu.vector_load %get3A_888[%get3A_889] {strides = array<i32>} : memref<64xf32, #tpu.memory_space<vmem>>, vector<16xf32>,
        %get3A_891 = arith.constant 0 : i32
        %get3A_892 = tpu.memref_slice %arg13[%add3A_852, %get3A_891] : memref<80x64xf32, #tpu.memory_space<vmem>> -> memref<1x64xf32, #tpu.memory_space<vmem>>
        %get3A_893 = tpu.memref_squeeze %get3A_892 : memref<1x64xf32, #tpu.memory_space<vmem>> -> memref<64xf32, #tpu.memory_space<vmem>>
        %get3A_894 = arith.constant 48 : index
        %get3A_895 = tpu.vector_load %get3A_893[%get3A_894] {strides = array<i32>} : memref<64xf32, #tpu.memory_space<vmem>>, vector<16xf32>,
        %mul3A_896 = arith.mulf %get3A_890, %get3A_895 : vector<16xf32>
        %add3A_897 = arith.addf %mul3A_863, %mul3A_874 : vector<16xf32>
        %add3A_898 = arith.addf %mul3A_885, %mul3A_896 : vector<16xf32>
        %add3A_899 = arith.addf %add3A_897, %add3A_898 : vector<16xf32>
        %swap3A_900 = arith.constant 12 : i32
        %swap3A_901 = arith.index_cast %swap3A_900 : i32 to index
        %swap3A_902 = arith.constant 0 : index
        %swap3A_903 = tpu.vector_load %arg15[%swap3A_901, %swap3A_902] {strides = array<i32>} : memref<16x16xf32, #tpu.memory_space<vmem>>, vector<16xf32>,
        tpu.vector_store %arg15[%swap3A_901, %swap3A_902], %add3A_899 {strides = array<i32>} : memref<16x16xf32, #tpu.memory_space<vmem>>, vector<16xf32>,
        %mul3A_904 = arith.constant 16 : i32
        %mul3A_905 = arith.muli %scan3A_136, %mul3A_904 : i32
        %add3A_906 = arith.constant 13 : i32
        %add3A_907 = arith.addi %mul3A_905, %add3A_906 : i32
        %mul3A_908 = arith.constant 16 : i32
        %mul3A_909 = arith.muli %scan3A_136, %mul3A_908 : i32
        %add3A_910 = arith.constant 13 : i32
        %add3A_911 = arith.addi %mul3A_909, %add3A_910 : i32
        %get3A_912 = arith.constant 0 : i32
        %get3A_913 = tpu.memref_slice %arg12[%add3A_907, %get3A_912] : memref<80x64xf32, #tpu.memory_space<vmem>> -> memref<1x64xf32, #tpu.memory_space<vmem>>
        %get3A_914 = tpu.memref_squeeze %get3A_913 : memref<1x64xf32, #tpu.memory_space<vmem>> -> memref<64xf32, #tpu.memory_space<vmem>>
        %get3A_915 = arith.constant 0 : index
        %get3A_916 = tpu.vector_load %get3A_914[%get3A_915] {strides = array<i32>} : memref<64xf32, #tpu.memory_space<vmem>>, vector<16xf32>,
        %get3A_917 = arith.constant 0 : i32
        %get3A_918 = tpu.memref_slice %arg13[%add3A_911, %get3A_917] : memref<80x64xf32, #tpu.memory_space<vmem>> -> memref<1x64xf32, #tpu.memory_space<vmem>>
        %get3A_919 = tpu.memref_squeeze %get3A_918 : memref<1x64xf32, #tpu.memory_space<vmem>> -> memref<64xf32, #tpu.memory_space<vmem>>
        %get3A_920 = arith.constant 0 : index
        %get3A_921 = tpu.vector_load %get3A_919[%get3A_920] {strides = array<i32>} : memref<64xf32, #tpu.memory_space<vmem>>, vector<16xf32>,
        %mul3A_922 = arith.mulf %get3A_916, %get3A_921 : vector<16xf32>
        %get3A_923 = arith.constant 0 : i32
        %get3A_924 = tpu.memref_slice %arg12[%add3A_907, %get3A_923] : memref<80x64xf32, #tpu.memory_space<vmem>> -> memref<1x64xf32, #tpu.memory_space<vmem>>
        %get3A_925 = tpu.memref_squeeze %get3A_924 : memref<1x64xf32, #tpu.memory_space<vmem>> -> memref<64xf32, #tpu.memory_space<vmem>>
        %get3A_926 = arith.constant 16 : index
        %get3A_927 = tpu.vector_load %get3A_925[%get3A_926] {strides = array<i32>} : memref<64xf32, #tpu.memory_space<vmem>>, vector<16xf32>,
        %get3A_928 = arith.constant 0 : i32
        %get3A_929 = tpu.memref_slice %arg13[%add3A_911, %get3A_928] : memref<80x64xf32, #tpu.memory_space<vmem>> -> memref<1x64xf32, #tpu.memory_space<vmem>>
        %get3A_930 = tpu.memref_squeeze %get3A_929 : memref<1x64xf32, #tpu.memory_space<vmem>> -> memref<64xf32, #tpu.memory_space<vmem>>
        %get3A_931 = arith.constant 16 : index
        %get3A_932 = tpu.vector_load %get3A_930[%get3A_931] {strides = array<i32>} : memref<64xf32, #tpu.memory_space<vmem>>, vector<16xf32>,
        %mul3A_933 = arith.mulf %get3A_927, %get3A_932 : vector<16xf32>
        %get3A_934 = arith.constant 0 : i32
        %get3A_935 = tpu.memref_slice %arg12[%add3A_907, %get3A_934] : memref<80x64xf32, #tpu.memory_space<vmem>> -> memref<1x64xf32, #tpu.memory_space<vmem>>
        %get3A_936 = tpu.memref_squeeze %get3A_935 : memref<1x64xf32, #tpu.memory_space<vmem>> -> memref<64xf32, #tpu.memory_space<vmem>>
        %get3A_937 = arith.constant 32 : index
        %get3A_938 = tpu.vector_load %get3A_936[%get3A_937] {strides = array<i32>} : memref<64xf32, #tpu.memory_space<vmem>>, vector<16xf32>,
        %get3A_939 = arith.constant 0 : i32
        %get3A_940 = tpu.memref_slice %arg13[%add3A_911, %get3A_939] : memref<80x64xf32, #tpu.memory_space<vmem>> -> memref<1x64xf32, #tpu.memory_space<vmem>>
        %get3A_941 = tpu.memref_squeeze %get3A_940 : memref<1x64xf32, #tpu.memory_space<vmem>> -> memref<64xf32, #tpu.memory_space<vmem>>
        %get3A_942 = arith.constant 32 : index
        %get3A_943 = tpu.vector_load %get3A_941[%get3A_942] {strides = array<i32>} : memref<64xf32, #tpu.memory_space<vmem>>, vector<16xf32>,
        %mul3A_944 = arith.mulf %get3A_938, %get3A_943 : vector<16xf32>
        %get3A_945 = arith.constant 0 : i32
        %get3A_946 = tpu.memref_slice %arg12[%add3A_907, %get3A_945] : memref<80x64xf32, #tpu.memory_space<vmem>> -> memref<1x64xf32, #tpu.memory_space<vmem>>
        %get3A_947 = tpu.memref_squeeze %get3A_946 : memref<1x64xf32, #tpu.memory_space<vmem>> -> memref<64xf32, #tpu.memory_space<vmem>>
        %get3A_948 = arith.constant 48 : index
        %get3A_949 = tpu.vector_load %get3A_947[%get3A_948] {strides = array<i32>} : memref<64xf32, #tpu.memory_space<vmem>>, vector<16xf32>,
        %get3A_950 = arith.constant 0 : i32
        %get3A_951 = tpu.memref_slice %arg13[%add3A_911, %get3A_950] : memref<80x64xf32, #tpu.memory_space<vmem>> -> memref<1x64xf32, #tpu.memory_space<vmem>>
        %get3A_952 = tpu.memref_squeeze %get3A_951 : memref<1x64xf32, #tpu.memory_space<vmem>> -> memref<64xf32, #tpu.memory_space<vmem>>
        %get3A_953 = arith.constant 48 : index
        %get3A_954 = tpu.vector_load %get3A_952[%get3A_953] {strides = array<i32>} : memref<64xf32, #tpu.memory_space<vmem>>, vector<16xf32>,
        %mul3A_955 = arith.mulf %get3A_949, %get3A_954 : vector<16xf32>
        %add3A_956 = arith.addf %mul3A_922, %mul3A_933 : vector<16xf32>
        %add3A_957 = arith.addf %mul3A_944, %mul3A_955 : vector<16xf32>
        %add3A_958 = arith.addf %add3A_956, %add3A_957 : vector<16xf32>
        %swap3A_959 = arith.constant 13 : i32
        %swap3A_960 = arith.index_cast %swap3A_959 : i32 to index
        %swap3A_961 = arith.constant 0 : index
        %swap3A_962 = tpu.vector_load %arg15[%swap3A_960, %swap3A_961] {strides = array<i32>} : memref<16x16xf32, #tpu.memory_space<vmem>>, vector<16xf32>,
        tpu.vector_store %arg15[%swap3A_960, %swap3A_961], %add3A_958 {strides = array<i32>} : memref<16x16xf32, #tpu.memory_space<vmem>>, vector<16xf32>,
        %mul3A_963 = arith.constant 16 : i32
        %mul3A_964 = arith.muli %scan3A_136, %mul3A_963 : i32
        %add3A_965 = arith.constant 14 : i32
        %add3A_966 = arith.addi %mul3A_964, %add3A_965 : i32
        %mul3A_967 = arith.constant 16 : i32
        %mul3A_968 = arith.muli %scan3A_136, %mul3A_967 : i32
        %add3A_969 = arith.constant 14 : i32
        %add3A_970 = arith.addi %mul3A_968, %add3A_969 : i32
        %get3A_971 = arith.constant 0 : i32
        %get3A_972 = tpu.memref_slice %arg12[%add3A_966, %get3A_971] : memref<80x64xf32, #tpu.memory_space<vmem>> -> memref<1x64xf32, #tpu.memory_space<vmem>>
        %get3A_973 = tpu.memref_squeeze %get3A_972 : memref<1x64xf32, #tpu.memory_space<vmem>> -> memref<64xf32, #tpu.memory_space<vmem>>
        %get3A_974 = arith.constant 0 : index
        %get3A_975 = tpu.vector_load %get3A_973[%get3A_974] {strides = array<i32>} : memref<64xf32, #tpu.memory_space<vmem>>, vector<16xf32>,
        %get3A_976 = arith.constant 0 : i32
        %get3A_977 = tpu.memref_slice %arg13[%add3A_970, %get3A_976] : memref<80x64xf32, #tpu.memory_space<vmem>> -> memref<1x64xf32, #tpu.memory_space<vmem>>
        %get3A_978 = tpu.memref_squeeze %get3A_977 : memref<1x64xf32, #tpu.memory_space<vmem>> -> memref<64xf32, #tpu.memory_space<vmem>>
        %get3A_979 = arith.constant 0 : index
        %get3A_980 = tpu.vector_load %get3A_978[%get3A_979] {strides = array<i32>} : memref<64xf32, #tpu.memory_space<vmem>>, vector<16xf32>,
        %mul3A_981 = arith.mulf %get3A_975, %get3A_980 : vector<16xf32>
        %get3A_982 = arith.constant 0 : i32
        %get3A_983 = tpu.memref_slice %arg12[%add3A_966, %get3A_982] : memref<80x64xf32, #tpu.memory_space<vmem>> -> memref<1x64xf32, #tpu.memory_space<vmem>>
        %get3A_984 = tpu.memref_squeeze %get3A_983 : memref<1x64xf32, #tpu.memory_space<vmem>> -> memref<64xf32, #tpu.memory_space<vmem>>
        %get3A_985 = arith.constant 16 : index
        %get3A_986 = tpu.vector_load %get3A_984[%get3A_985] {strides = array<i32>} : memref<64xf32, #tpu.memory_space<vmem>>, vector<16xf32>,
        %get3A_987 = arith.constant 0 : i32
        %get3A_988 = tpu.memref_slice %arg13[%add3A_970, %get3A_987] : memref<80x64xf32, #tpu.memory_space<vmem>> -> memref<1x64xf32, #tpu.memory_space<vmem>>
        %get3A_989 = tpu.memref_squeeze %get3A_988 : memref<1x64xf32, #tpu.memory_space<vmem>> -> memref<64xf32, #tpu.memory_space<vmem>>
        %get3A_990 = arith.constant 16 : index
        %get3A_991 = tpu.vector_load %get3A_989[%get3A_990] {strides = array<i32>} : memref<64xf32, #tpu.memory_space<vmem>>, vector<16xf32>,
        %mul3A_992 = arith.mulf %get3A_986, %get3A_991 : vector<16xf32>
        %get3A_993 = arith.constant 0 : i32
        %get3A_994 = tpu.memref_slice %arg12[%add3A_966, %get3A_993] : memref<80x64xf32, #tpu.memory_space<vmem>> -> memref<1x64xf32, #tpu.memory_space<vmem>>
        %get3A_995 = tpu.memref_squeeze %get3A_994 : memref<1x64xf32, #tpu.memory_space<vmem>> -> memref<64xf32, #tpu.memory_space<vmem>>
        %get3A_996 = arith.constant 32 : index
        %get3A_997 = tpu.vector_load %get3A_995[%get3A_996] {strides = array<i32>} : memref<64xf32, #tpu.memory_space<vmem>>, vector<16xf32>,
        %get3A_998 = arith.constant 0 : i32
        %get3A_999 = tpu.memref_slice %arg13[%add3A_970, %get3A_998] : memref<80x64xf32, #tpu.memory_space<vmem>> -> memref<1x64xf32, #tpu.memory_space<vmem>>
        %get3A_1000 = tpu.memref_squeeze %get3A_999 : memref<1x64xf32, #tpu.memory_space<vmem>> -> memref<64xf32, #tpu.memory_space<vmem>>
        %get3A_1001 = arith.constant 32 : index
        %get3A_1002 = tpu.vector_load %get3A_1000[%get3A_1001] {strides = array<i32>} : memref<64xf32, #tpu.memory_space<vmem>>, vector<16xf32>,
        %mul3A_1003 = arith.mulf %get3A_997, %get3A_1002 : vector<16xf32>
        %get3A_1004 = arith.constant 0 : i32
        %get3A_1005 = tpu.memref_slice %arg12[%add3A_966, %get3A_1004] : memref<80x64xf32, #tpu.memory_space<vmem>> -> memref<1x64xf32, #tpu.memory_space<vmem>>
        %get3A_1006 = tpu.memref_squeeze %get3A_1005 : memref<1x64xf32, #tpu.memory_space<vmem>> -> memref<64xf32, #tpu.memory_space<vmem>>
        %get3A_1007 = arith.constant 48 : index
        %get3A_1008 = tpu.vector_load %get3A_1006[%get3A_1007] {strides = array<i32>} : memref<64xf32, #tpu.memory_space<vmem>>, vector<16xf32>,
        %get3A_1009 = arith.constant 0 : i32
        %get3A_1010 = tpu.memref_slice %arg13[%add3A_970, %get3A_1009] : memref<80x64xf32, #tpu.memory_space<vmem>> -> memref<1x64xf32, #tpu.memory_space<vmem>>
        %get3A_1011 = tpu.memref_squeeze %get3A_1010 : memref<1x64xf32, #tpu.memory_space<vmem>> -> memref<64xf32, #tpu.memory_space<vmem>>
        %get3A_1012 = arith.constant 48 : index
        %get3A_1013 = tpu.vector_load %get3A_1011[%get3A_1012] {strides = array<i32>} : memref<64xf32, #tpu.memory_space<vmem>>, vector<16xf32>,
        %mul3A_1014 = arith.mulf %get3A_1008, %get3A_1013 : vector<16xf32>
        %add3A_1015 = arith.addf %mul3A_981, %mul3A_992 : vector<16xf32>
        %add3A_1016 = arith.addf %mul3A_1003, %mul3A_1014 : vector<16xf32>
        %add3A_1017 = arith.addf %add3A_1015, %add3A_1016 : vector<16xf32>
        %swap3A_1018 = arith.constant 14 : i32
        %swap3A_1019 = arith.index_cast %swap3A_1018 : i32 to index
        %swap3A_1020 = arith.constant 0 : index
        %swap3A_1021 = tpu.vector_load %arg15[%swap3A_1019, %swap3A_1020] {strides = array<i32>} : memref<16x16xf32, #tpu.memory_space<vmem>>, vector<16xf32>,
        tpu.vector_store %arg15[%swap3A_1019, %swap3A_1020], %add3A_1017 {strides = array<i32>} : memref<16x16xf32, #tpu.memory_space<vmem>>, vector<16xf32>,
        %mul3A_1022 = arith.constant 16 : i32
        %mul3A_1023 = arith.muli %scan3A_136, %mul3A_1022 : i32
        %add3A_1024 = arith.constant 15 : i32
        %add3A_1025 = arith.addi %mul3A_1023, %add3A_1024 : i32
        %mul3A_1026 = arith.constant 16 : i32
        %mul3A_1027 = arith.muli %scan3A_136, %mul3A_1026 : i32
        %add3A_1028 = arith.constant 15 : i32
        %add3A_1029 = arith.addi %mul3A_1027, %add3A_1028 : i32
        %get3A_1030 = arith.constant 0 : i32
        %get3A_1031 = tpu.memref_slice %arg12[%add3A_1025, %get3A_1030] : memref<80x64xf32, #tpu.memory_space<vmem>> -> memref<1x64xf32, #tpu.memory_space<vmem>>
        %get3A_1032 = tpu.memref_squeeze %get3A_1031 : memref<1x64xf32, #tpu.memory_space<vmem>> -> memref<64xf32, #tpu.memory_space<vmem>>
        %get3A_1033 = arith.constant 0 : index
        %get3A_1034 = tpu.vector_load %get3A_1032[%get3A_1033] {strides = array<i32>} : memref<64xf32, #tpu.memory_space<vmem>>, vector<16xf32>,
        %get3A_1035 = arith.constant 0 : i32
        %get3A_1036 = tpu.memref_slice %arg13[%add3A_1029, %get3A_1035] : memref<80x64xf32, #tpu.memory_space<vmem>> -> memref<1x64xf32, #tpu.memory_space<vmem>>
        %get3A_1037 = tpu.memref_squeeze %get3A_1036 : memref<1x64xf32, #tpu.memory_space<vmem>> -> memref<64xf32, #tpu.memory_space<vmem>>
        %get3A_1038 = arith.constant 0 : index
        %get3A_1039 = tpu.vector_load %get3A_1037[%get3A_1038] {strides = array<i32>} : memref<64xf32, #tpu.memory_space<vmem>>, vector<16xf32>,
        %mul3A_1040 = arith.mulf %get3A_1034, %get3A_1039 : vector<16xf32>
        %get3A_1041 = arith.constant 0 : i32
        %get3A_1042 = tpu.memref_slice %arg12[%add3A_1025, %get3A_1041] : memref<80x64xf32, #tpu.memory_space<vmem>> -> memref<1x64xf32, #tpu.memory_space<vmem>>
        %get3A_1043 = tpu.memref_squeeze %get3A_1042 : memref<1x64xf32, #tpu.memory_space<vmem>> -> memref<64xf32, #tpu.memory_space<vmem>>
        %get3A_1044 = arith.constant 16 : index
        %get3A_1045 = tpu.vector_load %get3A_1043[%get3A_1044] {strides = array<i32>} : memref<64xf32, #tpu.memory_space<vmem>>, vector<16xf32>,
        %get3A_1046 = arith.constant 0 : i32
        %get3A_1047 = tpu.memref_slice %arg13[%add3A_1029, %get3A_1046] : memref<80x64xf32, #tpu.memory_space<vmem>> -> memref<1x64xf32, #tpu.memory_space<vmem>>
        %get3A_1048 = tpu.memref_squeeze %get3A_1047 : memref<1x64xf32, #tpu.memory_space<vmem>> -> memref<64xf32, #tpu.memory_space<vmem>>
        %get3A_1049 = arith.constant 16 : index
        %get3A_1050 = tpu.vector_load %get3A_1048[%get3A_1049] {strides = array<i32>} : memref<64xf32, #tpu.memory_space<vmem>>, vector<16xf32>,
        %mul3A_1051 = arith.mulf %get3A_1045, %get3A_1050 : vector<16xf32>
        %get3A_1052 = arith.constant 0 : i32
        %get3A_1053 = tpu.memref_slice %arg12[%add3A_1025, %get3A_1052] : memref<80x64xf32, #tpu.memory_space<vmem>> -> memref<1x64xf32, #tpu.memory_space<vmem>>
        %get3A_1054 = tpu.memref_squeeze %get3A_1053 : memref<1x64xf32, #tpu.memory_space<vmem>> -> memref<64xf32, #tpu.memory_space<vmem>>
        %get3A_1055 = arith.constant 32 : index
        %get3A_1056 = tpu.vector_load %get3A_1054[%get3A_1055] {strides = array<i32>} : memref<64xf32, #tpu.memory_space<vmem>>, vector<16xf32>,
        %get3A_1057 = arith.constant 0 : i32
        %get3A_1058 = tpu.memref_slice %arg13[%add3A_1029, %get3A_1057] : memref<80x64xf32, #tpu.memory_space<vmem>> -> memref<1x64xf32, #tpu.memory_space<vmem>>
        %get3A_1059 = tpu.memref_squeeze %get3A_1058 : memref<1x64xf32, #tpu.memory_space<vmem>> -> memref<64xf32, #tpu.memory_space<vmem>>
        %get3A_1060 = arith.constant 32 : index
        %get3A_1061 = tpu.vector_load %get3A_1059[%get3A_1060] {strides = array<i32>} : memref<64xf32, #tpu.memory_space<vmem>>, vector<16xf32>,
        %mul3A_1062 = arith.mulf %get3A_1056, %get3A_1061 : vector<16xf32>
        %get3A_1063 = arith.constant 0 : i32
        %get3A_1064 = tpu.memref_slice %arg12[%add3A_1025, %get3A_1063] : memref<80x64xf32, #tpu.memory_space<vmem>> -> memref<1x64xf32, #tpu.memory_space<vmem>>
        %get3A_1065 = tpu.memref_squeeze %get3A_1064 : memref<1x64xf32, #tpu.memory_space<vmem>> -> memref<64xf32, #tpu.memory_space<vmem>>
        %get3A_1066 = arith.constant 48 : index
        %get3A_1067 = tpu.vector_load %get3A_1065[%get3A_1066] {strides = array<i32>} : memref<64xf32, #tpu.memory_space<vmem>>, vector<16xf32>,
        %get3A_1068 = arith.constant 0 : i32
        %get3A_1069 = tpu.memref_slice %arg13[%add3A_1029, %get3A_1068] : memref<80x64xf32, #tpu.memory_space<vmem>> -> memref<1x64xf32, #tpu.memory_space<vmem>>
        %get3A_1070 = tpu.memref_squeeze %get3A_1069 : memref<1x64xf32, #tpu.memory_space<vmem>> -> memref<64xf32, #tpu.memory_space<vmem>>
        %get3A_1071 = arith.constant 48 : index
        %get3A_1072 = tpu.vector_load %get3A_1070[%get3A_1071] {strides = array<i32>} : memref<64xf32, #tpu.memory_space<vmem>>, vector<16xf32>,
        %mul3A_1073 = arith.mulf %get3A_1067, %get3A_1072 : vector<16xf32>
        %add3A_1074 = arith.addf %mul3A_1040, %mul3A_1051 : vector<16xf32>
        %add3A_1075 = arith.addf %mul3A_1062, %mul3A_1073 : vector<16xf32>
        %add3A_1076 = arith.addf %add3A_1074, %add3A_1075 : vector<16xf32>
        %swap3A_1077 = arith.constant 15 : i32
        %swap3A_1078 = arith.index_cast %swap3A_1077 : i32 to index
        %swap3A_1079 = arith.constant 0 : index
        %swap3A_1080 = tpu.vector_load %arg15[%swap3A_1078, %swap3A_1079] {strides = array<i32>} : memref<16x16xf32, #tpu.memory_space<vmem>>, vector<16xf32>,
        tpu.vector_store %arg15[%swap3A_1078, %swap3A_1079], %add3A_1076 {strides = array<i32>} : memref<16x16xf32, #tpu.memory_space<vmem>>, vector<16xf32>,
        %broadcast_in_dim3A = arith.constant 0 : i32
        %broadcast_in_dim3A_1081 = vector.broadcast %broadcast_in_dim3A : i32 to vector<16xi32>
        %gather3A = tpu.vector_load_idx %arg15[%iota3A, %broadcast_in_dim3A_1081] : memref<16x16xf32, #tpu.memory_space<vmem>>[vector<16xi32>, vector<16xi32>], vector<16xf32>,
        %add3A_1082 = arith.addf %get3A_3, %gather3A : vector<16xf32>
        %broadcast_in_dim3A_1083 = arith.constant 1 : i32
        %broadcast_in_dim3A_1084 = vector.broadcast %broadcast_in_dim3A_1083 : i32 to vector<16xi32>
        %gather3A_1085 = tpu.vector_load_idx %arg15[%iota3A, %broadcast_in_dim3A_1084] : memref<16x16xf32, #tpu.memory_space<vmem>>[vector<16xi32>, vector<16xi32>], vector<16xf32>,
        %add3A_1086 = arith.addf %add3A_1082, %gather3A_1085 : vector<16xf32>
        %broadcast_in_dim3A_1087 = arith.constant 2 : i32
        %broadcast_in_dim3A_1088 = vector.broadcast %broadcast_in_dim3A_1087 : i32 to vector<16xi32>
        %gather3A_1089 = tpu.vector_load_idx %arg15[%iota3A, %broadcast_in_dim3A_1088] : memref<16x16xf32, #tpu.memory_space<vmem>>[vector<16xi32>, vector<16xi32>], vector<16xf32>,
        %add3A_1090 = arith.addf %add3A_1086, %gather3A_1089 : vector<16xf32>
        %broadcast_in_dim3A_1091 = arith.constant 3 : i32
        %broadcast_in_dim3A_1092 = vector.broadcast %broadcast_in_dim3A_1091 : i32 to vector<16xi32>
        %gather3A_1093 = tpu.vector_load_idx %arg15[%iota3A, %broadcast_in_dim3A_1092] : memref<16x16xf32, #tpu.memory_space<vmem>>[vector<16xi32>, vector<16xi32>], vector<16xf32>,
        %add3A_1094 = arith.addf %add3A_1090, %gather3A_1093 : vector<16xf32>
        %broadcast_in_dim3A_1095 = arith.constant 4 : i32
        %broadcast_in_dim3A_1096 = vector.broadcast %broadcast_in_dim3A_1095 : i32 to vector<16xi32>
        %gather3A_1097 = tpu.vector_load_idx %arg15[%iota3A, %broadcast_in_dim3A_1096] : memref<16x16xf32, #tpu.memory_space<vmem>>[vector<16xi32>, vector<16xi32>], vector<16xf32>,
        %add3A_1098 = arith.addf %add3A_1094, %gather3A_1097 : vector<16xf32>
        %broadcast_in_dim3A_1099 = arith.constant 5 : i32
        %broadcast_in_dim3A_1100 = vector.broadcast %broadcast_in_dim3A_1099 : i32 to vector<16xi32>
        %gather3A_1101 = tpu.vector_load_idx %arg15[%iota3A, %broadcast_in_dim3A_1100] : memref<16x16xf32, #tpu.memory_space<vmem>>[vector<16xi32>, vector<16xi32>], vector<16xf32>,
        %add3A_1102 = arith.addf %add3A_1098, %gather3A_1101 : vector<16xf32>
        %broadcast_in_dim3A_1103 = arith.constant 6 : i32
        %broadcast_in_dim3A_1104 = vector.broadcast %broadcast_in_dim3A_1103 : i32 to vector<16xi32>
        %gather3A_1105 = tpu.vector_load_idx %arg15[%iota3A, %broadcast_in_dim3A_1104] : memref<16x16xf32, #tpu.memory_space<vmem>>[vector<16xi32>, vector<16xi32>], vector<16xf32>,
        %add3A_1106 = arith.addf %add3A_1102, %gather3A_1105 : vector<16xf32>
        %broadcast_in_dim3A_1107 = arith.constant 7 : i32
        %broadcast_in_dim3A_1108 = vector.broadcast %broadcast_in_dim3A_1107 : i32 to vector<16xi32>
        %gather3A_1109 = tpu.vector_load_idx %arg15[%iota3A, %broadcast_in_dim3A_1108] : memref<16x16xf32, #tpu.memory_space<vmem>>[vector<16xi32>, vector<16xi32>], vector<16xf32>,
        %add3A_1110 = arith.addf %add3A_1106, %gather3A_1109 : vector<16xf32>
        %broadcast_in_dim3A_1111 = arith.constant 8 : i32
        %broadcast_in_dim3A_1112 = vector.broadcast %broadcast_in_dim3A_1111 : i32 to vector<16xi32>
        %gather3A_1113 = tpu.vector_load_idx %arg15[%iota3A, %broadcast_in_dim3A_1112] : memref<16x16xf32, #tpu.memory_space<vmem>>[vector<16xi32>, vector<16xi32>], vector<16xf32>,
        %add3A_1114 = arith.addf %add3A_1110, %gather3A_1113 : vector<16xf32>
        %broadcast_in_dim3A_1115 = arith.constant 9 : i32
        %broadcast_in_dim3A_1116 = vector.broadcast %broadcast_in_dim3A_1115 : i32 to vector<16xi32>
        %gather3A_1117 = tpu.vector_load_idx %arg15[%iota3A, %broadcast_in_dim3A_1116] : memref<16x16xf32, #tpu.memory_space<vmem>>[vector<16xi32>, vector<16xi32>], vector<16xf32>,
        %add3A_1118 = arith.addf %add3A_1114, %gather3A_1117 : vector<16xf32>
        %broadcast_in_dim3A_1119 = arith.constant 10 : i32
        %broadcast_in_dim3A_1120 = vector.broadcast %broadcast_in_dim3A_1119 : i32 to vector<16xi32>
        %gather3A_1121 = tpu.vector_load_idx %arg15[%iota3A, %broadcast_in_dim3A_1120] : memref<16x16xf32, #tpu.memory_space<vmem>>[vector<16xi32>, vector<16xi32>], vector<16xf32>,
        %add3A_1122 = arith.addf %add3A_1118, %gather3A_1121 : vector<16xf32>
        %broadcast_in_dim3A_1123 = arith.constant 11 : i32
        %broadcast_in_dim3A_1124 = vector.broadcast %broadcast_in_dim3A_1123 : i32 to vector<16xi32>
        %gather3A_1125 = tpu.vector_load_idx %arg15[%iota3A, %broadcast_in_dim3A_1124] : memref<16x16xf32, #tpu.memory_space<vmem>>[vector<16xi32>, vector<16xi32>], vector<16xf32>,
        %add3A_1126 = arith.addf %add3A_1122, %gather3A_1125 : vector<16xf32>
        %broadcast_in_dim3A_1127 = arith.constant 12 : i32
        %broadcast_in_dim3A_1128 = vector.broadcast %broadcast_in_dim3A_1127 : i32 to vector<16xi32>
        %gather3A_1129 = tpu.vector_load_idx %arg15[%iota3A, %broadcast_in_dim3A_1128] : memref<16x16xf32, #tpu.memory_space<vmem>>[vector<16xi32>, vector<16xi32>], vector<16xf32>,
        %add3A_1130 = arith.addf %add3A_1126, %gather3A_1129 : vector<16xf32>
        %broadcast_in_dim3A_1131 = arith.constant 13 : i32
        %broadcast_in_dim3A_1132 = vector.broadcast %broadcast_in_dim3A_1131 : i32 to vector<16xi32>
        %gather3A_1133 = tpu.vector_load_idx %arg15[%iota3A, %broadcast_in_dim3A_1132] : memref<16x16xf32, #tpu.memory_space<vmem>>[vector<16xi32>, vector<16xi32>], vector<16xf32>,
        %add3A_1134 = arith.addf %add3A_1130, %gather3A_1133 : vector<16xf32>
        %broadcast_in_dim3A_1135 = arith.constant 14 : i32
        %broadcast_in_dim3A_1136 = vector.broadcast %broadcast_in_dim3A_1135 : i32 to vector<16xi32>
        %gather3A_1137 = tpu.vector_load_idx %arg15[%iota3A, %broadcast_in_dim3A_1136] : memref<16x16xf32, #tpu.memory_space<vmem>>[vector<16xi32>, vector<16xi32>], vector<16xf32>,
        %add3A_1138 = arith.addf %add3A_1134, %gather3A_1137 : vector<16xf32>
        %broadcast_in_dim3A_1139 = arith.constant 15 : i32
        %broadcast_in_dim3A_1140 = vector.broadcast %broadcast_in_dim3A_1139 : i32 to vector<16xi32>
        %gather3A_1141 = tpu.vector_load_idx %arg15[%iota3A, %broadcast_in_dim3A_1140] : memref<16x16xf32, #tpu.memory_space<vmem>>[vector<16xi32>, vector<16xi32>], vector<16xf32>,
        %add3A_1142 = arith.addf %add3A_1138, %gather3A_1141 : vector<16xf32>
        %mul3A_1143 = arith.constant 80 : i32
        %mul3A_1144 = arith.muli %add3A_127, %mul3A_1143 : i32
        %mul3A_1145 = arith.constant 16 : i32
        %mul3A_1146 = arith.muli %scan3A_136, %mul3A_1145 : i32
        %add3A_1147 = arith.addi %mul3A_1144, %mul3A_1146 : i32
        %swap3A_1148 = arith.index_cast %add3A_1147 : i32 to index
        %swap3A_1149 = tpu.vector_load %arg14[%swap3A_1148] {strides = array<i32>} : memref<10000xf32, #tpu.memory_space<vmem>>, vector<16xf32>,
        tpu.vector_store %arg14[%swap3A_1148], %add3A_1142 {strides = array<i32>} : memref<10000xf32, #tpu.memory_space<vmem>>, vector<16xf32>,
        %scan3A_1150 = arith.constant 0 : i32
        scf.yield %scan3A_1150 : i32
      }
      %scan3A_134 = arith.constant 5 : i32
      %scan3A_135 = arith.constant 0 : i32
      scf.yield %scan3A_135 : i32
    }
    %scan3A_28 = arith.constant 62 : i32
    %dma_start3A_29 = arith.constant 124 : i32
    %dma_start3A_30 = arith.constant 0 : i32
    %dma_start3A_31 = tpu.memref_slice %arg8[%dma_start3A_29, %dma_start3A_30] : memref<125x80xi32, #tpu.memory_space<vmem>> -> memref<1x80xi32, #tpu.memory_space<vmem>>
    %dma_start3A_32 = tpu.memref_squeeze %dma_start3A_31 : memref<1x80xi32, #tpu.memory_space<vmem>> -> memref<80xi32, #tpu.memory_space<vmem>>
    %dma_start3A_33 = arith.constant 0 : i32
    %dma_start3A_34 = arith.constant 0 : i32
    %dma_start3A_35 = tpu.memref_slice %arg17[%dma_start3A_33, %dma_start3A_34] : memref<10000x64xf32, #tpu.memory_space<vmem_shared>> -> memref<10000x64xf32, #tpu.memory_space<vmem_shared>>
    tpu.enqueue_indirect_dma source(%dma_start3A_35 : memref<10000x64xf32, #tpu.memory_space<vmem_shared>>) target(%arg10 : memref<80x64xf32, #tpu.memory_space<vmem>>) offsets(%dma_start3A_32 : memref<80xi32, #tpu.memory_space<vmem>>) semaphore(%arg19 : memref<!tpu.dma_semaphore, #tpu.memory_space<semaphore_mem>>)
    %dma_start3A_36 = arith.constant 124 : i32
    %dma_start3A_37 = arith.constant 0 : i32
    %dma_start3A_38 = tpu.memref_slice %arg9[%dma_start3A_36, %dma_start3A_37] : memref<125x80xi32, #tpu.memory_space<vmem>> -> memref<1x80xi32, #tpu.memory_space<vmem>>
    %dma_start3A_39 = tpu.memref_squeeze %dma_start3A_38 : memref<1x80xi32, #tpu.memory_space<vmem>> -> memref<80xi32, #tpu.memory_space<vmem>>
    %dma_start3A_40 = arith.constant 0 : i32
    %dma_start3A_41 = arith.constant 0 : i32
    %dma_start3A_42 = tpu.memref_slice %arg18[%dma_start3A_40, %dma_start3A_41] : memref<10000x64xf32, #tpu.memory_space<vmem_shared>> -> memref<10000x64xf32, #tpu.memory_space<vmem_shared>>
    tpu.enqueue_indirect_dma source(%dma_start3A_42 : memref<10000x64xf32, #tpu.memory_space<vmem_shared>>) target(%arg11 : memref<80x64xf32, #tpu.memory_space<vmem>>) offsets(%dma_start3A_39 : memref<80xi32, #tpu.memory_space<vmem>>) semaphore(%arg19 : memref<!tpu.dma_semaphore, #tpu.memory_space<semaphore_mem>>)
    %dma_wait3A = arith.constant 0 : i32
    %dma_wait3A_43 = arith.constant 0 : i32
    %dma_wait3A_44 = tpu.memref_slice %arg8[%dma_wait3A, %dma_wait3A_43] : memref<125x80xi32, #tpu.memory_space<vmem>> -> memref<1x80xi32, #tpu.memory_space<vmem>>
    %dma_wait3A_45 = tpu.memref_squeeze %dma_wait3A_44 : memref<1x80xi32, #tpu.memory_space<vmem>> -> memref<80xi32, #tpu.memory_space<vmem>>
    %dma_wait3A_46 = arith.constant 0 : i32
    %dma_wait3A_47 = arith.constant 0 : i32
    %dma_wait3A_48 = tpu.memref_slice %arg17[%dma_wait3A_46, %dma_wait3A_47] : memref<10000x64xf32, #tpu.memory_space<vmem_shared>> -> memref<10000x64xf32, #tpu.memory_space<vmem_shared>>
    tpu.wait_indirect_dma semaphore(%arg19 : memref<!tpu.dma_semaphore, #tpu.memory_space<semaphore_mem>>) src(%dma_wait3A_48 : memref<10000x64xf32, #tpu.memory_space<vmem_shared>>) dst(%arg10 : memref<80x64xf32, #tpu.memory_space<vmem>>)
    %dma_wait3A_49 = arith.constant 0 : i32
    %dma_wait3A_50 = arith.constant 0 : i32
    %dma_wait3A_51 = tpu.memref_slice %arg9[%dma_wait3A_49, %dma_wait3A_50] : memref<125x80xi32, #tpu.memory_space<vmem>> -> memref<1x80xi32, #tpu.memory_space<vmem>>
    %dma_wait3A_52 = tpu.memref_squeeze %dma_wait3A_51 : memref<1x80xi32, #tpu.memory_space<vmem>> -> memref<80xi32, #tpu.memory_space<vmem>>
    %dma_wait3A_53 = arith.constant 0 : i32
    %dma_wait3A_54 = arith.constant 0 : i32
    %dma_wait3A_55 = tpu.memref_slice %arg18[%dma_wait3A_53, %dma_wait3A_54] : memref<10000x64xf32, #tpu.memory_space<vmem_shared>> -> memref<10000x64xf32, #tpu.memory_space<vmem_shared>>
    tpu.wait_indirect_dma semaphore(%arg19 : memref<!tpu.dma_semaphore, #tpu.memory_space<semaphore_mem>>) src(%dma_wait3A_55 : memref<10000x64xf32, #tpu.memory_space<vmem_shared>>) dst(%arg11 : memref<80x64xf32, #tpu.memory_space<vmem>>)
    %scan3A_56 = arith.constant 0 : i32
    %scan3A_57 = arith.constant 0 : i32
    %scan3A_58 = arith.constant 5 : i32
    %scan3A_59 = arith.addi %scan3A_57, %scan3A_58 : i32
    %scan3A_60 = arith.constant 1 : i32
    %scan3A_61 = scf.for %scan3A_68 = %scan3A_57 to %scan3A_59 step %scan3A_60 iter_args(%scan3A_69 = %scan3A_56) -> (i32)  : i32 {
      %mul3A_70 = arith.constant 16 : i32
      %mul3A_71 = arith.muli %scan3A_68, %mul3A_70 : i32
      %add3A_72 = arith.constant 0 : i32
      %add3A_73 = arith.addi %mul3A_71, %add3A_72 : i32
      %mul3A_74 = arith.constant 16 : i32
      %mul3A_75 = arith.muli %scan3A_68, %mul3A_74 : i32
      %add3A_76 = arith.constant 0 : i32
      %add3A_77 = arith.addi %mul3A_75, %add3A_76 : i32
      %get3A_78 = arith.constant 0 : i32
      %get3A_79 = tpu.memref_slice %arg10[%add3A_73, %get3A_78] : memref<80x64xf32, #tpu.memory_space<vmem>> -> memref<1x64xf32, #tpu.memory_space<vmem>>
      %get3A_80 = tpu.memref_squeeze %get3A_79 : memref<1x64xf32, #tpu.memory_space<vmem>> -> memref<64xf32, #tpu.memory_space<vmem>>
      %get3A_81 = arith.constant 0 : index
      %get3A_82 = tpu.vector_load %get3A_80[%get3A_81] {strides = array<i32>} : memref<64xf32, #tpu.memory_space<vmem>>, vector<16xf32>,
      %get3A_83 = arith.constant 0 : i32
      %get3A_84 = tpu.memref_slice %arg11[%add3A_77, %get3A_83] : memref<80x64xf32, #tpu.memory_space<vmem>> -> memref<1x64xf32, #tpu.memory_space<vmem>>
      %get3A_85 = tpu.memref_squeeze %get3A_84 : memref<1x64xf32, #tpu.memory_space<vmem>> -> memref<64xf32, #tpu.memory_space<vmem>>
      %get3A_86 = arith.constant 0 : index
      %get3A_87 = tpu.vector_load %get3A_85[%get3A_86] {strides = array<i32>} : memref<64xf32, #tpu.memory_space<vmem>>, vector<16xf32>,
      %mul3A_88 = arith.mulf %get3A_82, %get3A_87 : vector<16xf32>
      %get3A_89 = arith.constant 0 : i32
      %get3A_90 = tpu.memref_slice %arg10[%add3A_73, %get3A_89] : memref<80x64xf32, #tpu.memory_space<vmem>> -> memref<1x64xf32, #tpu.memory_space<vmem>>
      %get3A_91 = tpu.memref_squeeze %get3A_90 : memref<1x64xf32, #tpu.memory_space<vmem>> -> memref<64xf32, #tpu.memory_space<vmem>>
      %get3A_92 = arith.constant 16 : index
      %get3A_93 = tpu.vector_load %get3A_91[%get3A_92] {strides = array<i32>} : memref<64xf32, #tpu.memory_space<vmem>>, vector<16xf32>,
      %get3A_94 = arith.constant 0 : i32
      %get3A_95 = tpu.memref_slice %arg11[%add3A_77, %get3A_94] : memref<80x64xf32, #tpu.memory_space<vmem>> -> memref<1x64xf32, #tpu.memory_space<vmem>>
      %get3A_96 = tpu.memref_squeeze %get3A_95 : memref<1x64xf32, #tpu.memory_space<vmem>> -> memref<64xf32, #tpu.memory_space<vmem>>
      %get3A_97 = arith.constant 16 : index
      %get3A_98 = tpu.vector_load %get3A_96[%get3A_97] {strides = array<i32>} : memref<64xf32, #tpu.memory_space<vmem>>, vector<16xf32>,
      %mul3A_99 = arith.mulf %get3A_93, %get3A_98 : vector<16xf32>
      %get3A_100 = arith.constant 0 : i32
      %get3A_101 = tpu.memref_slice %arg10[%add3A_73, %get3A_100] : memref<80x64xf32, #tpu.memory_space<vmem>> -> memref<1x64xf32, #tpu.memory_space<vmem>>
      %get3A_102 = tpu.memref_squeeze %get3A_101 : memref<1x64xf32, #tpu.memory_space<vmem>> -> memref<64xf32, #tpu.memory_space<vmem>>
      %get3A_103 = arith.constant 32 : index
      %get3A_104 = tpu.vector_load %get3A_102[%get3A_103] {strides = array<i32>} : memref<64xf32, #tpu.memory_space<vmem>>, vector<16xf32>,
      %get3A_105 = arith.constant 0 : i32
      %get3A_106 = tpu.memref_slice %arg11[%add3A_77, %get3A_105] : memref<80x64xf32, #tpu.memory_space<vmem>> -> memref<1x64xf32, #tpu.memory_space<vmem>>
      %get3A_107 = tpu.memref_squeeze %get3A_106 : memref<1x64xf32, #tpu.memory_space<vmem>> -> memref<64xf32, #tpu.memory_space<vmem>>
      %get3A_108 = arith.constant 32 : index
      %get3A_109 = tpu.vector_load %get3A_107[%get3A_108] {strides = array<i32>} : memref<64xf32, #tpu.memory_space<vmem>>, vector<16xf32>,
      %mul3A_110 = arith.mulf %get3A_104, %get3A_109 : vector<16xf32>
      %get3A_111 = arith.constant 0 : i32
      %get3A_112 = tpu.memref_slice %arg10[%add3A_73, %get3A_111] : memref<80x64xf32, #tpu.memory_space<vmem>> -> memref<1x64xf32, #tpu.memory_space<vmem>>
      %get3A_113 = tpu.memref_squeeze %get3A_112 : memref<1x64xf32, #tpu.memory_space<vmem>> -> memref<64xf32, #tpu.memory_space<vmem>>
      %get3A_114 = arith.constant 48 : index
      %get3A_115 = tpu.vector_load %get3A_113[%get3A_114] {strides = array<i32>} : memref<64xf32, #tpu.memory_space<vmem>>, vector<16xf32>,
      %get3A_116 = arith.constant 0 : i32
      %get3A_117 = tpu.memref_slice %arg11[%add3A_77, %get3A_116] : memref<80x64xf32, #tpu.memory_space<vmem>> -> memref<1x64xf32, #tpu.memory_space<vmem>>
      %get3A_118 = tpu.memref_squeeze %get3A_117 : memref<1x64xf32, #tpu.memory_space<vmem>> -> memref<64xf32, #tpu.memory_space<vmem>>
      %get3A_119 = arith.constant 48 : index
      %get3A_120 = tpu.vector_load %get3A_118[%get3A_119] {strides = array<i32>} : memref<64xf32, #tpu.memory_space<vmem>>, vector<16xf32>,
      %mul3A_121 = arith.mulf %get3A_115, %get3A_120 : vector<16xf32>
      %add3A_122 = arith.addf %mul3A_88, %mul3A_99 : vector<16xf32>
      %add3A_123 = arith.addf %mul3A_110, %mul3A_121 : vector<16xf32>
      %add3A_124 = arith.addf %add3A_122, %add3A_123 : vector<16xf32>
      %swap3A = arith.constant 0 : i32
      %swap3A_125 = arith.index_cast %swap3A : i32 to index
      %swap3A_126 = arith.constant 0 : index
      %swap3A_127 = tpu.vector_load %arg15[%swap3A_125, %swap3A_126] {strides = array<i32>} : memref<16x16xf32, #tpu.memory_space<vmem>>, vector<16xf32>,
      tpu.vector_store %arg15[%swap3A_125, %swap3A_126], %add3A_124 {strides = array<i32>} : memref<16x16xf32, #tpu.memory_space<vmem>>, vector<16xf32>,
      %mul3A_128 = arith.constant 16 : i32
      %mul3A_129 = arith.muli %scan3A_68, %mul3A_128 : i32
      %add3A_130 = arith.constant 1 : i32
      %add3A_131 = arith.addi %mul3A_129, %add3A_130 : i32
      %mul3A_132 = arith.constant 16 : i32
      %mul3A_133 = arith.muli %scan3A_68, %mul3A_132 : i32
      %add3A_134 = arith.constant 1 : i32
      %add3A_135 = arith.addi %mul3A_133, %add3A_134 : i32
      %get3A_136 = arith.constant 0 : i32
      %get3A_137 = tpu.memref_slice %arg10[%add3A_131, %get3A_136] : memref<80x64xf32, #tpu.memory_space<vmem>> -> memref<1x64xf32, #tpu.memory_space<vmem>>
      %get3A_138 = tpu.memref_squeeze %get3A_137 : memref<1x64xf32, #tpu.memory_space<vmem>> -> memref<64xf32, #tpu.memory_space<vmem>>
      %get3A_139 = arith.constant 0 : index
      %get3A_140 = tpu.vector_load %get3A_138[%get3A_139] {strides = array<i32>} : memref<64xf32, #tpu.memory_space<vmem>>, vector<16xf32>,
      %get3A_141 = arith.constant 0 : i32
      %get3A_142 = tpu.memref_slice %arg11[%add3A_135, %get3A_141] : memref<80x64xf32, #tpu.memory_space<vmem>> -> memref<1x64xf32, #tpu.memory_space<vmem>>
      %get3A_143 = tpu.memref_squeeze %get3A_142 : memref<1x64xf32, #tpu.memory_space<vmem>> -> memref<64xf32, #tpu.memory_space<vmem>>
      %get3A_144 = arith.constant 0 : index
      %get3A_145 = tpu.vector_load %get3A_143[%get3A_144] {strides = array<i32>} : memref<64xf32, #tpu.memory_space<vmem>>, vector<16xf32>,
      %mul3A_146 = arith.mulf %get3A_140, %get3A_145 : vector<16xf32>
      %get3A_147 = arith.constant 0 : i32
      %get3A_148 = tpu.memref_slice %arg10[%add3A_131, %get3A_147] : memref<80x64xf32, #tpu.memory_space<vmem>> -> memref<1x64xf32, #tpu.memory_space<vmem>>
      %get3A_149 = tpu.memref_squeeze %get3A_148 : memref<1x64xf32, #tpu.memory_space<vmem>> -> memref<64xf32, #tpu.memory_space<vmem>>
      %get3A_150 = arith.constant 16 : index
      %get3A_151 = tpu.vector_load %get3A_149[%get3A_150] {strides = array<i32>} : memref<64xf32, #tpu.memory_space<vmem>>, vector<16xf32>,
      %get3A_152 = arith.constant 0 : i32
      %get3A_153 = tpu.memref_slice %arg11[%add3A_135, %get3A_152] : memref<80x64xf32, #tpu.memory_space<vmem>> -> memref<1x64xf32, #tpu.memory_space<vmem>>
      %get3A_154 = tpu.memref_squeeze %get3A_153 : memref<1x64xf32, #tpu.memory_space<vmem>> -> memref<64xf32, #tpu.memory_space<vmem>>
      %get3A_155 = arith.constant 16 : index
      %get3A_156 = tpu.vector_load %get3A_154[%get3A_155] {strides = array<i32>} : memref<64xf32, #tpu.memory_space<vmem>>, vector<16xf32>,
      %mul3A_157 = arith.mulf %get3A_151, %get3A_156 : vector<16xf32>
      %get3A_158 = arith.constant 0 : i32
      %get3A_159 = tpu.memref_slice %arg10[%add3A_131, %get3A_158] : memref<80x64xf32, #tpu.memory_space<vmem>> -> memref<1x64xf32, #tpu.memory_space<vmem>>
      %get3A_160 = tpu.memref_squeeze %get3A_159 : memref<1x64xf32, #tpu.memory_space<vmem>> -> memref<64xf32, #tpu.memory_space<vmem>>
      %get3A_161 = arith.constant 32 : index
      %get3A_162 = tpu.vector_load %get3A_160[%get3A_161] {strides = array<i32>} : memref<64xf32, #tpu.memory_space<vmem>>, vector<16xf32>,
      %get3A_163 = arith.constant 0 : i32
      %get3A_164 = tpu.memref_slice %arg11[%add3A_135, %get3A_163] : memref<80x64xf32, #tpu.memory_space<vmem>> -> memref<1x64xf32, #tpu.memory_space<vmem>>
      %get3A_165 = tpu.memref_squeeze %get3A_164 : memref<1x64xf32, #tpu.memory_space<vmem>> -> memref<64xf32, #tpu.memory_space<vmem>>
      %get3A_166 = arith.constant 32 : index
      %get3A_167 = tpu.vector_load %get3A_165[%get3A_166] {strides = array<i32>} : memref<64xf32, #tpu.memory_space<vmem>>, vector<16xf32>,
      %mul3A_168 = arith.mulf %get3A_162, %get3A_167 : vector<16xf32>
      %get3A_169 = arith.constant 0 : i32
      %get3A_170 = tpu.memref_slice %arg10[%add3A_131, %get3A_169] : memref<80x64xf32, #tpu.memory_space<vmem>> -> memref<1x64xf32, #tpu.memory_space<vmem>>
      %get3A_171 = tpu.memref_squeeze %get3A_170 : memref<1x64xf32, #tpu.memory_space<vmem>> -> memref<64xf32, #tpu.memory_space<vmem>>
      %get3A_172 = arith.constant 48 : index
      %get3A_173 = tpu.vector_load %get3A_171[%get3A_172] {strides = array<i32>} : memref<64xf32, #tpu.memory_space<vmem>>, vector<16xf32>,
      %get3A_174 = arith.constant 0 : i32
      %get3A_175 = tpu.memref_slice %arg11[%add3A_135, %get3A_174] : memref<80x64xf32, #tpu.memory_space<vmem>> -> memref<1x64xf32, #tpu.memory_space<vmem>>
      %get3A_176 = tpu.memref_squeeze %get3A_175 : memref<1x64xf32, #tpu.memory_space<vmem>> -> memref<64xf32, #tpu.memory_space<vmem>>
      %get3A_177 = arith.constant 48 : index
      %get3A_178 = tpu.vector_load %get3A_176[%get3A_177] {strides = array<i32>} : memref<64xf32, #tpu.memory_space<vmem>>, vector<16xf32>,
      %mul3A_179 = arith.mulf %get3A_173, %get3A_178 : vector<16xf32>
      %add3A_180 = arith.addf %mul3A_146, %mul3A_157 : vector<16xf32>
      %add3A_181 = arith.addf %mul3A_168, %mul3A_179 : vector<16xf32>
      %add3A_182 = arith.addf %add3A_180, %add3A_181 : vector<16xf32>
      %swap3A_183 = arith.constant 1 : i32
      %swap3A_184 = arith.index_cast %swap3A_183 : i32 to index
      %swap3A_185 = arith.constant 0 : index
      %swap3A_186 = tpu.vector_load %arg15[%swap3A_184, %swap3A_185] {strides = array<i32>} : memref<16x16xf32, #tpu.memory_space<vmem>>, vector<16xf32>,
      tpu.vector_store %arg15[%swap3A_184, %swap3A_185], %add3A_182 {strides = array<i32>} : memref<16x16xf32, #tpu.memory_space<vmem>>, vector<16xf32>,
      %mul3A_187 = arith.constant 16 : i32
      %mul3A_188 = arith.muli %scan3A_68, %mul3A_187 : i32
      %add3A_189 = arith.constant 2 : i32
      %add3A_190 = arith.addi %mul3A_188, %add3A_189 : i32
      %mul3A_191 = arith.constant 16 : i32
      %mul3A_192 = arith.muli %scan3A_68, %mul3A_191 : i32
      %add3A_193 = arith.constant 2 : i32
      %add3A_194 = arith.addi %mul3A_192, %add3A_193 : i32
      %get3A_195 = arith.constant 0 : i32
      %get3A_196 = tpu.memref_slice %arg10[%add3A_190, %get3A_195] : memref<80x64xf32, #tpu.memory_space<vmem>> -> memref<1x64xf32, #tpu.memory_space<vmem>>
      %get3A_197 = tpu.memref_squeeze %get3A_196 : memref<1x64xf32, #tpu.memory_space<vmem>> -> memref<64xf32, #tpu.memory_space<vmem>>
      %get3A_198 = arith.constant 0 : index
      %get3A_199 = tpu.vector_load %get3A_197[%get3A_198] {strides = array<i32>} : memref<64xf32, #tpu.memory_space<vmem>>, vector<16xf32>,
      %get3A_200 = arith.constant 0 : i32
      %get3A_201 = tpu.memref_slice %arg11[%add3A_194, %get3A_200] : memref<80x64xf32, #tpu.memory_space<vmem>> -> memref<1x64xf32, #tpu.memory_space<vmem>>
      %get3A_202 = tpu.memref_squeeze %get3A_201 : memref<1x64xf32, #tpu.memory_space<vmem>> -> memref<64xf32, #tpu.memory_space<vmem>>
      %get3A_203 = arith.constant 0 : index
      %get3A_204 = tpu.vector_load %get3A_202[%get3A_203] {strides = array<i32>} : memref<64xf32, #tpu.memory_space<vmem>>, vector<16xf32>,
      %mul3A_205 = arith.mulf %get3A_199, %get3A_204 : vector<16xf32>
      %get3A_206 = arith.constant 0 : i32
      %get3A_207 = tpu.memref_slice %arg10[%add3A_190, %get3A_206] : memref<80x64xf32, #tpu.memory_space<vmem>> -> memref<1x64xf32, #tpu.memory_space<vmem>>
      %get3A_208 = tpu.memref_squeeze %get3A_207 : memref<1x64xf32, #tpu.memory_space<vmem>> -> memref<64xf32, #tpu.memory_space<vmem>>
      %get3A_209 = arith.constant 16 : index
      %get3A_210 = tpu.vector_load %get3A_208[%get3A_209] {strides = array<i32>} : memref<64xf32, #tpu.memory_space<vmem>>, vector<16xf32>,
      %get3A_211 = arith.constant 0 : i32
      %get3A_212 = tpu.memref_slice %arg11[%add3A_194, %get3A_211] : memref<80x64xf32, #tpu.memory_space<vmem>> -> memref<1x64xf32, #tpu.memory_space<vmem>>
      %get3A_213 = tpu.memref_squeeze %get3A_212 : memref<1x64xf32, #tpu.memory_space<vmem>> -> memref<64xf32, #tpu.memory_space<vmem>>
      %get3A_214 = arith.constant 16 : index
      %get3A_215 = tpu.vector_load %get3A_213[%get3A_214] {strides = array<i32>} : memref<64xf32, #tpu.memory_space<vmem>>, vector<16xf32>,
      %mul3A_216 = arith.mulf %get3A_210, %get3A_215 : vector<16xf32>
      %get3A_217 = arith.constant 0 : i32
      %get3A_218 = tpu.memref_slice %arg10[%add3A_190, %get3A_217] : memref<80x64xf32, #tpu.memory_space<vmem>> -> memref<1x64xf32, #tpu.memory_space<vmem>>
      %get3A_219 = tpu.memref_squeeze %get3A_218 : memref<1x64xf32, #tpu.memory_space<vmem>> -> memref<64xf32, #tpu.memory_space<vmem>>
      %get3A_220 = arith.constant 32 : index
      %get3A_221 = tpu.vector_load %get3A_219[%get3A_220] {strides = array<i32>} : memref<64xf32, #tpu.memory_space<vmem>>, vector<16xf32>,
      %get3A_222 = arith.constant 0 : i32
      %get3A_223 = tpu.memref_slice %arg11[%add3A_194, %get3A_222] : memref<80x64xf32, #tpu.memory_space<vmem>> -> memref<1x64xf32, #tpu.memory_space<vmem>>
      %get3A_224 = tpu.memref_squeeze %get3A_223 : memref<1x64xf32, #tpu.memory_space<vmem>> -> memref<64xf32, #tpu.memory_space<vmem>>
      %get3A_225 = arith.constant 32 : index
      %get3A_226 = tpu.vector_load %get3A_224[%get3A_225] {strides = array<i32>} : memref<64xf32, #tpu.memory_space<vmem>>, vector<16xf32>,
      %mul3A_227 = arith.mulf %get3A_221, %get3A_226 : vector<16xf32>
      %get3A_228 = arith.constant 0 : i32
      %get3A_229 = tpu.memref_slice %arg10[%add3A_190, %get3A_228] : memref<80x64xf32, #tpu.memory_space<vmem>> -> memref<1x64xf32, #tpu.memory_space<vmem>>
      %get3A_230 = tpu.memref_squeeze %get3A_229 : memref<1x64xf32, #tpu.memory_space<vmem>> -> memref<64xf32, #tpu.memory_space<vmem>>
      %get3A_231 = arith.constant 48 : index
      %get3A_232 = tpu.vector_load %get3A_230[%get3A_231] {strides = array<i32>} : memref<64xf32, #tpu.memory_space<vmem>>, vector<16xf32>,
      %get3A_233 = arith.constant 0 : i32
      %get3A_234 = tpu.memref_slice %arg11[%add3A_194, %get3A_233] : memref<80x64xf32, #tpu.memory_space<vmem>> -> memref<1x64xf32, #tpu.memory_space<vmem>>
      %get3A_235 = tpu.memref_squeeze %get3A_234 : memref<1x64xf32, #tpu.memory_space<vmem>> -> memref<64xf32, #tpu.memory_space<vmem>>
      %get3A_236 = arith.constant 48 : index
      %get3A_237 = tpu.vector_load %get3A_235[%get3A_236] {strides = array<i32>} : memref<64xf32, #tpu.memory_space<vmem>>, vector<16xf32>,
      %mul3A_238 = arith.mulf %get3A_232, %get3A_237 : vector<16xf32>
      %add3A_239 = arith.addf %mul3A_205, %mul3A_216 : vector<16xf32>
      %add3A_240 = arith.addf %mul3A_227, %mul3A_238 : vector<16xf32>
      %add3A_241 = arith.addf %add3A_239, %add3A_240 : vector<16xf32>
      %swap3A_242 = arith.constant 2 : i32
      %swap3A_243 = arith.index_cast %swap3A_242 : i32 to index
      %swap3A_244 = arith.constant 0 : index
      %swap3A_245 = tpu.vector_load %arg15[%swap3A_243, %swap3A_244] {strides = array<i32>} : memref<16x16xf32, #tpu.memory_space<vmem>>, vector<16xf32>,
      tpu.vector_store %arg15[%swap3A_243, %swap3A_244], %add3A_241 {strides = array<i32>} : memref<16x16xf32, #tpu.memory_space<vmem>>, vector<16xf32>,
      %mul3A_246 = arith.constant 16 : i32
      %mul3A_247 = arith.muli %scan3A_68, %mul3A_246 : i32
      %add3A_248 = arith.constant 3 : i32
      %add3A_249 = arith.addi %mul3A_247, %add3A_248 : i32
      %mul3A_250 = arith.constant 16 : i32
      %mul3A_251 = arith.muli %scan3A_68, %mul3A_250 : i32
      %add3A_252 = arith.constant 3 : i32
      %add3A_253 = arith.addi %mul3A_251, %add3A_252 : i32
      %get3A_254 = arith.constant 0 : i32
      %get3A_255 = tpu.memref_slice %arg10[%add3A_249, %get3A_254] : memref<80x64xf32, #tpu.memory_space<vmem>> -> memref<1x64xf32, #tpu.memory_space<vmem>>
      %get3A_256 = tpu.memref_squeeze %get3A_255 : memref<1x64xf32, #tpu.memory_space<vmem>> -> memref<64xf32, #tpu.memory_space<vmem>>
      %get3A_257 = arith.constant 0 : index
      %get3A_258 = tpu.vector_load %get3A_256[%get3A_257] {strides = array<i32>} : memref<64xf32, #tpu.memory_space<vmem>>, vector<16xf32>,
      %get3A_259 = arith.constant 0 : i32
      %get3A_260 = tpu.memref_slice %arg11[%add3A_253, %get3A_259] : memref<80x64xf32, #tpu.memory_space<vmem>> -> memref<1x64xf32, #tpu.memory_space<vmem>>
      %get3A_261 = tpu.memref_squeeze %get3A_260 : memref<1x64xf32, #tpu.memory_space<vmem>> -> memref<64xf32, #tpu.memory_space<vmem>>
      %get3A_262 = arith.constant 0 : index
      %get3A_263 = tpu.vector_load %get3A_261[%get3A_262] {strides = array<i32>} : memref<64xf32, #tpu.memory_space<vmem>>, vector<16xf32>,
      %mul3A_264 = arith.mulf %get3A_258, %get3A_263 : vector<16xf32>
      %get3A_265 = arith.constant 0 : i32
      %get3A_266 = tpu.memref_slice %arg10[%add3A_249, %get3A_265] : memref<80x64xf32, #tpu.memory_space<vmem>> -> memref<1x64xf32, #tpu.memory_space<vmem>>
      %get3A_267 = tpu.memref_squeeze %get3A_266 : memref<1x64xf32, #tpu.memory_space<vmem>> -> memref<64xf32, #tpu.memory_space<vmem>>
      %get3A_268 = arith.constant 16 : index
      %get3A_269 = tpu.vector_load %get3A_267[%get3A_268] {strides = array<i32>} : memref<64xf32, #tpu.memory_space<vmem>>, vector<16xf32>,
      %get3A_270 = arith.constant 0 : i32
      %get3A_271 = tpu.memref_slice %arg11[%add3A_253, %get3A_270] : memref<80x64xf32, #tpu.memory_space<vmem>> -> memref<1x64xf32, #tpu.memory_space<vmem>>
      %get3A_272 = tpu.memref_squeeze %get3A_271 : memref<1x64xf32, #tpu.memory_space<vmem>> -> memref<64xf32, #tpu.memory_space<vmem>>
      %get3A_273 = arith.constant 16 : index
      %get3A_274 = tpu.vector_load %get3A_272[%get3A_273] {strides = array<i32>} : memref<64xf32, #tpu.memory_space<vmem>>, vector<16xf32>,
      %mul3A_275 = arith.mulf %get3A_269, %get3A_274 : vector<16xf32>
      %get3A_276 = arith.constant 0 : i32
      %get3A_277 = tpu.memref_slice %arg10[%add3A_249, %get3A_276] : memref<80x64xf32, #tpu.memory_space<vmem>> -> memref<1x64xf32, #tpu.memory_space<vmem>>
      %get3A_278 = tpu.memref_squeeze %get3A_277 : memref<1x64xf32, #tpu.memory_space<vmem>> -> memref<64xf32, #tpu.memory_space<vmem>>
      %get3A_279 = arith.constant 32 : index
      %get3A_280 = tpu.vector_load %get3A_278[%get3A_279] {strides = array<i32>} : memref<64xf32, #tpu.memory_space<vmem>>, vector<16xf32>,
      %get3A_281 = arith.constant 0 : i32
      %get3A_282 = tpu.memref_slice %arg11[%add3A_253, %get3A_281] : memref<80x64xf32, #tpu.memory_space<vmem>> -> memref<1x64xf32, #tpu.memory_space<vmem>>
      %get3A_283 = tpu.memref_squeeze %get3A_282 : memref<1x64xf32, #tpu.memory_space<vmem>> -> memref<64xf32, #tpu.memory_space<vmem>>
      %get3A_284 = arith.constant 32 : index
      %get3A_285 = tpu.vector_load %get3A_283[%get3A_284] {strides = array<i32>} : memref<64xf32, #tpu.memory_space<vmem>>, vector<16xf32>,
      %mul3A_286 = arith.mulf %get3A_280, %get3A_285 : vector<16xf32>
      %get3A_287 = arith.constant 0 : i32
      %get3A_288 = tpu.memref_slice %arg10[%add3A_249, %get3A_287] : memref<80x64xf32, #tpu.memory_space<vmem>> -> memref<1x64xf32, #tpu.memory_space<vmem>>
      %get3A_289 = tpu.memref_squeeze %get3A_288 : memref<1x64xf32, #tpu.memory_space<vmem>> -> memref<64xf32, #tpu.memory_space<vmem>>
      %get3A_290 = arith.constant 48 : index
      %get3A_291 = tpu.vector_load %get3A_289[%get3A_290] {strides = array<i32>} : memref<64xf32, #tpu.memory_space<vmem>>, vector<16xf32>,
      %get3A_292 = arith.constant 0 : i32
      %get3A_293 = tpu.memref_slice %arg11[%add3A_253, %get3A_292] : memref<80x64xf32, #tpu.memory_space<vmem>> -> memref<1x64xf32, #tpu.memory_space<vmem>>
      %get3A_294 = tpu.memref_squeeze %get3A_293 : memref<1x64xf32, #tpu.memory_space<vmem>> -> memref<64xf32, #tpu.memory_space<vmem>>
      %get3A_295 = arith.constant 48 : index
      %get3A_296 = tpu.vector_load %get3A_294[%get3A_295] {strides = array<i32>} : memref<64xf32, #tpu.memory_space<vmem>>, vector<16xf32>,
      %mul3A_297 = arith.mulf %get3A_291, %get3A_296 : vector<16xf32>
      %add3A_298 = arith.addf %mul3A_264, %mul3A_275 : vector<16xf32>
      %add3A_299 = arith.addf %mul3A_286, %mul3A_297 : vector<16xf32>
      %add3A_300 = arith.addf %add3A_298, %add3A_299 : vector<16xf32>
      %swap3A_301 = arith.constant 3 : i32
      %swap3A_302 = arith.index_cast %swap3A_301 : i32 to index
      %swap3A_303 = arith.constant 0 : index
      %swap3A_304 = tpu.vector_load %arg15[%swap3A_302, %swap3A_303] {strides = array<i32>} : memref<16x16xf32, #tpu.memory_space<vmem>>, vector<16xf32>,
      tpu.vector_store %arg15[%swap3A_302, %swap3A_303], %add3A_300 {strides = array<i32>} : memref<16x16xf32, #tpu.memory_space<vmem>>, vector<16xf32>,
      %mul3A_305 = arith.constant 16 : i32
      %mul3A_306 = arith.muli %scan3A_68, %mul3A_305 : i32
      %add3A_307 = arith.constant 4 : i32
      %add3A_308 = arith.addi %mul3A_306, %add3A_307 : i32
      %mul3A_309 = arith.constant 16 : i32
      %mul3A_310 = arith.muli %scan3A_68, %mul3A_309 : i32
      %add3A_311 = arith.constant 4 : i32
      %add3A_312 = arith.addi %mul3A_310, %add3A_311 : i32
      %get3A_313 = arith.constant 0 : i32
      %get3A_314 = tpu.memref_slice %arg10[%add3A_308, %get3A_313] : memref<80x64xf32, #tpu.memory_space<vmem>> -> memref<1x64xf32, #tpu.memory_space<vmem>>
      %get3A_315 = tpu.memref_squeeze %get3A_314 : memref<1x64xf32, #tpu.memory_space<vmem>> -> memref<64xf32, #tpu.memory_space<vmem>>
      %get3A_316 = arith.constant 0 : index
      %get3A_317 = tpu.vector_load %get3A_315[%get3A_316] {strides = array<i32>} : memref<64xf32, #tpu.memory_space<vmem>>, vector<16xf32>,
      %get3A_318 = arith.constant 0 : i32
      %get3A_319 = tpu.memref_slice %arg11[%add3A_312, %get3A_318] : memref<80x64xf32, #tpu.memory_space<vmem>> -> memref<1x64xf32, #tpu.memory_space<vmem>>
      %get3A_320 = tpu.memref_squeeze %get3A_319 : memref<1x64xf32, #tpu.memory_space<vmem>> -> memref<64xf32, #tpu.memory_space<vmem>>
      %get3A_321 = arith.constant 0 : index
      %get3A_322 = tpu.vector_load %get3A_320[%get3A_321] {strides = array<i32>} : memref<64xf32, #tpu.memory_space<vmem>>, vector<16xf32>,
      %mul3A_323 = arith.mulf %get3A_317, %get3A_322 : vector<16xf32>
      %get3A_324 = arith.constant 0 : i32
      %get3A_325 = tpu.memref_slice %arg10[%add3A_308, %get3A_324] : memref<80x64xf32, #tpu.memory_space<vmem>> -> memref<1x64xf32, #tpu.memory_space<vmem>>
      %get3A_326 = tpu.memref_squeeze %get3A_325 : memref<1x64xf32, #tpu.memory_space<vmem>> -> memref<64xf32, #tpu.memory_space<vmem>>
      %get3A_327 = arith.constant 16 : index
      %get3A_328 = tpu.vector_load %get3A_326[%get3A_327] {strides = array<i32>} : memref<64xf32, #tpu.memory_space<vmem>>, vector<16xf32>,
      %get3A_329 = arith.constant 0 : i32
      %get3A_330 = tpu.memref_slice %arg11[%add3A_312, %get3A_329] : memref<80x64xf32, #tpu.memory_space<vmem>> -> memref<1x64xf32, #tpu.memory_space<vmem>>
      %get3A_331 = tpu.memref_squeeze %get3A_330 : memref<1x64xf32, #tpu.memory_space<vmem>> -> memref<64xf32, #tpu.memory_space<vmem>>
      %get3A_332 = arith.constant 16 : index
      %get3A_333 = tpu.vector_load %get3A_331[%get3A_332] {strides = array<i32>} : memref<64xf32, #tpu.memory_space<vmem>>, vector<16xf32>,
      %mul3A_334 = arith.mulf %get3A_328, %get3A_333 : vector<16xf32>
      %get3A_335 = arith.constant 0 : i32
      %get3A_336 = tpu.memref_slice %arg10[%add3A_308, %get3A_335] : memref<80x64xf32, #tpu.memory_space<vmem>> -> memref<1x64xf32, #tpu.memory_space<vmem>>
      %get3A_337 = tpu.memref_squeeze %get3A_336 : memref<1x64xf32, #tpu.memory_space<vmem>> -> memref<64xf32, #tpu.memory_space<vmem>>
      %get3A_338 = arith.constant 32 : index
      %get3A_339 = tpu.vector_load %get3A_337[%get3A_338] {strides = array<i32>} : memref<64xf32, #tpu.memory_space<vmem>>, vector<16xf32>,
      %get3A_340 = arith.constant 0 : i32
      %get3A_341 = tpu.memref_slice %arg11[%add3A_312, %get3A_340] : memref<80x64xf32, #tpu.memory_space<vmem>> -> memref<1x64xf32, #tpu.memory_space<vmem>>
      %get3A_342 = tpu.memref_squeeze %get3A_341 : memref<1x64xf32, #tpu.memory_space<vmem>> -> memref<64xf32, #tpu.memory_space<vmem>>
      %get3A_343 = arith.constant 32 : index
      %get3A_344 = tpu.vector_load %get3A_342[%get3A_343] {strides = array<i32>} : memref<64xf32, #tpu.memory_space<vmem>>, vector<16xf32>,
      %mul3A_345 = arith.mulf %get3A_339, %get3A_344 : vector<16xf32>
      %get3A_346 = arith.constant 0 : i32
      %get3A_347 = tpu.memref_slice %arg10[%add3A_308, %get3A_346] : memref<80x64xf32, #tpu.memory_space<vmem>> -> memref<1x64xf32, #tpu.memory_space<vmem>>
      %get3A_348 = tpu.memref_squeeze %get3A_347 : memref<1x64xf32, #tpu.memory_space<vmem>> -> memref<64xf32, #tpu.memory_space<vmem>>
      %get3A_349 = arith.constant 48 : index
      %get3A_350 = tpu.vector_load %get3A_348[%get3A_349] {strides = array<i32>} : memref<64xf32, #tpu.memory_space<vmem>>, vector<16xf32>,
      %get3A_351 = arith.constant 0 : i32
      %get3A_352 = tpu.memref_slice %arg11[%add3A_312, %get3A_351] : memref<80x64xf32, #tpu.memory_space<vmem>> -> memref<1x64xf32, #tpu.memory_space<vmem>>
      %get3A_353 = tpu.memref_squeeze %get3A_352 : memref<1x64xf32, #tpu.memory_space<vmem>> -> memref<64xf32, #tpu.memory_space<vmem>>
      %get3A_354 = arith.constant 48 : index
      %get3A_355 = tpu.vector_load %get3A_353[%get3A_354] {strides = array<i32>} : memref<64xf32, #tpu.memory_space<vmem>>, vector<16xf32>,
      %mul3A_356 = arith.mulf %get3A_350, %get3A_355 : vector<16xf32>
      %add3A_357 = arith.addf %mul3A_323, %mul3A_334 : vector<16xf32>
      %add3A_358 = arith.addf %mul3A_345, %mul3A_356 : vector<16xf32>
      %add3A_359 = arith.addf %add3A_357, %add3A_358 : vector<16xf32>
      %swap3A_360 = arith.constant 4 : i32
      %swap3A_361 = arith.index_cast %swap3A_360 : i32 to index
      %swap3A_362 = arith.constant 0 : index
      %swap3A_363 = tpu.vector_load %arg15[%swap3A_361, %swap3A_362] {strides = array<i32>} : memref<16x16xf32, #tpu.memory_space<vmem>>, vector<16xf32>,
      tpu.vector_store %arg15[%swap3A_361, %swap3A_362], %add3A_359 {strides = array<i32>} : memref<16x16xf32, #tpu.memory_space<vmem>>, vector<16xf32>,
      %mul3A_364 = arith.constant 16 : i32
      %mul3A_365 = arith.muli %scan3A_68, %mul3A_364 : i32
      %add3A_366 = arith.constant 5 : i32
      %add3A_367 = arith.addi %mul3A_365, %add3A_366 : i32
      %mul3A_368 = arith.constant 16 : i32
      %mul3A_369 = arith.muli %scan3A_68, %mul3A_368 : i32
      %add3A_370 = arith.constant 5 : i32
      %add3A_371 = arith.addi %mul3A_369, %add3A_370 : i32
      %get3A_372 = arith.constant 0 : i32
      %get3A_373 = tpu.memref_slice %arg10[%add3A_367, %get3A_372] : memref<80x64xf32, #tpu.memory_space<vmem>> -> memref<1x64xf32, #tpu.memory_space<vmem>>
      %get3A_374 = tpu.memref_squeeze %get3A_373 : memref<1x64xf32, #tpu.memory_space<vmem>> -> memref<64xf32, #tpu.memory_space<vmem>>
      %get3A_375 = arith.constant 0 : index
      %get3A_376 = tpu.vector_load %get3A_374[%get3A_375] {strides = array<i32>} : memref<64xf32, #tpu.memory_space<vmem>>, vector<16xf32>,
      %get3A_377 = arith.constant 0 : i32
      %get3A_378 = tpu.memref_slice %arg11[%add3A_371, %get3A_377] : memref<80x64xf32, #tpu.memory_space<vmem>> -> memref<1x64xf32, #tpu.memory_space<vmem>>
      %get3A_379 = tpu.memref_squeeze %get3A_378 : memref<1x64xf32, #tpu.memory_space<vmem>> -> memref<64xf32, #tpu.memory_space<vmem>>
      %get3A_380 = arith.constant 0 : index
      %get3A_381 = tpu.vector_load %get3A_379[%get3A_380] {strides = array<i32>} : memref<64xf32, #tpu.memory_space<vmem>>, vector<16xf32>,
      %mul3A_382 = arith.mulf %get3A_376, %get3A_381 : vector<16xf32>
      %get3A_383 = arith.constant 0 : i32
      %get3A_384 = tpu.memref_slice %arg10[%add3A_367, %get3A_383] : memref<80x64xf32, #tpu.memory_space<vmem>> -> memref<1x64xf32, #tpu.memory_space<vmem>>
      %get3A_385 = tpu.memref_squeeze %get3A_384 : memref<1x64xf32, #tpu.memory_space<vmem>> -> memref<64xf32, #tpu.memory_space<vmem>>
      %get3A_386 = arith.constant 16 : index
      %get3A_387 = tpu.vector_load %get3A_385[%get3A_386] {strides = array<i32>} : memref<64xf32, #tpu.memory_space<vmem>>, vector<16xf32>,
      %get3A_388 = arith.constant 0 : i32
      %get3A_389 = tpu.memref_slice %arg11[%add3A_371, %get3A_388] : memref<80x64xf32, #tpu.memory_space<vmem>> -> memref<1x64xf32, #tpu.memory_space<vmem>>
      %get3A_390 = tpu.memref_squeeze %get3A_389 : memref<1x64xf32, #tpu.memory_space<vmem>> -> memref<64xf32, #tpu.memory_space<vmem>>
      %get3A_391 = arith.constant 16 : index
      %get3A_392 = tpu.vector_load %get3A_390[%get3A_391] {strides = array<i32>} : memref<64xf32, #tpu.memory_space<vmem>>, vector<16xf32>,
      %mul3A_393 = arith.mulf %get3A_387, %get3A_392 : vector<16xf32>
      %get3A_394 = arith.constant 0 : i32
      %get3A_395 = tpu.memref_slice %arg10[%add3A_367, %get3A_394] : memref<80x64xf32, #tpu.memory_space<vmem>> -> memref<1x64xf32, #tpu.memory_space<vmem>>
      %get3A_396 = tpu.memref_squeeze %get3A_395 : memref<1x64xf32, #tpu.memory_space<vmem>> -> memref<64xf32, #tpu.memory_space<vmem>>
      %get3A_397 = arith.constant 32 : index
      %get3A_398 = tpu.vector_load %get3A_396[%get3A_397] {strides = array<i32>} : memref<64xf32, #tpu.memory_space<vmem>>, vector<16xf32>,
      %get3A_399 = arith.constant 0 : i32
      %get3A_400 = tpu.memref_slice %arg11[%add3A_371, %get3A_399] : memref<80x64xf32, #tpu.memory_space<vmem>> -> memref<1x64xf32, #tpu.memory_space<vmem>>
      %get3A_401 = tpu.memref_squeeze %get3A_400 : memref<1x64xf32, #tpu.memory_space<vmem>> -> memref<64xf32, #tpu.memory_space<vmem>>
      %get3A_402 = arith.constant 32 : index
      %get3A_403 = tpu.vector_load %get3A_401[%get3A_402] {strides = array<i32>} : memref<64xf32, #tpu.memory_space<vmem>>, vector<16xf32>,
      %mul3A_404 = arith.mulf %get3A_398, %get3A_403 : vector<16xf32>
      %get3A_405 = arith.constant 0 : i32
      %get3A_406 = tpu.memref_slice %arg10[%add3A_367, %get3A_405] : memref<80x64xf32, #tpu.memory_space<vmem>> -> memref<1x64xf32, #tpu.memory_space<vmem>>
      %get3A_407 = tpu.memref_squeeze %get3A_406 : memref<1x64xf32, #tpu.memory_space<vmem>> -> memref<64xf32, #tpu.memory_space<vmem>>
      %get3A_408 = arith.constant 48 : index
      %get3A_409 = tpu.vector_load %get3A_407[%get3A_408] {strides = array<i32>} : memref<64xf32, #tpu.memory_space<vmem>>, vector<16xf32>,
      %get3A_410 = arith.constant 0 : i32
      %get3A_411 = tpu.memref_slice %arg11[%add3A_371, %get3A_410] : memref<80x64xf32, #tpu.memory_space<vmem>> -> memref<1x64xf32, #tpu.memory_space<vmem>>
      %get3A_412 = tpu.memref_squeeze %get3A_411 : memref<1x64xf32, #tpu.memory_space<vmem>> -> memref<64xf32, #tpu.memory_space<vmem>>
      %get3A_413 = arith.constant 48 : index
      %get3A_414 = tpu.vector_load %get3A_412[%get3A_413] {strides = array<i32>} : memref<64xf32, #tpu.memory_space<vmem>>, vector<16xf32>,
      %mul3A_415 = arith.mulf %get3A_409, %get3A_414 : vector<16xf32>
      %add3A_416 = arith.addf %mul3A_382, %mul3A_393 : vector<16xf32>
      %add3A_417 = arith.addf %mul3A_404, %mul3A_415 : vector<16xf32>
      %add3A_418 = arith.addf %add3A_416, %add3A_417 : vector<16xf32>
      %swap3A_419 = arith.constant 5 : i32
      %swap3A_420 = arith.index_cast %swap3A_419 : i32 to index
      %swap3A_421 = arith.constant 0 : index
      %swap3A_422 = tpu.vector_load %arg15[%swap3A_420, %swap3A_421] {strides = array<i32>} : memref<16x16xf32, #tpu.memory_space<vmem>>, vector<16xf32>,
      tpu.vector_store %arg15[%swap3A_420, %swap3A_421], %add3A_418 {strides = array<i32>} : memref<16x16xf32, #tpu.memory_space<vmem>>, vector<16xf32>,
      %mul3A_423 = arith.constant 16 : i32
      %mul3A_424 = arith.muli %scan3A_68, %mul3A_423 : i32
      %add3A_425 = arith.constant 6 : i32
      %add3A_426 = arith.addi %mul3A_424, %add3A_425 : i32
      %mul3A_427 = arith.constant 16 : i32
      %mul3A_428 = arith.muli %scan3A_68, %mul3A_427 : i32
      %add3A_429 = arith.constant 6 : i32
      %add3A_430 = arith.addi %mul3A_428, %add3A_429 : i32
      %get3A_431 = arith.constant 0 : i32
      %get3A_432 = tpu.memref_slice %arg10[%add3A_426, %get3A_431] : memref<80x64xf32, #tpu.memory_space<vmem>> -> memref<1x64xf32, #tpu.memory_space<vmem>>
      %get3A_433 = tpu.memref_squeeze %get3A_432 : memref<1x64xf32, #tpu.memory_space<vmem>> -> memref<64xf32, #tpu.memory_space<vmem>>
      %get3A_434 = arith.constant 0 : index
      %get3A_435 = tpu.vector_load %get3A_433[%get3A_434] {strides = array<i32>} : memref<64xf32, #tpu.memory_space<vmem>>, vector<16xf32>,
      %get3A_436 = arith.constant 0 : i32
      %get3A_437 = tpu.memref_slice %arg11[%add3A_430, %get3A_436] : memref<80x64xf32, #tpu.memory_space<vmem>> -> memref<1x64xf32, #tpu.memory_space<vmem>>
      %get3A_438 = tpu.memref_squeeze %get3A_437 : memref<1x64xf32, #tpu.memory_space<vmem>> -> memref<64xf32, #tpu.memory_space<vmem>>
      %get3A_439 = arith.constant 0 : index
      %get3A_440 = tpu.vector_load %get3A_438[%get3A_439] {strides = array<i32>} : memref<64xf32, #tpu.memory_space<vmem>>, vector<16xf32>,
      %mul3A_441 = arith.mulf %get3A_435, %get3A_440 : vector<16xf32>
      %get3A_442 = arith.constant 0 : i32
      %get3A_443 = tpu.memref_slice %arg10[%add3A_426, %get3A_442] : memref<80x64xf32, #tpu.memory_space<vmem>> -> memref<1x64xf32, #tpu.memory_space<vmem>>
      %get3A_444 = tpu.memref_squeeze %get3A_443 : memref<1x64xf32, #tpu.memory_space<vmem>> -> memref<64xf32, #tpu.memory_space<vmem>>
      %get3A_445 = arith.constant 16 : index
      %get3A_446 = tpu.vector_load %get3A_444[%get3A_445] {strides = array<i32>} : memref<64xf32, #tpu.memory_space<vmem>>, vector<16xf32>,
      %get3A_447 = arith.constant 0 : i32
      %get3A_448 = tpu.memref_slice %arg11[%add3A_430, %get3A_447] : memref<80x64xf32, #tpu.memory_space<vmem>> -> memref<1x64xf32, #tpu.memory_space<vmem>>
      %get3A_449 = tpu.memref_squeeze %get3A_448 : memref<1x64xf32, #tpu.memory_space<vmem>> -> memref<64xf32, #tpu.memory_space<vmem>>
      %get3A_450 = arith.constant 16 : index
      %get3A_451 = tpu.vector_load %get3A_449[%get3A_450] {strides = array<i32>} : memref<64xf32, #tpu.memory_space<vmem>>, vector<16xf32>,
      %mul3A_452 = arith.mulf %get3A_446, %get3A_451 : vector<16xf32>
      %get3A_453 = arith.constant 0 : i32
      %get3A_454 = tpu.memref_slice %arg10[%add3A_426, %get3A_453] : memref<80x64xf32, #tpu.memory_space<vmem>> -> memref<1x64xf32, #tpu.memory_space<vmem>>
      %get3A_455 = tpu.memref_squeeze %get3A_454 : memref<1x64xf32, #tpu.memory_space<vmem>> -> memref<64xf32, #tpu.memory_space<vmem>>
      %get3A_456 = arith.constant 32 : index
      %get3A_457 = tpu.vector_load %get3A_455[%get3A_456] {strides = array<i32>} : memref<64xf32, #tpu.memory_space<vmem>>, vector<16xf32>,
      %get3A_458 = arith.constant 0 : i32
      %get3A_459 = tpu.memref_slice %arg11[%add3A_430, %get3A_458] : memref<80x64xf32, #tpu.memory_space<vmem>> -> memref<1x64xf32, #tpu.memory_space<vmem>>
      %get3A_460 = tpu.memref_squeeze %get3A_459 : memref<1x64xf32, #tpu.memory_space<vmem>> -> memref<64xf32, #tpu.memory_space<vmem>>
      %get3A_461 = arith.constant 32 : index
      %get3A_462 = tpu.vector_load %get3A_460[%get3A_461] {strides = array<i32>} : memref<64xf32, #tpu.memory_space<vmem>>, vector<16xf32>,
      %mul3A_463 = arith.mulf %get3A_457, %get3A_462 : vector<16xf32>
      %get3A_464 = arith.constant 0 : i32
      %get3A_465 = tpu.memref_slice %arg10[%add3A_426, %get3A_464] : memref<80x64xf32, #tpu.memory_space<vmem>> -> memref<1x64xf32, #tpu.memory_space<vmem>>
      %get3A_466 = tpu.memref_squeeze %get3A_465 : memref<1x64xf32, #tpu.memory_space<vmem>> -> memref<64xf32, #tpu.memory_space<vmem>>
      %get3A_467 = arith.constant 48 : index
      %get3A_468 = tpu.vector_load %get3A_466[%get3A_467] {strides = array<i32>} : memref<64xf32, #tpu.memory_space<vmem>>, vector<16xf32>,
      %get3A_469 = arith.constant 0 : i32
      %get3A_470 = tpu.memref_slice %arg11[%add3A_430, %get3A_469] : memref<80x64xf32, #tpu.memory_space<vmem>> -> memref<1x64xf32, #tpu.memory_space<vmem>>
      %get3A_471 = tpu.memref_squeeze %get3A_470 : memref<1x64xf32, #tpu.memory_space<vmem>> -> memref<64xf32, #tpu.memory_space<vmem>>
      %get3A_472 = arith.constant 48 : index
      %get3A_473 = tpu.vector_load %get3A_471[%get3A_472] {strides = array<i32>} : memref<64xf32, #tpu.memory_space<vmem>>, vector<16xf32>,
      %mul3A_474 = arith.mulf %get3A_468, %get3A_473 : vector<16xf32>
      %add3A_475 = arith.addf %mul3A_441, %mul3A_452 : vector<16xf32>
      %add3A_476 = arith.addf %mul3A_463, %mul3A_474 : vector<16xf32>
      %add3A_477 = arith.addf %add3A_475, %add3A_476 : vector<16xf32>
      %swap3A_478 = arith.constant 6 : i32
      %swap3A_479 = arith.index_cast %swap3A_478 : i32 to index
      %swap3A_480 = arith.constant 0 : index
      %swap3A_481 = tpu.vector_load %arg15[%swap3A_479, %swap3A_480] {strides = array<i32>} : memref<16x16xf32, #tpu.memory_space<vmem>>, vector<16xf32>,
      tpu.vector_store %arg15[%swap3A_479, %swap3A_480], %add3A_477 {strides = array<i32>} : memref<16x16xf32, #tpu.memory_space<vmem>>, vector<16xf32>,
      %mul3A_482 = arith.constant 16 : i32
      %mul3A_483 = arith.muli %scan3A_68, %mul3A_482 : i32
      %add3A_484 = arith.constant 7 : i32
      %add3A_485 = arith.addi %mul3A_483, %add3A_484 : i32
      %mul3A_486 = arith.constant 16 : i32
      %mul3A_487 = arith.muli %scan3A_68, %mul3A_486 : i32
      %add3A_488 = arith.constant 7 : i32
      %add3A_489 = arith.addi %mul3A_487, %add3A_488 : i32
      %get3A_490 = arith.constant 0 : i32
      %get3A_491 = tpu.memref_slice %arg10[%add3A_485, %get3A_490] : memref<80x64xf32, #tpu.memory_space<vmem>> -> memref<1x64xf32, #tpu.memory_space<vmem>>
      %get3A_492 = tpu.memref_squeeze %get3A_491 : memref<1x64xf32, #tpu.memory_space<vmem>> -> memref<64xf32, #tpu.memory_space<vmem>>
      %get3A_493 = arith.constant 0 : index
      %get3A_494 = tpu.vector_load %get3A_492[%get3A_493] {strides = array<i32>} : memref<64xf32, #tpu.memory_space<vmem>>, vector<16xf32>,
      %get3A_495 = arith.constant 0 : i32
      %get3A_496 = tpu.memref_slice %arg11[%add3A_489, %get3A_495] : memref<80x64xf32, #tpu.memory_space<vmem>> -> memref<1x64xf32, #tpu.memory_space<vmem>>
      %get3A_497 = tpu.memref_squeeze %get3A_496 : memref<1x64xf32, #tpu.memory_space<vmem>> -> memref<64xf32, #tpu.memory_space<vmem>>
      %get3A_498 = arith.constant 0 : index
      %get3A_499 = tpu.vector_load %get3A_497[%get3A_498] {strides = array<i32>} : memref<64xf32, #tpu.memory_space<vmem>>, vector<16xf32>,
      %mul3A_500 = arith.mulf %get3A_494, %get3A_499 : vector<16xf32>
      %get3A_501 = arith.constant 0 : i32
      %get3A_502 = tpu.memref_slice %arg10[%add3A_485, %get3A_501] : memref<80x64xf32, #tpu.memory_space<vmem>> -> memref<1x64xf32, #tpu.memory_space<vmem>>
      %get3A_503 = tpu.memref_squeeze %get3A_502 : memref<1x64xf32, #tpu.memory_space<vmem>> -> memref<64xf32, #tpu.memory_space<vmem>>
      %get3A_504 = arith.constant 16 : index
      %get3A_505 = tpu.vector_load %get3A_503[%get3A_504] {strides = array<i32>} : memref<64xf32, #tpu.memory_space<vmem>>, vector<16xf32>,
      %get3A_506 = arith.constant 0 : i32
      %get3A_507 = tpu.memref_slice %arg11[%add3A_489, %get3A_506] : memref<80x64xf32, #tpu.memory_space<vmem>> -> memref<1x64xf32, #tpu.memory_space<vmem>>
      %get3A_508 = tpu.memref_squeeze %get3A_507 : memref<1x64xf32, #tpu.memory_space<vmem>> -> memref<64xf32, #tpu.memory_space<vmem>>
      %get3A_509 = arith.constant 16 : index
      %get3A_510 = tpu.vector_load %get3A_508[%get3A_509] {strides = array<i32>} : memref<64xf32, #tpu.memory_space<vmem>>, vector<16xf32>,
      %mul3A_511 = arith.mulf %get3A_505, %get3A_510 : vector<16xf32>
      %get3A_512 = arith.constant 0 : i32
      %get3A_513 = tpu.memref_slice %arg10[%add3A_485, %get3A_512] : memref<80x64xf32, #tpu.memory_space<vmem>> -> memref<1x64xf32, #tpu.memory_space<vmem>>
      %get3A_514 = tpu.memref_squeeze %get3A_513 : memref<1x64xf32, #tpu.memory_space<vmem>> -> memref<64xf32, #tpu.memory_space<vmem>>
      %get3A_515 = arith.constant 32 : index
      %get3A_516 = tpu.vector_load %get3A_514[%get3A_515] {strides = array<i32>} : memref<64xf32, #tpu.memory_space<vmem>>, vector<16xf32>,
      %get3A_517 = arith.constant 0 : i32
      %get3A_518 = tpu.memref_slice %arg11[%add3A_489, %get3A_517] : memref<80x64xf32, #tpu.memory_space<vmem>> -> memref<1x64xf32, #tpu.memory_space<vmem>>
      %get3A_519 = tpu.memref_squeeze %get3A_518 : memref<1x64xf32, #tpu.memory_space<vmem>> -> memref<64xf32, #tpu.memory_space<vmem>>
      %get3A_520 = arith.constant 32 : index
      %get3A_521 = tpu.vector_load %get3A_519[%get3A_520] {strides = array<i32>} : memref<64xf32, #tpu.memory_space<vmem>>, vector<16xf32>,
      %mul3A_522 = arith.mulf %get3A_516, %get3A_521 : vector<16xf32>
      %get3A_523 = arith.constant 0 : i32
      %get3A_524 = tpu.memref_slice %arg10[%add3A_485, %get3A_523] : memref<80x64xf32, #tpu.memory_space<vmem>> -> memref<1x64xf32, #tpu.memory_space<vmem>>
      %get3A_525 = tpu.memref_squeeze %get3A_524 : memref<1x64xf32, #tpu.memory_space<vmem>> -> memref<64xf32, #tpu.memory_space<vmem>>
      %get3A_526 = arith.constant 48 : index
      %get3A_527 = tpu.vector_load %get3A_525[%get3A_526] {strides = array<i32>} : memref<64xf32, #tpu.memory_space<vmem>>, vector<16xf32>,
      %get3A_528 = arith.constant 0 : i32
      %get3A_529 = tpu.memref_slice %arg11[%add3A_489, %get3A_528] : memref<80x64xf32, #tpu.memory_space<vmem>> -> memref<1x64xf32, #tpu.memory_space<vmem>>
      %get3A_530 = tpu.memref_squeeze %get3A_529 : memref<1x64xf32, #tpu.memory_space<vmem>> -> memref<64xf32, #tpu.memory_space<vmem>>
      %get3A_531 = arith.constant 48 : index
      %get3A_532 = tpu.vector_load %get3A_530[%get3A_531] {strides = array<i32>} : memref<64xf32, #tpu.memory_space<vmem>>, vector<16xf32>,
      %mul3A_533 = arith.mulf %get3A_527, %get3A_532 : vector<16xf32>
      %add3A_534 = arith.addf %mul3A_500, %mul3A_511 : vector<16xf32>
      %add3A_535 = arith.addf %mul3A_522, %mul3A_533 : vector<16xf32>
      %add3A_536 = arith.addf %add3A_534, %add3A_535 : vector<16xf32>
      %swap3A_537 = arith.constant 7 : i32
      %swap3A_538 = arith.index_cast %swap3A_537 : i32 to index
      %swap3A_539 = arith.constant 0 : index
      %swap3A_540 = tpu.vector_load %arg15[%swap3A_538, %swap3A_539] {strides = array<i32>} : memref<16x16xf32, #tpu.memory_space<vmem>>, vector<16xf32>,
      tpu.vector_store %arg15[%swap3A_538, %swap3A_539], %add3A_536 {strides = array<i32>} : memref<16x16xf32, #tpu.memory_space<vmem>>, vector<16xf32>,
      %mul3A_541 = arith.constant 16 : i32
      %mul3A_542 = arith.muli %scan3A_68, %mul3A_541 : i32
      %add3A_543 = arith.constant 8 : i32
      %add3A_544 = arith.addi %mul3A_542, %add3A_543 : i32
      %mul3A_545 = arith.constant 16 : i32
      %mul3A_546 = arith.muli %scan3A_68, %mul3A_545 : i32
      %add3A_547 = arith.constant 8 : i32
      %add3A_548 = arith.addi %mul3A_546, %add3A_547 : i32
      %get3A_549 = arith.constant 0 : i32
      %get3A_550 = tpu.memref_slice %arg10[%add3A_544, %get3A_549] : memref<80x64xf32, #tpu.memory_space<vmem>> -> memref<1x64xf32, #tpu.memory_space<vmem>>
      %get3A_551 = tpu.memref_squeeze %get3A_550 : memref<1x64xf32, #tpu.memory_space<vmem>> -> memref<64xf32, #tpu.memory_space<vmem>>
      %get3A_552 = arith.constant 0 : index
      %get3A_553 = tpu.vector_load %get3A_551[%get3A_552] {strides = array<i32>} : memref<64xf32, #tpu.memory_space<vmem>>, vector<16xf32>,
      %get3A_554 = arith.constant 0 : i32
      %get3A_555 = tpu.memref_slice %arg11[%add3A_548, %get3A_554] : memref<80x64xf32, #tpu.memory_space<vmem>> -> memref<1x64xf32, #tpu.memory_space<vmem>>
      %get3A_556 = tpu.memref_squeeze %get3A_555 : memref<1x64xf32, #tpu.memory_space<vmem>> -> memref<64xf32, #tpu.memory_space<vmem>>
      %get3A_557 = arith.constant 0 : index
      %get3A_558 = tpu.vector_load %get3A_556[%get3A_557] {strides = array<i32>} : memref<64xf32, #tpu.memory_space<vmem>>, vector<16xf32>,
      %mul3A_559 = arith.mulf %get3A_553, %get3A_558 : vector<16xf32>
      %get3A_560 = arith.constant 0 : i32
      %get3A_561 = tpu.memref_slice %arg10[%add3A_544, %get3A_560] : memref<80x64xf32, #tpu.memory_space<vmem>> -> memref<1x64xf32, #tpu.memory_space<vmem>>
      %get3A_562 = tpu.memref_squeeze %get3A_561 : memref<1x64xf32, #tpu.memory_space<vmem>> -> memref<64xf32, #tpu.memory_space<vmem>>
      %get3A_563 = arith.constant 16 : index
      %get3A_564 = tpu.vector_load %get3A_562[%get3A_563] {strides = array<i32>} : memref<64xf32, #tpu.memory_space<vmem>>, vector<16xf32>,
      %get3A_565 = arith.constant 0 : i32
      %get3A_566 = tpu.memref_slice %arg11[%add3A_548, %get3A_565] : memref<80x64xf32, #tpu.memory_space<vmem>> -> memref<1x64xf32, #tpu.memory_space<vmem>>
      %get3A_567 = tpu.memref_squeeze %get3A_566 : memref<1x64xf32, #tpu.memory_space<vmem>> -> memref<64xf32, #tpu.memory_space<vmem>>
      %get3A_568 = arith.constant 16 : index
      %get3A_569 = tpu.vector_load %get3A_567[%get3A_568] {strides = array<i32>} : memref<64xf32, #tpu.memory_space<vmem>>, vector<16xf32>,
      %mul3A_570 = arith.mulf %get3A_564, %get3A_569 : vector<16xf32>
      %get3A_571 = arith.constant 0 : i32
      %get3A_572 = tpu.memref_slice %arg10[%add3A_544, %get3A_571] : memref<80x64xf32, #tpu.memory_space<vmem>> -> memref<1x64xf32, #tpu.memory_space<vmem>>
      %get3A_573 = tpu.memref_squeeze %get3A_572 : memref<1x64xf32, #tpu.memory_space<vmem>> -> memref<64xf32, #tpu.memory_space<vmem>>
      %get3A_574 = arith.constant 32 : index
      %get3A_575 = tpu.vector_load %get3A_573[%get3A_574] {strides = array<i32>} : memref<64xf32, #tpu.memory_space<vmem>>, vector<16xf32>,
      %get3A_576 = arith.constant 0 : i32
      %get3A_577 = tpu.memref_slice %arg11[%add3A_548, %get3A_576] : memref<80x64xf32, #tpu.memory_space<vmem>> -> memref<1x64xf32, #tpu.memory_space<vmem>>
      %get3A_578 = tpu.memref_squeeze %get3A_577 : memref<1x64xf32, #tpu.memory_space<vmem>> -> memref<64xf32, #tpu.memory_space<vmem>>
      %get3A_579 = arith.constant 32 : index
      %get3A_580 = tpu.vector_load %get3A_578[%get3A_579] {strides = array<i32>} : memref<64xf32, #tpu.memory_space<vmem>>, vector<16xf32>,
      %mul3A_581 = arith.mulf %get3A_575, %get3A_580 : vector<16xf32>
      %get3A_582 = arith.constant 0 : i32
      %get3A_583 = tpu.memref_slice %arg10[%add3A_544, %get3A_582] : memref<80x64xf32, #tpu.memory_space<vmem>> -> memref<1x64xf32, #tpu.memory_space<vmem>>
      %get3A_584 = tpu.memref_squeeze %get3A_583 : memref<1x64xf32, #tpu.memory_space<vmem>> -> memref<64xf32, #tpu.memory_space<vmem>>
      %get3A_585 = arith.constant 48 : index
      %get3A_586 = tpu.vector_load %get3A_584[%get3A_585] {strides = array<i32>} : memref<64xf32, #tpu.memory_space<vmem>>, vector<16xf32>,
      %get3A_587 = arith.constant 0 : i32
      %get3A_588 = tpu.memref_slice %arg11[%add3A_548, %get3A_587] : memref<80x64xf32, #tpu.memory_space<vmem>> -> memref<1x64xf32, #tpu.memory_space<vmem>>
      %get3A_589 = tpu.memref_squeeze %get3A_588 : memref<1x64xf32, #tpu.memory_space<vmem>> -> memref<64xf32, #tpu.memory_space<vmem>>
      %get3A_590 = arith.constant 48 : index
      %get3A_591 = tpu.vector_load %get3A_589[%get3A_590] {strides = array<i32>} : memref<64xf32, #tpu.memory_space<vmem>>, vector<16xf32>,
      %mul3A_592 = arith.mulf %get3A_586, %get3A_591 : vector<16xf32>
      %add3A_593 = arith.addf %mul3A_559, %mul3A_570 : vector<16xf32>
      %add3A_594 = arith.addf %mul3A_581, %mul3A_592 : vector<16xf32>
      %add3A_595 = arith.addf %add3A_593, %add3A_594 : vector<16xf32>
      %swap3A_596 = arith.constant 8 : i32
      %swap3A_597 = arith.index_cast %swap3A_596 : i32 to index
      %swap3A_598 = arith.constant 0 : index
      %swap3A_599 = tpu.vector_load %arg15[%swap3A_597, %swap3A_598] {strides = array<i32>} : memref<16x16xf32, #tpu.memory_space<vmem>>, vector<16xf32>,
      tpu.vector_store %arg15[%swap3A_597, %swap3A_598], %add3A_595 {strides = array<i32>} : memref<16x16xf32, #tpu.memory_space<vmem>>, vector<16xf32>,
      %mul3A_600 = arith.constant 16 : i32
      %mul3A_601 = arith.muli %scan3A_68, %mul3A_600 : i32
      %add3A_602 = arith.constant 9 : i32
      %add3A_603 = arith.addi %mul3A_601, %add3A_602 : i32
      %mul3A_604 = arith.constant 16 : i32
      %mul3A_605 = arith.muli %scan3A_68, %mul3A_604 : i32
      %add3A_606 = arith.constant 9 : i32
      %add3A_607 = arith.addi %mul3A_605, %add3A_606 : i32
      %get3A_608 = arith.constant 0 : i32
      %get3A_609 = tpu.memref_slice %arg10[%add3A_603, %get3A_608] : memref<80x64xf32, #tpu.memory_space<vmem>> -> memref<1x64xf32, #tpu.memory_space<vmem>>
      %get3A_610 = tpu.memref_squeeze %get3A_609 : memref<1x64xf32, #tpu.memory_space<vmem>> -> memref<64xf32, #tpu.memory_space<vmem>>
      %get3A_611 = arith.constant 0 : index
      %get3A_612 = tpu.vector_load %get3A_610[%get3A_611] {strides = array<i32>} : memref<64xf32, #tpu.memory_space<vmem>>, vector<16xf32>,
      %get3A_613 = arith.constant 0 : i32
      %get3A_614 = tpu.memref_slice %arg11[%add3A_607, %get3A_613] : memref<80x64xf32, #tpu.memory_space<vmem>> -> memref<1x64xf32, #tpu.memory_space<vmem>>
      %get3A_615 = tpu.memref_squeeze %get3A_614 : memref<1x64xf32, #tpu.memory_space<vmem>> -> memref<64xf32, #tpu.memory_space<vmem>>
      %get3A_616 = arith.constant 0 : index
      %get3A_617 = tpu.vector_load %get3A_615[%get3A_616] {strides = array<i32>} : memref<64xf32, #tpu.memory_space<vmem>>, vector<16xf32>,
      %mul3A_618 = arith.mulf %get3A_612, %get3A_617 : vector<16xf32>
      %get3A_619 = arith.constant 0 : i32
      %get3A_620 = tpu.memref_slice %arg10[%add3A_603, %get3A_619] : memref<80x64xf32, #tpu.memory_space<vmem>> -> memref<1x64xf32, #tpu.memory_space<vmem>>
      %get3A_621 = tpu.memref_squeeze %get3A_620 : memref<1x64xf32, #tpu.memory_space<vmem>> -> memref<64xf32, #tpu.memory_space<vmem>>
      %get3A_622 = arith.constant 16 : index
      %get3A_623 = tpu.vector_load %get3A_621[%get3A_622] {strides = array<i32>} : memref<64xf32, #tpu.memory_space<vmem>>, vector<16xf32>,
      %get3A_624 = arith.constant 0 : i32
      %get3A_625 = tpu.memref_slice %arg11[%add3A_607, %get3A_624] : memref<80x64xf32, #tpu.memory_space<vmem>> -> memref<1x64xf32, #tpu.memory_space<vmem>>
      %get3A_626 = tpu.memref_squeeze %get3A_625 : memref<1x64xf32, #tpu.memory_space<vmem>> -> memref<64xf32, #tpu.memory_space<vmem>>
      %get3A_627 = arith.constant 16 : index
      %get3A_628 = tpu.vector_load %get3A_626[%get3A_627] {strides = array<i32>} : memref<64xf32, #tpu.memory_space<vmem>>, vector<16xf32>,
      %mul3A_629 = arith.mulf %get3A_623, %get3A_628 : vector<16xf32>
      %get3A_630 = arith.constant 0 : i32
      %get3A_631 = tpu.memref_slice %arg10[%add3A_603, %get3A_630] : memref<80x64xf32, #tpu.memory_space<vmem>> -> memref<1x64xf32, #tpu.memory_space<vmem>>
      %get3A_632 = tpu.memref_squeeze %get3A_631 : memref<1x64xf32, #tpu.memory_space<vmem>> -> memref<64xf32, #tpu.memory_space<vmem>>
      %get3A_633 = arith.constant 32 : index
      %get3A_634 = tpu.vector_load %get3A_632[%get3A_633] {strides = array<i32>} : memref<64xf32, #tpu.memory_space<vmem>>, vector<16xf32>,
      %get3A_635 = arith.constant 0 : i32
      %get3A_636 = tpu.memref_slice %arg11[%add3A_607, %get3A_635] : memref<80x64xf32, #tpu.memory_space<vmem>> -> memref<1x64xf32, #tpu.memory_space<vmem>>
      %get3A_637 = tpu.memref_squeeze %get3A_636 : memref<1x64xf32, #tpu.memory_space<vmem>> -> memref<64xf32, #tpu.memory_space<vmem>>
      %get3A_638 = arith.constant 32 : index
      %get3A_639 = tpu.vector_load %get3A_637[%get3A_638] {strides = array<i32>} : memref<64xf32, #tpu.memory_space<vmem>>, vector<16xf32>,
      %mul3A_640 = arith.mulf %get3A_634, %get3A_639 : vector<16xf32>
      %get3A_641 = arith.constant 0 : i32
      %get3A_642 = tpu.memref_slice %arg10[%add3A_603, %get3A_641] : memref<80x64xf32, #tpu.memory_space<vmem>> -> memref<1x64xf32, #tpu.memory_space<vmem>>
      %get3A_643 = tpu.memref_squeeze %get3A_642 : memref<1x64xf32, #tpu.memory_space<vmem>> -> memref<64xf32, #tpu.memory_space<vmem>>
      %get3A_644 = arith.constant 48 : index
      %get3A_645 = tpu.vector_load %get3A_643[%get3A_644] {strides = array<i32>} : memref<64xf32, #tpu.memory_space<vmem>>, vector<16xf32>,
      %get3A_646 = arith.constant 0 : i32
      %get3A_647 = tpu.memref_slice %arg11[%add3A_607, %get3A_646] : memref<80x64xf32, #tpu.memory_space<vmem>> -> memref<1x64xf32, #tpu.memory_space<vmem>>
      %get3A_648 = tpu.memref_squeeze %get3A_647 : memref<1x64xf32, #tpu.memory_space<vmem>> -> memref<64xf32, #tpu.memory_space<vmem>>
      %get3A_649 = arith.constant 48 : index
      %get3A_650 = tpu.vector_load %get3A_648[%get3A_649] {strides = array<i32>} : memref<64xf32, #tpu.memory_space<vmem>>, vector<16xf32>,
      %mul3A_651 = arith.mulf %get3A_645, %get3A_650 : vector<16xf32>
      %add3A_652 = arith.addf %mul3A_618, %mul3A_629 : vector<16xf32>
      %add3A_653 = arith.addf %mul3A_640, %mul3A_651 : vector<16xf32>
      %add3A_654 = arith.addf %add3A_652, %add3A_653 : vector<16xf32>
      %swap3A_655 = arith.constant 9 : i32
      %swap3A_656 = arith.index_cast %swap3A_655 : i32 to index
      %swap3A_657 = arith.constant 0 : index
      %swap3A_658 = tpu.vector_load %arg15[%swap3A_656, %swap3A_657] {strides = array<i32>} : memref<16x16xf32, #tpu.memory_space<vmem>>, vector<16xf32>,
      tpu.vector_store %arg15[%swap3A_656, %swap3A_657], %add3A_654 {strides = array<i32>} : memref<16x16xf32, #tpu.memory_space<vmem>>, vector<16xf32>,
      %mul3A_659 = arith.constant 16 : i32
      %mul3A_660 = arith.muli %scan3A_68, %mul3A_659 : i32
      %add3A_661 = arith.constant 10 : i32
      %add3A_662 = arith.addi %mul3A_660, %add3A_661 : i32
      %mul3A_663 = arith.constant 16 : i32
      %mul3A_664 = arith.muli %scan3A_68, %mul3A_663 : i32
      %add3A_665 = arith.constant 10 : i32
      %add3A_666 = arith.addi %mul3A_664, %add3A_665 : i32
      %get3A_667 = arith.constant 0 : i32
      %get3A_668 = tpu.memref_slice %arg10[%add3A_662, %get3A_667] : memref<80x64xf32, #tpu.memory_space<vmem>> -> memref<1x64xf32, #tpu.memory_space<vmem>>
      %get3A_669 = tpu.memref_squeeze %get3A_668 : memref<1x64xf32, #tpu.memory_space<vmem>> -> memref<64xf32, #tpu.memory_space<vmem>>
      %get3A_670 = arith.constant 0 : index
      %get3A_671 = tpu.vector_load %get3A_669[%get3A_670] {strides = array<i32>} : memref<64xf32, #tpu.memory_space<vmem>>, vector<16xf32>,
      %get3A_672 = arith.constant 0 : i32
      %get3A_673 = tpu.memref_slice %arg11[%add3A_666, %get3A_672] : memref<80x64xf32, #tpu.memory_space<vmem>> -> memref<1x64xf32, #tpu.memory_space<vmem>>
      %get3A_674 = tpu.memref_squeeze %get3A_673 : memref<1x64xf32, #tpu.memory_space<vmem>> -> memref<64xf32, #tpu.memory_space<vmem>>
      %get3A_675 = arith.constant 0 : index
      %get3A_676 = tpu.vector_load %get3A_674[%get3A_675] {strides = array<i32>} : memref<64xf32, #tpu.memory_space<vmem>>, vector<16xf32>,
      %mul3A_677 = arith.mulf %get3A_671, %get3A_676 : vector<16xf32>
      %get3A_678 = arith.constant 0 : i32
      %get3A_679 = tpu.memref_slice %arg10[%add3A_662, %get3A_678] : memref<80x64xf32, #tpu.memory_space<vmem>> -> memref<1x64xf32, #tpu.memory_space<vmem>>
      %get3A_680 = tpu.memref_squeeze %get3A_679 : memref<1x64xf32, #tpu.memory_space<vmem>> -> memref<64xf32, #tpu.memory_space<vmem>>
      %get3A_681 = arith.constant 16 : index
      %get3A_682 = tpu.vector_load %get3A_680[%get3A_681] {strides = array<i32>} : memref<64xf32, #tpu.memory_space<vmem>>, vector<16xf32>,
      %get3A_683 = arith.constant 0 : i32
      %get3A_684 = tpu.memref_slice %arg11[%add3A_666, %get3A_683] : memref<80x64xf32, #tpu.memory_space<vmem>> -> memref<1x64xf32, #tpu.memory_space<vmem>>
      %get3A_685 = tpu.memref_squeeze %get3A_684 : memref<1x64xf32, #tpu.memory_space<vmem>> -> memref<64xf32, #tpu.memory_space<vmem>>
      %get3A_686 = arith.constant 16 : index
      %get3A_687 = tpu.vector_load %get3A_685[%get3A_686] {strides = array<i32>} : memref<64xf32, #tpu.memory_space<vmem>>, vector<16xf32>,
      %mul3A_688 = arith.mulf %get3A_682, %get3A_687 : vector<16xf32>
      %get3A_689 = arith.constant 0 : i32
      %get3A_690 = tpu.memref_slice %arg10[%add3A_662, %get3A_689] : memref<80x64xf32, #tpu.memory_space<vmem>> -> memref<1x64xf32, #tpu.memory_space<vmem>>
      %get3A_691 = tpu.memref_squeeze %get3A_690 : memref<1x64xf32, #tpu.memory_space<vmem>> -> memref<64xf32, #tpu.memory_space<vmem>>
      %get3A_692 = arith.constant 32 : index
      %get3A_693 = tpu.vector_load %get3A_691[%get3A_692] {strides = array<i32>} : memref<64xf32, #tpu.memory_space<vmem>>, vector<16xf32>,
      %get3A_694 = arith.constant 0 : i32
      %get3A_695 = tpu.memref_slice %arg11[%add3A_666, %get3A_694] : memref<80x64xf32, #tpu.memory_space<vmem>> -> memref<1x64xf32, #tpu.memory_space<vmem>>
      %get3A_696 = tpu.memref_squeeze %get3A_695 : memref<1x64xf32, #tpu.memory_space<vmem>> -> memref<64xf32, #tpu.memory_space<vmem>>
      %get3A_697 = arith.constant 32 : index
      %get3A_698 = tpu.vector_load %get3A_696[%get3A_697] {strides = array<i32>} : memref<64xf32, #tpu.memory_space<vmem>>, vector<16xf32>,
      %mul3A_699 = arith.mulf %get3A_693, %get3A_698 : vector<16xf32>
      %get3A_700 = arith.constant 0 : i32
      %get3A_701 = tpu.memref_slice %arg10[%add3A_662, %get3A_700] : memref<80x64xf32, #tpu.memory_space<vmem>> -> memref<1x64xf32, #tpu.memory_space<vmem>>
      %get3A_702 = tpu.memref_squeeze %get3A_701 : memref<1x64xf32, #tpu.memory_space<vmem>> -> memref<64xf32, #tpu.memory_space<vmem>>
      %get3A_703 = arith.constant 48 : index
      %get3A_704 = tpu.vector_load %get3A_702[%get3A_703] {strides = array<i32>} : memref<64xf32, #tpu.memory_space<vmem>>, vector<16xf32>,
      %get3A_705 = arith.constant 0 : i32
      %get3A_706 = tpu.memref_slice %arg11[%add3A_666, %get3A_705] : memref<80x64xf32, #tpu.memory_space<vmem>> -> memref<1x64xf32, #tpu.memory_space<vmem>>
      %get3A_707 = tpu.memref_squeeze %get3A_706 : memref<1x64xf32, #tpu.memory_space<vmem>> -> memref<64xf32, #tpu.memory_space<vmem>>
      %get3A_708 = arith.constant 48 : index
      %get3A_709 = tpu.vector_load %get3A_707[%get3A_708] {strides = array<i32>} : memref<64xf32, #tpu.memory_space<vmem>>, vector<16xf32>,
      %mul3A_710 = arith.mulf %get3A_704, %get3A_709 : vector<16xf32>
      %add3A_711 = arith.addf %mul3A_677, %mul3A_688 : vector<16xf32>
      %add3A_712 = arith.addf %mul3A_699, %mul3A_710 : vector<16xf32>
      %add3A_713 = arith.addf %add3A_711, %add3A_712 : vector<16xf32>
      %swap3A_714 = arith.constant 10 : i32
      %swap3A_715 = arith.index_cast %swap3A_714 : i32 to index
      %swap3A_716 = arith.constant 0 : index
      %swap3A_717 = tpu.vector_load %arg15[%swap3A_715, %swap3A_716] {strides = array<i32>} : memref<16x16xf32, #tpu.memory_space<vmem>>, vector<16xf32>,
      tpu.vector_store %arg15[%swap3A_715, %swap3A_716], %add3A_713 {strides = array<i32>} : memref<16x16xf32, #tpu.memory_space<vmem>>, vector<16xf32>,
      %mul3A_718 = arith.constant 16 : i32
      %mul3A_719 = arith.muli %scan3A_68, %mul3A_718 : i32
      %add3A_720 = arith.constant 11 : i32
      %add3A_721 = arith.addi %mul3A_719, %add3A_720 : i32
      %mul3A_722 = arith.constant 16 : i32
      %mul3A_723 = arith.muli %scan3A_68, %mul3A_722 : i32
      %add3A_724 = arith.constant 11 : i32
      %add3A_725 = arith.addi %mul3A_723, %add3A_724 : i32
      %get3A_726 = arith.constant 0 : i32
      %get3A_727 = tpu.memref_slice %arg10[%add3A_721, %get3A_726] : memref<80x64xf32, #tpu.memory_space<vmem>> -> memref<1x64xf32, #tpu.memory_space<vmem>>
      %get3A_728 = tpu.memref_squeeze %get3A_727 : memref<1x64xf32, #tpu.memory_space<vmem>> -> memref<64xf32, #tpu.memory_space<vmem>>
      %get3A_729 = arith.constant 0 : index
      %get3A_730 = tpu.vector_load %get3A_728[%get3A_729] {strides = array<i32>} : memref<64xf32, #tpu.memory_space<vmem>>, vector<16xf32>,
      %get3A_731 = arith.constant 0 : i32
      %get3A_732 = tpu.memref_slice %arg11[%add3A_725, %get3A_731] : memref<80x64xf32, #tpu.memory_space<vmem>> -> memref<1x64xf32, #tpu.memory_space<vmem>>
      %get3A_733 = tpu.memref_squeeze %get3A_732 : memref<1x64xf32, #tpu.memory_space<vmem>> -> memref<64xf32, #tpu.memory_space<vmem>>
      %get3A_734 = arith.constant 0 : index
      %get3A_735 = tpu.vector_load %get3A_733[%get3A_734] {strides = array<i32>} : memref<64xf32, #tpu.memory_space<vmem>>, vector<16xf32>,
      %mul3A_736 = arith.mulf %get3A_730, %get3A_735 : vector<16xf32>
      %get3A_737 = arith.constant 0 : i32
      %get3A_738 = tpu.memref_slice %arg10[%add3A_721, %get3A_737] : memref<80x64xf32, #tpu.memory_space<vmem>> -> memref<1x64xf32, #tpu.memory_space<vmem>>
      %get3A_739 = tpu.memref_squeeze %get3A_738 : memref<1x64xf32, #tpu.memory_space<vmem>> -> memref<64xf32, #tpu.memory_space<vmem>>
      %get3A_740 = arith.constant 16 : index
      %get3A_741 = tpu.vector_load %get3A_739[%get3A_740] {strides = array<i32>} : memref<64xf32, #tpu.memory_space<vmem>>, vector<16xf32>,
      %get3A_742 = arith.constant 0 : i32
      %get3A_743 = tpu.memref_slice %arg11[%add3A_725, %get3A_742] : memref<80x64xf32, #tpu.memory_space<vmem>> -> memref<1x64xf32, #tpu.memory_space<vmem>>
      %get3A_744 = tpu.memref_squeeze %get3A_743 : memref<1x64xf32, #tpu.memory_space<vmem>> -> memref<64xf32, #tpu.memory_space<vmem>>
      %get3A_745 = arith.constant 16 : index
      %get3A_746 = tpu.vector_load %get3A_744[%get3A_745] {strides = array<i32>} : memref<64xf32, #tpu.memory_space<vmem>>, vector<16xf32>,
      %mul3A_747 = arith.mulf %get3A_741, %get3A_746 : vector<16xf32>
      %get3A_748 = arith.constant 0 : i32
      %get3A_749 = tpu.memref_slice %arg10[%add3A_721, %get3A_748] : memref<80x64xf32, #tpu.memory_space<vmem>> -> memref<1x64xf32, #tpu.memory_space<vmem>>
      %get3A_750 = tpu.memref_squeeze %get3A_749 : memref<1x64xf32, #tpu.memory_space<vmem>> -> memref<64xf32, #tpu.memory_space<vmem>>
      %get3A_751 = arith.constant 32 : index
      %get3A_752 = tpu.vector_load %get3A_750[%get3A_751] {strides = array<i32>} : memref<64xf32, #tpu.memory_space<vmem>>, vector<16xf32>,
      %get3A_753 = arith.constant 0 : i32
      %get3A_754 = tpu.memref_slice %arg11[%add3A_725, %get3A_753] : memref<80x64xf32, #tpu.memory_space<vmem>> -> memref<1x64xf32, #tpu.memory_space<vmem>>
      %get3A_755 = tpu.memref_squeeze %get3A_754 : memref<1x64xf32, #tpu.memory_space<vmem>> -> memref<64xf32, #tpu.memory_space<vmem>>
      %get3A_756 = arith.constant 32 : index
      %get3A_757 = tpu.vector_load %get3A_755[%get3A_756] {strides = array<i32>} : memref<64xf32, #tpu.memory_space<vmem>>, vector<16xf32>,
      %mul3A_758 = arith.mulf %get3A_752, %get3A_757 : vector<16xf32>
      %get3A_759 = arith.constant 0 : i32
      %get3A_760 = tpu.memref_slice %arg10[%add3A_721, %get3A_759] : memref<80x64xf32, #tpu.memory_space<vmem>> -> memref<1x64xf32, #tpu.memory_space<vmem>>
      %get3A_761 = tpu.memref_squeeze %get3A_760 : memref<1x64xf32, #tpu.memory_space<vmem>> -> memref<64xf32, #tpu.memory_space<vmem>>
      %get3A_762 = arith.constant 48 : index
      %get3A_763 = tpu.vector_load %get3A_761[%get3A_762] {strides = array<i32>} : memref<64xf32, #tpu.memory_space<vmem>>, vector<16xf32>,
      %get3A_764 = arith.constant 0 : i32
      %get3A_765 = tpu.memref_slice %arg11[%add3A_725, %get3A_764] : memref<80x64xf32, #tpu.memory_space<vmem>> -> memref<1x64xf32, #tpu.memory_space<vmem>>
      %get3A_766 = tpu.memref_squeeze %get3A_765 : memref<1x64xf32, #tpu.memory_space<vmem>> -> memref<64xf32, #tpu.memory_space<vmem>>
      %get3A_767 = arith.constant 48 : index
      %get3A_768 = tpu.vector_load %get3A_766[%get3A_767] {strides = array<i32>} : memref<64xf32, #tpu.memory_space<vmem>>, vector<16xf32>,
      %mul3A_769 = arith.mulf %get3A_763, %get3A_768 : vector<16xf32>
      %add3A_770 = arith.addf %mul3A_736, %mul3A_747 : vector<16xf32>
      %add3A_771 = arith.addf %mul3A_758, %mul3A_769 : vector<16xf32>
      %add3A_772 = arith.addf %add3A_770, %add3A_771 : vector<16xf32>
      %swap3A_773 = arith.constant 11 : i32
      %swap3A_774 = arith.index_cast %swap3A_773 : i32 to index
      %swap3A_775 = arith.constant 0 : index
      %swap3A_776 = tpu.vector_load %arg15[%swap3A_774, %swap3A_775] {strides = array<i32>} : memref<16x16xf32, #tpu.memory_space<vmem>>, vector<16xf32>,
      tpu.vector_store %arg15[%swap3A_774, %swap3A_775], %add3A_772 {strides = array<i32>} : memref<16x16xf32, #tpu.memory_space<vmem>>, vector<16xf32>,
      %mul3A_777 = arith.constant 16 : i32
      %mul3A_778 = arith.muli %scan3A_68, %mul3A_777 : i32
      %add3A_779 = arith.constant 12 : i32
      %add3A_780 = arith.addi %mul3A_778, %add3A_779 : i32
      %mul3A_781 = arith.constant 16 : i32
      %mul3A_782 = arith.muli %scan3A_68, %mul3A_781 : i32
      %add3A_783 = arith.constant 12 : i32
      %add3A_784 = arith.addi %mul3A_782, %add3A_783 : i32
      %get3A_785 = arith.constant 0 : i32
      %get3A_786 = tpu.memref_slice %arg10[%add3A_780, %get3A_785] : memref<80x64xf32, #tpu.memory_space<vmem>> -> memref<1x64xf32, #tpu.memory_space<vmem>>
      %get3A_787 = tpu.memref_squeeze %get3A_786 : memref<1x64xf32, #tpu.memory_space<vmem>> -> memref<64xf32, #tpu.memory_space<vmem>>
      %get3A_788 = arith.constant 0 : index
      %get3A_789 = tpu.vector_load %get3A_787[%get3A_788] {strides = array<i32>} : memref<64xf32, #tpu.memory_space<vmem>>, vector<16xf32>,
      %get3A_790 = arith.constant 0 : i32
      %get3A_791 = tpu.memref_slice %arg11[%add3A_784, %get3A_790] : memref<80x64xf32, #tpu.memory_space<vmem>> -> memref<1x64xf32, #tpu.memory_space<vmem>>
      %get3A_792 = tpu.memref_squeeze %get3A_791 : memref<1x64xf32, #tpu.memory_space<vmem>> -> memref<64xf32, #tpu.memory_space<vmem>>
      %get3A_793 = arith.constant 0 : index
      %get3A_794 = tpu.vector_load %get3A_792[%get3A_793] {strides = array<i32>} : memref<64xf32, #tpu.memory_space<vmem>>, vector<16xf32>,
      %mul3A_795 = arith.mulf %get3A_789, %get3A_794 : vector<16xf32>
      %get3A_796 = arith.constant 0 : i32
      %get3A_797 = tpu.memref_slice %arg10[%add3A_780, %get3A_796] : memref<80x64xf32, #tpu.memory_space<vmem>> -> memref<1x64xf32, #tpu.memory_space<vmem>>
      %get3A_798 = tpu.memref_squeeze %get3A_797 : memref<1x64xf32, #tpu.memory_space<vmem>> -> memref<64xf32, #tpu.memory_space<vmem>>
      %get3A_799 = arith.constant 16 : index
      %get3A_800 = tpu.vector_load %get3A_798[%get3A_799] {strides = array<i32>} : memref<64xf32, #tpu.memory_space<vmem>>, vector<16xf32>,
      %get3A_801 = arith.constant 0 : i32
      %get3A_802 = tpu.memref_slice %arg11[%add3A_784, %get3A_801] : memref<80x64xf32, #tpu.memory_space<vmem>> -> memref<1x64xf32, #tpu.memory_space<vmem>>
      %get3A_803 = tpu.memref_squeeze %get3A_802 : memref<1x64xf32, #tpu.memory_space<vmem>> -> memref<64xf32, #tpu.memory_space<vmem>>
      %get3A_804 = arith.constant 16 : index
      %get3A_805 = tpu.vector_load %get3A_803[%get3A_804] {strides = array<i32>} : memref<64xf32, #tpu.memory_space<vmem>>, vector<16xf32>,
      %mul3A_806 = arith.mulf %get3A_800, %get3A_805 : vector<16xf32>
      %get3A_807 = arith.constant 0 : i32
      %get3A_808 = tpu.memref_slice %arg10[%add3A_780, %get3A_807] : memref<80x64xf32, #tpu.memory_space<vmem>> -> memref<1x64xf32, #tpu.memory_space<vmem>>
      %get3A_809 = tpu.memref_squeeze %get3A_808 : memref<1x64xf32, #tpu.memory_space<vmem>> -> memref<64xf32, #tpu.memory_space<vmem>>
      %get3A_810 = arith.constant 32 : index
      %get3A_811 = tpu.vector_load %get3A_809[%get3A_810] {strides = array<i32>} : memref<64xf32, #tpu.memory_space<vmem>>, vector<16xf32>,
      %get3A_812 = arith.constant 0 : i32
      %get3A_813 = tpu.memref_slice %arg11[%add3A_784, %get3A_812] : memref<80x64xf32, #tpu.memory_space<vmem>> -> memref<1x64xf32, #tpu.memory_space<vmem>>
      %get3A_814 = tpu.memref_squeeze %get3A_813 : memref<1x64xf32, #tpu.memory_space<vmem>> -> memref<64xf32, #tpu.memory_space<vmem>>
      %get3A_815 = arith.constant 32 : index
      %get3A_816 = tpu.vector_load %get3A_814[%get3A_815] {strides = array<i32>} : memref<64xf32, #tpu.memory_space<vmem>>, vector<16xf32>,
      %mul3A_817 = arith.mulf %get3A_811, %get3A_816 : vector<16xf32>
      %get3A_818 = arith.constant 0 : i32
      %get3A_819 = tpu.memref_slice %arg10[%add3A_780, %get3A_818] : memref<80x64xf32, #tpu.memory_space<vmem>> -> memref<1x64xf32, #tpu.memory_space<vmem>>
      %get3A_820 = tpu.memref_squeeze %get3A_819 : memref<1x64xf32, #tpu.memory_space<vmem>> -> memref<64xf32, #tpu.memory_space<vmem>>
      %get3A_821 = arith.constant 48 : index
      %get3A_822 = tpu.vector_load %get3A_820[%get3A_821] {strides = array<i32>} : memref<64xf32, #tpu.memory_space<vmem>>, vector<16xf32>,
      %get3A_823 = arith.constant 0 : i32
      %get3A_824 = tpu.memref_slice %arg11[%add3A_784, %get3A_823] : memref<80x64xf32, #tpu.memory_space<vmem>> -> memref<1x64xf32, #tpu.memory_space<vmem>>
      %get3A_825 = tpu.memref_squeeze %get3A_824 : memref<1x64xf32, #tpu.memory_space<vmem>> -> memref<64xf32, #tpu.memory_space<vmem>>
      %get3A_826 = arith.constant 48 : index
      %get3A_827 = tpu.vector_load %get3A_825[%get3A_826] {strides = array<i32>} : memref<64xf32, #tpu.memory_space<vmem>>, vector<16xf32>,
      %mul3A_828 = arith.mulf %get3A_822, %get3A_827 : vector<16xf32>
      %add3A_829 = arith.addf %mul3A_795, %mul3A_806 : vector<16xf32>
      %add3A_830 = arith.addf %mul3A_817, %mul3A_828 : vector<16xf32>
      %add3A_831 = arith.addf %add3A_829, %add3A_830 : vector<16xf32>
      %swap3A_832 = arith.constant 12 : i32
      %swap3A_833 = arith.index_cast %swap3A_832 : i32 to index
      %swap3A_834 = arith.constant 0 : index
      %swap3A_835 = tpu.vector_load %arg15[%swap3A_833, %swap3A_834] {strides = array<i32>} : memref<16x16xf32, #tpu.memory_space<vmem>>, vector<16xf32>,
      tpu.vector_store %arg15[%swap3A_833, %swap3A_834], %add3A_831 {strides = array<i32>} : memref<16x16xf32, #tpu.memory_space<vmem>>, vector<16xf32>,
      %mul3A_836 = arith.constant 16 : i32
      %mul3A_837 = arith.muli %scan3A_68, %mul3A_836 : i32
      %add3A_838 = arith.constant 13 : i32
      %add3A_839 = arith.addi %mul3A_837, %add3A_838 : i32
      %mul3A_840 = arith.constant 16 : i32
      %mul3A_841 = arith.muli %scan3A_68, %mul3A_840 : i32
      %add3A_842 = arith.constant 13 : i32
      %add3A_843 = arith.addi %mul3A_841, %add3A_842 : i32
      %get3A_844 = arith.constant 0 : i32
      %get3A_845 = tpu.memref_slice %arg10[%add3A_839, %get3A_844] : memref<80x64xf32, #tpu.memory_space<vmem>> -> memref<1x64xf32, #tpu.memory_space<vmem>>
      %get3A_846 = tpu.memref_squeeze %get3A_845 : memref<1x64xf32, #tpu.memory_space<vmem>> -> memref<64xf32, #tpu.memory_space<vmem>>
      %get3A_847 = arith.constant 0 : index
      %get3A_848 = tpu.vector_load %get3A_846[%get3A_847] {strides = array<i32>} : memref<64xf32, #tpu.memory_space<vmem>>, vector<16xf32>,
      %get3A_849 = arith.constant 0 : i32
      %get3A_850 = tpu.memref_slice %arg11[%add3A_843, %get3A_849] : memref<80x64xf32, #tpu.memory_space<vmem>> -> memref<1x64xf32, #tpu.memory_space<vmem>>
      %get3A_851 = tpu.memref_squeeze %get3A_850 : memref<1x64xf32, #tpu.memory_space<vmem>> -> memref<64xf32, #tpu.memory_space<vmem>>
      %get3A_852 = arith.constant 0 : index
      %get3A_853 = tpu.vector_load %get3A_851[%get3A_852] {strides = array<i32>} : memref<64xf32, #tpu.memory_space<vmem>>, vector<16xf32>,
      %mul3A_854 = arith.mulf %get3A_848, %get3A_853 : vector<16xf32>
      %get3A_855 = arith.constant 0 : i32
      %get3A_856 = tpu.memref_slice %arg10[%add3A_839, %get3A_855] : memref<80x64xf32, #tpu.memory_space<vmem>> -> memref<1x64xf32, #tpu.memory_space<vmem>>
      %get3A_857 = tpu.memref_squeeze %get3A_856 : memref<1x64xf32, #tpu.memory_space<vmem>> -> memref<64xf32, #tpu.memory_space<vmem>>
      %get3A_858 = arith.constant 16 : index
      %get3A_859 = tpu.vector_load %get3A_857[%get3A_858] {strides = array<i32>} : memref<64xf32, #tpu.memory_space<vmem>>, vector<16xf32>,
      %get3A_860 = arith.constant 0 : i32
      %get3A_861 = tpu.memref_slice %arg11[%add3A_843, %get3A_860] : memref<80x64xf32, #tpu.memory_space<vmem>> -> memref<1x64xf32, #tpu.memory_space<vmem>>
      %get3A_862 = tpu.memref_squeeze %get3A_861 : memref<1x64xf32, #tpu.memory_space<vmem>> -> memref<64xf32, #tpu.memory_space<vmem>>
      %get3A_863 = arith.constant 16 : index
      %get3A_864 = tpu.vector_load %get3A_862[%get3A_863] {strides = array<i32>} : memref<64xf32, #tpu.memory_space<vmem>>, vector<16xf32>,
      %mul3A_865 = arith.mulf %get3A_859, %get3A_864 : vector<16xf32>
      %get3A_866 = arith.constant 0 : i32
      %get3A_867 = tpu.memref_slice %arg10[%add3A_839, %get3A_866] : memref<80x64xf32, #tpu.memory_space<vmem>> -> memref<1x64xf32, #tpu.memory_space<vmem>>
      %get3A_868 = tpu.memref_squeeze %get3A_867 : memref<1x64xf32, #tpu.memory_space<vmem>> -> memref<64xf32, #tpu.memory_space<vmem>>
      %get3A_869 = arith.constant 32 : index
      %get3A_870 = tpu.vector_load %get3A_868[%get3A_869] {strides = array<i32>} : memref<64xf32, #tpu.memory_space<vmem>>, vector<16xf32>,
      %get3A_871 = arith.constant 0 : i32
      %get3A_872 = tpu.memref_slice %arg11[%add3A_843, %get3A_871] : memref<80x64xf32, #tpu.memory_space<vmem>> -> memref<1x64xf32, #tpu.memory_space<vmem>>
      %get3A_873 = tpu.memref_squeeze %get3A_872 : memref<1x64xf32, #tpu.memory_space<vmem>> -> memref<64xf32, #tpu.memory_space<vmem>>
      %get3A_874 = arith.constant 32 : index
      %get3A_875 = tpu.vector_load %get3A_873[%get3A_874] {strides = array<i32>} : memref<64xf32, #tpu.memory_space<vmem>>, vector<16xf32>,
      %mul3A_876 = arith.mulf %get3A_870, %get3A_875 : vector<16xf32>
      %get3A_877 = arith.constant 0 : i32
      %get3A_878 = tpu.memref_slice %arg10[%add3A_839, %get3A_877] : memref<80x64xf32, #tpu.memory_space<vmem>> -> memref<1x64xf32, #tpu.memory_space<vmem>>
      %get3A_879 = tpu.memref_squeeze %get3A_878 : memref<1x64xf32, #tpu.memory_space<vmem>> -> memref<64xf32, #tpu.memory_space<vmem>>
      %get3A_880 = arith.constant 48 : index
      %get3A_881 = tpu.vector_load %get3A_879[%get3A_880] {strides = array<i32>} : memref<64xf32, #tpu.memory_space<vmem>>, vector<16xf32>,
      %get3A_882 = arith.constant 0 : i32
      %get3A_883 = tpu.memref_slice %arg11[%add3A_843, %get3A_882] : memref<80x64xf32, #tpu.memory_space<vmem>> -> memref<1x64xf32, #tpu.memory_space<vmem>>
      %get3A_884 = tpu.memref_squeeze %get3A_883 : memref<1x64xf32, #tpu.memory_space<vmem>> -> memref<64xf32, #tpu.memory_space<vmem>>
      %get3A_885 = arith.constant 48 : index
      %get3A_886 = tpu.vector_load %get3A_884[%get3A_885] {strides = array<i32>} : memref<64xf32, #tpu.memory_space<vmem>>, vector<16xf32>,
      %mul3A_887 = arith.mulf %get3A_881, %get3A_886 : vector<16xf32>
      %add3A_888 = arith.addf %mul3A_854, %mul3A_865 : vector<16xf32>
      %add3A_889 = arith.addf %mul3A_876, %mul3A_887 : vector<16xf32>
      %add3A_890 = arith.addf %add3A_888, %add3A_889 : vector<16xf32>
      %swap3A_891 = arith.constant 13 : i32
      %swap3A_892 = arith.index_cast %swap3A_891 : i32 to index
      %swap3A_893 = arith.constant 0 : index
      %swap3A_894 = tpu.vector_load %arg15[%swap3A_892, %swap3A_893] {strides = array<i32>} : memref<16x16xf32, #tpu.memory_space<vmem>>, vector<16xf32>,
      tpu.vector_store %arg15[%swap3A_892, %swap3A_893], %add3A_890 {strides = array<i32>} : memref<16x16xf32, #tpu.memory_space<vmem>>, vector<16xf32>,
      %mul3A_895 = arith.constant 16 : i32
      %mul3A_896 = arith.muli %scan3A_68, %mul3A_895 : i32
      %add3A_897 = arith.constant 14 : i32
      %add3A_898 = arith.addi %mul3A_896, %add3A_897 : i32
      %mul3A_899 = arith.constant 16 : i32
      %mul3A_900 = arith.muli %scan3A_68, %mul3A_899 : i32
      %add3A_901 = arith.constant 14 : i32
      %add3A_902 = arith.addi %mul3A_900, %add3A_901 : i32
      %get3A_903 = arith.constant 0 : i32
      %get3A_904 = tpu.memref_slice %arg10[%add3A_898, %get3A_903] : memref<80x64xf32, #tpu.memory_space<vmem>> -> memref<1x64xf32, #tpu.memory_space<vmem>>
      %get3A_905 = tpu.memref_squeeze %get3A_904 : memref<1x64xf32, #tpu.memory_space<vmem>> -> memref<64xf32, #tpu.memory_space<vmem>>
      %get3A_906 = arith.constant 0 : index
      %get3A_907 = tpu.vector_load %get3A_905[%get3A_906] {strides = array<i32>} : memref<64xf32, #tpu.memory_space<vmem>>, vector<16xf32>,
      %get3A_908 = arith.constant 0 : i32
      %get3A_909 = tpu.memref_slice %arg11[%add3A_902, %get3A_908] : memref<80x64xf32, #tpu.memory_space<vmem>> -> memref<1x64xf32, #tpu.memory_space<vmem>>
      %get3A_910 = tpu.memref_squeeze %get3A_909 : memref<1x64xf32, #tpu.memory_space<vmem>> -> memref<64xf32, #tpu.memory_space<vmem>>
      %get3A_911 = arith.constant 0 : index
      %get3A_912 = tpu.vector_load %get3A_910[%get3A_911] {strides = array<i32>} : memref<64xf32, #tpu.memory_space<vmem>>, vector<16xf32>,
      %mul3A_913 = arith.mulf %get3A_907, %get3A_912 : vector<16xf32>
      %get3A_914 = arith.constant 0 : i32
      %get3A_915 = tpu.memref_slice %arg10[%add3A_898, %get3A_914] : memref<80x64xf32, #tpu.memory_space<vmem>> -> memref<1x64xf32, #tpu.memory_space<vmem>>
      %get3A_916 = tpu.memref_squeeze %get3A_915 : memref<1x64xf32, #tpu.memory_space<vmem>> -> memref<64xf32, #tpu.memory_space<vmem>>
      %get3A_917 = arith.constant 16 : index
      %get3A_918 = tpu.vector_load %get3A_916[%get3A_917] {strides = array<i32>} : memref<64xf32, #tpu.memory_space<vmem>>, vector<16xf32>,
      %get3A_919 = arith.constant 0 : i32
      %get3A_920 = tpu.memref_slice %arg11[%add3A_902, %get3A_919] : memref<80x64xf32, #tpu.memory_space<vmem>> -> memref<1x64xf32, #tpu.memory_space<vmem>>
      %get3A_921 = tpu.memref_squeeze %get3A_920 : memref<1x64xf32, #tpu.memory_space<vmem>> -> memref<64xf32, #tpu.memory_space<vmem>>
      %get3A_922 = arith.constant 16 : index
      %get3A_923 = tpu.vector_load %get3A_921[%get3A_922] {strides = array<i32>} : memref<64xf32, #tpu.memory_space<vmem>>, vector<16xf32>,
      %mul3A_924 = arith.mulf %get3A_918, %get3A_923 : vector<16xf32>
      %get3A_925 = arith.constant 0 : i32
      %get3A_926 = tpu.memref_slice %arg10[%add3A_898, %get3A_925] : memref<80x64xf32, #tpu.memory_space<vmem>> -> memref<1x64xf32, #tpu.memory_space<vmem>>
      %get3A_927 = tpu.memref_squeeze %get3A_926 : memref<1x64xf32, #tpu.memory_space<vmem>> -> memref<64xf32, #tpu.memory_space<vmem>>
      %get3A_928 = arith.constant 32 : index
      %get3A_929 = tpu.vector_load %get3A_927[%get3A_928] {strides = array<i32>} : memref<64xf32, #tpu.memory_space<vmem>>, vector<16xf32>,
      %get3A_930 = arith.constant 0 : i32
      %get3A_931 = tpu.memref_slice %arg11[%add3A_902, %get3A_930] : memref<80x64xf32, #tpu.memory_space<vmem>> -> memref<1x64xf32, #tpu.memory_space<vmem>>
      %get3A_932 = tpu.memref_squeeze %get3A_931 : memref<1x64xf32, #tpu.memory_space<vmem>> -> memref<64xf32, #tpu.memory_space<vmem>>
      %get3A_933 = arith.constant 32 : index
      %get3A_934 = tpu.vector_load %get3A_932[%get3A_933] {strides = array<i32>} : memref<64xf32, #tpu.memory_space<vmem>>, vector<16xf32>,
      %mul3A_935 = arith.mulf %get3A_929, %get3A_934 : vector<16xf32>
      %get3A_936 = arith.constant 0 : i32
      %get3A_937 = tpu.memref_slice %arg10[%add3A_898, %get3A_936] : memref<80x64xf32, #tpu.memory_space<vmem>> -> memref<1x64xf32, #tpu.memory_space<vmem>>
      %get3A_938 = tpu.memref_squeeze %get3A_937 : memref<1x64xf32, #tpu.memory_space<vmem>> -> memref<64xf32, #tpu.memory_space<vmem>>
      %get3A_939 = arith.constant 48 : index
      %get3A_940 = tpu.vector_load %get3A_938[%get3A_939] {strides = array<i32>} : memref<64xf32, #tpu.memory_space<vmem>>, vector<16xf32>,
      %get3A_941 = arith.constant 0 : i32
      %get3A_942 = tpu.memref_slice %arg11[%add3A_902, %get3A_941] : memref<80x64xf32, #tpu.memory_space<vmem>> -> memref<1x64xf32, #tpu.memory_space<vmem>>
      %get3A_943 = tpu.memref_squeeze %get3A_942 : memref<1x64xf32, #tpu.memory_space<vmem>> -> memref<64xf32, #tpu.memory_space<vmem>>
      %get3A_944 = arith.constant 48 : index
      %get3A_945 = tpu.vector_load %get3A_943[%get3A_944] {strides = array<i32>} : memref<64xf32, #tpu.memory_space<vmem>>, vector<16xf32>,
      %mul3A_946 = arith.mulf %get3A_940, %get3A_945 : vector<16xf32>
      %add3A_947 = arith.addf %mul3A_913, %mul3A_924 : vector<16xf32>
      %add3A_948 = arith.addf %mul3A_935, %mul3A_946 : vector<16xf32>
      %add3A_949 = arith.addf %add3A_947, %add3A_948 : vector<16xf32>
      %swap3A_950 = arith.constant 14 : i32
      %swap3A_951 = arith.index_cast %swap3A_950 : i32 to index
      %swap3A_952 = arith.constant 0 : index
      %swap3A_953 = tpu.vector_load %arg15[%swap3A_951, %swap3A_952] {strides = array<i32>} : memref<16x16xf32, #tpu.memory_space<vmem>>, vector<16xf32>,
      tpu.vector_store %arg15[%swap3A_951, %swap3A_952], %add3A_949 {strides = array<i32>} : memref<16x16xf32, #tpu.memory_space<vmem>>, vector<16xf32>,
      %mul3A_954 = arith.constant 16 : i32
      %mul3A_955 = arith.muli %scan3A_68, %mul3A_954 : i32
      %add3A_956 = arith.constant 15 : i32
      %add3A_957 = arith.addi %mul3A_955, %add3A_956 : i32
      %mul3A_958 = arith.constant 16 : i32
      %mul3A_959 = arith.muli %scan3A_68, %mul3A_958 : i32
      %add3A_960 = arith.constant 15 : i32
      %add3A_961 = arith.addi %mul3A_959, %add3A_960 : i32
      %get3A_962 = arith.constant 0 : i32
      %get3A_963 = tpu.memref_slice %arg10[%add3A_957, %get3A_962] : memref<80x64xf32, #tpu.memory_space<vmem>> -> memref<1x64xf32, #tpu.memory_space<vmem>>
      %get3A_964 = tpu.memref_squeeze %get3A_963 : memref<1x64xf32, #tpu.memory_space<vmem>> -> memref<64xf32, #tpu.memory_space<vmem>>
      %get3A_965 = arith.constant 0 : index
      %get3A_966 = tpu.vector_load %get3A_964[%get3A_965] {strides = array<i32>} : memref<64xf32, #tpu.memory_space<vmem>>, vector<16xf32>,
      %get3A_967 = arith.constant 0 : i32
      %get3A_968 = tpu.memref_slice %arg11[%add3A_961, %get3A_967] : memref<80x64xf32, #tpu.memory_space<vmem>> -> memref<1x64xf32, #tpu.memory_space<vmem>>
      %get3A_969 = tpu.memref_squeeze %get3A_968 : memref<1x64xf32, #tpu.memory_space<vmem>> -> memref<64xf32, #tpu.memory_space<vmem>>
      %get3A_970 = arith.constant 0 : index
      %get3A_971 = tpu.vector_load %get3A_969[%get3A_970] {strides = array<i32>} : memref<64xf32, #tpu.memory_space<vmem>>, vector<16xf32>,
      %mul3A_972 = arith.mulf %get3A_966, %get3A_971 : vector<16xf32>
      %get3A_973 = arith.constant 0 : i32
      %get3A_974 = tpu.memref_slice %arg10[%add3A_957, %get3A_973] : memref<80x64xf32, #tpu.memory_space<vmem>> -> memref<1x64xf32, #tpu.memory_space<vmem>>
      %get3A_975 = tpu.memref_squeeze %get3A_974 : memref<1x64xf32, #tpu.memory_space<vmem>> -> memref<64xf32, #tpu.memory_space<vmem>>
      %get3A_976 = arith.constant 16 : index
      %get3A_977 = tpu.vector_load %get3A_975[%get3A_976] {strides = array<i32>} : memref<64xf32, #tpu.memory_space<vmem>>, vector<16xf32>,
      %get3A_978 = arith.constant 0 : i32
      %get3A_979 = tpu.memref_slice %arg11[%add3A_961, %get3A_978] : memref<80x64xf32, #tpu.memory_space<vmem>> -> memref<1x64xf32, #tpu.memory_space<vmem>>
      %get3A_980 = tpu.memref_squeeze %get3A_979 : memref<1x64xf32, #tpu.memory_space<vmem>> -> memref<64xf32, #tpu.memory_space<vmem>>
      %get3A_981 = arith.constant 16 : index
      %get3A_982 = tpu.vector_load %get3A_980[%get3A_981] {strides = array<i32>} : memref<64xf32, #tpu.memory_space<vmem>>, vector<16xf32>,
      %mul3A_983 = arith.mulf %get3A_977, %get3A_982 : vector<16xf32>
      %get3A_984 = arith.constant 0 : i32
      %get3A_985 = tpu.memref_slice %arg10[%add3A_957, %get3A_984] : memref<80x64xf32, #tpu.memory_space<vmem>> -> memref<1x64xf32, #tpu.memory_space<vmem>>
      %get3A_986 = tpu.memref_squeeze %get3A_985 : memref<1x64xf32, #tpu.memory_space<vmem>> -> memref<64xf32, #tpu.memory_space<vmem>>
      %get3A_987 = arith.constant 32 : index
      %get3A_988 = tpu.vector_load %get3A_986[%get3A_987] {strides = array<i32>} : memref<64xf32, #tpu.memory_space<vmem>>, vector<16xf32>,
      %get3A_989 = arith.constant 0 : i32
      %get3A_990 = tpu.memref_slice %arg11[%add3A_961, %get3A_989] : memref<80x64xf32, #tpu.memory_space<vmem>> -> memref<1x64xf32, #tpu.memory_space<vmem>>
      %get3A_991 = tpu.memref_squeeze %get3A_990 : memref<1x64xf32, #tpu.memory_space<vmem>> -> memref<64xf32, #tpu.memory_space<vmem>>
      %get3A_992 = arith.constant 32 : index
      %get3A_993 = tpu.vector_load %get3A_991[%get3A_992] {strides = array<i32>} : memref<64xf32, #tpu.memory_space<vmem>>, vector<16xf32>,
      %mul3A_994 = arith.mulf %get3A_988, %get3A_993 : vector<16xf32>
      %get3A_995 = arith.constant 0 : i32
      %get3A_996 = tpu.memref_slice %arg10[%add3A_957, %get3A_995] : memref<80x64xf32, #tpu.memory_space<vmem>> -> memref<1x64xf32, #tpu.memory_space<vmem>>
      %get3A_997 = tpu.memref_squeeze %get3A_996 : memref<1x64xf32, #tpu.memory_space<vmem>> -> memref<64xf32, #tpu.memory_space<vmem>>
      %get3A_998 = arith.constant 48 : index
      %get3A_999 = tpu.vector_load %get3A_997[%get3A_998] {strides = array<i32>} : memref<64xf32, #tpu.memory_space<vmem>>, vector<16xf32>,
      %get3A_1000 = arith.constant 0 : i32
      %get3A_1001 = tpu.memref_slice %arg11[%add3A_961, %get3A_1000] : memref<80x64xf32, #tpu.memory_space<vmem>> -> memref<1x64xf32, #tpu.memory_space<vmem>>
      %get3A_1002 = tpu.memref_squeeze %get3A_1001 : memref<1x64xf32, #tpu.memory_space<vmem>> -> memref<64xf32, #tpu.memory_space<vmem>>
      %get3A_1003 = arith.constant 48 : index
      %get3A_1004 = tpu.vector_load %get3A_1002[%get3A_1003] {strides = array<i32>} : memref<64xf32, #tpu.memory_space<vmem>>, vector<16xf32>,
      %mul3A_1005 = arith.mulf %get3A_999, %get3A_1004 : vector<16xf32>
      %add3A_1006 = arith.addf %mul3A_972, %mul3A_983 : vector<16xf32>
      %add3A_1007 = arith.addf %mul3A_994, %mul3A_1005 : vector<16xf32>
      %add3A_1008 = arith.addf %add3A_1006, %add3A_1007 : vector<16xf32>
      %swap3A_1009 = arith.constant 15 : i32
      %swap3A_1010 = arith.index_cast %swap3A_1009 : i32 to index
      %swap3A_1011 = arith.constant 0 : index
      %swap3A_1012 = tpu.vector_load %arg15[%swap3A_1010, %swap3A_1011] {strides = array<i32>} : memref<16x16xf32, #tpu.memory_space<vmem>>, vector<16xf32>,
      tpu.vector_store %arg15[%swap3A_1010, %swap3A_1011], %add3A_1008 {strides = array<i32>} : memref<16x16xf32, #tpu.memory_space<vmem>>, vector<16xf32>,
      %broadcast_in_dim3A = arith.constant 0 : i32
      %broadcast_in_dim3A_1013 = vector.broadcast %broadcast_in_dim3A : i32 to vector<16xi32>
      %gather3A = tpu.vector_load_idx %arg15[%iota3A, %broadcast_in_dim3A_1013] : memref<16x16xf32, #tpu.memory_space<vmem>>[vector<16xi32>, vector<16xi32>], vector<16xf32>,
      %add3A_1014 = arith.addf %get3A_3, %gather3A : vector<16xf32>
      %broadcast_in_dim3A_1015 = arith.constant 1 : i32
      %broadcast_in_dim3A_1016 = vector.broadcast %broadcast_in_dim3A_1015 : i32 to vector<16xi32>
      %gather3A_1017 = tpu.vector_load_idx %arg15[%iota3A, %broadcast_in_dim3A_1016] : memref<16x16xf32, #tpu.memory_space<vmem>>[vector<16xi32>, vector<16xi32>], vector<16xf32>,
      %add3A_1018 = arith.addf %add3A_1014, %gather3A_1017 : vector<16xf32>
      %broadcast_in_dim3A_1019 = arith.constant 2 : i32
      %broadcast_in_dim3A_1020 = vector.broadcast %broadcast_in_dim3A_1019 : i32 to vector<16xi32>
      %gather3A_1021 = tpu.vector_load_idx %arg15[%iota3A, %broadcast_in_dim3A_1020] : memref<16x16xf32, #tpu.memory_space<vmem>>[vector<16xi32>, vector<16xi32>], vector<16xf32>,
      %add3A_1022 = arith.addf %add3A_1018, %gather3A_1021 : vector<16xf32>
      %broadcast_in_dim3A_1023 = arith.constant 3 : i32
      %broadcast_in_dim3A_1024 = vector.broadcast %broadcast_in_dim3A_1023 : i32 to vector<16xi32>
      %gather3A_1025 = tpu.vector_load_idx %arg15[%iota3A, %broadcast_in_dim3A_1024] : memref<16x16xf32, #tpu.memory_space<vmem>>[vector<16xi32>, vector<16xi32>], vector<16xf32>,
      %add3A_1026 = arith.addf %add3A_1022, %gather3A_1025 : vector<16xf32>
      %broadcast_in_dim3A_1027 = arith.constant 4 : i32
      %broadcast_in_dim3A_1028 = vector.broadcast %broadcast_in_dim3A_1027 : i32 to vector<16xi32>
      %gather3A_1029 = tpu.vector_load_idx %arg15[%iota3A, %broadcast_in_dim3A_1028] : memref<16x16xf32, #tpu.memory_space<vmem>>[vector<16xi32>, vector<16xi32>], vector<16xf32>,
      %add3A_1030 = arith.addf %add3A_1026, %gather3A_1029 : vector<16xf32>
      %broadcast_in_dim3A_1031 = arith.constant 5 : i32
      %broadcast_in_dim3A_1032 = vector.broadcast %broadcast_in_dim3A_1031 : i32 to vector<16xi32>
      %gather3A_1033 = tpu.vector_load_idx %arg15[%iota3A, %broadcast_in_dim3A_1032] : memref<16x16xf32, #tpu.memory_space<vmem>>[vector<16xi32>, vector<16xi32>], vector<16xf32>,
      %add3A_1034 = arith.addf %add3A_1030, %gather3A_1033 : vector<16xf32>
      %broadcast_in_dim3A_1035 = arith.constant 6 : i32
      %broadcast_in_dim3A_1036 = vector.broadcast %broadcast_in_dim3A_1035 : i32 to vector<16xi32>
      %gather3A_1037 = tpu.vector_load_idx %arg15[%iota3A, %broadcast_in_dim3A_1036] : memref<16x16xf32, #tpu.memory_space<vmem>>[vector<16xi32>, vector<16xi32>], vector<16xf32>,
      %add3A_1038 = arith.addf %add3A_1034, %gather3A_1037 : vector<16xf32>
      %broadcast_in_dim3A_1039 = arith.constant 7 : i32
      %broadcast_in_dim3A_1040 = vector.broadcast %broadcast_in_dim3A_1039 : i32 to vector<16xi32>
      %gather3A_1041 = tpu.vector_load_idx %arg15[%iota3A, %broadcast_in_dim3A_1040] : memref<16x16xf32, #tpu.memory_space<vmem>>[vector<16xi32>, vector<16xi32>], vector<16xf32>,
      %add3A_1042 = arith.addf %add3A_1038, %gather3A_1041 : vector<16xf32>
      %broadcast_in_dim3A_1043 = arith.constant 8 : i32
      %broadcast_in_dim3A_1044 = vector.broadcast %broadcast_in_dim3A_1043 : i32 to vector<16xi32>
      %gather3A_1045 = tpu.vector_load_idx %arg15[%iota3A, %broadcast_in_dim3A_1044] : memref<16x16xf32, #tpu.memory_space<vmem>>[vector<16xi32>, vector<16xi32>], vector<16xf32>,
      %add3A_1046 = arith.addf %add3A_1042, %gather3A_1045 : vector<16xf32>
      %broadcast_in_dim3A_1047 = arith.constant 9 : i32
      %broadcast_in_dim3A_1048 = vector.broadcast %broadcast_in_dim3A_1047 : i32 to vector<16xi32>
      %gather3A_1049 = tpu.vector_load_idx %arg15[%iota3A, %broadcast_in_dim3A_1048] : memref<16x16xf32, #tpu.memory_space<vmem>>[vector<16xi32>, vector<16xi32>], vector<16xf32>,
      %add3A_1050 = arith.addf %add3A_1046, %gather3A_1049 : vector<16xf32>
      %broadcast_in_dim3A_1051 = arith.constant 10 : i32
      %broadcast_in_dim3A_1052 = vector.broadcast %broadcast_in_dim3A_1051 : i32 to vector<16xi32>
      %gather3A_1053 = tpu.vector_load_idx %arg15[%iota3A, %broadcast_in_dim3A_1052] : memref<16x16xf32, #tpu.memory_space<vmem>>[vector<16xi32>, vector<16xi32>], vector<16xf32>,
      %add3A_1054 = arith.addf %add3A_1050, %gather3A_1053 : vector<16xf32>
      %broadcast_in_dim3A_1055 = arith.constant 11 : i32
      %broadcast_in_dim3A_1056 = vector.broadcast %broadcast_in_dim3A_1055 : i32 to vector<16xi32>
      %gather3A_1057 = tpu.vector_load_idx %arg15[%iota3A, %broadcast_in_dim3A_1056] : memref<16x16xf32, #tpu.memory_space<vmem>>[vector<16xi32>, vector<16xi32>], vector<16xf32>,
      %add3A_1058 = arith.addf %add3A_1054, %gather3A_1057 : vector<16xf32>
      %broadcast_in_dim3A_1059 = arith.constant 12 : i32
      %broadcast_in_dim3A_1060 = vector.broadcast %broadcast_in_dim3A_1059 : i32 to vector<16xi32>
      %gather3A_1061 = tpu.vector_load_idx %arg15[%iota3A, %broadcast_in_dim3A_1060] : memref<16x16xf32, #tpu.memory_space<vmem>>[vector<16xi32>, vector<16xi32>], vector<16xf32>,
      %add3A_1062 = arith.addf %add3A_1058, %gather3A_1061 : vector<16xf32>
      %broadcast_in_dim3A_1063 = arith.constant 13 : i32
      %broadcast_in_dim3A_1064 = vector.broadcast %broadcast_in_dim3A_1063 : i32 to vector<16xi32>
      %gather3A_1065 = tpu.vector_load_idx %arg15[%iota3A, %broadcast_in_dim3A_1064] : memref<16x16xf32, #tpu.memory_space<vmem>>[vector<16xi32>, vector<16xi32>], vector<16xf32>,
      %add3A_1066 = arith.addf %add3A_1062, %gather3A_1065 : vector<16xf32>
      %broadcast_in_dim3A_1067 = arith.constant 14 : i32
      %broadcast_in_dim3A_1068 = vector.broadcast %broadcast_in_dim3A_1067 : i32 to vector<16xi32>
      %gather3A_1069 = tpu.vector_load_idx %arg15[%iota3A, %broadcast_in_dim3A_1068] : memref<16x16xf32, #tpu.memory_space<vmem>>[vector<16xi32>, vector<16xi32>], vector<16xf32>,
      %add3A_1070 = arith.addf %add3A_1066, %gather3A_1069 : vector<16xf32>
      %broadcast_in_dim3A_1071 = arith.constant 15 : i32
      %broadcast_in_dim3A_1072 = vector.broadcast %broadcast_in_dim3A_1071 : i32 to vector<16xi32>
      %gather3A_1073 = tpu.vector_load_idx %arg15[%iota3A, %broadcast_in_dim3A_1072] : memref<16x16xf32, #tpu.memory_space<vmem>>[vector<16xi32>, vector<16xi32>], vector<16xf32>,
      %add3A_1074 = arith.addf %add3A_1070, %gather3A_1073 : vector<16xf32>
      %mul3A_1075 = arith.constant 16 : i32
      %mul3A_1076 = arith.muli %scan3A_68, %mul3A_1075 : i32
      %add3A_1077 = arith.constant 9920 : i32
      %add3A_1078 = arith.addi %add3A_1077, %mul3A_1076 : i32
      %swap3A_1079 = arith.index_cast %add3A_1078 : i32 to index
      %swap3A_1080 = tpu.vector_load %arg14[%swap3A_1079] {strides = array<i32>} : memref<10000xf32, #tpu.memory_space<vmem>>, vector<16xf32>,
      tpu.vector_store %arg14[%swap3A_1079], %add3A_1074 {strides = array<i32>} : memref<10000xf32, #tpu.memory_space<vmem>>, vector<16xf32>,
      %scan3A_1081 = arith.constant 0 : i32
      scf.yield %scan3A_1081 : i32
    }
    %scan3A_62 = arith.constant 5 : i32
    %mul3A_63 = arith.constant 16 : i32
    %mul3A_64 = arith.muli %arg0, %mul3A_63 : i32
    %add3A_65 = arith.addi %mul3A_64, %arg1 : i32
    %mul3A_66 = arith.constant 10000 : i32
    %mul3A_67 = arith.muli %add3A_65, %mul3A_66 : i32
    "tpu.region"() ({
      %run_scoped3A = tpu.sem_alloc : memref<!tpu.dma_semaphore, #tpu.memory_space<semaphore_mem>>
      %dma_start3A_68 = tpu.memref_slice %arg7[%mul3A_67] : memref<320000xf32, #tpu.memory_space<hbm>> -> memref<10000xf32, #tpu.memory_space<hbm>>
      %dma_start3A_69 = tpu.memref_slice %arg7[%mul3A_67] : memref<320000xf32, #tpu.memory_space<hbm>> -> memref<10000xf32, #tpu.memory_space<hbm>>
      tpu.enqueue_dma source(%arg14 : memref<10000xf32, #tpu.memory_space<vmem>>) target(%dma_start3A_69 : memref<10000xf32, #tpu.memory_space<hbm>>) target_semaphore(%run_scoped3A : memref<!tpu.dma_semaphore, #tpu.memory_space<semaphore_mem>>)
      %dma_wait3A_70 = tpu.memref_slice %arg7[%mul3A_67] : memref<320000xf32, #tpu.memory_space<hbm>> -> memref<10000xf32, #tpu.memory_space<hbm>>
      %dma_wait3A_71 = tpu.memref_slice %arg7[%mul3A_67] : memref<320000xf32, #tpu.memory_space<hbm>> -> memref<10000xf32, #tpu.memory_space<hbm>>
      tpu.wait_dma2 semaphore(%run_scoped3A : memref<!tpu.dma_semaphore, #tpu.memory_space<semaphore_mem>>) src(%arg14 : memref<10000xf32, #tpu.memory_space<vmem>>) dst(%dma_wait3A_71 : memref<10000xf32, #tpu.memory_space<hbm>>)
      tpu.yield
    }) : () -> ()
    return
  }
}

#map = affine_map<(d0, d1) -> (0, 0)>
#map1 = affine_map<(d0, d1) -> (0, 0, 0)>
module attributes {stable_mosaic.version = 14 : i64} {
  func.func @_sc_prop(%arg0: i32, %arg1: i32, %arg2: memref<10000x64xf32, #tpu.memory_space<hbm>>, %arg3: memref<4000x80xi32, #tpu.memory_space<hbm>>, %arg4: memref<4000x80xi32, #tpu.memory_space<hbm>>, %arg5: memref<10000x64xf32, #tpu.memory_space<hbm>>, %arg6: memref<2x10000x64xf32, #tpu.memory_space<hbm>>, %arg7: memref<125x80xi32, #tpu.memory_space<vmem>>, %arg8: memref<125x80xi32, #tpu.memory_space<vmem>>, %arg9: memref<80x64xf32, #tpu.memory_space<vmem>>, %arg10: memref<80x64xf32, #tpu.memory_space<vmem>>, %arg11: memref<10000x64xf32, #tpu.memory_space<vmem_shared>>, %arg12: memref<10000x64xf32, #tpu.memory_space<vmem_shared>>, %arg13: memref<!tpu.dma_semaphore, #tpu.memory_space<semaphore_mem>>, %arg14: memref<!tpu.dma_semaphore, #tpu.memory_space<semaphore_mem>>) attributes {dimension_semantics = [#tpu.dimension_semantics<core_parallel>, #tpu.dimension_semantics<subcore_parallel>], iteration_bounds = array<i64: 2, 16>, scalar_prefetch = 0 : i64, scratch_operands = 8 : i64, tpu.core_type = #tpu.core_type<sc_vector_subcore>, window_params = [{transform_indices = #map}, {transform_indices = #map}, {transform_indices = #map}, {transform_indices = #map}, {transform_indices = #map1}]} {
    %mul3A = arith.constant 16 : i32
    %mul3A_0 = arith.muli %arg0, %mul3A : i32
    %add3A = arith.addi %mul3A_0, %arg1 : i32
    %mul3A_1 = arith.constant 125 : i32
    %mul3A_2 = arith.muli %add3A, %mul3A_1 : i32
    %lt3A = arith.constant 10 : i32
    %lt3A_3 = arith.cmpi slt, %arg1, %lt3A : i32
    %convert_element_type3A = arith.extui %lt3A_3 : i1 to i32
    %cond3A = arith.constant 0 : i32
    %cond3A_4 = arith.cmpi ne, %convert_element_type3A, %cond3A : i32
    scf.if %cond3A_4 {
      %mul3A_40 = arith.constant 1000 : i32
      %mul3A_41 = arith.muli %arg1, %mul3A_40 : i32
      %mul3A_42 = arith.constant 1000 : i32
      %mul3A_43 = arith.muli %arg1, %mul3A_42 : i32
      "tpu.region"() ({
        %run_scoped3A_44 = tpu.sem_alloc : memref<!tpu.dma_semaphore, #tpu.memory_space<semaphore_mem>>
        %dma_start3A_45 = arith.constant 0 : i32
        %dma_start3A_46 = tpu.memref_slice %arg11[%mul3A_43, %dma_start3A_45] : memref<10000x64xf32, #tpu.memory_space<vmem_shared>> -> memref<1000x64xf32, #tpu.memory_space<vmem_shared>>
        %dma_start3A_47 = arith.constant 0 : i32
        %dma_start3A_48 = tpu.memref_slice %arg5[%mul3A_41, %dma_start3A_47] : memref<10000x64xf32, #tpu.memory_space<hbm>> -> memref<1000x64xf32, #tpu.memory_space<hbm>>
        tpu.enqueue_dma source(%dma_start3A_48 : memref<1000x64xf32, #tpu.memory_space<hbm>>) target(%dma_start3A_46 : memref<1000x64xf32, #tpu.memory_space<vmem_shared>>) target_semaphore(%run_scoped3A_44 : memref<!tpu.dma_semaphore, #tpu.memory_space<semaphore_mem>>)
        %dma_wait3A_49 = arith.constant 0 : i32
        %dma_wait3A_50 = tpu.memref_slice %arg11[%mul3A_43, %dma_wait3A_49] : memref<10000x64xf32, #tpu.memory_space<vmem_shared>> -> memref<1000x64xf32, #tpu.memory_space<vmem_shared>>
        %dma_wait3A_51 = arith.constant 0 : i32
        %dma_wait3A_52 = tpu.memref_slice %arg5[%mul3A_41, %dma_wait3A_51] : memref<10000x64xf32, #tpu.memory_space<hbm>> -> memref<1000x64xf32, #tpu.memory_space<hbm>>
        tpu.wait_dma2 semaphore(%run_scoped3A_44 : memref<!tpu.dma_semaphore, #tpu.memory_space<semaphore_mem>>) src(%dma_wait3A_52 : memref<1000x64xf32, #tpu.memory_space<hbm>>) dst(%dma_wait3A_50 : memref<1000x64xf32, #tpu.memory_space<vmem_shared>>)
        tpu.yield
      }) : () -> ()
    } else {
    }
    %ge3A = arith.constant 6 : i32
    %ge3A_5 = arith.cmpi sge, %arg1, %ge3A : i32
    %convert_element_type3A_6 = arith.extui %ge3A_5 : i1 to i32
    %cond3A_7 = arith.constant 0 : i32
    %cond3A_8 = arith.cmpi ne, %convert_element_type3A_6, %cond3A_7 : i32
    scf.if %cond3A_8 {
      %sub3A = arith.constant 6 : i32
      %sub3A_40 = arith.subi %arg1, %sub3A : i32
      %mul3A_41 = arith.constant 1000 : i32
      %mul3A_42 = arith.muli %sub3A_40, %mul3A_41 : i32
      %sub3A_43 = arith.constant 6 : i32
      %sub3A_44 = arith.subi %arg1, %sub3A_43 : i32
      %mul3A_45 = arith.constant 1000 : i32
      %mul3A_46 = arith.muli %sub3A_44, %mul3A_45 : i32
      "tpu.region"() ({
        %run_scoped3A_47 = tpu.sem_alloc : memref<!tpu.dma_semaphore, #tpu.memory_space<semaphore_mem>>
        %dma_start3A_48 = arith.constant 0 : i32
        %dma_start3A_49 = tpu.memref_slice %arg12[%mul3A_46, %dma_start3A_48] : memref<10000x64xf32, #tpu.memory_space<vmem_shared>> -> memref<1000x64xf32, #tpu.memory_space<vmem_shared>>
        %dma_start3A_50 = arith.constant 0 : i32
        %dma_start3A_51 = tpu.memref_slice %arg2[%mul3A_42, %dma_start3A_50] : memref<10000x64xf32, #tpu.memory_space<hbm>> -> memref<1000x64xf32, #tpu.memory_space<hbm>>
        tpu.enqueue_dma source(%dma_start3A_51 : memref<1000x64xf32, #tpu.memory_space<hbm>>) target(%dma_start3A_49 : memref<1000x64xf32, #tpu.memory_space<vmem_shared>>) target_semaphore(%run_scoped3A_47 : memref<!tpu.dma_semaphore, #tpu.memory_space<semaphore_mem>>)
        %dma_wait3A_52 = arith.constant 0 : i32
        %dma_wait3A_53 = tpu.memref_slice %arg12[%mul3A_46, %dma_wait3A_52] : memref<10000x64xf32, #tpu.memory_space<vmem_shared>> -> memref<1000x64xf32, #tpu.memory_space<vmem_shared>>
        %dma_wait3A_54 = arith.constant 0 : i32
        %dma_wait3A_55 = tpu.memref_slice %arg2[%mul3A_42, %dma_wait3A_54] : memref<10000x64xf32, #tpu.memory_space<hbm>> -> memref<1000x64xf32, #tpu.memory_space<hbm>>
        tpu.wait_dma2 semaphore(%run_scoped3A_47 : memref<!tpu.dma_semaphore, #tpu.memory_space<semaphore_mem>>) src(%dma_wait3A_55 : memref<1000x64xf32, #tpu.memory_space<hbm>>) dst(%dma_wait3A_53 : memref<1000x64xf32, #tpu.memory_space<vmem_shared>>)
        tpu.yield
      }) : () -> ()
    } else {
    }
    "tpu.region"() ({
      %run_scoped3A_40 = tpu.sem_alloc : memref<!tpu.dma_semaphore, #tpu.memory_space<semaphore_mem>>
      %dma_start3A_41 = arith.constant 0 : i32
      %dma_start3A_42 = tpu.memref_slice %arg3[%mul3A_2, %dma_start3A_41] : memref<4000x80xi32, #tpu.memory_space<hbm>> -> memref<125x80xi32, #tpu.memory_space<hbm>>
      %dma_start3A_43 = arith.constant 0 : i32
      %dma_start3A_44 = tpu.memref_slice %arg3[%mul3A_2, %dma_start3A_43] : memref<4000x80xi32, #tpu.memory_space<hbm>> -> memref<125x80xi32, #tpu.memory_space<hbm>>
      tpu.enqueue_dma source(%dma_start3A_44 : memref<125x80xi32, #tpu.memory_space<hbm>>) target(%arg7 : memref<125x80xi32, #tpu.memory_space<vmem>>) target_semaphore(%run_scoped3A_40 : memref<!tpu.dma_semaphore, #tpu.memory_space<semaphore_mem>>)
      %dma_wait3A_45 = arith.constant 0 : i32
      %dma_wait3A_46 = tpu.memref_slice %arg3[%mul3A_2, %dma_wait3A_45] : memref<4000x80xi32, #tpu.memory_space<hbm>> -> memref<125x80xi32, #tpu.memory_space<hbm>>
      %dma_wait3A_47 = arith.constant 0 : i32
      %dma_wait3A_48 = tpu.memref_slice %arg3[%mul3A_2, %dma_wait3A_47] : memref<4000x80xi32, #tpu.memory_space<hbm>> -> memref<125x80xi32, #tpu.memory_space<hbm>>
      tpu.wait_dma2 semaphore(%run_scoped3A_40 : memref<!tpu.dma_semaphore, #tpu.memory_space<semaphore_mem>>) src(%dma_wait3A_48 : memref<125x80xi32, #tpu.memory_space<hbm>>) dst(%arg7 : memref<125x80xi32, #tpu.memory_space<vmem>>)
      tpu.yield
    }) : () -> ()
    "tpu.region"() ({
      %run_scoped3A_40 = tpu.sem_alloc : memref<!tpu.dma_semaphore, #tpu.memory_space<semaphore_mem>>
      %dma_start3A_41 = arith.constant 0 : i32
      %dma_start3A_42 = tpu.memref_slice %arg4[%mul3A_2, %dma_start3A_41] : memref<4000x80xi32, #tpu.memory_space<hbm>> -> memref<125x80xi32, #tpu.memory_space<hbm>>
      %dma_start3A_43 = arith.constant 0 : i32
      %dma_start3A_44 = tpu.memref_slice %arg4[%mul3A_2, %dma_start3A_43] : memref<4000x80xi32, #tpu.memory_space<hbm>> -> memref<125x80xi32, #tpu.memory_space<hbm>>
      tpu.enqueue_dma source(%dma_start3A_44 : memref<125x80xi32, #tpu.memory_space<hbm>>) target(%arg8 : memref<125x80xi32, #tpu.memory_space<vmem>>) target_semaphore(%run_scoped3A_40 : memref<!tpu.dma_semaphore, #tpu.memory_space<semaphore_mem>>)
      %dma_wait3A_45 = arith.constant 0 : i32
      %dma_wait3A_46 = tpu.memref_slice %arg4[%mul3A_2, %dma_wait3A_45] : memref<4000x80xi32, #tpu.memory_space<hbm>> -> memref<125x80xi32, #tpu.memory_space<hbm>>
      %dma_wait3A_47 = arith.constant 0 : i32
      %dma_wait3A_48 = tpu.memref_slice %arg4[%mul3A_2, %dma_wait3A_47] : memref<4000x80xi32, #tpu.memory_space<hbm>> -> memref<125x80xi32, #tpu.memory_space<hbm>>
      tpu.wait_dma2 semaphore(%run_scoped3A_40 : memref<!tpu.dma_semaphore, #tpu.memory_space<semaphore_mem>>) src(%dma_wait3A_48 : memref<125x80xi32, #tpu.memory_space<hbm>>) dst(%arg8 : memref<125x80xi32, #tpu.memory_space<vmem>>)
      tpu.yield
    }) : () -> ()
    %barrier3A = arith.constant 0 : index
    tpu.barrier barrier_id(%barrier3A)
    %dma_start3A = arith.constant 0 : i32
    %dma_start3A_9 = arith.constant 0 : i32
    %dma_start3A_10 = tpu.memref_slice %arg7[%dma_start3A, %dma_start3A_9] : memref<125x80xi32, #tpu.memory_space<vmem>> -> memref<1x80xi32, #tpu.memory_space<vmem>>
    %dma_start3A_11 = tpu.memref_squeeze %dma_start3A_10 : memref<1x80xi32, #tpu.memory_space<vmem>> -> memref<80xi32, #tpu.memory_space<vmem>>
    %dma_start3A_12 = arith.constant 0 : i32
    %dma_start3A_13 = arith.constant 0 : i32
    %dma_start3A_14 = tpu.memref_slice %arg12[%dma_start3A_12, %dma_start3A_13] : memref<10000x64xf32, #tpu.memory_space<vmem_shared>> -> memref<10000x64xf32, #tpu.memory_space<vmem_shared>>
    tpu.enqueue_indirect_dma source(%dma_start3A_14 : memref<10000x64xf32, #tpu.memory_space<vmem_shared>>) target(%arg9 : memref<80x64xf32, #tpu.memory_space<vmem>>) offsets(%dma_start3A_11 : memref<80xi32, #tpu.memory_space<vmem>>) semaphore(%arg13 : memref<!tpu.dma_semaphore, #tpu.memory_space<semaphore_mem>>)
    %scan3A = arith.constant 0 : i32
    %scan3A_15 = arith.constant 0 : i32
    %scan3A_16 = arith.constant 62 : i32
    %scan3A_17 = arith.addi %scan3A_15, %scan3A_16 : i32
    %scan3A_18 = arith.constant 1 : i32
    %scan3A_19 = scf.for %scan3A_40 = %scan3A_15 to %scan3A_17 step %scan3A_18 iter_args(%scan3A_41 = %scan3A) -> (i32)  : i32 {
      %mul3A_42 = arith.constant 2 : i32
      %mul3A_43 = arith.muli %mul3A_42, %scan3A_40 : i32
      %add3A_44 = arith.constant 1 : i32
      %add3A_45 = arith.addi %mul3A_43, %add3A_44 : i32
      %dma_start3A_46 = arith.constant 0 : i32
      %dma_start3A_47 = tpu.memref_slice %arg7[%add3A_45, %dma_start3A_46] : memref<125x80xi32, #tpu.memory_space<vmem>> -> memref<1x80xi32, #tpu.memory_space<vmem>>
      %dma_start3A_48 = tpu.memref_squeeze %dma_start3A_47 : memref<1x80xi32, #tpu.memory_space<vmem>> -> memref<80xi32, #tpu.memory_space<vmem>>
      %dma_start3A_49 = arith.constant 0 : i32
      %dma_start3A_50 = arith.constant 0 : i32
      %dma_start3A_51 = tpu.memref_slice %arg12[%dma_start3A_49, %dma_start3A_50] : memref<10000x64xf32, #tpu.memory_space<vmem_shared>> -> memref<10000x64xf32, #tpu.memory_space<vmem_shared>>
      tpu.enqueue_indirect_dma source(%dma_start3A_51 : memref<10000x64xf32, #tpu.memory_space<vmem_shared>>) target(%arg10 : memref<80x64xf32, #tpu.memory_space<vmem>>) offsets(%dma_start3A_48 : memref<80xi32, #tpu.memory_space<vmem>>) semaphore(%arg14 : memref<!tpu.dma_semaphore, #tpu.memory_space<semaphore_mem>>)
      %dma_wait3A_52 = arith.constant 0 : i32
      %dma_wait3A_53 = arith.constant 0 : i32
      %dma_wait3A_54 = tpu.memref_slice %arg7[%dma_wait3A_52, %dma_wait3A_53] : memref<125x80xi32, #tpu.memory_space<vmem>> -> memref<1x80xi32, #tpu.memory_space<vmem>>
      %dma_wait3A_55 = tpu.memref_squeeze %dma_wait3A_54 : memref<1x80xi32, #tpu.memory_space<vmem>> -> memref<80xi32, #tpu.memory_space<vmem>>
      %dma_wait3A_56 = arith.constant 0 : i32
      %dma_wait3A_57 = arith.constant 0 : i32
      %dma_wait3A_58 = tpu.memref_slice %arg12[%dma_wait3A_56, %dma_wait3A_57] : memref<10000x64xf32, #tpu.memory_space<vmem_shared>> -> memref<10000x64xf32, #tpu.memory_space<vmem_shared>>
      tpu.wait_indirect_dma semaphore(%arg13 : memref<!tpu.dma_semaphore, #tpu.memory_space<semaphore_mem>>) src(%dma_wait3A_58 : memref<10000x64xf32, #tpu.memory_space<vmem_shared>>) dst(%arg9 : memref<80x64xf32, #tpu.memory_space<vmem>>)
      "tpu.region"() ({
        %run_scoped3A_74 = tpu.sem_alloc : memref<!tpu.dma_semaphore, #tpu.memory_space<semaphore_mem>>
        %dma_start3A_75 = arith.constant 0 : i32
        %dma_start3A_76 = tpu.memref_slice %arg8[%mul3A_43, %dma_start3A_75] : memref<125x80xi32, #tpu.memory_space<vmem>> -> memref<1x80xi32, #tpu.memory_space<vmem>>
        %dma_start3A_77 = tpu.memref_squeeze %dma_start3A_76 : memref<1x80xi32, #tpu.memory_space<vmem>> -> memref<80xi32, #tpu.memory_space<vmem>>
        %dma_start3A_78 = arith.constant 0 : i32
        %dma_start3A_79 = arith.constant 0 : i32
        %dma_start3A_80 = tpu.memref_slice %arg11[%dma_start3A_78, %dma_start3A_79] : memref<10000x64xf32, #tpu.memory_space<vmem_shared>> -> memref<10000x64xf32, #tpu.memory_space<vmem_shared>>
        tpu.enqueue_indirect_dma source(%arg9 : memref<80x64xf32, #tpu.memory_space<vmem>>) target(%dma_start3A_80 : memref<10000x64xf32, #tpu.memory_space<vmem_shared>>) offsets(%dma_start3A_77 : memref<80xi32, #tpu.memory_space<vmem>>) semaphore(%run_scoped3A_74 : memref<!tpu.dma_semaphore, #tpu.memory_space<semaphore_mem>>) {add = true}
        %dma_wait3A_81 = arith.constant 0 : i32
        %dma_wait3A_82 = tpu.memref_slice %arg8[%mul3A_43, %dma_wait3A_81] : memref<125x80xi32, #tpu.memory_space<vmem>> -> memref<1x80xi32, #tpu.memory_space<vmem>>
        %dma_wait3A_83 = tpu.memref_squeeze %dma_wait3A_82 : memref<1x80xi32, #tpu.memory_space<vmem>> -> memref<80xi32, #tpu.memory_space<vmem>>
        %dma_wait3A_84 = arith.constant 0 : i32
        %dma_wait3A_85 = arith.constant 0 : i32
        %dma_wait3A_86 = tpu.memref_slice %arg11[%dma_wait3A_84, %dma_wait3A_85] : memref<10000x64xf32, #tpu.memory_space<vmem_shared>> -> memref<10000x64xf32, #tpu.memory_space<vmem_shared>>
        tpu.wait_indirect_dma semaphore(%run_scoped3A_74 : memref<!tpu.dma_semaphore, #tpu.memory_space<semaphore_mem>>) src(%arg9 : memref<80x64xf32, #tpu.memory_space<vmem>>) dst(%dma_wait3A_86 : memref<10000x64xf32, #tpu.memory_space<vmem_shared>>)
        tpu.yield
      }) : () -> ()
      %lt3A_59 = arith.constant 61 : i32
      %lt3A_60 = arith.cmpi slt, %scan3A_40, %lt3A_59 : i32
      %convert_element_type3A_61 = arith.extui %lt3A_60 : i1 to i32
      %cond3A_62 = arith.constant 0 : i32
      %cond3A_63 = arith.cmpi ne, %convert_element_type3A_61, %cond3A_62 : i32
      scf.if %cond3A_63 {
        %add3A_74 = arith.constant 2 : i32
        %add3A_75 = arith.addi %mul3A_43, %add3A_74 : i32
        %dma_start3A_76 = arith.constant 0 : i32
        %dma_start3A_77 = tpu.memref_slice %arg7[%add3A_75, %dma_start3A_76] : memref<125x80xi32, #tpu.memory_space<vmem>> -> memref<1x80xi32, #tpu.memory_space<vmem>>
        %dma_start3A_78 = tpu.memref_squeeze %dma_start3A_77 : memref<1x80xi32, #tpu.memory_space<vmem>> -> memref<80xi32, #tpu.memory_space<vmem>>
        %dma_start3A_79 = arith.constant 0 : i32
        %dma_start3A_80 = arith.constant 0 : i32
        %dma_start3A_81 = tpu.memref_slice %arg12[%dma_start3A_79, %dma_start3A_80] : memref<10000x64xf32, #tpu.memory_space<vmem_shared>> -> memref<10000x64xf32, #tpu.memory_space<vmem_shared>>
        tpu.enqueue_indirect_dma source(%dma_start3A_81 : memref<10000x64xf32, #tpu.memory_space<vmem_shared>>) target(%arg9 : memref<80x64xf32, #tpu.memory_space<vmem>>) offsets(%dma_start3A_78 : memref<80xi32, #tpu.memory_space<vmem>>) semaphore(%arg13 : memref<!tpu.dma_semaphore, #tpu.memory_space<semaphore_mem>>)
      } else {
      }
      %dma_wait3A_64 = arith.constant 0 : i32
      %dma_wait3A_65 = arith.constant 0 : i32
      %dma_wait3A_66 = tpu.memref_slice %arg7[%dma_wait3A_64, %dma_wait3A_65] : memref<125x80xi32, #tpu.memory_space<vmem>> -> memref<1x80xi32, #tpu.memory_space<vmem>>
      %dma_wait3A_67 = tpu.memref_squeeze %dma_wait3A_66 : memref<1x80xi32, #tpu.memory_space<vmem>> -> memref<80xi32, #tpu.memory_space<vmem>>
      %dma_wait3A_68 = arith.constant 0 : i32
      %dma_wait3A_69 = arith.constant 0 : i32
      %dma_wait3A_70 = tpu.memref_slice %arg12[%dma_wait3A_68, %dma_wait3A_69] : memref<10000x64xf32, #tpu.memory_space<vmem_shared>> -> memref<10000x64xf32, #tpu.memory_space<vmem_shared>>
      tpu.wait_indirect_dma semaphore(%arg14 : memref<!tpu.dma_semaphore, #tpu.memory_space<semaphore_mem>>) src(%dma_wait3A_70 : memref<10000x64xf32, #tpu.memory_space<vmem_shared>>) dst(%arg10 : memref<80x64xf32, #tpu.memory_space<vmem>>)
      %add3A_71 = arith.constant 1 : i32
      %add3A_72 = arith.addi %mul3A_43, %add3A_71 : i32
      "tpu.region"() ({
        %run_scoped3A_74 = tpu.sem_alloc : memref<!tpu.dma_semaphore, #tpu.memory_space<semaphore_mem>>
        %dma_start3A_75 = arith.constant 0 : i32
        %dma_start3A_76 = tpu.memref_slice %arg8[%add3A_72, %dma_start3A_75] : memref<125x80xi32, #tpu.memory_space<vmem>> -> memref<1x80xi32, #tpu.memory_space<vmem>>
        %dma_start3A_77 = tpu.memref_squeeze %dma_start3A_76 : memref<1x80xi32, #tpu.memory_space<vmem>> -> memref<80xi32, #tpu.memory_space<vmem>>
        %dma_start3A_78 = arith.constant 0 : i32
        %dma_start3A_79 = arith.constant 0 : i32
        %dma_start3A_80 = tpu.memref_slice %arg11[%dma_start3A_78, %dma_start3A_79] : memref<10000x64xf32, #tpu.memory_space<vmem_shared>> -> memref<10000x64xf32, #tpu.memory_space<vmem_shared>>
        tpu.enqueue_indirect_dma source(%arg10 : memref<80x64xf32, #tpu.memory_space<vmem>>) target(%dma_start3A_80 : memref<10000x64xf32, #tpu.memory_space<vmem_shared>>) offsets(%dma_start3A_77 : memref<80xi32, #tpu.memory_space<vmem>>) semaphore(%run_scoped3A_74 : memref<!tpu.dma_semaphore, #tpu.memory_space<semaphore_mem>>) {add = true}
        %dma_wait3A_81 = arith.constant 0 : i32
        %dma_wait3A_82 = tpu.memref_slice %arg8[%add3A_72, %dma_wait3A_81] : memref<125x80xi32, #tpu.memory_space<vmem>> -> memref<1x80xi32, #tpu.memory_space<vmem>>
        %dma_wait3A_83 = tpu.memref_squeeze %dma_wait3A_82 : memref<1x80xi32, #tpu.memory_space<vmem>> -> memref<80xi32, #tpu.memory_space<vmem>>
        %dma_wait3A_84 = arith.constant 0 : i32
        %dma_wait3A_85 = arith.constant 0 : i32
        %dma_wait3A_86 = tpu.memref_slice %arg11[%dma_wait3A_84, %dma_wait3A_85] : memref<10000x64xf32, #tpu.memory_space<vmem_shared>> -> memref<10000x64xf32, #tpu.memory_space<vmem_shared>>
        tpu.wait_indirect_dma semaphore(%run_scoped3A_74 : memref<!tpu.dma_semaphore, #tpu.memory_space<semaphore_mem>>) src(%arg10 : memref<80x64xf32, #tpu.memory_space<vmem>>) dst(%dma_wait3A_86 : memref<10000x64xf32, #tpu.memory_space<vmem_shared>>)
        tpu.yield
      }) : () -> ()
      %scan3A_73 = arith.constant 0 : i32
      scf.yield %scan3A_73 : i32
    }
    %scan3A_20 = arith.constant 62 : i32
    %dma_start3A_21 = arith.constant 124 : i32
    %dma_start3A_22 = arith.constant 0 : i32
    %dma_start3A_23 = tpu.memref_slice %arg7[%dma_start3A_21, %dma_start3A_22] : memref<125x80xi32, #tpu.memory_space<vmem>> -> memref<1x80xi32, #tpu.memory_space<vmem>>
    %dma_start3A_24 = tpu.memref_squeeze %dma_start3A_23 : memref<1x80xi32, #tpu.memory_space<vmem>> -> memref<80xi32, #tpu.memory_space<vmem>>
    %dma_start3A_25 = arith.constant 0 : i32
    %dma_start3A_26 = arith.constant 0 : i32
    %dma_start3A_27 = tpu.memref_slice %arg12[%dma_start3A_25, %dma_start3A_26] : memref<10000x64xf32, #tpu.memory_space<vmem_shared>> -> memref<10000x64xf32, #tpu.memory_space<vmem_shared>>
    tpu.enqueue_indirect_dma source(%dma_start3A_27 : memref<10000x64xf32, #tpu.memory_space<vmem_shared>>) target(%arg9 : memref<80x64xf32, #tpu.memory_space<vmem>>) offsets(%dma_start3A_24 : memref<80xi32, #tpu.memory_space<vmem>>) semaphore(%arg13 : memref<!tpu.dma_semaphore, #tpu.memory_space<semaphore_mem>>)
    %dma_wait3A = arith.constant 0 : i32
    %dma_wait3A_28 = arith.constant 0 : i32
    %dma_wait3A_29 = tpu.memref_slice %arg7[%dma_wait3A, %dma_wait3A_28] : memref<125x80xi32, #tpu.memory_space<vmem>> -> memref<1x80xi32, #tpu.memory_space<vmem>>
    %dma_wait3A_30 = tpu.memref_squeeze %dma_wait3A_29 : memref<1x80xi32, #tpu.memory_space<vmem>> -> memref<80xi32, #tpu.memory_space<vmem>>
    %dma_wait3A_31 = arith.constant 0 : i32
    %dma_wait3A_32 = arith.constant 0 : i32
    %dma_wait3A_33 = tpu.memref_slice %arg12[%dma_wait3A_31, %dma_wait3A_32] : memref<10000x64xf32, #tpu.memory_space<vmem_shared>> -> memref<10000x64xf32, #tpu.memory_space<vmem_shared>>
    tpu.wait_indirect_dma semaphore(%arg13 : memref<!tpu.dma_semaphore, #tpu.memory_space<semaphore_mem>>) src(%dma_wait3A_33 : memref<10000x64xf32, #tpu.memory_space<vmem_shared>>) dst(%arg9 : memref<80x64xf32, #tpu.memory_space<vmem>>)
    %run_scoped3A = arith.constant 124 : i32
    "tpu.region"() ({
      %run_scoped3A_40 = tpu.sem_alloc : memref<!tpu.dma_semaphore, #tpu.memory_space<semaphore_mem>>
      %dma_start3A_41 = arith.constant 0 : i32
      %dma_start3A_42 = tpu.memref_slice %arg8[%run_scoped3A, %dma_start3A_41] : memref<125x80xi32, #tpu.memory_space<vmem>> -> memref<1x80xi32, #tpu.memory_space<vmem>>
      %dma_start3A_43 = tpu.memref_squeeze %dma_start3A_42 : memref<1x80xi32, #tpu.memory_space<vmem>> -> memref<80xi32, #tpu.memory_space<vmem>>
      %dma_start3A_44 = arith.constant 0 : i32
      %dma_start3A_45 = arith.constant 0 : i32
      %dma_start3A_46 = tpu.memref_slice %arg11[%dma_start3A_44, %dma_start3A_45] : memref<10000x64xf32, #tpu.memory_space<vmem_shared>> -> memref<10000x64xf32, #tpu.memory_space<vmem_shared>>
      tpu.enqueue_indirect_dma source(%arg9 : memref<80x64xf32, #tpu.memory_space<vmem>>) target(%dma_start3A_46 : memref<10000x64xf32, #tpu.memory_space<vmem_shared>>) offsets(%dma_start3A_43 : memref<80xi32, #tpu.memory_space<vmem>>) semaphore(%run_scoped3A_40 : memref<!tpu.dma_semaphore, #tpu.memory_space<semaphore_mem>>) {add = true}
      %dma_wait3A_47 = arith.constant 0 : i32
      %dma_wait3A_48 = tpu.memref_slice %arg8[%run_scoped3A, %dma_wait3A_47] : memref<125x80xi32, #tpu.memory_space<vmem>> -> memref<1x80xi32, #tpu.memory_space<vmem>>
      %dma_wait3A_49 = tpu.memref_squeeze %dma_wait3A_48 : memref<1x80xi32, #tpu.memory_space<vmem>> -> memref<80xi32, #tpu.memory_space<vmem>>
      %dma_wait3A_50 = arith.constant 0 : i32
      %dma_wait3A_51 = arith.constant 0 : i32
      %dma_wait3A_52 = tpu.memref_slice %arg11[%dma_wait3A_50, %dma_wait3A_51] : memref<10000x64xf32, #tpu.memory_space<vmem_shared>> -> memref<10000x64xf32, #tpu.memory_space<vmem_shared>>
      tpu.wait_indirect_dma semaphore(%run_scoped3A_40 : memref<!tpu.dma_semaphore, #tpu.memory_space<semaphore_mem>>) src(%arg9 : memref<80x64xf32, #tpu.memory_space<vmem>>) dst(%dma_wait3A_52 : memref<10000x64xf32, #tpu.memory_space<vmem_shared>>)
      tpu.yield
    }) : () -> ()
    %barrier3A_34 = arith.constant 0 : index
    tpu.barrier barrier_id(%barrier3A_34)
    %lt3A_35 = arith.constant 10 : i32
    %lt3A_36 = arith.cmpi slt, %arg1, %lt3A_35 : i32
    %convert_element_type3A_37 = arith.extui %lt3A_36 : i1 to i32
    %cond3A_38 = arith.constant 0 : i32
    %cond3A_39 = arith.cmpi ne, %convert_element_type3A_37, %cond3A_38 : i32
    scf.if %cond3A_39 {
      %mul3A_40 = arith.constant 1000 : i32
      %mul3A_41 = arith.muli %arg1, %mul3A_40 : i32
      %mul3A_42 = arith.constant 1000 : i32
      %mul3A_43 = arith.muli %arg1, %mul3A_42 : i32
      "tpu.region"() ({
        %run_scoped3A_44 = tpu.sem_alloc : memref<!tpu.dma_semaphore, #tpu.memory_space<semaphore_mem>>
        %dma_start3A_45 = arith.constant 0 : i32
        %dma_start3A_46 = tpu.memref_slice %arg6[%arg0, %mul3A_43, %dma_start3A_45] : memref<2x10000x64xf32, #tpu.memory_space<hbm>> -> memref<1x1000x64xf32, #tpu.memory_space<hbm>>
        %dma_start3A_47 = tpu.memref_squeeze %dma_start3A_46 : memref<1x1000x64xf32, #tpu.memory_space<hbm>> -> memref<1000x64xf32, #tpu.memory_space<hbm>>
        %dma_start3A_48 = arith.constant 0 : i32
        %dma_start3A_49 = tpu.memref_slice %arg11[%mul3A_41, %dma_start3A_48] : memref<10000x64xf32, #tpu.memory_space<vmem_shared>> -> memref<1000x64xf32, #tpu.memory_space<vmem_shared>>
        tpu.enqueue_dma source(%dma_start3A_49 : memref<1000x64xf32, #tpu.memory_space<vmem_shared>>) target(%dma_start3A_47 : memref<1000x64xf32, #tpu.memory_space<hbm>>) target_semaphore(%run_scoped3A_44 : memref<!tpu.dma_semaphore, #tpu.memory_space<semaphore_mem>>)
        %dma_wait3A_50 = arith.constant 0 : i32
        %dma_wait3A_51 = tpu.memref_slice %arg6[%arg0, %mul3A_43, %dma_wait3A_50] : memref<2x10000x64xf32, #tpu.memory_space<hbm>> -> memref<1x1000x64xf32, #tpu.memory_space<hbm>>
        %dma_wait3A_52 = tpu.memref_squeeze %dma_wait3A_51 : memref<1x1000x64xf32, #tpu.memory_space<hbm>> -> memref<1000x64xf32, #tpu.memory_space<hbm>>
        %dma_wait3A_53 = arith.constant 0 : i32
        %dma_wait3A_54 = tpu.memref_slice %arg11[%mul3A_41, %dma_wait3A_53] : memref<10000x64xf32, #tpu.memory_space<vmem_shared>> -> memref<1000x64xf32, #tpu.memory_space<vmem_shared>>
        tpu.wait_dma2 semaphore(%run_scoped3A_44 : memref<!tpu.dma_semaphore, #tpu.memory_space<semaphore_mem>>) src(%dma_wait3A_54 : memref<1000x64xf32, #tpu.memory_space<vmem_shared>>) dst(%dma_wait3A_52 : memref<1000x64xf32, #tpu.memory_space<hbm>>)
        tpu.yield
      }) : () -> ()
    } else {
    }
    return
  }
}

module attributes {stable_mosaic.version = 14 : i64} {
  func.func @_tc1_body(%arg0: memref<10000x128xf32, #tpu.memory_space<vmem>>, %arg1: memref<128x128xf32, #tpu.memory_space<vmem>>, %arg2: memref<128xf32, #tpu.memory_space<vmem>>, %arg3: memref<128x64xf32, #tpu.memory_space<vmem>>, %arg4: memref<10000x32xf32, #tpu.memory_space<vmem>>, %arg5: memref<10000x64xf32, #tpu.memory_space<vmem>>, %arg6: memref<10000x1xf32, #tpu.memory_space<vmem>>) attributes {dimension_semantics = [], scalar_prefetch = 0 : i64, scratch_operands = 0 : i64, tpu.core_type = #tpu.core_type<tc>} {
    %get3A = arith.constant 0 : index
    %get3A_0 = arith.constant 0 : index
    %get3A_1 = vector.load %arg0[%get3A, %get3A_0] : memref<10000x128xf32, #tpu.memory_space<vmem>>, vector<10000x128xf32>
    %get3A_2 = arith.constant 0 : index
    %get3A_3 = arith.constant 0 : index
    %get3A_4 = vector.load %arg1[%get3A_2, %get3A_3] : memref<128x128xf32, #tpu.memory_space<vmem>>, vector<128x128xf32>
    %dot_general3A = arith.constant dense<0.000000e+00> : vector<10000x128xf32>
    %dot_general3A_5 = tpu.matmul %get3A_1, %get3A_4, %dot_general3A {dimension_numbers = #tpu.dot_dimension_numbers<[1], [0], [0], [1], [0, 0, 1, 1], [], []>, transpose_lhs_hint = false} : vector<10000x128xf32>, vector<128x128xf32>, vector<10000x128xf32> -> vector<10000x128xf32>
    %get3A_6 = arith.constant 0 : index
    %get3A_7 = vector.load %arg2[%get3A_6] : memref<128xf32, #tpu.memory_space<vmem>>, vector<128xf32>
    %broadcast_in_dim3A = vector.shape_cast %get3A_7 : vector<128xf32> to vector<1x128xf32>
    %add3A = vector.broadcast %broadcast_in_dim3A : vector<1x128xf32> to vector<10000x128xf32>
    %add3A_8 = arith.addf %dot_general3A_5, %add3A : vector<10000x128xf32>
    %get3A_9 = arith.constant 0 : index
    %get3A_10 = arith.constant 0 : index
    %get3A_11 = vector.load %arg3[%get3A_9, %get3A_10] : memref<128x64xf32, #tpu.memory_space<vmem>>, vector<128x64xf32>
    %dot_general3A_12 = arith.constant dense<0.000000e+00> : vector<10000x64xf32>
    %dot_general3A_13 = tpu.matmul %add3A_8, %get3A_11, %dot_general3A_12 {dimension_numbers = #tpu.dot_dimension_numbers<[1], [0], [0], [1], [0, 0, 1, 1], [], []>, transpose_lhs_hint = false} : vector<10000x128xf32>, vector<128x64xf32>, vector<10000x64xf32> -> vector<10000x64xf32>
    %get3A_14 = arith.constant 0 : index
    %get3A_15 = arith.constant 0 : index
    %get3A_16 = vector.load %arg4[%get3A_14, %get3A_15] : memref<10000x32xf32, #tpu.memory_space<vmem>>, vector<10000x32xf32>
    %reduce_sum3A = arith.constant dense<0.000000e+00> : vector<10000xf32>
    %reduce_sum3A_17 = vector.multi_reduction <add>, %get3A_16, %reduce_sum3A [1] : vector<10000x32xf32> to vector<10000xf32>
    %broadcast_in_dim3A_18 = vector.shape_cast %reduce_sum3A_17 : vector<10000xf32> to vector<10000x1xf32>
    %add3A_19 = arith.constant 1.000000e+00 : f32
    %add3A_20 = vector.broadcast %add3A_19 : f32 to vector<10000x1xf32>
    %add3A_21 = arith.addf %broadcast_in_dim3A_18, %add3A_20 : vector<10000x1xf32>
    %rsqrt3A = math.rsqrt %add3A_21 : vector<10000x1xf32>
    %swap3A = arith.constant 0 : index
    %swap3A_22 = arith.constant 0 : index
    %swap3A_23 = vector.load %arg6[%swap3A, %swap3A_22] : memref<10000x1xf32, #tpu.memory_space<vmem>>, vector<10000x1xf32>
    tpu.vector_store %arg6[%swap3A, %swap3A_22], %rsqrt3A {strides = array<i32>} : memref<10000x1xf32, #tpu.memory_space<vmem>>, vector<10000x1xf32>,
    %mul3A = vector.broadcast %rsqrt3A : vector<10000x1xf32> to vector<10000x64xf32>
    %mul3A_24 = arith.mulf %dot_general3A_13, %mul3A : vector<10000x64xf32>
    %swap3A_25 = arith.constant 0 : index
    %swap3A_26 = arith.constant 0 : index
    %swap3A_27 = vector.load %arg5[%swap3A_25, %swap3A_26] : memref<10000x64xf32, #tpu.memory_space<vmem>>, vector<10000x64xf32>
    tpu.vector_store %arg5[%swap3A_25, %swap3A_26], %mul3A_24 {strides = array<i32>} : memref<10000x64xf32, #tpu.memory_space<vmem>>, vector<10000x64xf32>,
    return
  }
}

module attributes {stable_mosaic.version = 14 : i64} {
  func.func @_tc2_body(%arg0: memref<10000x64xf32, #tpu.memory_space<vmem>>, %arg1: memref<10000x64xf32, #tpu.memory_space<vmem>>, %arg2: memref<10000x64xf32, #tpu.memory_space<vmem>>, %arg3: memref<10000x1xf32, #tpu.memory_space<vmem>>, %arg4: memref<64xf32, #tpu.memory_space<vmem>>, %arg5: memref<64x64xf32, #tpu.memory_space<vmem>>, %arg6: memref<10000x64xf32, #tpu.memory_space<vmem>>) attributes {dimension_semantics = [], scalar_prefetch = 0 : i64, scratch_operands = 0 : i64, tpu.core_type = #tpu.core_type<tc>} {
    %get3A = arith.constant 0 : index
    %get3A_0 = arith.constant 0 : index
    %get3A_1 = vector.load %arg3[%get3A, %get3A_0] : memref<10000x1xf32, #tpu.memory_space<vmem>>, vector<10000x1xf32>
    %get3A_2 = arith.constant 0 : index
    %get3A_3 = arith.constant 0 : index
    %get3A_4 = vector.load %arg0[%get3A_2, %get3A_3] : memref<10000x64xf32, #tpu.memory_space<vmem>>, vector<10000x64xf32>
    %get3A_5 = arith.constant 0 : index
    %get3A_6 = arith.constant 0 : index
    %get3A_7 = vector.load %arg1[%get3A_5, %get3A_6] : memref<10000x64xf32, #tpu.memory_space<vmem>>, vector<10000x64xf32>
    %add3A = arith.addf %get3A_4, %get3A_7 : vector<10000x64xf32>
    %get3A_8 = arith.constant 0 : index
    %get3A_9 = arith.constant 0 : index
    %get3A_10 = vector.load %arg2[%get3A_8, %get3A_9] : memref<10000x64xf32, #tpu.memory_space<vmem>>, vector<10000x64xf32>
    %add3A_11 = arith.addf %add3A, %get3A_10 : vector<10000x64xf32>
    %mul3A = vector.broadcast %get3A_1 : vector<10000x1xf32> to vector<10000x64xf32>
    %mul3A_12 = arith.mulf %add3A_11, %mul3A : vector<10000x64xf32>
    %get3A_13 = arith.constant 0 : index
    %get3A_14 = vector.load %arg4[%get3A_13] : memref<64xf32, #tpu.memory_space<vmem>>, vector<64xf32>
    %broadcast_in_dim3A = vector.shape_cast %get3A_14 : vector<64xf32> to vector<1x64xf32>
    %add3A_15 = vector.broadcast %broadcast_in_dim3A : vector<1x64xf32> to vector<10000x64xf32>
    %add3A_16 = arith.addf %mul3A_12, %add3A_15 : vector<10000x64xf32>
    %max3A = arith.constant 0.000000e+00 : f32
    %max3A_17 = vector.broadcast %max3A : f32 to vector<10000x64xf32>
    %max3A_18 = arith.maximumf %add3A_16, %max3A_17 : vector<10000x64xf32>
    %get3A_19 = arith.constant 0 : index
    %get3A_20 = arith.constant 0 : index
    %get3A_21 = vector.load %arg5[%get3A_19, %get3A_20] : memref<64x64xf32, #tpu.memory_space<vmem>>, vector<64x64xf32>
    %dot_general3A = arith.constant dense<0.000000e+00> : vector<10000x64xf32>
    %dot_general3A_22 = tpu.matmul %max3A_18, %get3A_21, %dot_general3A {dimension_numbers = #tpu.dot_dimension_numbers<[1], [0], [0], [1], [0, 0, 1, 1], [], []>, transpose_lhs_hint = false} : vector<10000x64xf32>, vector<64x64xf32>, vector<10000x64xf32> -> vector<10000x64xf32>
    %mul3A_23 = vector.broadcast %get3A_1 : vector<10000x1xf32> to vector<10000x64xf32>
    %mul3A_24 = arith.mulf %dot_general3A_22, %mul3A_23 : vector<10000x64xf32>
    %swap3A = arith.constant 0 : index
    %swap3A_25 = arith.constant 0 : index
    %swap3A_26 = vector.load %arg6[%swap3A, %swap3A_25] : memref<10000x64xf32, #tpu.memory_space<vmem>>, vector<10000x64xf32>
    tpu.vector_store %arg6[%swap3A, %swap3A_25], %mul3A_24 {strides = array<i32>} : memref<10000x64xf32, #tpu.memory_space<vmem>>, vector<10000x64xf32>,
    return
  }
}

module attributes {stable_mosaic.version = 14 : i64} {
  func.func @_tc3_body(%arg0: memref<10000x64xf32, #tpu.memory_space<vmem>>, %arg1: memref<10000x64xf32, #tpu.memory_space<vmem>>, %arg2: memref<10000x64xf32, #tpu.memory_space<vmem>>, %arg3: memref<10000x1xf32, #tpu.memory_space<vmem>>, %arg4: memref<64xf32, #tpu.memory_space<vmem>>, %arg5: memref<64x64xf32, #tpu.memory_space<vmem>>, %arg6: memref<10000x64xf32, #tpu.memory_space<vmem>>, %arg7: memref<10000x64xf32, #tpu.memory_space<vmem>>) attributes {dimension_semantics = [], scalar_prefetch = 0 : i64, scratch_operands = 0 : i64, tpu.core_type = #tpu.core_type<tc>} {
    %get3A = arith.constant 0 : index
    %get3A_0 = arith.constant 0 : index
    %get3A_1 = vector.load %arg0[%get3A, %get3A_0] : memref<10000x64xf32, #tpu.memory_space<vmem>>, vector<10000x64xf32>
    %get3A_2 = arith.constant 0 : index
    %get3A_3 = arith.constant 0 : index
    %get3A_4 = vector.load %arg1[%get3A_2, %get3A_3] : memref<10000x64xf32, #tpu.memory_space<vmem>>, vector<10000x64xf32>
    %add3A = arith.addf %get3A_1, %get3A_4 : vector<10000x64xf32>
    %get3A_5 = arith.constant 0 : index
    %get3A_6 = arith.constant 0 : index
    %get3A_7 = vector.load %arg2[%get3A_5, %get3A_6] : memref<10000x64xf32, #tpu.memory_space<vmem>>, vector<10000x64xf32>
    %add3A_8 = arith.addf %add3A, %get3A_7 : vector<10000x64xf32>
    %get3A_9 = arith.constant 0 : index
    %get3A_10 = arith.constant 0 : index
    %get3A_11 = vector.load %arg3[%get3A_9, %get3A_10] : memref<10000x1xf32, #tpu.memory_space<vmem>>, vector<10000x1xf32>
    %mul3A = vector.broadcast %get3A_11 : vector<10000x1xf32> to vector<10000x64xf32>
    %mul3A_12 = arith.mulf %add3A_8, %mul3A : vector<10000x64xf32>
    %get3A_13 = arith.constant 0 : index
    %get3A_14 = vector.load %arg4[%get3A_13] : memref<64xf32, #tpu.memory_space<vmem>>, vector<64xf32>
    %broadcast_in_dim3A = vector.shape_cast %get3A_14 : vector<64xf32> to vector<1x64xf32>
    %add3A_15 = vector.broadcast %broadcast_in_dim3A : vector<1x64xf32> to vector<10000x64xf32>
    %add3A_16 = arith.addf %mul3A_12, %add3A_15 : vector<10000x64xf32>
    %swap3A = arith.constant 0 : index
    %swap3A_17 = arith.constant 0 : index
    %swap3A_18 = vector.load %arg6[%swap3A, %swap3A_17] : memref<10000x64xf32, #tpu.memory_space<vmem>>, vector<10000x64xf32>
    tpu.vector_store %arg6[%swap3A, %swap3A_17], %add3A_16 {strides = array<i32>} : memref<10000x64xf32, #tpu.memory_space<vmem>>, vector<10000x64xf32>,
    %get3A_19 = arith.constant 0 : index
    %get3A_20 = arith.constant 0 : index
    %get3A_21 = vector.load %arg5[%get3A_19, %get3A_20] : memref<64x64xf32, #tpu.memory_space<vmem>>, vector<64x64xf32>
    %dot_general3A = arith.constant dense<0.000000e+00> : vector<10000x64xf32>
    %dot_general3A_22 = tpu.matmul %add3A_16, %get3A_21, %dot_general3A {dimension_numbers = #tpu.dot_dimension_numbers<[1], [0], [0], [1], [0, 0, 1, 1], [], []>, transpose_lhs_hint = false} : vector<10000x64xf32>, vector<64x64xf32>, vector<10000x64xf32> -> vector<10000x64xf32>
    %swap3A_23 = arith.constant 0 : index
    %swap3A_24 = arith.constant 0 : index
    %swap3A_25 = vector.load %arg7[%swap3A_23, %swap3A_24] : memref<10000x64xf32, #tpu.memory_space<vmem>>, vector<10000x64xf32>
    tpu.vector_store %arg7[%swap3A_23, %swap3A_24], %dot_general3A_22 {strides = array<i32>} : memref<10000x64xf32, #tpu.memory_space<vmem>>, vector<10000x64xf32>,
    return
  }
}

</mosaic_0001>

<sc_bundles>
// kernel: kernel.12.cloned.1.call-start
scs
__scs_entry_jumppad:
0x0: {  	(pc) =	sbr.rel $0x88, $3  }
0x1: {  	(tag) =	ssettag $0x0;
	lr =	simm.s32 $0x1  }
0x2: {  	[smem:$0x3F97] =	sst lr;
	_ =	strace $0xD0000000  }
0x3: {  	_ = 	snop  }
0x4: {  	_ = 	snop  }
0x5: {  	_ = 	snop  }
0x6: {  	_ = 	snop  }
0x7: {  	_ = 	snop  }
__scs_overlays_trampoline_lowered:
0x8: {  	[smem:$0x3FA6] =	sst s0  }
0x9: {  	[smem:$0x3FA7] =	sst s1  }
0xa: {  	[smem:$0x3FA8] =	sst s2  }
0xb: {  	[smem:$0x3FA9] =	sst s3  }
0xc: {  	[smem:$0x3FAA] =	sst s4  }
0xd: {  	[smem:$0x3FAB] =	sst s5  }
0xe: {  	[smem:$0x3FAC] =	sst s6  }
0xf: {  	[smem:$0x3FAD] =	sst s7  }
0x10: {  	[smem:$0x3FAE] =	sst s8  }
0x11: {  	[smem:$0x3FAF] =	sst s9;
	s0 =	simm.s32 @!p0 $0x0  }
0x12: {  	s1 =	sld [smem:$0x3F95];
	s0 =	simm.s32 @p0 $0x1  }
0x13: {  	[smem:$0x3FB0] =	sst s0;
	s0 =	simm.s32 @!p1 $0x0  }
0x14: {  	s2 =	sld [smem:$0x3F94];
	s0 =	simm.s32 @p1 $0x1  }
0x15: {  	[smem:$0x3FB1] =	sst s0;
	s0 =	simm.s32 @!p2 $0x0  }
0x16: {  	s3 =	sld [smem:$0x3FDB];
	s0 =	simm.s32 @p2 $0x1  }
0x17: {  	s4 =	simm.s32 $0x1BF5;
	[smem:$0x3FB3] =	sst s0  }
0x18: {  	s0 =	sld [smem:$0x3F96];
	_ =	swait.ge [sflag:s4], $0x0  }
0x19: {  	s7 =	sld [smem:$0x3F97]  }
0x1a: {  	s8 =	sadd.s32 $0xFFFFE003, lr  }
0x1b: {  	s9 =	sadd.s32 $0xFFFFFEF7, lr;
	s5 =	simm.s32 $0xFFFFFFFF;
	p2 =	slt.u32 s8, $0xFFFFF086  }
0x1c: {  	p1 =	slt.u32 s9, $0xF7A;
	s5 =	simm.s32 @!p2 $0x0  }
0x1d: {  	s5 =	simm.s32 @p1 $0x1;
	p0 =	seq.s32 s7, s2  }
0x1e: {  	s7 =	smul.u32 @!p0 $0xF7A, s2;
	p2 =	seq.s32 @!p0 s5, $0x0  }
0x1f: {  	s9 =	smul.u32 $0xF7A, s1;
	s8 =	simm.s32 @!p0 $0x1BF5;
	p2 =	por !p2, p0  }
0x20: {  	[sflag:s8] =	ssyncset.s32 @!p0 $0xFFFFF086;
	s6 =	sadd.s32 @!p0 s3, s7;
	s7 =	simm.s32 @!p0 $0x108  }
0x21: {  	s3 =	sadd.s32 s3, s9;
	s6 =	sadd.s32 @!p0 $0x88, s6;
	s7 =	simm.s32 @p2 $0x1082  }
0x22: {  	[simem:s7], [sflag:s8] =	dma.local @!p0 [hbm:s6], $0xF7A  }
0x23: {  	s9 =	sor.u32 $0xD0000000, s2;
	s6 =	simm.s32 $0x108;
	_ =	swait.ge @!p0 [sflag:s8], $0x0  }
0x24: {  	s3 =	sadd.s32 $0x88, s3;
	s6 =	simm.s32 @!p1 $0x1082;
	[sflag:s4] =	ssyncset.s32 $0xFFFFF086  }
0x25: {  	[simem:s6], [sflag:s4] =	dma.local [hbm:s3], $0xF7A  }
0x26: {  	[smem:$0x3F97] =	sst s1;
	(tag) =	ssettag s2;
	_ =	strace s9  }
0x27: {  	s1 =	sld [smem:$0x3FA7]  }
0x28: {  	s2 =	sld [smem:$0x3FA8]  }
0x29: {  	s4 =	sld [smem:$0x3FAA]  }
0x2a: {  	p0 =	seq.s32 s5, $0x0;
	s5 =	sld [smem:$0x3FAB]  }
0x2b: {  	s6 =	sld [smem:$0x3FAC]  }
0x2c: {  	s7 =	sld [smem:$0x3FAD]  }
0x2d: {  	s3 =	simm.s32 $0x108;
	s8 =	sld [smem:$0x3FAE]  }
0x2e: {  	s3 =	simm.s32 @!p0 $0x1082;
	s9 =	sld [smem:$0x3FAF]  }
0x2f: {  	lr =	sadd.s32 s0, s3;
	s0 =	sld [smem:$0x3FA6]  }
0x30: {  	s3 =	sld [smem:$0x3FA9]  }
0x31: {  	[smem:$0x3FB2] =	sst s10  }
0x32: {  	s10 =	sld [smem:$0x3FB0];
	_ =	sdelay $0x3  }
0x33: {  	p0 =	seq.s32 s10, $0x1;
	s10 =	sld [smem:$0x3FB2];
	_ =	sdelay $0x3  }
0x34: {  	[smem:$0x3FB2] =	sst s10  }
0x35: {  	s10 =	sld [smem:$0x3FB1];
	_ =	sdelay $0x3  }
0x36: {  	p1 =	seq.s32 s10, $0x1;
	s10 =	sld [smem:$0x3FB2];
	_ =	sdelay $0x3  }
0x37: {  	[smem:$0x3FB2] =	sst s10  }
0x38: {  	s10 =	sld [smem:$0x3FB3]  }
0x39: {  	_ = 	snop;
	(pc) =	sbr.ind lr, $3  }
0x3a: {  	_ = 	snop  }
0x3b: {  	_ = 	snop  }
0x3c: {  	p2 =	seq.s32 s10, $0x1;
	s10 =	sld [smem:$0x3FB2]  }
0x3d: {  	_ =	shalt  }
0x3e: {  	_ =	shalt  }
0x3f: {  	_ =	shalt  }
0x40: {  	_ =	shalt  }
0x41: {  	_ =	shalt  }
0x42: {  	_ =	shalt  }
0x43: {  	_ =	shalt  }
0x44: {  	_ =	shalt  }
0x45: {  	_ =	shalt  }
0x46: {  	_ =	shalt  }
0x47: {  	_ =	shalt  }
0x48: {  	_ =	shalt  }
0x49: {  	_ =	shalt  }
0x4a: {  	_ =	shalt  }
0x4b: {  	_ =	shalt  }
0x4c: {  	_ =	shalt  }
0x4d: {  	_ =	shalt  }
0x4e: {  	_ =	shalt  }
0x4f: {  	_ =	shalt  }
0x50: {  	_ =	shalt  }
0x51: {  	_ =	shalt  }
0x52: {  	_ =	shalt  }
0x53: {  	_ =	shalt  }
0x54: {  	_ =	shalt  }
0x55: {  	_ =	shalt  }
0x56: {  	_ =	shalt  }
0x57: {  	_ =	shalt  }
0x58: {  	_ =	shalt  }
0x59: {  	_ =	shalt  }
0x5a: {  	_ =	shalt  }
0x5b: {  	_ =	shalt  }
0x5c: {  	_ =	shalt  }
0x5d: {  	_ =	shalt  }
0x5e: {  	_ =	shalt  }
0x5f: {  	_ =	shalt  }
0x60: {  	_ =	shalt  }
0x61: {  	_ =	shalt  }
0x62: {  	_ =	shalt  }
0x63: {  	_ =	shalt  }
0x64: {  	_ =	shalt  }
0x65: {  	_ =	shalt  }
0x66: {  	_ =	shalt  }
0x67: {  	_ =	shalt  }
0x68: {  	_ =	shalt  }
0x69: {  	_ =	shalt  }
0x6a: {  	_ =	shalt  }
0x6b: {  	_ =	shalt  }
0x6c: {  	_ =	shalt  }
0x6d: {  	_ =	shalt  }
0x6e: {  	_ =	shalt  }
0x6f: {  	_ =	shalt  }
0x70: {  	_ =	shalt  }
0x71: {  	_ =	shalt  }
0x72: {  	_ =	shalt  }
0x73: {  	_ =	shalt  }
0x74: {  	_ =	shalt  }
0x75: {  	_ =	shalt  }
0x76: {  	_ =	shalt  }
0x77: {  	_ =	shalt  }
0x78: {  	_ =	shalt  }
0x79: {  	_ =	shalt  }
0x7a: {  	_ =	shalt  }
0x7b: {  	_ =	shalt  }
0x7c: {  	_ =	shalt  }
0x7d: {  	_ =	shalt  }
0x7e: {  	_ =	shalt  }
0x7f: {  	_ =	shalt  }
0x80: {  	_ =	shalt  }
0x81: {  	_ =	shalt  }
0x82: {  	_ =	shalt  }
0x83: {  	_ =	shalt  }
0x84: {  	_ =	shalt  }
0x85: {  	_ =	shalt  }
0x86: {  	_ =	shalt  }
0x87: {  	_ =	shalt  }
.Lfunc_end0:
.L_simem_size_0:
called_computation.1_lowered:
.L_overlay_start_0:
0x88: {  	s2 =	sld [smem:$0x3FD9]  }
0x89: {  	s3 =	sld [smem:$0x3FFE];
	_ =	sdelay $0x1  }
0x8a: {  	s1 =	srdreg.scid  }
0x8b: {  	s0 =	sand.u32 $0x1, s1  }
0x8c: {  	s16 =	sshll.u32 s0, $0xA;
	s2 =	sadd.s32 s3, s2  }
0x8d: {  	s2 =	sadd.s32 s2, s16  }
0x8e: {  	[smem:$0x3FBE] =	sst s2  }
0x8f: {  	_ = 	snop  }
0x90: {  	(tm) =	ssettm $0x1  }
0x91: {  	s17 =	sld [smem:$0x3FFB];
	_ =	sdelay $0x3  }
0x92: {  	_ =	strace s17  }
0x93: {  	s2 =	sld [smem:$0x3FFC];
	_ =	sdelay $0x3  }
0x94: {  	_ =	strace s2  }
0x95: {  	s2 =	sld [smem:$0x3FFD];
	_ =	sdelay $0x3  }
0x96: {  	_ =	strace s2  }
0x97: {  	_ =	strace $0x8FFFFFFF  }
0x98: {  	s18 =	sld [smem:$0x3FDB];
	_ =	sdelay $0x1  }
0x99: {  	s19 =	simm.s32 $_scs_section_size  }
0x9a: {  	s4 =	simm.s32 $_size__tile_overlayer_lowered;
	s5 =	simm.s32 $_tile_overlayer_lowered  }
0x9b: {  	s22 =	simm.s32 $0x1BFF;
	s21 =	sshll.u32 s5, $0x1;
	s2 =	sadd.s32 s19, s18  }
0x9c: {  	s6 =	simm.s32 $0x0;
	s20 =	sshll.u32 s4, $0x1;
	s4 =	sadd.s32 s21, s2  }
0x9d: {  	[timem:s6], [sflag:s22] =	dma.local [hbm:s4], s20  }
0x9e: {  	_ =	swait.ge [sflag:s22], s20  }
0x9f: {  	s3 =	ssub.s32 $0x0, s20;
	[sflag:s22] =	ssyncset.done $0x0  }
0xa0: {  	[sflag:s22] =	ssyncadd.s32 s3;
	_ =	sdelay $0x1  }
0xa1: {  	s23 =	simm.s32 $0x1B8B  }
0xa2: {  	_ =	swait.ge [sflag:s23], $0x1  }
0xa3: {  	[sflag:s23] =	ssyncset.done $0x0  }
0xa4: {  	s25 =	simm.s32 $0x1B8E;
	s24 =	sld [smem:$0x3FFE];
	[sflag:s23] =	ssyncadd.s32 $0xFFFFFFFF  }
0xa5: {  	s26 =	simm.s32 $execute0_lowered;
	[smem:$0x3FD2] =	sst s25  }
0xa6: {  	s4 =	sshll.u32 s26, $0x1;
	_ =	strace $0x80000049;
	[dreg:$0x1] =	wrdreg $0xFFFFFFFF  }
0xa7: {  	s28 =	simm.s32 $_size_execute0_lowered;
	s2 =	sadd.s32 s2, s4;
	[dreg:$0x0] =	wrdreg $0x0  }
0xa8: {  	s4 =	sshll.u32 s28, $0x1;
	[dreg:$0x2] =	wrdreg s2  }
0xa9: {  	[dreg:$0x3] =	wrdreg s4  }
0xaa: {  	[dreg:$0x4] =	wrdreg $0xC0  }
0xab: {  	_ =	task [dreg:s6], $0x5FFFF  }
0xac: {  	[dreg:$0x1] =	wrdreg $0xFFFFFFFF  }
0xad: {  	[dreg:$0x0] =	wrdreg $0x60  }
0xae: {  	[dreg:$0x2] =	wrdreg s24  }
0xaf: {  	[dreg:$0x3] =	wrdreg $0x76200  }
0xb0: {  	[dreg:$0x4] =	wrdreg $0x112600  }
0xb1: {  	[dreg:$0x5] =	wrdreg $0x9  }
0xb2: {  	_ =	task.clear_ibuf [dreg:s6], $0x6FFFF;
	_ =	strace $0x90000049  }
0xb3: {  	s29 =	simm.s32 $0x9;
	_ =	strace $0x8000004B  }
0xb4: {  	_ =	swait.ge [sflag:s29], $0x1  }
0xb5: {  	[sflag:s29] =	ssyncadd.s32 $0xFFFFFFFF  }
0xb6: {  	_ =	strace $0x9000004B  }
0xb7: {  	_ =	sfence  }
0xb8: {  	s30 =	sld [smem:$0x0];
	_ =	sdelay $0x2  }
0xb9: {  	s31 =	sshll.u32 s1, $0xD;
	s1 =	sshrl.u32 s1, $0x2  }
0xba: {  	s3 =	sand.u32 $0x4000, s31;
	s1 =	sadd.s32 s1, s30  }
0xbb: {  	s0 =	sor.u32 s3, s0;
	s1 =	sshll.u32 s1, $0x11  }
0xbc: {  	s0 =	sor.u32 s1, s0  }
0xbd: {  	s0 =	sadd.s32 $0x8F2B, s0  }
0xbe: {  	[sflag:s0] =	ssyncadd.remote.s32 $0x1  }
0xbf: {  	_ =	sfence.sel $0xFFFF  }
0xc0: {  	[dreg:$0x0] =	wrdreg $0xFFFFFFFF;
	(pc) =	sbr.abs _section_cstart, $3  }
0xc1: {  	[dreg:$0x1] =	wrdreg $0xFFFFFFFF  }
0xc2: {  	_ =	task.clear_ibuf [dreg:s6], $0x2FFFF;
	_ =	strace $0x9FFFFFFF  }
0xc3: {  	(tm) =	ssettm $0x7FFFFFFF  }
tec
execute0_lowered:
.L_overlay_start_1:
0x0: {  	(tag) =	ssettag $0x1  }
0x1: {  	s5 =	rddreg [dreg:$0x0]  }
0x2: {  	s2 =	rddreg [dreg:$0x1]  }
0x3: {  	s0 =	srdreg.scid;
	s3 =	rddreg [dreg:$0x2]  }
0x4: {  	s4 =	simm.s32 $0x0;
	s16 =	simm.s32 $0x2710;
	s17 =	simm.s32 $0x50  }
0x5: {  	s18 =	simm.s32 $0x4E20;
	s19 =	simm.s32 $0x6220;
	s20 =	simm.s32 $0x1  }
0x6: {  	s21 =	simm.s32 $0x2;
	s22 =	simm.s32 $0x2670;
	s23 =	simm.s32 $0x4D30  }
0x7: {  	s24 =	simm.s32 $0x4D80;
	s6 =	sand.u32 $0x1, s0;
	s0 =	stileid.u32  }
0x8: {  	s25 =	simm.s32 $0x26C0;
	s26 =	simm.s32 $0x4DD0;
	s7 =	smul.u32 $0xFA00, s0  }
0x9: {  	[smem:$0x7FF] =	sst s4;
	s1 =	sshll.u32 s6, $0x4;
	s10 =	smul.u32 $0x9C400, s6  }
0xa: {  	_ =	strace $0x8000004A;
	s6 =	ssub.s32 $0x2, s6;
	p0 =	sgt.u32 s0, $0x9  }
0xb: {  	s31 =	sshll.u32 s0, $0x6;
	s8 =	sor.u32 s0, s1;
	s30 =	sshrl.u32 s6, $0x1  }
0xc: {  	p1 =	slt.u32 @!p0 s0, $0x6;
	s8 =	smul.u32 $0x4E2, s8;
	s9 =	sadd.s32 $0xFFFA2400, s7  }
0xd: {  	s10 =	sadd.s32 s7, s10;
	s12 =	sshrl.u32 s7, $0x3;
	s13 =	ssub.s32 s6, s30  }
0xe: {  	s14 =	sadd.s32 s7, s2;
	p1 =	por p0, !p1;
	s11 =	sshrl.u32 s9, $0x3  }
0xf: {  	s10 =	sshrl.u32 s10, $0x3;
	s12 =	sadd.s32 s12, s5;
	s15 =	sadd.s32 s9, s3  }
0x10: {  	s11 =	sadd.s32 s11, s5;
	s8 =	sadd.s32 s8, s5;
	s10 =	sadd.s32 s10, s5  }
0x11: {  	s5 =	sadd.s32 $0x51200, s12;
	s12 =	sshrl.u32 @!p0 s14, $0x3;
	s14 =	sshrl.u32 s15, $0x3  }
0x12: {  	s15 =	simm.s32 $0x3;
	s6 =	sadd.s32 $0x3D800, s11;
	s7 =	sadd.s32 $0x2A00, s8  }
0x13: {  	s8 =	sadd.s32 $0xC800, s8;
	s9 =	sadd.s32 $0x64C00, s10;
	s11 =	sshll.u32 @!p0 s0, $0x6  }
0x14: {  	s10 =	smax.u32 s13, $0x1;
	s13 =	sor.u32 $0x1C03, s31;
	s11 =	sor.u32 @!p0 $0x1C03, s11  }
.LBB2_1:
0x15: {  	[spmem:s12], [sflag:s11] =	dma.local @!p0 [hbm:s5], $0x1F40  }
0x16: {  	s28 =	simm.s32 @!p0 $0x3  }
0x17: {  	_ =	swait.ge @!p0 [sflag:s28], $0x1F40  }
0x18: {  	[sflag:s28] =	ssyncset.done @!p0 $0x0  }
0x19: {  	[sflag:s28] =	ssyncadd.s32 @!p0 $0xFFFFE0C0  }
0x1a: {  	[spmem:s14], [sflag:s13] =	dma.local @p1 [hbm:s6], $0x1F40  }
0x1b: {  	_ =	swait.ge @p1 [sflag:s15], $0x1F40  }
0x1c: {  	[sflag:s15] =	ssyncset.done @p1 $0x0  }
0x1d: {  	s28 =	simm.s32 $0x0;
	[sflag:s15] =	ssyncadd.s32 @p1 $0xFFFFE0C0  }
0x1e: {  	[tilespmem:s28], [sflag:$0x3] =	stream.linear.gather [hbm4b:s7+s28], $0x2710, $0x38;
	[tilespmem:$0x1AEA0] =	vst v63  }
0x1f: {  	_ =	swait.ge [sflag:s15], $0x2710  }
0x20: {  	[sflag:s15] =	ssyncset.done $0x0  }
0x21: {  	[sflag:s15] =	ssyncadd.s32 $0xFFFFD8F0  }
0x22: {  	[tilespmem:s16], [sflag:$0x3] =	stream.linear.gather [hbm4b:s8+s28], $0x2710, $0x38;
	[tilespmem:$0x1AEA0] =	vst v63  }
0x23: {  	_ =	swait.ge [sflag:s15], $0x2710  }
0x24: {  	[sflag:s15] =	ssyncset.done $0x0  }
0x25: {  	[sflag:s15] =	ssyncadd.s32 $0xFFFFD8F0  }
0x26: {  	[bflag:$0x0] =	sbarrier.arrive $0xFFFF  }
0x27: {  	[tilespmem:s18], [sflag:$0x1] =	stream.indirect.gather [spmem:s3], $0x40, s28, s17, $0xb8;
	[tilespmem:$0x1AEA0] =	vst v63  }
0x28: {  	s28 =	simm.s32 $0x50  }
0x29: {  	[tilespmem:s19], [sflag:$0x2] =	stream.indirect.gather [spmem:s3], $0x40, s28, s17, $0xb8;
	[tilespmem:$0x1AEA0] =	vst v63  }
0x2a: {  	_ =	swait.ge [sflag:s20], $0x1400  }
0x2b: {  	[sflag:s20] =	ssyncset.done $0x0  }
0x2c: {  	s28 =	simm.s32 $0x2710;
	[sflag:s20] =	ssyncadd.s32 $0xFFFFEC00  }
0x2d: {  	[spmem:s2] =	stream.indirect.scatter.add.f32 [tilespmem:s18], [sflag:$0x3], $0x40, s28, s17, $0xb8;
	[tilespmem:$0x1AEA0] =	vst v63  }
0x2e: {  	_ =	swait.ge [sflag:s15], $0x1400  }
0x2f: {  	[sflag:s15] =	ssyncset.done $0x0  }
0x30: {  	s28 =	simm.s32 $0xA0;
	[sflag:s15] =	ssyncadd.s32 $0xFFFFEC00  }
0x31: {  	[tilespmem:s18], [sflag:$0x1] =	stream.indirect.gather [spmem:s3], $0x40, s28, s17, $0xb8;
	[tilespmem:$0x1AEA0] =	vst v63  }
0x32: {  	_ =	swait.ge [sflag:s21], $0x1400  }
0x33: {  	[sflag:s21] =	ssyncset.done $0x0  }
0x34: {  	s28 =	simm.s32 $0x2760;
	[sflag:s21] =	ssyncadd.s32 $0xFFFFEC00  }
0x35: {  	[spmem:s2] =	stream.indirect.scatter.add.f32 [tilespmem:s19], [sflag:$0x3], $0x40, s28, s17, $0xb8;
	[tilespmem:$0x1AEA0] =	vst v63  }
0x36: {  	_ =	swait.ge [sflag:s15], $0x1400  }
0x37: {  	s29 =	simm.s32 $0x500;
	s28 =	simm.s32 $0xA0;
	[sflag:s15] =	ssyncset.done $0x0  }
.LBB2_2:
0x38: {  	s30 =	sadd.s32 $0x50, s28  }
0x39: {  	[sflag:s15] =	ssyncadd.s32 $0xFFFFEC00;
	s31 =	smov.u32 s29;
	s1 =	sadd.s32 $0x280, s29  }
0x3a: {  	[tilespmem:s19], [sflag:$0x2] =	stream.indirect.gather [spmem:s3], $0x40, s30, s17, $0xb8;
	[tilespmem:$0x1AEA0] =	vst v63  }
0x3b: {  	p2 =	sne.s32 s29, $0x9600;
	_ =	swait.ge [sflag:s20], $0x1400  }
0x3c: {  	[sflag:s20] =	ssyncset.done $0x0  }
0x3d: {  	s29 =	sadd.s32 $0x2710, s28;
	[sflag:s20] =	ssyncadd.s32 $0xFFFFEC00  }
0x3e: {  	[spmem:s2] =	stream.indirect.scatter.add.f32 [tilespmem:s18], [sflag:$0x3], $0x40, s29, s17, $0xb8;
	[tilespmem:$0x1AEA0] =	vst v63  }
0x3f: {  	_ =	swait.ge [sflag:s15], $0x1400  }
0x40: {  	[sflag:s15] =	ssyncset.done $0x0  }
0x41: {  	s29 =	sadd.s32 $0xA0, s28;
	[sflag:s15] =	ssyncadd.s32 $0xFFFFEC00  }
0x42: {  	[tilespmem:s18], [sflag:$0x1] =	stream.indirect.gather [spmem:s3], $0x40, s29, s17, $0xb8;
	[tilespmem:$0x1AEA0] =	vst v63  }
0x43: {  	_ =	swait.ge [sflag:s21], $0x1400  }
.Ltmp0:
0x44: {  	[sflag:s21] =	ssyncset.done $0x0;
	(pc) =	sbr.rel @p2 .LBB2_2-.Ltmp0, $4  }
0x45: {  	s28 =	sadd.s32 $0x2760, s28;
	[sflag:s21] =	ssyncadd.s32 $0xFFFFEC00  }
0x46: {  	[spmem:s2] =	stream.indirect.scatter.add.f32 [tilespmem:s19], [sflag:$0x3], $0x40, s28, s17, $0xb8;
	[tilespmem:$0x1AEA0] =	vst v63  }
0x47: {  	_ =	swait.ge [sflag:s15], $0x1400  }
0x48: {  	s29 =	smov.u32 s1;
	s28 =	sshra.s32 s31, $0x2;
	[sflag:s15] =	ssyncset.done $0x0  }
0x49: {  	s1 =	sadd.s32 $0x50, s28;
	[sflag:s15] =	ssyncadd.s32 $0xFFFFEC00  }
0x4a: {  	[tilespmem:s19], [sflag:$0x2] =	stream.indirect.gather [spmem:s3], $0x40, s1, s17, $0xb8;
	[tilespmem:$0x1AEA0] =	vst v63  }
0x4b: {  	_ =	swait.ge [sflag:s20], $0x1400  }
0x4c: {  	[sflag:s20] =	ssyncset.done $0x0  }
0x4d: {  	s29 =	sadd.s32 $0x2710, s28;
	[sflag:s20] =	ssyncadd.s32 $0xFFFFEC00  }
0x4e: {  	[spmem:s2] =	stream.indirect.scatter.add.f32 [tilespmem:s18], [sflag:$0x3], $0x40, s29, s17, $0xb8;
	[tilespmem:$0x1AEA0] =	vst v63  }
0x4f: {  	_ =	swait.ge [sflag:s15], $0x1400  }
0x50: {  	[sflag:s15] =	ssyncset.done $0x0  }
0x51: {  	s30 =	sadd.s32 $0xA0, s28;
	[sflag:s15] =	ssyncadd.s32 $0xFFFFEC00  }
0x52: {  	[tilespmem:s18], [sflag:$0x1] =	stream.indirect.gather [spmem:s3], $0x40, s30, s17, $0xb8;
	[tilespmem:$0x1AEA0] =	vst v63  }
0x53: {  	_ =	swait.ge [sflag:s21], $0x1400  }
0x54: {  	[sflag:s21] =	ssyncset.done $0x0  }
0x55: {  	s31 =	sadd.s32 $0x2760, s28;
	[sflag:s21] =	ssyncadd.s32 $0xFFFFEC00  }
0x56: {  	[spmem:s2] =	stream.indirect.scatter.add.f32 [tilespmem:s19], [sflag:$0x3], $0x40, s31, s17, $0xb8;
	[tilespmem:$0x1AEA0] =	vst v63  }
0x57: {  	_ =	swait.ge [sflag:s15], $0x1400  }
0x58: {  	[sflag:s15] =	ssyncset.done $0x0  }
0x59: {  	[sflag:s15] =	ssyncadd.s32 $0xFFFFEC00  }
0x5a: {  	[tilespmem:s19], [sflag:$0x2] =	stream.indirect.gather [spmem:s3], $0x40, s22, s17, $0xb8;
	[tilespmem:$0x1AEA0] =	vst v63  }
0x5b: {  	_ =	swait.ge [sflag:s20], $0x1400  }
0x5c: {  	[sflag:s20] =	ssyncset.done $0x0  }
0x5d: {  	[sflag:s20] =	ssyncadd.s32 $0xFFFFEC00  }
0x5e: {  	[spmem:s2] =	stream.indirect.scatter.add.f32 [tilespmem:s18], [sflag:$0x3], $0x40, s23, s17, $0xb8;
	[tilespmem:$0x1AEA0] =	vst v63  }
0x5f: {  	_ =	swait.ge [sflag:s15], $0x1400  }
0x60: {  	[sflag:s15] =	ssyncset.done $0x0  }
0x61: {  	[sflag:s15] =	ssyncadd.s32 $0xFFFFEC00  }
0x62: {  	_ =	swait.ge [sflag:s21], $0x1400  }
0x63: {  	[sflag:s21] =	ssyncset.done $0x0  }
0x64: {  	[sflag:s21] =	ssyncadd.s32 $0xFFFFEC00  }
0x65: {  	[spmem:s2] =	stream.indirect.scatter.add.f32 [tilespmem:s19], [sflag:$0x3], $0x40, s24, s17, $0xb8;
	[tilespmem:$0x1AEA0] =	vst v63  }
0x66: {  	_ =	swait.ge [sflag:s15], $0x1400  }
0x67: {  	[sflag:s15] =	ssyncset.done $0x0  }
0x68: {  	[sflag:s15] =	ssyncadd.s32 $0xFFFFEC00  }
0x69: {  	[tilespmem:s18], [sflag:$0x1] =	stream.indirect.gather [spmem:s3], $0x40, s25, s17, $0xb8;
	[tilespmem:$0x1AEA0] =	vst v63  }
0x6a: {  	_ =	swait.ge [sflag:s20], $0x1400  }
0x6b: {  	[sflag:s20] =	ssyncset.done $0x0  }
0x6c: {  	[sflag:s20] =	ssyncadd.s32 $0xFFFFEC00  }
0x6d: {  	[spmem:s2] =	stream.indirect.scatter.add.f32 [tilespmem:s18], [sflag:$0x3], $0x40, s26, s17, $0xb8;
	[tilespmem:$0x1AEA0] =	vst v63  }
0x6e: {  	_ =	swait.ge [sflag:s15], $0x1400  }
0x6f: {  	s4 =	sadd.s32 $0x1, s4;
	[sflag:s15] =	ssyncset.done $0x0  }
0x70: {  	p2 =	sne.s32 s4, s10;
	[sflag:s15] =	ssyncadd.s32 $0xFFFFEC00  }
.Ltmp1:
0x71: {  	s1 =	simm.s32 @!p0 $0x3;
	[bflag:$0x0] =	sbarrier.arrive $0xFFFF;
	(pc) =	sbr.rel @p2 .LBB2_1-.Ltmp1, $4  }
0x72: {  	[hbm:s9], [sflag:s11] =	dma.local @!p0 [spmem:s12], $0x1F40  }
0x73: {  	_ =	swait.ge @!p0 [sflag:s1], $0x1F40  }
0x74: {  	[sflag:s1] =	ssyncset.done @!p0 $0x0  }
0x75: {  	[sflag:s1] =	ssyncadd.s32 @!p0 $0xFFFFE0C0  }
0x76: {  	_ =	sfence.sel $0x180000  }
0x77: {  	[bflag:$0x0] =	sbarrier.arrive $0xFFFF  }
0x78: {  	_ =	strace $0x9000004A  }
0x79: {  	[bflag:$0x2] =	sbarrier.arrive $0xFFFF  }
0x7a: {  	p0 =	sne.s32 s0, $0x0;
	s0 =	rddreg [dreg:$0x3]  }
0x7b: {  	s0 =	sadd.s32 @!p0 $0x100000, s0  }
0x7c: {  	[sflag:s0] =	ssyncadd.tile.s32 @!p0 $0x1;
	_ =	shalt  }
.Lfunc_end2:
_tile_overlayer_lowered:
.L_overlay_start_2:
0x7d: {  	(tag) =	ssettag $0x2  }
0x7e: {  	s0 =	rddreg [dreg:$0x0];
	s2 =	stileid.u32  }
0x7f: {  	s1 =	rddreg [dreg:$0x1];
	p0 =	sne.s32 s2, $0x0  }
0x80: {  	s3 =	rddreg [dreg:$0x2];
	[bflag:$0x3] =	sbarrier.arrive $0xFFFF;
	s2 =	simm.s32 @!p0 $0x1C03  }
0x81: {  	[timem:s3], [sflag:s2] =	dma.local @!p0 [hbm:s0], s1  }
0x82: {  	s0 =	simm.s32 @!p0 $0x3  }
0x83: {  	_ =	swait.ge @!p0 [sflag:s0], s1  }
0x84: {  	s1 =	ssub.s32 @!p0 $0x0, s1;
	[sflag:s0] =	ssyncset.done @!p0 $0x0  }
0x85: {  	[sflag:s0] =	ssyncadd.s32 @!p0 s1  }
0x86: {  	[bflag:$0x3] =	sbarrier.arrive $0xFFFF  }
0x87: {  	_ =	shalt  }

// kernel: kernel.15.cloned.1.call-start
scs
__scs_entry_jumppad:
0x0: {  	(pc) =	sbr.rel $0x88, $3  }
0x1: {  	(tag) =	ssettag $0x0;
	lr =	simm.s32 $0x1  }
0x2: {  	[smem:$0x3F97] =	sst lr;
	_ =	strace $0xD0000000  }
0x3: {  	_ = 	snop  }
0x4: {  	_ = 	snop  }
0x5: {  	_ = 	snop  }
0x6: {  	_ = 	snop  }
0x7: {  	_ = 	snop  }
__scs_overlays_trampoline_lowered:
0x8: {  	[smem:$0x3FA6] =	sst s0  }
0x9: {  	[smem:$0x3FA7] =	sst s1  }
0xa: {  	[smem:$0x3FA8] =	sst s2  }
0xb: {  	[smem:$0x3FA9] =	sst s3  }
0xc: {  	[smem:$0x3FAA] =	sst s4  }
0xd: {  	[smem:$0x3FAB] =	sst s5  }
0xe: {  	[smem:$0x3FAC] =	sst s6  }
0xf: {  	[smem:$0x3FAD] =	sst s7  }
0x10: {  	[smem:$0x3FAE] =	sst s8  }
0x11: {  	[smem:$0x3FAF] =	sst s9;
	s0 =	simm.s32 @!p0 $0x0  }
0x12: {  	s1 =	sld [smem:$0x3F95];
	s0 =	simm.s32 @p0 $0x1  }
0x13: {  	[smem:$0x3FB0] =	sst s0;
	s0 =	simm.s32 @!p1 $0x0  }
0x14: {  	s2 =	sld [smem:$0x3F94];
	s0 =	simm.s32 @p1 $0x1  }
0x15: {  	[smem:$0x3FB1] =	sst s0;
	s0 =	simm.s32 @!p2 $0x0  }
0x16: {  	s3 =	sld [smem:$0x3FDB];
	s0 =	simm.s32 @p2 $0x1  }
0x17: {  	s4 =	simm.s32 $0x1BF5;
	[smem:$0x3FB3] =	sst s0  }
0x18: {  	s0 =	sld [smem:$0x3F96];
	_ =	swait.ge [sflag:s4], $0x0  }
0x19: {  	s7 =	sld [smem:$0x3F97]  }
0x1a: {  	s8 =	sadd.s32 $0xFFFFE003, lr  }
0x1b: {  	s9 =	sadd.s32 $0xFFFFFEF7, lr;
	s5 =	simm.s32 $0xFFFFFFFF;
	p2 =	slt.u32 s8, $0xFFFFF086  }
0x1c: {  	p1 =	slt.u32 s9, $0xF7A;
	s5 =	simm.s32 @!p2 $0x0  }
0x1d: {  	s5 =	simm.s32 @p1 $0x1;
	p0 =	seq.s32 s7, s2  }
0x1e: {  	s7 =	smul.u32 @!p0 $0xF7A, s2;
	p2 =	seq.s32 @!p0 s5, $0x0  }
0x1f: {  	s9 =	smul.u32 $0xF7A, s1;
	s8 =	simm.s32 @!p0 $0x1BF5;
	p2 =	por !p2, p0  }
0x20: {  	[sflag:s8] =	ssyncset.s32 @!p0 $0xFFFFF086;
	s6 =	sadd.s32 @!p0 s3, s7;
	s7 =	simm.s32 @!p0 $0x108  }
0x21: {  	s3 =	sadd.s32 s3, s9;
	s6 =	sadd.s32 @!p0 $0x88, s6;
	s7 =	simm.s32 @p2 $0x1082  }
0x22: {  	[simem:s7], [sflag:s8] =	dma.local @!p0 [hbm:s6], $0xF7A  }
0x23: {  	s9 =	sor.u32 $0xD0000000, s2;
	s6 =	simm.s32 $0x108;
	_ =	swait.ge @!p0 [sflag:s8], $0x0  }
0x24: {  	s3 =	sadd.s32 $0x88, s3;
	s6 =	simm.s32 @!p1 $0x1082;
	[sflag:s4] =	ssyncset.s32 $0xFFFFF086  }
0x25: {  	[simem:s6], [sflag:s4] =	dma.local [hbm:s3], $0xF7A  }
0x26: {  	[smem:$0x3F97] =	sst s1;
	(tag) =	ssettag s2;
	_ =	strace s9  }
0x27: {  	s1 =	sld [smem:$0x3FA7]  }
0x28: {  	s2 =	sld [smem:$0x3FA8]  }
0x29: {  	s4 =	sld [smem:$0x3FAA]  }
0x2a: {  	p0 =	seq.s32 s5, $0x0;
	s5 =	sld [smem:$0x3FAB]  }
0x2b: {  	s6 =	sld [smem:$0x3FAC]  }
0x2c: {  	s7 =	sld [smem:$0x3FAD]  }
0x2d: {  	s3 =	simm.s32 $0x108;
	s8 =	sld [smem:$0x3FAE]  }
0x2e: {  	s3 =	simm.s32 @!p0 $0x1082;
	s9 =	sld [smem:$0x3FAF]  }
0x2f: {  	lr =	sadd.s32 s0, s3;
	s0 =	sld [smem:$0x3FA6]  }
0x30: {  	s3 =	sld [smem:$0x3FA9]  }
0x31: {  	[smem:$0x3FB2] =	sst s10  }
0x32: {  	s10 =	sld [smem:$0x3FB0];
	_ =	sdelay $0x3  }
0x33: {  	p0 =	seq.s32 s10, $0x1;
	s10 =	sld [smem:$0x3FB2];
	_ =	sdelay $0x3  }
0x34: {  	[smem:$0x3FB2] =	sst s10  }
0x35: {  	s10 =	sld [smem:$0x3FB1];
	_ =	sdelay $0x3  }
0x36: {  	p1 =	seq.s32 s10, $0x1;
	s10 =	sld [smem:$0x3FB2];
	_ =	sdelay $0x3  }
0x37: {  	[smem:$0x3FB2] =	sst s10  }
0x38: {  	s10 =	sld [smem:$0x3FB3]  }
0x39: {  	_ = 	snop;
	(pc) =	sbr.ind lr, $3  }
0x3a: {  	_ = 	snop  }
0x3b: {  	_ = 	snop  }
0x3c: {  	p2 =	seq.s32 s10, $0x1;
	s10 =	sld [smem:$0x3FB2]  }
0x3d: {  	_ =	shalt  }
0x3e: {  	_ =	shalt  }
0x3f: {  	_ =	shalt  }
0x40: {  	_ =	shalt  }
0x41: {  	_ =	shalt  }
0x42: {  	_ =	shalt  }
0x43: {  	_ =	shalt  }
0x44: {  	_ =	shalt  }
0x45: {  	_ =	shalt  }
0x46: {  	_ =	shalt  }
0x47: {  	_ =	shalt  }
0x48: {  	_ =	shalt  }
0x49: {  	_ =	shalt  }
0x4a: {  	_ =	shalt  }
0x4b: {  	_ =	shalt  }
0x4c: {  	_ =	shalt  }
0x4d: {  	_ =	shalt  }
0x4e: {  	_ =	shalt  }
0x4f: {  	_ =	shalt  }
0x50: {  	_ =	shalt  }
0x51: {  	_ =	shalt  }
0x52: {  	_ =	shalt  }
0x53: {  	_ =	shalt  }
0x54: {  	_ =	shalt  }
0x55: {  	_ =	shalt  }
0x56: {  	_ =	shalt  }
0x57: {  	_ =	shalt  }
0x58: {  	_ =	shalt  }
0x59: {  	_ =	shalt  }
0x5a: {  	_ =	shalt  }
0x5b: {  	_ =	shalt  }
0x5c: {  	_ =	shalt  }
0x5d: {  	_ =	shalt  }
0x5e: {  	_ =	shalt  }
0x5f: {  	_ =	shalt  }
0x60: {  	_ =	shalt  }
0x61: {  	_ =	shalt  }
0x62: {  	_ =	shalt  }
0x63: {  	_ =	shalt  }
0x64: {  	_ =	shalt  }
0x65: {  	_ =	shalt  }
0x66: {  	_ =	shalt  }
0x67: {  	_ =	shalt  }
0x68: {  	_ =	shalt  }
0x69: {  	_ =	shalt  }
0x6a: {  	_ =	shalt  }
0x6b: {  	_ =	shalt  }
0x6c: {  	_ =	shalt  }
0x6d: {  	_ =	shalt  }
0x6e: {  	_ =	shalt  }
0x6f: {  	_ =	shalt  }
0x70: {  	_ =	shalt  }
0x71: {  	_ =	shalt  }
0x72: {  	_ =	shalt  }
0x73: {  	_ =	shalt  }
0x74: {  	_ =	shalt  }
0x75: {  	_ =	shalt  }
0x76: {  	_ =	shalt  }
0x77: {  	_ =	shalt  }
0x78: {  	_ =	shalt  }
0x79: {  	_ =	shalt  }
0x7a: {  	_ =	shalt  }
0x7b: {  	_ =	shalt  }
0x7c: {  	_ =	shalt  }
0x7d: {  	_ =	shalt  }
0x7e: {  	_ =	shalt  }
0x7f: {  	_ =	shalt  }
0x80: {  	_ =	shalt  }
0x81: {  	_ =	shalt  }
0x82: {  	_ =	shalt  }
0x83: {  	_ =	shalt  }
0x84: {  	_ =	shalt  }
0x85: {  	_ =	shalt  }
0x86: {  	_ =	shalt  }
0x87: {  	_ =	shalt  }
.Lfunc_end0:
.L_simem_size_0:
called_computation.2_lowered:
.L_overlay_start_0:
0x88: {  	s2 =	sld [smem:$0x3FD9]  }
0x89: {  	s3 =	sld [smem:$0x3FFE];
	_ =	sdelay $0x1  }
0x8a: {  	s1 =	srdreg.scid  }
0x8b: {  	s0 =	sand.u32 $0x1, s1  }
0x8c: {  	s16 =	sshll.u32 s0, $0xA;
	s2 =	sadd.s32 s3, s2  }
0x8d: {  	s2 =	sadd.s32 s2, s16  }
0x8e: {  	[smem:$0x3FBE] =	sst s2  }
0x8f: {  	_ = 	snop  }
0x90: {  	(tm) =	ssettm $0x1  }
0x91: {  	s17 =	sld [smem:$0x3FFB];
	_ =	sdelay $0x3  }
0x92: {  	_ =	strace s17  }
0x93: {  	s2 =	sld [smem:$0x3FFC];
	_ =	sdelay $0x3  }
0x94: {  	_ =	strace s2  }
0x95: {  	s2 =	sld [smem:$0x3FFD];
	_ =	sdelay $0x3  }
0x96: {  	_ =	strace s2  }
0x97: {  	_ =	strace $0x8FFFFFFF  }
0x98: {  	s18 =	sld [smem:$0x3FDB];
	_ =	sdelay $0x1  }
0x99: {  	s19 =	simm.s32 $_scs_section_size  }
0x9a: {  	s4 =	simm.s32 $_size__tile_overlayer_lowered;
	s5 =	simm.s32 $_tile_overlayer_lowered  }
0x9b: {  	s22 =	simm.s32 $0x1BFF;
	s21 =	sshll.u32 s5, $0x1;
	s2 =	sadd.s32 s19, s18  }
0x9c: {  	s6 =	simm.s32 $0x0;
	s20 =	sshll.u32 s4, $0x1;
	s4 =	sadd.s32 s21, s2  }
0x9d: {  	[timem:s6], [sflag:s22] =	dma.local [hbm:s4], s20  }
0x9e: {  	_ =	swait.ge [sflag:s22], s20  }
0x9f: {  	s3 =	ssub.s32 $0x0, s20;
	[sflag:s22] =	ssyncset.done $0x0  }
0xa0: {  	[sflag:s22] =	ssyncadd.s32 s3;
	_ =	sdelay $0x1  }
0xa1: {  	s23 =	simm.s32 $0x1B8B  }
0xa2: {  	_ =	swait.ge [sflag:s23], $0x1  }
0xa3: {  	[sflag:s23] =	ssyncset.done $0x0  }
0xa4: {  	s25 =	simm.s32 $0x1B8E;
	s24 =	sld [smem:$0x3FFE];
	[sflag:s23] =	ssyncadd.s32 $0xFFFFFFFF  }
0xa5: {  	s26 =	simm.s32 $execute0_lowered;
	[smem:$0x3FD2] =	sst s25  }
0xa6: {  	s4 =	sshll.u32 s26, $0x1;
	_ =	strace $0x8000004C;
	[dreg:$0x1] =	wrdreg $0xFFFFFFFF  }
0xa7: {  	s28 =	simm.s32 $_size_execute0_lowered;
	s2 =	sadd.s32 s2, s4;
	[dreg:$0x0] =	wrdreg $0x0  }
0xa8: {  	s4 =	sshll.u32 s28, $0x1;
	[dreg:$0x2] =	wrdreg s2  }
0xa9: {  	[dreg:$0x3] =	wrdreg s4  }
0xaa: {  	[dreg:$0x4] =	wrdreg $0xC0  }
0xab: {  	_ =	task [dreg:s6], $0x5FFFF  }
0xac: {  	[dreg:$0x1] =	wrdreg $0xFFFFFFFF  }
0xad: {  	[dreg:$0x0] =	wrdreg $0x60  }
0xae: {  	[dreg:$0x2] =	wrdreg s24  }
0xaf: {  	[dreg:$0x3] =	wrdreg $0x76200  }
0xb0: {  	[dreg:$0x4] =	wrdreg $0x112600  }
0xb1: {  	[dreg:$0x5] =	wrdreg $0x9  }
0xb2: {  	_ =	task.clear_ibuf [dreg:s6], $0x6FFFF;
	_ =	strace $0x9000004C  }
0xb3: {  	s29 =	simm.s32 $0x9;
	_ =	strace $0x8000004E  }
0xb4: {  	_ =	swait.ge [sflag:s29], $0x1  }
0xb5: {  	[sflag:s29] =	ssyncadd.s32 $0xFFFFFFFF  }
0xb6: {  	_ =	strace $0x9000004E  }
0xb7: {  	_ =	sfence  }
0xb8: {  	s30 =	sld [smem:$0x0];
	_ =	sdelay $0x2  }
0xb9: {  	s31 =	sshll.u32 s1, $0xD;
	s1 =	sshrl.u32 s1, $0x2  }
0xba: {  	s3 =	sand.u32 $0x4000, s31;
	s1 =	sadd.s32 s1, s30  }
0xbb: {  	s0 =	sor.u32 s3, s0;
	s1 =	sshll.u32 s1, $0x11  }
0xbc: {  	s0 =	sor.u32 s1, s0  }
0xbd: {  	s0 =	sadd.s32 $0x8F2B, s0  }
0xbe: {  	[sflag:s0] =	ssyncadd.remote.s32 $0x1  }
0xbf: {  	_ =	sfence.sel $0xFFFF  }
0xc0: {  	[dreg:$0x0] =	wrdreg $0xFFFFFFFF;
	(pc) =	sbr.abs _section_cstart, $3  }
0xc1: {  	[dreg:$0x1] =	wrdreg $0xFFFFFFFF  }
0xc2: {  	_ =	task.clear_ibuf [dreg:s6], $0x2FFFF;
	_ =	strace $0x9FFFFFFF  }
0xc3: {  	(tm) =	ssettm $0x7FFFFFFF  }
tec
execute0_lowered:
.L_overlay_start_1:
0x0: {  	(tag) =	ssettag $0x1  }
0x1: {  	s5 =	rddreg [dreg:$0x0]  }
0x2: {  	s2 =	rddreg [dreg:$0x1]  }
0x3: {  	s0 =	srdreg.scid;
	s3 =	rddreg [dreg:$0x2]  }
0x4: {  	s4 =	simm.s32 $0x0;
	s16 =	simm.s32 $0x2710;
	s17 =	simm.s32 $0x50  }
0x5: {  	s18 =	simm.s32 $0x4E20;
	s19 =	simm.s32 $0x6220;
	s20 =	simm.s32 $0x1  }
0x6: {  	s21 =	simm.s32 $0x2;
	s22 =	simm.s32 $0x2670;
	s23 =	simm.s32 $0x4D30  }
0x7: {  	s24 =	simm.s32 $0x4D80;
	s6 =	sand.u32 $0x1, s0;
	s0 =	stileid.u32  }
0x8: {  	s25 =	simm.s32 $0x26C0;
	s26 =	simm.s32 $0x4DD0;
	s7 =	smul.u32 $0xFA00, s0  }
0x9: {  	[smem:$0x7FF] =	sst s4;
	s1 =	sshll.u32 s6, $0x4;
	s10 =	smul.u32 $0x9C400, s6  }
0xa: {  	_ =	strace $0x8000004D;
	s6 =	ssub.s32 $0x2, s6;
	p0 =	sgt.u32 s0, $0x9  }
0xb: {  	s31 =	sshll.u32 s0, $0x6;
	s8 =	sor.u32 s0, s1;
	s30 =	sshrl.u32 s6, $0x1  }
0xc: {  	p1 =	slt.u32 @!p0 s0, $0x6;
	s8 =	smul.u32 $0x4E2, s8;
	s9 =	sadd.s32 $0xFFFA2400, s7  }
0xd: {  	s10 =	sadd.s32 s7, s10;
	s12 =	sshrl.u32 s7, $0x3;
	s13 =	ssub.s32 s6, s30  }
0xe: {  	s14 =	sadd.s32 s7, s2;
	p1 =	por p0, !p1;
	s11 =	sshrl.u32 s9, $0x3  }
0xf: {  	s10 =	sshrl.u32 s10, $0x3;
	s12 =	sadd.s32 s12, s5;
	s15 =	sadd.s32 s9, s3  }
0x10: {  	s11 =	sadd.s32 s11, s5;
	s8 =	sadd.s32 s8, s5;
	s10 =	sadd.s32 s10, s5  }
0x11: {  	s5 =	sadd.s32 $0x51200, s12;
	s12 =	sshrl.u32 @!p0 s14, $0x3;
	s14 =	sshrl.u32 s15, $0x3  }
0x12: {  	s15 =	simm.s32 $0x3;
	s6 =	sadd.s32 $0x3D800, s11;
	s7 =	sadd.s32 $0x2A00, s8  }
0x13: {  	s8 =	sadd.s32 $0xC800, s8;
	s9 =	sadd.s32 $0x8BE00, s10;
	s11 =	sshll.u32 @!p0 s0, $0x6  }
0x14: {  	s10 =	smax.u32 s13, $0x1;
	s13 =	sor.u32 $0x1C03, s31;
	s11 =	sor.u32 @!p0 $0x1C03, s11  }
.LBB2_1:
0x15: {  	[spmem:s12], [sflag:s11] =	dma.local @!p0 [hbm:s5], $0x1F40  }
0x16: {  	s28 =	simm.s32 @!p0 $0x3  }
0x17: {  	_ =	swait.ge @!p0 [sflag:s28], $0x1F40  }
0x18: {  	[sflag:s28] =	ssyncset.done @!p0 $0x0  }
0x19: {  	[sflag:s28] =	ssyncadd.s32 @!p0 $0xFFFFE0C0  }
0x1a: {  	[spmem:s14], [sflag:s13] =	dma.local @p1 [hbm:s6], $0x1F40  }
0x1b: {  	_ =	swait.ge @p1 [sflag:s15], $0x1F40  }
0x1c: {  	[sflag:s15] =	ssyncset.done @p1 $0x0  }
0x1d: {  	s28 =	simm.s32 $0x0;
	[sflag:s15] =	ssyncadd.s32 @p1 $0xFFFFE0C0  }
0x1e: {  	[tilespmem:s28], [sflag:$0x3] =	stream.linear.gather [hbm4b:s7+s28], $0x2710, $0x38;
	[tilespmem:$0x1AEA0] =	vst v63  }
0x1f: {  	_ =	swait.ge [sflag:s15], $0x2710  }
0x20: {  	[sflag:s15] =	ssyncset.done $0x0  }
0x21: {  	[sflag:s15] =	ssyncadd.s32 $0xFFFFD8F0  }
0x22: {  	[tilespmem:s16], [sflag:$0x3] =	stream.linear.gather [hbm4b:s8+s28], $0x2710, $0x38;
	[tilespmem:$0x1AEA0] =	vst v63  }
0x23: {  	_ =	swait.ge [sflag:s15], $0x2710  }
0x24: {  	[sflag:s15] =	ssyncset.done $0x0  }
0x25: {  	[sflag:s15] =	ssyncadd.s32 $0xFFFFD8F0  }
0x26: {  	[bflag:$0x0] =	sbarrier.arrive $0xFFFF  }
0x27: {  	[tilespmem:s18], [sflag:$0x1] =	stream.indirect.gather [spmem:s3], $0x40, s28, s17, $0xb8;
	[tilespmem:$0x1AEA0] =	vst v63  }
0x28: {  	s28 =	simm.s32 $0x50  }
0x29: {  	[tilespmem:s19], [sflag:$0x2] =	stream.indirect.gather [spmem:s3], $0x40, s28, s17, $0xb8;
	[tilespmem:$0x1AEA0] =	vst v63  }
0x2a: {  	_ =	swait.ge [sflag:s20], $0x1400  }
0x2b: {  	[sflag:s20] =	ssyncset.done $0x0  }
0x2c: {  	s28 =	simm.s32 $0x2710;
	[sflag:s20] =	ssyncadd.s32 $0xFFFFEC00  }
0x2d: {  	[spmem:s2] =	stream.indirect.scatter.add.f32 [tilespmem:s18], [sflag:$0x3], $0x40, s28, s17, $0xb8;
	[tilespmem:$0x1AEA0] =	vst v63  }
0x2e: {  	_ =	swait.ge [sflag:s15], $0x1400  }
0x2f: {  	[sflag:s15] =	ssyncset.done $0x0  }
0x30: {  	s28 =	simm.s32 $0xA0;
	[sflag:s15] =	ssyncadd.s32 $0xFFFFEC00  }
0x31: {  	[tilespmem:s18], [sflag:$0x1] =	stream.indirect.gather [spmem:s3], $0x40, s28, s17, $0xb8;
	[tilespmem:$0x1AEA0] =	vst v63  }
0x32: {  	_ =	swait.ge [sflag:s21], $0x1400  }
0x33: {  	[sflag:s21] =	ssyncset.done $0x0  }
0x34: {  	s28 =	simm.s32 $0x2760;
	[sflag:s21] =	ssyncadd.s32 $0xFFFFEC00  }
0x35: {  	[spmem:s2] =	stream.indirect.scatter.add.f32 [tilespmem:s19], [sflag:$0x3], $0x40, s28, s17, $0xb8;
	[tilespmem:$0x1AEA0] =	vst v63  }
0x36: {  	_ =	swait.ge [sflag:s15], $0x1400  }
0x37: {  	s29 =	simm.s32 $0x500;
	s28 =	simm.s32 $0xA0;
	[sflag:s15] =	ssyncset.done $0x0  }
.LBB2_2:
0x38: {  	s30 =	sadd.s32 $0x50, s28  }
0x39: {  	[sflag:s15] =	ssyncadd.s32 $0xFFFFEC00;
	s31 =	smov.u32 s29;
	s1 =	sadd.s32 $0x280, s29  }
0x3a: {  	[tilespmem:s19], [sflag:$0x2] =	stream.indirect.gather [spmem:s3], $0x40, s30, s17, $0xb8;
	[tilespmem:$0x1AEA0] =	vst v63  }
0x3b: {  	p2 =	sne.s32 s29, $0x9600;
	_ =	swait.ge [sflag:s20], $0x1400  }
0x3c: {  	[sflag:s20] =	ssyncset.done $0x0  }
0x3d: {  	s29 =	sadd.s32 $0x2710, s28;
	[sflag:s20] =	ssyncadd.s32 $0xFFFFEC00  }
0x3e: {  	[spmem:s2] =	stream.indirect.scatter.add.f32 [tilespmem:s18], [sflag:$0x3], $0x40, s29, s17, $0xb8;
	[tilespmem:$0x1AEA0] =	vst v63  }
0x3f: {  	_ =	swait.ge [sflag:s15], $0x1400  }
0x40: {  	[sflag:s15] =	ssyncset.done $0x0  }
0x41: {  	s29 =	sadd.s32 $0xA0, s28;
	[sflag:s15] =	ssyncadd.s32 $0xFFFFEC00  }
0x42: {  	[tilespmem:s18], [sflag:$0x1] =	stream.indirect.gather [spmem:s3], $0x40, s29, s17, $0xb8;
	[tilespmem:$0x1AEA0] =	vst v63  }
0x43: {  	_ =	swait.ge [sflag:s21], $0x1400  }
.Ltmp0:
0x44: {  	[sflag:s21] =	ssyncset.done $0x0;
	(pc) =	sbr.rel @p2 .LBB2_2-.Ltmp0, $4  }
0x45: {  	s28 =	sadd.s32 $0x2760, s28;
	[sflag:s21] =	ssyncadd.s32 $0xFFFFEC00  }
0x46: {  	[spmem:s2] =	stream.indirect.scatter.add.f32 [tilespmem:s19], [sflag:$0x3], $0x40, s28, s17, $0xb8;
	[tilespmem:$0x1AEA0] =	vst v63  }
0x47: {  	_ =	swait.ge [sflag:s15], $0x1400  }
0x48: {  	s29 =	smov.u32 s1;
	s28 =	sshra.s32 s31, $0x2;
	[sflag:s15] =	ssyncset.done $0x0  }
0x49: {  	s1 =	sadd.s32 $0x50, s28;
	[sflag:s15] =	ssyncadd.s32 $0xFFFFEC00  }
0x4a: {  	[tilespmem:s19], [sflag:$0x2] =	stream.indirect.gather [spmem:s3], $0x40, s1, s17, $0xb8;
	[tilespmem:$0x1AEA0] =	vst v63  }
0x4b: {  	_ =	swait.ge [sflag:s20], $0x1400  }
0x4c: {  	[sflag:s20] =	ssyncset.done $0x0  }
0x4d: {  	s29 =	sadd.s32 $0x2710, s28;
	[sflag:s20] =	ssyncadd.s32 $0xFFFFEC00  }
0x4e: {  	[spmem:s2] =	stream.indirect.scatter.add.f32 [tilespmem:s18], [sflag:$0x3], $0x40, s29, s17, $0xb8;
	[tilespmem:$0x1AEA0] =	vst v63  }
0x4f: {  	_ =	swait.ge [sflag:s15], $0x1400  }
0x50: {  	[sflag:s15] =	ssyncset.done $0x0  }
0x51: {  	s30 =	sadd.s32 $0xA0, s28;
	[sflag:s15] =	ssyncadd.s32 $0xFFFFEC00  }
0x52: {  	[tilespmem:s18], [sflag:$0x1] =	stream.indirect.gather [spmem:s3], $0x40, s30, s17, $0xb8;
	[tilespmem:$0x1AEA0] =	vst v63  }
0x53: {  	_ =	swait.ge [sflag:s21], $0x1400  }
0x54: {  	[sflag:s21] =	ssyncset.done $0x0  }
0x55: {  	s31 =	sadd.s32 $0x2760, s28;
	[sflag:s21] =	ssyncadd.s32 $0xFFFFEC00  }
0x56: {  	[spmem:s2] =	stream.indirect.scatter.add.f32 [tilespmem:s19], [sflag:$0x3], $0x40, s31, s17, $0xb8;
	[tilespmem:$0x1AEA0] =	vst v63  }
0x57: {  	_ =	swait.ge [sflag:s15], $0x1400  }
0x58: {  	[sflag:s15] =	ssyncset.done $0x0  }
0x59: {  	[sflag:s15] =	ssyncadd.s32 $0xFFFFEC00  }
0x5a: {  	[tilespmem:s19], [sflag:$0x2] =	stream.indirect.gather [spmem:s3], $0x40, s22, s17, $0xb8;
	[tilespmem:$0x1AEA0] =	vst v63  }
0x5b: {  	_ =	swait.ge [sflag:s20], $0x1400  }
0x5c: {  	[sflag:s20] =	ssyncset.done $0x0  }
0x5d: {  	[sflag:s20] =	ssyncadd.s32 $0xFFFFEC00  }
0x5e: {  	[spmem:s2] =	stream.indirect.scatter.add.f32 [tilespmem:s18], [sflag:$0x3], $0x40, s23, s17, $0xb8;
	[tilespmem:$0x1AEA0] =	vst v63  }
0x5f: {  	_ =	swait.ge [sflag:s15], $0x1400  }
0x60: {  	[sflag:s15] =	ssyncset.done $0x0  }
0x61: {  	[sflag:s15] =	ssyncadd.s32 $0xFFFFEC00  }
0x62: {  	_ =	swait.ge [sflag:s21], $0x1400  }
0x63: {  	[sflag:s21] =	ssyncset.done $0x0  }
0x64: {  	[sflag:s21] =	ssyncadd.s32 $0xFFFFEC00  }
0x65: {  	[spmem:s2] =	stream.indirect.scatter.add.f32 [tilespmem:s19], [sflag:$0x3], $0x40, s24, s17, $0xb8;
	[tilespmem:$0x1AEA0] =	vst v63  }
0x66: {  	_ =	swait.ge [sflag:s15], $0x1400  }
0x67: {  	[sflag:s15] =	ssyncset.done $0x0  }
0x68: {  	[sflag:s15] =	ssyncadd.s32 $0xFFFFEC00  }
0x69: {  	[tilespmem:s18], [sflag:$0x1] =	stream.indirect.gather [spmem:s3], $0x40, s25, s17, $0xb8;
	[tilespmem:$0x1AEA0] =	vst v63  }
0x6a: {  	_ =	swait.ge [sflag:s20], $0x1400  }
0x6b: {  	[sflag:s20] =	ssyncset.done $0x0  }
0x6c: {  	[sflag:s20] =	ssyncadd.s32 $0xFFFFEC00  }
0x6d: {  	[spmem:s2] =	stream.indirect.scatter.add.f32 [tilespmem:s18], [sflag:$0x3], $0x40, s26, s17, $0xb8;
	[tilespmem:$0x1AEA0] =	vst v63  }
0x6e: {  	_ =	swait.ge [sflag:s15], $0x1400  }
0x6f: {  	s4 =	sadd.s32 $0x1, s4;
	[sflag:s15] =	ssyncset.done $0x0  }
0x70: {  	p2 =	sne.s32 s4, s10;
	[sflag:s15] =	ssyncadd.s32 $0xFFFFEC00  }
.Ltmp1:
0x71: {  	s1 =	simm.s32 @!p0 $0x3;
	[bflag:$0x0] =	sbarrier.arrive $0xFFFF;
	(pc) =	sbr.rel @p2 .LBB2_1-.Ltmp1, $4  }
0x72: {  	[hbm:s9], [sflag:s11] =	dma.local @!p0 [spmem:s12], $0x1F40  }
0x73: {  	_ =	swait.ge @!p0 [sflag:s1], $0x1F40  }
0x74: {  	[sflag:s1] =	ssyncset.done @!p0 $0x0  }
0x75: {  	[sflag:s1] =	ssyncadd.s32 @!p0 $0xFFFFE0C0  }
0x76: {  	_ =	sfence.sel $0x180000  }
0x77: {  	[bflag:$0x0] =	sbarrier.arrive $0xFFFF  }
0x78: {  	_ =	strace $0x9000004D  }
0x79: {  	[bflag:$0x2] =	sbarrier.arrive $0xFFFF  }
0x7a: {  	p0 =	sne.s32 s0, $0x0;
	s0 =	rddreg [dreg:$0x3]  }
0x7b: {  	s0 =	sadd.s32 @!p0 $0x100000, s0  }
0x7c: {  	[sflag:s0] =	ssyncadd.tile.s32 @!p0 $0x1;
	_ =	shalt  }
.Lfunc_end2:
_tile_overlayer_lowered:
.L_overlay_start_2:
0x7d: {  	(tag) =	ssettag $0x2  }
0x7e: {  	s0 =	rddreg [dreg:$0x0];
	s2 =	stileid.u32  }
0x7f: {  	s1 =	rddreg [dreg:$0x1];
	p0 =	sne.s32 s2, $0x0  }
0x80: {  	s3 =	rddreg [dreg:$0x2];
	[bflag:$0x3] =	sbarrier.arrive $0xFFFF;
	s2 =	simm.s32 @!p0 $0x1C03  }
0x81: {  	[timem:s3], [sflag:s2] =	dma.local @!p0 [hbm:s0], s1  }
0x82: {  	s0 =	simm.s32 @!p0 $0x3  }
0x83: {  	_ =	swait.ge @!p0 [sflag:s0], s1  }
0x84: {  	s1 =	ssub.s32 @!p0 $0x0, s1;
	[sflag:s0] =	ssyncset.done @!p0 $0x0  }
0x85: {  	[sflag:s0] =	ssyncadd.s32 @!p0 s1  }
0x86: {  	[bflag:$0x3] =	sbarrier.arrive $0xFFFF  }
0x87: {  	_ =	shalt  }

// kernel: kernel.18.cloned.1.call-start
scs
__scs_entry_jumppad:
0x0: {  	(pc) =	sbr.rel $0x88, $3  }
0x1: {  	(tag) =	ssettag $0x0;
	lr =	simm.s32 $0x1  }
0x2: {  	[smem:$0x3F97] =	sst lr;
	_ =	strace $0xD0000000  }
0x3: {  	_ = 	snop  }
0x4: {  	_ = 	snop  }
0x5: {  	_ = 	snop  }
0x6: {  	_ = 	snop  }
0x7: {  	_ = 	snop  }
__scs_overlays_trampoline_lowered:
0x8: {  	[smem:$0x3FA6] =	sst s0  }
0x9: {  	[smem:$0x3FA7] =	sst s1  }
0xa: {  	[smem:$0x3FA8] =	sst s2  }
0xb: {  	[smem:$0x3FA9] =	sst s3  }
0xc: {  	[smem:$0x3FAA] =	sst s4  }
0xd: {  	[smem:$0x3FAB] =	sst s5  }
0xe: {  	[smem:$0x3FAC] =	sst s6  }
0xf: {  	[smem:$0x3FAD] =	sst s7  }
0x10: {  	[smem:$0x3FAE] =	sst s8  }
0x11: {  	[smem:$0x3FAF] =	sst s9;
	s0 =	simm.s32 @!p0 $0x0  }
0x12: {  	s1 =	sld [smem:$0x3F95];
	s0 =	simm.s32 @p0 $0x1  }
0x13: {  	[smem:$0x3FB0] =	sst s0;
	s0 =	simm.s32 @!p1 $0x0  }
0x14: {  	s2 =	sld [smem:$0x3F94];
	s0 =	simm.s32 @p1 $0x1  }
0x15: {  	[smem:$0x3FB1] =	sst s0;
	s0 =	simm.s32 @!p2 $0x0  }
0x16: {  	s3 =	sld [smem:$0x3FDB];
	s0 =	simm.s32 @p2 $0x1  }
0x17: {  	s4 =	simm.s32 $0x1BF5;
	[smem:$0x3FB3] =	sst s0  }
0x18: {  	s0 =	sld [smem:$0x3F96];
	_ =	swait.ge [sflag:s4], $0x0  }
0x19: {  	s7 =	sld [smem:$0x3F97]  }
0x1a: {  	s8 =	sadd.s32 $0xFFFFE003, lr  }
0x1b: {  	s9 =	sadd.s32 $0xFFFFFEF7, lr;
	s5 =	simm.s32 $0xFFFFFFFF;
	p2 =	slt.u32 s8, $0xFFFFF086  }
0x1c: {  	p1 =	slt.u32 s9, $0xF7A;
	s5 =	simm.s32 @!p2 $0x0  }
0x1d: {  	s5 =	simm.s32 @p1 $0x1;
	p0 =	seq.s32 s7, s2  }
0x1e: {  	s7 =	smul.u32 @!p0 $0xF7A, s2;
	p2 =	seq.s32 @!p0 s5, $0x0  }
0x1f: {  	s9 =	smul.u32 $0xF7A, s1;
	s8 =	simm.s32 @!p0 $0x1BF5;
	p2 =	por !p2, p0  }
0x20: {  	[sflag:s8] =	ssyncset.s32 @!p0 $0xFFFFF086;
	s6 =	sadd.s32 @!p0 s3, s7;
	s7 =	simm.s32 @!p0 $0x108  }
0x21: {  	s3 =	sadd.s32 s3, s9;
	s6 =	sadd.s32 @!p0 $0x88, s6;
	s7 =	simm.s32 @p2 $0x1082  }
0x22: {  	[simem:s7], [sflag:s8] =	dma.local @!p0 [hbm:s6], $0xF7A  }
0x23: {  	s9 =	sor.u32 $0xD0000000, s2;
	s6 =	simm.s32 $0x108;
	_ =	swait.ge @!p0 [sflag:s8], $0x0  }
0x24: {  	s3 =	sadd.s32 $0x88, s3;
	s6 =	simm.s32 @!p1 $0x1082;
	[sflag:s4] =	ssyncset.s32 $0xFFFFF086  }
0x25: {  	[simem:s6], [sflag:s4] =	dma.local [hbm:s3], $0xF7A  }
0x26: {  	[smem:$0x3F97] =	sst s1;
	(tag) =	ssettag s2;
	_ =	strace s9  }
0x27: {  	s1 =	sld [smem:$0x3FA7]  }
0x28: {  	s2 =	sld [smem:$0x3FA8]  }
0x29: {  	s4 =	sld [smem:$0x3FAA]  }
0x2a: {  	p0 =	seq.s32 s5, $0x0;
	s5 =	sld [smem:$0x3FAB]  }
0x2b: {  	s6 =	sld [smem:$0x3FAC]  }
0x2c: {  	s7 =	sld [smem:$0x3FAD]  }
0x2d: {  	s3 =	simm.s32 $0x108;
	s8 =	sld [smem:$0x3FAE]  }
0x2e: {  	s3 =	simm.s32 @!p0 $0x1082;
	s9 =	sld [smem:$0x3FAF]  }
0x2f: {  	lr =	sadd.s32 s0, s3;
	s0 =	sld [smem:$0x3FA6]  }
0x30: {  	s3 =	sld [smem:$0x3FA9]  }
0x31: {  	[smem:$0x3FB2] =	sst s10  }
0x32: {  	s10 =	sld [smem:$0x3FB0];
	_ =	sdelay $0x3  }
0x33: {  	p0 =	seq.s32 s10, $0x1;
	s10 =	sld [smem:$0x3FB2];
	_ =	sdelay $0x3  }
0x34: {  	[smem:$0x3FB2] =	sst s10  }
0x35: {  	s10 =	sld [smem:$0x3FB1];
	_ =	sdelay $0x3  }
0x36: {  	p1 =	seq.s32 s10, $0x1;
	s10 =	sld [smem:$0x3FB2];
	_ =	sdelay $0x3  }
0x37: {  	[smem:$0x3FB2] =	sst s10  }
0x38: {  	s10 =	sld [smem:$0x3FB3]  }
0x39: {  	_ = 	snop;
	(pc) =	sbr.ind lr, $3  }
0x3a: {  	_ = 	snop  }
0x3b: {  	_ = 	snop  }
0x3c: {  	p2 =	seq.s32 s10, $0x1;
	s10 =	sld [smem:$0x3FB2]  }
0x3d: {  	_ =	shalt  }
0x3e: {  	_ =	shalt  }
0x3f: {  	_ =	shalt  }
0x40: {  	_ =	shalt  }
0x41: {  	_ =	shalt  }
0x42: {  	_ =	shalt  }
0x43: {  	_ =	shalt  }
0x44: {  	_ =	shalt  }
0x45: {  	_ =	shalt  }
0x46: {  	_ =	shalt  }
0x47: {  	_ =	shalt  }
0x48: {  	_ =	shalt  }
0x49: {  	_ =	shalt  }
0x4a: {  	_ =	shalt  }
0x4b: {  	_ =	shalt  }
0x4c: {  	_ =	shalt  }
0x4d: {  	_ =	shalt  }
0x4e: {  	_ =	shalt  }
0x4f: {  	_ =	shalt  }
0x50: {  	_ =	shalt  }
0x51: {  	_ =	shalt  }
0x52: {  	_ =	shalt  }
0x53: {  	_ =	shalt  }
0x54: {  	_ =	shalt  }
0x55: {  	_ =	shalt  }
0x56: {  	_ =	shalt  }
0x57: {  	_ =	shalt  }
0x58: {  	_ =	shalt  }
0x59: {  	_ =	shalt  }
0x5a: {  	_ =	shalt  }
0x5b: {  	_ =	shalt  }
0x5c: {  	_ =	shalt  }
0x5d: {  	_ =	shalt  }
0x5e: {  	_ =	shalt  }
0x5f: {  	_ =	shalt  }
0x60: {  	_ =	shalt  }
0x61: {  	_ =	shalt  }
0x62: {  	_ =	shalt  }
0x63: {  	_ =	shalt  }
0x64: {  	_ =	shalt  }
0x65: {  	_ =	shalt  }
0x66: {  	_ =	shalt  }
0x67: {  	_ =	shalt  }
0x68: {  	_ =	shalt  }
0x69: {  	_ =	shalt  }
0x6a: {  	_ =	shalt  }
0x6b: {  	_ =	shalt  }
0x6c: {  	_ =	shalt  }
0x6d: {  	_ =	shalt  }
0x6e: {  	_ =	shalt  }
0x6f: {  	_ =	shalt  }
0x70: {  	_ =	shalt  }
0x71: {  	_ =	shalt  }
0x72: {  	_ =	shalt  }
0x73: {  	_ =	shalt  }
0x74: {  	_ =	shalt  }
0x75: {  	_ =	shalt  }
0x76: {  	_ =	shalt  }
0x77: {  	_ =	shalt  }
0x78: {  	_ =	shalt  }
0x79: {  	_ =	shalt  }
0x7a: {  	_ =	shalt  }
0x7b: {  	_ =	shalt  }
0x7c: {  	_ =	shalt  }
0x7d: {  	_ =	shalt  }
0x7e: {  	_ =	shalt  }
0x7f: {  	_ =	shalt  }
0x80: {  	_ =	shalt  }
0x81: {  	_ =	shalt  }
0x82: {  	_ =	shalt  }
0x83: {  	_ =	shalt  }
0x84: {  	_ =	shalt  }
0x85: {  	_ =	shalt  }
0x86: {  	_ =	shalt  }
0x87: {  	_ =	shalt  }
.Lfunc_end0:
.L_simem_size_0:
called_computation.3_lowered:
.L_overlay_start_0:
0x88: {  	s2 =	sld [smem:$0x3FD9]  }
0x89: {  	s3 =	sld [smem:$0x3FFE];
	_ =	sdelay $0x1  }
0x8a: {  	s1 =	srdreg.scid  }
0x8b: {  	s0 =	sand.u32 $0x1, s1  }
0x8c: {  	s17 =	sshll.u32 s0, $0xA;
	s2 =	sadd.s32 s3, s2  }
0x8d: {  	s2 =	sadd.s32 s2, s17  }
0x8e: {  	[smem:$0x3FBE] =	sst s2  }
0x8f: {  	_ = 	snop  }
0x90: {  	s2 =	sld [smem:$0x3FD0];
	(tm) =	ssettm $0x1  }
0x91: {  	s18 =	sld [smem:$0x3FFB];
	_ =	sdelay $0x3  }
0x92: {  	_ =	strace s18  }
0x93: {  	s3 =	sld [smem:$0x3FFC];
	_ =	sdelay $0x3  }
0x94: {  	_ =	strace s3  }
0x95: {  	s3 =	sld [smem:$0x3FFD];
	_ =	sdelay $0x3  }
0x96: {  	_ =	strace s3  }
0x97: {  	_ =	strace $0x8FFFFFFF  }
0x98: {  	s19 =	sld [smem:$0x3FDB];
	_ =	sdelay $0x1  }
0x99: {  	s4 =	simm.s32 $_scs_section_size  }
0x9a: {  	s5 =	simm.s32 $_size__tile_overlayer_lowered;
	s6 =	simm.s32 $_tile_overlayer_lowered  }
0x9b: {  	s22 =	simm.s32 $0x1BFF;
	s21 =	sshll.u32 s6, $0x1;
	s3 =	sadd.s32 s4, s19  }
0x9c: {  	s7 =	simm.s32 $0x0;
	s20 =	sshll.u32 s5, $0x1;
	s5 =	sadd.s32 s21, s3  }
0x9d: {  	[timem:s7], [sflag:s22] =	dma.local [hbm:s5], s20  }
0x9e: {  	_ =	swait.ge [sflag:s22], s20  }
0x9f: {  	s4 =	ssub.s32 $0x0, s20;
	[sflag:s22] =	ssyncset.done $0x0  }
0xa0: {  	[sflag:s22] =	ssyncadd.s32 s4;
	_ =	sdelay $0x1  }
0xa1: {  	s23 =	simm.s32 $0x1B8B  }
0xa2: {  	_ =	swait.ge [sflag:s23], $0x1  }
0xa3: {  	[sflag:s23] =	ssyncset.done $0x0  }
0xa4: {  	s25 =	simm.s32 $0x1B8E;
	s24 =	sld [smem:$0x3FFE];
	[sflag:s23] =	ssyncadd.s32 $0xFFFFFFFF  }
0xa5: {  	s26 =	simm.s32 $execute0_lowered;
	[smem:$0x3FD2] =	sst s25  }
0xa6: {  	s5 =	sshll.u32 s26, $0x1;
	_ =	strace $0x8000004F;
	[dreg:$0x1] =	wrdreg $0xFFFFFFFF  }
0xa7: {  	s28 =	simm.s32 $_size_execute0_lowered;
	s3 =	sadd.s32 s3, s5;
	[dreg:$0x0] =	wrdreg $0x0  }
0xa8: {  	s5 =	sshll.u32 s28, $0x1;
	[dreg:$0x2] =	wrdreg s3  }
0xa9: {  	[dreg:$0x3] =	wrdreg s5  }
0xaa: {  	[dreg:$0x4] =	wrdreg $0xC0  }
0xab: {  	_ =	task [dreg:s7], $0x5FFFF  }
0xac: {  	[dreg:$0x1] =	wrdreg $0xFFFFFFFF  }
0xad: {  	[dreg:$0x0] =	wrdreg $0x60  }
0xae: {  	[dreg:$0x2] =	wrdreg s24  }
0xaf: {  	[dreg:$0x3] =	wrdreg s2  }
0xb0: {  	[dreg:$0x4] =	wrdreg $0xC6400  }
0xb1: {  	[dreg:$0x5] =	wrdreg $0x162800  }
0xb2: {  	[dreg:$0x6] =	wrdreg $0x9  }
0xb3: {  	_ =	task.clear_ibuf [dreg:s7], $0x7FFFF;
	_ =	strace $0x9000004F  }
0xb4: {  	s29 =	simm.s32 $0x9;
	_ =	strace $0x80000051  }
0xb5: {  	_ =	swait.ge [sflag:s29], $0x1  }
0xb6: {  	[sflag:s29] =	ssyncadd.s32 $0xFFFFFFFF  }
0xb7: {  	_ =	strace $0x90000051  }
0xb8: {  	_ =	sfence  }
0xb9: {  	s30 =	sld [smem:$0x0];
	_ =	sdelay $0x2  }
0xba: {  	s31 =	sshll.u32 s1, $0xD;
	s1 =	sshrl.u32 s1, $0x2  }
0xbb: {  	s3 =	sand.u32 $0x4000, s31;
	s1 =	sadd.s32 s1, s30  }
0xbc: {  	s0 =	sor.u32 s3, s0;
	s1 =	sshll.u32 s1, $0x11  }
0xbd: {  	s0 =	sor.u32 s1, s0  }
0xbe: {  	s0 =	sadd.s32 $0x8F2B, s0  }
0xbf: {  	[sflag:s0] =	ssyncadd.remote.s32 $0x1  }
0xc0: {  	_ =	sfence.sel $0xFFFF  }
0xc1: {  	[dreg:$0x0] =	wrdreg $0xFFFFFFFF;
	(pc) =	sbr.abs _section_cstart, $3  }
0xc2: {  	[dreg:$0x1] =	wrdreg $0xFFFFFFFF  }
0xc3: {  	_ =	task.clear_ibuf [dreg:s7], $0x2FFFF;
	_ =	strace $0x9FFFFFFF  }
0xc4: {  	(tm) =	ssettm $0x7FFFFFFF  }
0xc5: {  	_ =	shalt  }
tec
execute0_lowered:
.L_overlay_start_1:
0x0: {  	(tag) =	ssettag $0x1  }
0x1: {  	s0 =	rddreg [dreg:$0x0]  }
0x2: {  	s1 =	rddreg [dreg:$0x1]  }
0x3: {  	s2 =	rddreg [dreg:$0x2]  }
0x4: {  	s3 =	rddreg [dreg:$0x3];
	s17 =	stileid.u32  }
0x5: {  	s5 =	srdreg.scid;
	s4 =	simm.s32 $0x0;
	s13 =	simm.s32 $0x3  }
0x6: {  	s14 =	simm.s32 $0x2710;
	s19 =	simm.s32 $0x50;
	s20 =	simm.s32 $0x4E20  }
0x7: {  	s21 =	simm.s32 $0x6220;
	s22 =	simm.s32 $0x7620;
	s23 =	simm.s32 $0x8A20  }
0x8: {  	s24 =	simm.s32 $0x1;
	s25 =	simm.s32 $0xC530;
	s31 =	simm.s32 $0x0  }
0x9: {  	s8 =	smul.u32 $0xFA00, s17;
	s5 =	sand.u32 $0x1, s5;
	[smem:$0x7FF] =	sst s4  }
0xa: {  	p0 =	sgt.u32 s17, $0x9;
	s30 =	sshll.u32 s17, $0x6;
	s6 =	sshll.u32 s5, $0x4  }
0xb: {  	_ =	strace $0x80000050;
	s26 =	ssub.s32 $0x2, s5;
	s5 =	sadd.s32 $0x3DA00, s0  }
0xc: {  	p1 =	slt.u32 @!p0 s17, $0x6;
	s9 =	sadd.s32 $0xFFFA2400, s8;
	s6 =	sor.u32 s17, s6  }
0xd: {  	v0 =	vlaneseq.u32;
	s7 =	sshrl.u32 s8, $0x3;
	s29 =	sshrl.u32 s26, $0x1;
	s16 =	sadd.s32 s8, s2  }
0xe: {  	v0 =	vmul.u32 $0x10, v0;
	p1 =	por p0, !p1;
	s10 =	sshrl.u32 s9, $0x3;
	s11 =	smul.u32 $0x4E2, s6  }
0xf: {  	s12 =	sadd.s32 s7, s0;
	s9 =	sadd.s32 s9, s3;
	s16 =	sshrl.u32 @!p0 s16, $0x3  }
0x10: {  	v1 =	vor.u32 $0x1, v0;
	v2 =	vor.u32 $0x2, v0;
	v3 =	vor.u32 $0x3, v0;
	s10 =	sadd.s32 s10, s0;
	s8 =	sadd.s32 $0x2A000, s12;
	s18 =	sshrl.u32 s9, $0x3  }
0x11: {  	v4 =	vor.u32 $0x4, v0;
	v5 =	vor.u32 $0x5, v0;
	v6 =	vor.u32 $0x6, v0;
	s28 =	sadd.s32 s11, s0;
	s0 =	ssub.s32 s26, s29;
	s10 =	sadd.s32 $0x16600, s10  }
0x12: {  	v7 =	vor.u32 $0x7, v0;
	v8 =	vor.u32 $0x8, v0;
	v9 =	vor.u32 $0x9, v0;
	s26 =	simm.s32 $0x2;
	s6 =	sadd.s32 $0x2A00, s28;
	[dreg:$0x5] =	wrdreg s10  }
0x13: {  	v10 =	vor.u32 $0xA, v0;
	v11 =	vor.u32 $0xB, v0;
	v12 =	vor.u32 $0xC, v0;
	s10 =	sadd.s32 s1, s11;
	s11 =	smax.u32 s0, $0x1;
	s0 =	sshll.u32 @!p0 s17, $0x6  }
0x14: {  	v13 =	vor.u32 $0xD, v0;
	v14 =	vor.u32 $0xE, v0;
	v15 =	vor.u32 $0xF, v0;
	s7 =	sadd.s32 $0xC800, s28;
	s17 =	sor.u32 $0x1C03, s30;
	s15 =	sor.u32 @!p0 $0x1C03, s0  }
.LBB2_1:
0x15: {  	s0 =	simm.s32 $0xC630  }
0x16: {  	[tilespmem:s0], [sflag:$0x3] =	stream.linear.gather [hbm4b:s5+s4], $0x10, $0x38;
	[tilespmem:$0x1FEC0] =	vst v63  }
0x17: {  	_ =	swait.ge [sflag:s13], $0x10  }
0x18: {  	[sflag:s13] =	ssyncset.done $0x0  }
0x19: {  	[sflag:s13] =	ssyncadd.s32 $0xFFFFFFF0  }
0x1a: {  	v16 =	vld [tilespmem:$0xC630];
	[tilespmem:s4], [sflag:$0x3] =	stream.linear.gather [hbm4b:s6+s4], $0x2710, $0x38  }
0x1b: {  	_ =	swait.ge [sflag:s13], $0x2710  }
0x1c: {  	[sflag:s13] =	ssyncset.done $0x0  }
0x1d: {  	[sflag:s13] =	ssyncadd.s32 $0xFFFFD8F0  }
0x1e: {  	[tilespmem:s14], [sflag:$0x3] =	stream.linear.gather [hbm4b:s7+s4], $0x2710, $0x38;
	[tilespmem:$0x1FEC0] =	vst v63  }
0x1f: {  	_ =	swait.ge [sflag:s13], $0x2710  }
0x20: {  	[sflag:s13] =	ssyncset.done $0x0  }
0x21: {  	s0 =	simm.s32 @!p0 $0x3;
	[sflag:s13] =	ssyncadd.s32 $0xFFFFD8F0  }
0x22: {  	[spmem:s16], [sflag:s15] =	dma.local @!p0 [hbm:s8], $0x1F40  }
0x23: {  	_ =	swait.ge @!p0 [sflag:s0], $0x1F40  }
0x24: {  	[sflag:s0] =	ssyncset.done @!p0 $0x0  }
0x25: {  	[sflag:s0] =	ssyncadd.s32 @!p0 $0xFFFFE0C0;
	s0 =	rddreg @p1 [dreg:$0x5]  }
0x26: {  	[spmem:s18], [sflag:s17] =	dma.local @p1 [hbm:s0], $0x1F40  }
0x27: {  	_ =	swait.ge @p1 [sflag:s13], $0x1F40  }
0x28: {  	[sflag:s13] =	ssyncset.done @p1 $0x0  }
0x29: {  	[sflag:s13] =	ssyncadd.s32 @p1 $0xFFFFE0C0  }
0x2a: {  	s0 =	simm.s32 $0x0;
	[bflag:$0x0] =	sbarrier.arrive $0xFFFF  }
0x2b: {  	[tilespmem:s20], [sflag:$0x1] =	stream.indirect.gather [spmem:s2], $0x40, s0, s19, $0xb8;
	[tilespmem:$0x1FEC0] =	vst v63  }
0x2c: {  	s28 =	simm.s32 $0x9E20;
	s12 =	simm.s32 $0x9E70  }
0x2d: {  	[tilespmem:s21], [sflag:$0x1] =	stream.indirect.gather [spmem:s3], $0x40, s14, s19, $0xb8;
	[tilespmem:$0x1FEC0] =	vst v63  }
.LBB2_2:
0x2e: {  	s9 =	smul.u32 $0xA0, s0;
	_ =	sdelay $0x1  }
0x2f: {  	s1 =	sadd.s32 $0x50, s9  }
0x30: {  	[tilespmem:s22], [sflag:$0x2] =	stream.indirect.gather [spmem:s2], $0x40, s1, s19, $0xb8;
	[tilespmem:$0x1FEC0] =	vst v63  }
0x31: {  	s30 =	sadd.s32 $0x2760, s9  }
0x32: {  	[tilespmem:s23], [sflag:$0x2] =	stream.indirect.gather [spmem:s3], $0x40, s30, s19, $0xb8;
	[tilespmem:$0x1FEC0] =	vst v63  }
0x33: {  	_ =	swait.ge [sflag:s24], $0x1400  }
0x34: {  	[sflag:s24] =	ssyncset.done $0x0  }
0x35: {  	[sflag:s24] =	ssyncadd.s32 $0xFFFFEC00  }
0x36: {  	_ =	swait.ge [sflag:s24], $0x1400  }
0x37: {  	[sflag:s24] =	ssyncset.done $0x0  }
0x38: {  	s29 =	simm.s32 $0x0;
	s1 =	smov.u32 s28;
	[sflag:s24] =	ssyncadd.s32 $0xFFFFEC00  }
.LBB2_3:
0x39: {  	s30 =	sshra.s32 s29, $0x2  }
0x3a: {  	v17 =	vld [tilespmem:s30+$0x4E20]  }
0x3b: {  	v18 =	vld [tilespmem:s30+$0x6220]  }
0x3c: {  	v19 =	vld [tilespmem:s30+$0x4E30]  }
0x3d: {  	v20 =	vld [tilespmem:s30+$0x6230]  }
0x3e: {  	v21 =	vld [tilespmem:s30+$0x4E40]  }
0x3f: {  	v22 =	vld [tilespmem:s30+$0x6240]  }
0x40: {  	v23 =	vld [tilespmem:s30+$0x4E50]  }
0x41: {  	v24 =	vld [tilespmem:s30+$0x6250];
	_ =	sdelay $0x3  }
0x42: {  	v17 =	vmul.f32 v18, v17;
	v18 =	vmul.f32 v20, v19  }
0x43: {  	v19 =	vmul.f32 v22, v21;
	v40 =	vmul.f32 v24, v23;
	_ =	sdelay $0x1  }
0x44: {  	v17 =	vadd.f32 v18, v17;
	v18 =	vadd.f32 v40, v19;
	_ =	sdelay $0x1  }
0x45: {  	v17 =	vadd.f32 v18, v17;
	_ =	sdelay $0x1  }
0x46: {  	[tilespmem:$0xC530] =	vst v17  }
0x47: {  	v17 =	vld [tilespmem:s30+$0x4E60]  }
0x48: {  	v18 =	vld [tilespmem:s30+$0x6260]  }
0x49: {  	v19 =	vld [tilespmem:s30+$0x4E70]  }
0x4a: {  	v41 =	vld [tilespmem:s30+$0x6270]  }
0x4b: {  	v42 =	vld [tilespmem:s30+$0x4E80]  }
0x4c: {  	v43 =	vld [tilespmem:s30+$0x6280]  }
0x4d: {  	v44 =	vld [tilespmem:s30+$0x4E90]  }
0x4e: {  	v45 =	vld [tilespmem:s30+$0x6290];
	_ =	sdelay $0x3  }
0x4f: {  	v17 =	vmul.f32 v18, v17;
	v18 =	vmul.f32 v41, v19  }
0x50: {  	v19 =	vmul.f32 v43, v42;
	v46 =	vmul.f32 v45, v44;
	_ =	sdelay $0x1  }
0x51: {  	v17 =	vadd.f32 v18, v17;
	v18 =	vadd.f32 v46, v19;
	_ =	sdelay $0x1  }
0x52: {  	v17 =	vadd.f32 v18, v17;
	_ =	sdelay $0x1  }
0x53: {  	[tilespmem:$0xC540] =	vst v17  }
0x54: {  	v17 =	vld [tilespmem:s30+$0x4EA0]  }
0x55: {  	v18 =	vld [tilespmem:s30+$0x62A0]  }
0x56: {  	v19 =	vld [tilespmem:s30+$0x4EB0]  }
0x57: {  	v47 =	vld [tilespmem:s30+$0x62B0]  }
0x58: {  	v48 =	vld [tilespmem:s30+$0x4EC0]  }
0x59: {  	v49 =	vld [tilespmem:s30+$0x62C0]  }
0x5a: {  	v50 =	vld [tilespmem:s30+$0x4ED0]  }
0x5b: {  	v51 =	vld [tilespmem:s30+$0x62D0];
	_ =	sdelay $0x3  }
0x5c: {  	v17 =	vmul.f32 v18, v17;
	v18 =	vmul.f32 v47, v19  }
0x5d: {  	v19 =	vmul.f32 v49, v48;
	v52 =	vmul.f32 v51, v50;
	_ =	sdelay $0x1  }
0x5e: {  	v17 =	vadd.f32 v18, v17;
	v18 =	vadd.f32 v52, v19;
	_ =	sdelay $0x1  }
0x5f: {  	v17 =	vadd.f32 v18, v17;
	_ =	sdelay $0x1  }
0x60: {  	[tilespmem:$0xC550] =	vst v17  }
0x61: {  	v17 =	vld [tilespmem:s30+$0x4EE0]  }
0x62: {  	v18 =	vld [tilespmem:s30+$0x62E0]  }
0x63: {  	v19 =	vld [tilespmem:s30+$0x4EF0]  }
0x64: {  	v53 =	vld [tilespmem:s30+$0x62F0]  }
0x65: {  	v54 =	vld [tilespmem:s30+$0x4F00]  }
0x66: {  	v55 =	vld [tilespmem:s30+$0x6300]  }
0x67: {  	v56 =	vld [tilespmem:s30+$0x4F10]  }
0x68: {  	v57 =	vld [tilespmem:s30+$0x6310];
	_ =	sdelay $0x3  }
0x69: {  	v17 =	vmul.f32 v18, v17;
	v18 =	vmul.f32 v53, v19  }
0x6a: {  	v19 =	vmul.f32 v55, v54;
	v58 =	vmul.f32 v57, v56;
	_ =	sdelay $0x1  }
0x6b: {  	v17 =	vadd.f32 v18, v17;
	v18 =	vadd.f32 v58, v19;
	_ =	sdelay $0x1  }
0x6c: {  	v17 =	vadd.f32 v18, v17;
	_ =	sdelay $0x1  }
0x6d: {  	[tilespmem:$0xC560] =	vst v17  }
0x6e: {  	v17 =	vld [tilespmem:s30+$0x4F20]  }
0x6f: {  	v18 =	vld [tilespmem:s30+$0x6320]  }
0x70: {  	v19 =	vld [tilespmem:s30+$0x4F30]  }
0x71: {  	v59 =	vld [tilespmem:s30+$0x6330]  }
0x72: {  	v60 =	vld [tilespmem:s30+$0x4F40]  }
0x73: {  	v61 =	vld [tilespmem:s30+$0x6340]  }
0x74: {  	v62 =	vld [tilespmem:s30+$0x4F50]  }
0x75: {  	v63 =	vld [tilespmem:s30+$0x6350];
	_ =	sdelay $0x3  }
0x76: {  	v17 =	vmul.f32 v18, v17;
	v18 =	vmul.f32 v59, v19  }
0x77: {  	v19 =	vmul.f32 v61, v60;
	v28 =	vmul.f32 v63, v62;
	_ =	sdelay $0x1  }
0x78: {  	v17 =	vadd.f32 v18, v17;
	v18 =	vadd.f32 v28, v19;
	_ =	sdelay $0x1  }
0x79: {  	v17 =	vadd.f32 v18, v17;
	_ =	sdelay $0x1  }
0x7a: {  	[tilespmem:$0xC570] =	vst v17  }
0x7b: {  	v17 =	vld [tilespmem:s30+$0x4F60]  }
0x7c: {  	v18 =	vld [tilespmem:s30+$0x6360]  }
0x7d: {  	v19 =	vld [tilespmem:s30+$0x4F70]  }
0x7e: {  	v29 =	vld [tilespmem:s30+$0x6370]  }
0x7f: {  	v30 =	vld [tilespmem:s30+$0x4F80]  }
0x80: {  	v31 =	vld [tilespmem:s30+$0x6380]  }
0x81: {  	v32 =	vld [tilespmem:s30+$0x4F90]  }
0x82: {  	v33 =	vld [tilespmem:s30+$0x6390];
	_ =	sdelay $0x3  }
0x83: {  	v17 =	vmul.f32 v18, v17;
	v18 =	vmul.f32 v29, v19  }
0x84: {  	v19 =	vmul.f32 v31, v30;
	v34 =	vmul.f32 v33, v32;
	_ =	sdelay $0x1  }
0x85: {  	v17 =	vadd.f32 v18, v17;
	v18 =	vadd.f32 v34, v19;
	_ =	sdelay $0x1  }
0x86: {  	v17 =	vadd.f32 v18, v17;
	_ =	sdelay $0x1  }
0x87: {  	[tilespmem:$0xC580] =	vst v17  }
0x88: {  	v17 =	vld [tilespmem:s30+$0x4FA0]  }
0x89: {  	v18 =	vld [tilespmem:s30+$0x63A0]  }
0x8a: {  	v19 =	vld [tilespmem:s30+$0x4FB0]  }
0x8b: {  	v35 =	vld [tilespmem:s30+$0x63B0]  }
0x8c: {  	v36 =	vld [tilespmem:s30+$0x4FC0]  }
0x8d: {  	v37 =	vld [tilespmem:s30+$0x63C0]  }
0x8e: {  	v38 =	vld [tilespmem:s30+$0x4FD0]  }
0x8f: {  	v39 =	vld [tilespmem:s30+$0x63D0];
	_ =	sdelay $0x3  }
0x90: {  	v17 =	vmul.f32 v18, v17;
	v18 =	vmul.f32 v35, v19  }
0x91: {  	v19 =	vmul.f32 v37, v36;
	v40 =	vmul.f32 v39, v38;
	_ =	sdelay $0x1  }
0x92: {  	v17 =	vadd.f32 v18, v17;
	v18 =	vadd.f32 v40, v19;
	_ =	sdelay $0x1  }
0x93: {  	v17 =	vadd.f32 v18, v17;
	_ =	sdelay $0x1  }
0x94: {  	[tilespmem:$0xC590] =	vst v17  }
0x95: {  	v17 =	vld [tilespmem:s30+$0x4FE0]  }
0x96: {  	v18 =	vld [tilespmem:s30+$0x63E0]  }
0x97: {  	v19 =	vld [tilespmem:s30+$0x4FF0]  }
0x98: {  	v41 =	vld [tilespmem:s30+$0x63F0]  }
0x99: {  	v42 =	vld [tilespmem:s30+$0x5000]  }
0x9a: {  	v43 =	vld [tilespmem:s30+$0x6400]  }
0x9b: {  	v44 =	vld [tilespmem:s30+$0x5010]  }
0x9c: {  	v45 =	vld [tilespmem:s30+$0x6410];
	_ =	sdelay $0x3  }
0x9d: {  	v17 =	vmul.f32 v18, v17;
	v18 =	vmul.f32 v41, v19  }
0x9e: {  	v19 =	vmul.f32 v43, v42;
	v46 =	vmul.f32 v45, v44;
	_ =	sdelay $0x1  }
0x9f: {  	v17 =	vadd.f32 v18, v17;
	v18 =	vadd.f32 v46, v19;
	_ =	sdelay $0x1  }
0xa0: {  	v17 =	vadd.f32 v18, v17;
	_ =	sdelay $0x1  }
0xa1: {  	[tilespmem:$0xC5A0] =	vst v17  }
0xa2: {  	v17 =	vld [tilespmem:s30+$0x5020]  }
0xa3: {  	v18 =	vld [tilespmem:s30+$0x6420]  }
0xa4: {  	v19 =	vld [tilespmem:s30+$0x5030]  }
0xa5: {  	v47 =	vld [tilespmem:s30+$0x6430]  }
0xa6: {  	v48 =	vld [tilespmem:s30+$0x5040]  }
0xa7: {  	v49 =	vld [tilespmem:s30+$0x6440]  }
0xa8: {  	v50 =	vld [tilespmem:s30+$0x5050]  }
0xa9: {  	v51 =	vld [tilespmem:s30+$0x6450];
	_ =	sdelay $0x3  }
0xaa: {  	v17 =	vmul.f32 v18, v17;
	v18 =	vmul.f32 v47, v19  }
0xab: {  	v19 =	vmul.f32 v49, v48;
	v52 =	vmul.f32 v51, v50;
	_ =	sdelay $0x1  }
0xac: {  	v17 =	vadd.f32 v18, v17;
	v18 =	vadd.f32 v52, v19;
	_ =	sdelay $0x1  }
0xad: {  	v17 =	vadd.f32 v18, v17;
	_ =	sdelay $0x1  }
0xae: {  	[tilespmem:$0xC5B0] =	vst v17  }
0xaf: {  	v17 =	vld [tilespmem:s30+$0x5060]  }
0xb0: {  	v18 =	vld [tilespmem:s30+$0x6460]  }
0xb1: {  	v19 =	vld [tilespmem:s30+$0x5070]  }
0xb2: {  	v53 =	vld [tilespmem:s30+$0x6470]  }
0xb3: {  	v54 =	vld [tilespmem:s30+$0x5080]  }
0xb4: {  	v55 =	vld [tilespmem:s30+$0x6480]  }
0xb5: {  	v56 =	vld [tilespmem:s30+$0x5090]  }
0xb6: {  	v57 =	vld [tilespmem:s30+$0x6490];
	_ =	sdelay $0x3  }
0xb7: {  	v17 =	vmul.f32 v18, v17;
	v18 =	vmul.f32 v53, v19  }
0xb8: {  	v19 =	vmul.f32 v55, v54;
	v58 =	vmul.f32 v57, v56;
	_ =	sdelay $0x1  }
0xb9: {  	v17 =	vadd.f32 v18, v17;
	v18 =	vadd.f32 v58, v19;
	_ =	sdelay $0x1  }
0xba: {  	v17 =	vadd.f32 v18, v17;
	_ =	sdelay $0x1  }
0xbb: {  	[tilespmem:$0xC5C0] =	vst v17  }
0xbc: {  	v17 =	vld [tilespmem:s30+$0x50A0]  }
0xbd: {  	v18 =	vld [tilespmem:s30+$0x64A0]  }
0xbe: {  	v19 =	vld [tilespmem:s30+$0x50B0]  }
0xbf: {  	v59 =	vld [tilespmem:s30+$0x64B0]  }
0xc0: {  	v60 =	vld [tilespmem:s30+$0x50C0]  }
0xc1: {  	v61 =	vld [tilespmem:s30+$0x64C0]  }
0xc2: {  	v62 =	vld [tilespmem:s30+$0x50D0]  }
0xc3: {  	v63 =	vld [tilespmem:s30+$0x64D0];
	_ =	sdelay $0x3  }
0xc4: {  	v17 =	vmul.f32 v18, v17;
	v18 =	vmul.f32 v59, v19  }
0xc5: {  	v19 =	vmul.f32 v61, v60;
	v28 =	vmul.f32 v63, v62;
	_ =	sdelay $0x1  }
0xc6: {  	v17 =	vadd.f32 v18, v17;
	v18 =	vadd.f32 v28, v19;
	_ =	sdelay $0x1  }
0xc7: {  	v17 =	vadd.f32 v18, v17;
	_ =	sdelay $0x1  }
0xc8: {  	[tilespmem:$0xC5D0] =	vst v17  }
0xc9: {  	v17 =	vld [tilespmem:s30+$0x50E0]  }
0xca: {  	v18 =	vld [tilespmem:s30+$0x64E0]  }
0xcb: {  	v19 =	vld [tilespmem:s30+$0x50F0]  }
0xcc: {  	v29 =	vld [tilespmem:s30+$0x64F0]  }
0xcd: {  	v30 =	vld [tilespmem:s30+$0x5100]  }
0xce: {  	v31 =	vld [tilespmem:s30+$0x6500]  }
0xcf: {  	v32 =	vld [tilespmem:s30+$0x5110]  }
0xd0: {  	v33 =	vld [tilespmem:s30+$0x6510];
	_ =	sdelay $0x3  }
0xd1: {  	v17 =	vmul.f32 v18, v17;
	v18 =	vmul.f32 v29, v19  }
0xd2: {  	v19 =	vmul.f32 v31, v30;
	v34 =	vmul.f32 v33, v32;
	_ =	sdelay $0x1  }
0xd3: {  	v17 =	vadd.f32 v18, v17;
	v18 =	vadd.f32 v34, v19;
	_ =	sdelay $0x1  }
0xd4: {  	v17 =	vadd.f32 v18, v17;
	_ =	sdelay $0x1  }
0xd5: {  	[tilespmem:$0xC5E0] =	vst v17  }
0xd6: {  	v17 =	vld [tilespmem:s30+$0x5120]  }
0xd7: {  	v18 =	vld [tilespmem:s30+$0x6520]  }
0xd8: {  	v19 =	vld [tilespmem:s30+$0x5130]  }
0xd9: {  	v35 =	vld [tilespmem:s30+$0x6530]  }
0xda: {  	v36 =	vld [tilespmem:s30+$0x5140]  }
0xdb: {  	v37 =	vld [tilespmem:s30+$0x6540]  }
0xdc: {  	v38 =	vld [tilespmem:s30+$0x5150]  }
0xdd: {  	v39 =	vld [tilespmem:s30+$0x6550];
	_ =	sdelay $0x3  }
0xde: {  	v17 =	vmul.f32 v18, v17;
	v18 =	vmul.f32 v35, v19  }
0xdf: {  	v19 =	vmul.f32 v37, v36;
	v40 =	vmul.f32 v39, v38;
	_ =	sdelay $0x1  }
0xe0: {  	v17 =	vadd.f32 v18, v17;
	v18 =	vadd.f32 v40, v19;
	_ =	sdelay $0x1  }
0xe1: {  	v17 =	vadd.f32 v18, v17;
	_ =	sdelay $0x1  }
0xe2: {  	[tilespmem:$0xC5F0] =	vst v17  }
0xe3: {  	v17 =	vld [tilespmem:s30+$0x5160]  }
0xe4: {  	v18 =	vld [tilespmem:s30+$0x6560]  }
0xe5: {  	v19 =	vld [tilespmem:s30+$0x5170]  }
0xe6: {  	v41 =	vld [tilespmem:s30+$0x6570]  }
0xe7: {  	v42 =	vld [tilespmem:s30+$0x5180]  }
0xe8: {  	v43 =	vld [tilespmem:s30+$0x6580]  }
0xe9: {  	v44 =	vld [tilespmem:s30+$0x5190]  }
0xea: {  	v45 =	vld [tilespmem:s30+$0x6590];
	_ =	sdelay $0x3  }
0xeb: {  	v17 =	vmul.f32 v18, v17;
	v18 =	vmul.f32 v41, v19  }
0xec: {  	v19 =	vmul.f32 v43, v42;
	v46 =	vmul.f32 v45, v44;
	_ =	sdelay $0x1  }
0xed: {  	v17 =	vadd.f32 v18, v17;
	v18 =	vadd.f32 v46, v19;
	_ =	sdelay $0x1  }
0xee: {  	v17 =	vadd.f32 v18, v17;
	_ =	sdelay $0x1  }
0xef: {  	[tilespmem:$0xC600] =	vst v17  }
0xf0: {  	v17 =	vld [tilespmem:s30+$0x51A0]  }
0xf1: {  	v18 =	vld [tilespmem:s30+$0x65A0]  }
0xf2: {  	v19 =	vld [tilespmem:s30+$0x51B0]  }
0xf3: {  	v47 =	vld [tilespmem:s30+$0x65B0]  }
0xf4: {  	v48 =	vld [tilespmem:s30+$0x51C0]  }
0xf5: {  	v49 =	vld [tilespmem:s30+$0x65C0]  }
0xf6: {  	v50 =	vld [tilespmem:s30+$0x51D0]  }
0xf7: {  	v51 =	vld [tilespmem:s30+$0x65D0];
	_ =	sdelay $0x3  }
0xf8: {  	v17 =	vmul.f32 v18, v17;
	v18 =	vmul.f32 v47, v19  }
0xf9: {  	v19 =	vmul.f32 v49, v48;
	v52 =	vmul.f32 v51, v50;
	_ =	sdelay $0x1  }
0xfa: {  	v17 =	vadd.f32 v18, v17;
	v18 =	vadd.f32 v52, v19;
	_ =	sdelay $0x1  }
0xfb: {  	v17 =	vadd.f32 v18, v17;
	_ =	sdelay $0x1  }
0xfc: {  	[tilespmem:$0xC610] =	vst v17  }
0xfd: {  	v17 =	vld [tilespmem:s30+$0x51E0]  }
0xfe: {  	v18 =	vld [tilespmem:s30+$0x65E0]  }
0xff: {  	v19 =	vld [tilespmem:s30+$0x51F0]  }
0x100: {  	v53 =	vld [tilespmem:s30+$0x65F0]  }
0x101: {  	v54 =	vld [tilespmem:s30+$0x5200]  }
0x102: {  	v55 =	vld [tilespmem:s30+$0x6600]  }
0x103: {  	v56 =	vld [tilespmem:s30+$0x5210]  }
0x104: {  	v57 =	vld [tilespmem:s30+$0x6610];
	_ =	sdelay $0x3  }
0x105: {  	v17 =	vmul.f32 v18, v17;
	v18 =	vmul.f32 v53, v19  }
0x106: {  	v19 =	vmul.f32 v55, v54;
	v58 =	vmul.f32 v57, v56;
	_ =	sdelay $0x1  }
0x107: {  	v17 =	vadd.f32 v18, v17;
	v18 =	vadd.f32 v58, v19;
	_ =	sdelay $0x1  }
0x108: {  	v17 =	vadd.f32 v18, v17;
	_ =	sdelay $0x1  }
0x109: {  	[tilespmem:$0xC620] =	vst v17  }
0x10a: {  	v17 =	vld.idx.msk [tilespmem:v0+s25+$0x0], $0xffff;
	_ =	sdelay $0x1  }
0x10b: {  	v18 =	vld.idx.msk [tilespmem:v1+s25+$0x0], $0xffff;
	_ =	sdelay $0x1  }
0x10c: {  	v19 =	vld.idx.msk [tilespmem:v2+s25+$0x0], $0xffff  }
0x10d: {  	v17 =	vadd.f32 v17, v16  }
0x10e: {  	v59 =	vld.idx.msk [tilespmem:v3+s25+$0x0], $0xffff  }
0x10f: {  	v17 =	vadd.f32 v18, v17  }
0x110: {  	v18 =	vld.idx.msk [tilespmem:v4+s25+$0x0], $0xffff  }
0x111: {  	v17 =	vadd.f32 v19, v17  }
0x112: {  	v19 =	vld.idx.msk [tilespmem:v5+s25+$0x0], $0xffff  }
0x113: {  	v17 =	vadd.f32 v59, v17  }
0x114: {  	v60 =	vld.idx.msk [tilespmem:v6+s25+$0x0], $0xffff  }
0x115: {  	v17 =	vadd.f32 v18, v17  }
0x116: {  	v18 =	vld.idx.msk [tilespmem:v7+s25+$0x0], $0xffff  }
0x117: {  	v17 =	vadd.f32 v19, v17  }
0x118: {  	v19 =	vld.idx.msk [tilespmem:v8+s25+$0x0], $0xffff  }
0x119: {  	v17 =	vadd.f32 v60, v17  }
0x11a: {  	v61 =	vld.idx.msk [tilespmem:v9+s25+$0x0], $0xffff  }
0x11b: {  	v17 =	vadd.f32 v18, v17  }
0x11c: {  	v18 =	vld.idx.msk [tilespmem:v10+s25+$0x0], $0xffff  }
0x11d: {  	v17 =	vadd.f32 v19, v17  }
0x11e: {  	v19 =	vld.idx.msk [tilespmem:v11+s25+$0x0], $0xffff  }
0x11f: {  	v17 =	vadd.f32 v61, v17  }
0x120: {  	v62 =	vld.idx.msk [tilespmem:v12+s25+$0x0], $0xffff  }
0x121: {  	v17 =	vadd.f32 v18, v17  }
0x122: {  	v18 =	vld.idx.msk [tilespmem:v13+s25+$0x0], $0xffff  }
0x123: {  	v17 =	vadd.f32 v19, v17  }
0x124: {  	v19 =	vld.idx.msk [tilespmem:v14+s25+$0x0], $0xffff  }
0x125: {  	v17 =	vadd.f32 v62, v17  }
0x126: {  	v63 =	vld.idx.msk [tilespmem:v15+s25+$0x0], $0xffff  }
0x127: {  	v17 =	vadd.f32 v18, v17  }
0x128: {  	p2 =	sne.s32 s29, $0x4000  }
.Ltmp0:
0x129: {  	v17 =	vadd.f32 v19, v17;
	(pc) =	sbr.rel @p2 .LBB2_3-.Ltmp0, $3  }
0x12a: {  	_ = 	snop  }
0x12b: {  	v17 =	vadd.f32 v63, v17;
	_ =	sdelay $0x1  }
0x12c: {  	s29 =	sadd.s32 $0x1000, s29;
	[tilespmem:s1+$0x0] =	vst v17;
	s1 =	sadd.s32 $0x10, s1  }
0x12d: {  	p2 =	seq.s32 s0, $0x3D  }
0x12e: {  	s1 =	sadd.s32 @!p2 $0xA0, s9;
	s29 =	simm.s32 @!p2 $0x50;
	s30 =	simm.s32 @!p2 $0x4E20  }
0x12f: {  	[tilespmem:s30], [sflag:$0x1] =	stream.indirect.gather @!p2 [spmem:s2], $0x40, s1, s29, $0xb8;
	[tilespmem:$0x1FEC0] =	vst v63  }
0x130: {  	s1 =	sadd.s32 @!p2 $0x27B0, s9;
	s9 =	simm.s32 @!p2 $0x6220  }
0x131: {  	[tilespmem:s9], [sflag:$0x1] =	stream.indirect.gather @!p2 [spmem:s3], $0x40, s1, s29, $0xb8;
	[tilespmem:$0x1FEC0] =	vst v63  }
0x132: {  	_ =	swait.ge [sflag:s26], $0x1400  }
0x133: {  	[sflag:s26] =	ssyncset.done $0x0  }
0x134: {  	[sflag:s26] =	ssyncadd.s32 $0xFFFFEC00  }
0x135: {  	_ =	swait.ge [sflag:s26], $0x1400  }
0x136: {  	[sflag:s26] =	ssyncset.done $0x0  }
0x137: {  	s1 =	simm.s32 $0x0;
	s9 =	smov.u32 s12;
	[sflag:s26] =	ssyncadd.s32 $0xFFFFEC00  }
.LBB2_5:
0x138: {  	s29 =	sshra.s32 s1, $0x2  }
0x139: {  	v17 =	vld [tilespmem:s29+$0x7620]  }
0x13a: {  	v18 =	vld [tilespmem:s29+$0x8A20]  }
0x13b: {  	v19 =	vld [tilespmem:s29+$0x7630]  }
0x13c: {  	v20 =	vld [tilespmem:s29+$0x8A30]  }
0x13d: {  	v21 =	vld [tilespmem:s29+$0x7640]  }
0x13e: {  	v22 =	vld [tilespmem:s29+$0x8A40]  }
0x13f: {  	v23 =	vld [tilespmem:s29+$0x7650]  }
0x140: {  	v24 =	vld [tilespmem:s29+$0x8A50];
	_ =	sdelay $0x3  }
0x141: {  	v17 =	vmul.f32 v18, v17;
	v18 =	vmul.f32 v20, v19  }
0x142: {  	v19 =	vmul.f32 v22, v21;
	v40 =	vmul.f32 v24, v23;
	_ =	sdelay $0x1  }
0x143: {  	v17 =	vadd.f32 v18, v17;
	v18 =	vadd.f32 v40, v19;
	_ =	sdelay $0x1  }
0x144: {  	v17 =	vadd.f32 v18, v17;
	_ =	sdelay $0x1  }
0x145: {  	[tilespmem:$0xC530] =	vst v17  }
0x146: {  	v17 =	vld [tilespmem:s29+$0x7660]  }
0x147: {  	v18 =	vld [tilespmem:s29+$0x8A60]  }
0x148: {  	v19 =	vld [tilespmem:s29+$0x7670]  }
0x149: {  	v41 =	vld [tilespmem:s29+$0x8A70]  }
0x14a: {  	v42 =	vld [tilespmem:s29+$0x7680]  }
0x14b: {  	v43 =	vld [tilespmem:s29+$0x8A80]  }
0x14c: {  	v44 =	vld [tilespmem:s29+$0x7690]  }
0x14d: {  	v45 =	vld [tilespmem:s29+$0x8A90];
	_ =	sdelay $0x3  }
0x14e: {  	v17 =	vmul.f32 v18, v17;
	v18 =	vmul.f32 v41, v19  }
0x14f: {  	v19 =	vmul.f32 v43, v42;
	v46 =	vmul.f32 v45, v44;
	_ =	sdelay $0x1  }
0x150: {  	v17 =	vadd.f32 v18, v17;
	v18 =	vadd.f32 v46, v19;
	_ =	sdelay $0x1  }
0x151: {  	v17 =	vadd.f32 v18, v17;
	_ =	sdelay $0x1  }
0x152: {  	[tilespmem:$0xC540] =	vst v17  }
0x153: {  	v17 =	vld [tilespmem:s29+$0x76A0]  }
0x154: {  	v18 =	vld [tilespmem:s29+$0x8AA0]  }
0x155: {  	v19 =	vld [tilespmem:s29+$0x76B0]  }
0x156: {  	v47 =	vld [tilespmem:s29+$0x8AB0]  }
0x157: {  	v48 =	vld [tilespmem:s29+$0x76C0]  }
0x158: {  	v49 =	vld [tilespmem:s29+$0x8AC0]  }
0x159: {  	v50 =	vld [tilespmem:s29+$0x76D0]  }
0x15a: {  	v51 =	vld [tilespmem:s29+$0x8AD0];
	_ =	sdelay $0x3  }
0x15b: {  	v17 =	vmul.f32 v18, v17;
	v18 =	vmul.f32 v47, v19  }
0x15c: {  	v19 =	vmul.f32 v49, v48;
	v52 =	vmul.f32 v51, v50;
	_ =	sdelay $0x1  }
0x15d: {  	v17 =	vadd.f32 v18, v17;
	v18 =	vadd.f32 v52, v19;
	_ =	sdelay $0x1  }
0x15e: {  	v17 =	vadd.f32 v18, v17;
	_ =	sdelay $0x1  }
0x15f: {  	[tilespmem:$0xC550] =	vst v17  }
0x160: {  	v17 =	vld [tilespmem:s29+$0x76E0]  }
0x161: {  	v18 =	vld [tilespmem:s29+$0x8AE0]  }
0x162: {  	v19 =	vld [tilespmem:s29+$0x76F0]  }
0x163: {  	v53 =	vld [tilespmem:s29+$0x8AF0]  }
0x164: {  	v54 =	vld [tilespmem:s29+$0x7700]  }
0x165: {  	v55 =	vld [tilespmem:s29+$0x8B00]  }
0x166: {  	v56 =	vld [tilespmem:s29+$0x7710]  }
0x167: {  	v57 =	vld [tilespmem:s29+$0x8B10];
	_ =	sdelay $0x3  }
0x168: {  	v17 =	vmul.f32 v18, v17;
	v18 =	vmul.f32 v53, v19  }
0x169: {  	v19 =	vmul.f32 v55, v54;
	v58 =	vmul.f32 v57, v56;
	_ =	sdelay $0x1  }
0x16a: {  	v17 =	vadd.f32 v18, v17;
	v18 =	vadd.f32 v58, v19;
	_ =	sdelay $0x1  }
0x16b: {  	v17 =	vadd.f32 v18, v17;
	_ =	sdelay $0x1  }
0x16c: {  	[tilespmem:$0xC560] =	vst v17  }
0x16d: {  	v17 =	vld [tilespmem:s29+$0x7720]  }
0x16e: {  	v18 =	vld [tilespmem:s29+$0x8B20]  }
0x16f: {  	v19 =	vld [tilespmem:s29+$0x7730]  }
0x170: {  	v59 =	vld [tilespmem:s29+$0x8B30]  }
0x171: {  	v60 =	vld [tilespmem:s29+$0x7740]  }
0x172: {  	v61 =	vld [tilespmem:s29+$0x8B40]  }
0x173: {  	v62 =	vld [tilespmem:s29+$0x7750]  }
0x174: {  	v63 =	vld [tilespmem:s29+$0x8B50];
	_ =	sdelay $0x3  }
0x175: {  	v17 =	vmul.f32 v18, v17;
	v18 =	vmul.f32 v59, v19  }
0x176: {  	v19 =	vmul.f32 v61, v60;
	v28 =	vmul.f32 v63, v62;
	_ =	sdelay $0x1  }
0x177: {  	v17 =	vadd.f32 v18, v17;
	v18 =	vadd.f32 v28, v19;
	_ =	sdelay $0x1  }
0x178: {  	v17 =	vadd.f32 v18, v17;
	_ =	sdelay $0x1  }
0x179: {  	[tilespmem:$0xC570] =	vst v17  }
0x17a: {  	v17 =	vld [tilespmem:s29+$0x7760]  }
0x17b: {  	v18 =	vld [tilespmem:s29+$0x8B60]  }
0x17c: {  	v19 =	vld [tilespmem:s29+$0x7770]  }
0x17d: {  	v29 =	vld [tilespmem:s29+$0x8B70]  }
0x17e: {  	v30 =	vld [tilespmem:s29+$0x7780]  }
0x17f: {  	v31 =	vld [tilespmem:s29+$0x8B80]  }
0x180: {  	v32 =	vld [tilespmem:s29+$0x7790]  }
0x181: {  	v33 =	vld [tilespmem:s29+$0x8B90];
	_ =	sdelay $0x3  }
0x182: {  	v17 =	vmul.f32 v18, v17;
	v18 =	vmul.f32 v29, v19  }
0x183: {  	v19 =	vmul.f32 v31, v30;
	v34 =	vmul.f32 v33, v32;
	_ =	sdelay $0x1  }
0x184: {  	v17 =	vadd.f32 v18, v17;
	v18 =	vadd.f32 v34, v19;
	_ =	sdelay $0x1  }
0x185: {  	v17 =	vadd.f32 v18, v17;
	_ =	sdelay $0x1  }
0x186: {  	[tilespmem:$0xC580] =	vst v17  }
0x187: {  	v17 =	vld [tilespmem:s29+$0x77A0]  }
0x188: {  	v18 =	vld [tilespmem:s29+$0x8BA0]  }
0x189: {  	v19 =	vld [tilespmem:s29+$0x77B0]  }
0x18a: {  	v35 =	vld [tilespmem:s29+$0x8BB0]  }
0x18b: {  	v36 =	vld [tilespmem:s29+$0x77C0]  }
0x18c: {  	v37 =	vld [tilespmem:s29+$0x8BC0]  }
0x18d: {  	v38 =	vld [tilespmem:s29+$0x77D0]  }
0x18e: {  	v39 =	vld [tilespmem:s29+$0x8BD0];
	_ =	sdelay $0x3  }
0x18f: {  	v17 =	vmul.f32 v18, v17;
	v18 =	vmul.f32 v35, v19  }
0x190: {  	v19 =	vmul.f32 v37, v36;
	v40 =	vmul.f32 v39, v38;
	_ =	sdelay $0x1  }
0x191: {  	v17 =	vadd.f32 v18, v17;
	v18 =	vadd.f32 v40, v19;
	_ =	sdelay $0x1  }
0x192: {  	v17 =	vadd.f32 v18, v17;
	_ =	sdelay $0x1  }
0x193: {  	[tilespmem:$0xC590] =	vst v17  }
0x194: {  	v17 =	vld [tilespmem:s29+$0x77E0]  }
0x195: {  	v18 =	vld [tilespmem:s29+$0x8BE0]  }
0x196: {  	v19 =	vld [tilespmem:s29+$0x77F0]  }
0x197: {  	v41 =	vld [tilespmem:s29+$0x8BF0]  }
0x198: {  	v42 =	vld [tilespmem:s29+$0x7800]  }
0x199: {  	v43 =	vld [tilespmem:s29+$0x8C00]  }
0x19a: {  	v44 =	vld [tilespmem:s29+$0x7810]  }
0x19b: {  	v45 =	vld [tilespmem:s29+$0x8C10];
	_ =	sdelay $0x3  }
0x19c: {  	v17 =	vmul.f32 v18, v17;
	v18 =	vmul.f32 v41, v19  }
0x19d: {  	v19 =	vmul.f32 v43, v42;
	v46 =	vmul.f32 v45, v44;
	_ =	sdelay $0x1  }
0x19e: {  	v17 =	vadd.f32 v18, v17;
	v18 =	vadd.f32 v46, v19;
	_ =	sdelay $0x1  }
0x19f: {  	v17 =	vadd.f32 v18, v17;
	_ =	sdelay $0x1  }
0x1a0: {  	[tilespmem:$0xC5A0] =	vst v17  }
0x1a1: {  	v17 =	vld [tilespmem:s29+$0x7820]  }
0x1a2: {  	v18 =	vld [tilespmem:s29+$0x8C20]  }
0x1a3: {  	v19 =	vld [tilespmem:s29+$0x7830]  }
0x1a4: {  	v47 =	vld [tilespmem:s29+$0x8C30]  }
0x1a5: {  	v48 =	vld [tilespmem:s29+$0x7840]  }
0x1a6: {  	v49 =	vld [tilespmem:s29+$0x8C40]  }
0x1a7: {  	v50 =	vld [tilespmem:s29+$0x7850]  }
0x1a8: {  	v51 =	vld [tilespmem:s29+$0x8C50];
	_ =	sdelay $0x3  }
0x1a9: {  	v17 =	vmul.f32 v18, v17;
	v18 =	vmul.f32 v47, v19  }
0x1aa: {  	v19 =	vmul.f32 v49, v48;
	v52 =	vmul.f32 v51, v50;
	_ =	sdelay $0x1  }
0x1ab: {  	v17 =	vadd.f32 v18, v17;
	v18 =	vadd.f32 v52, v19;
	_ =	sdelay $0x1  }
0x1ac: {  	v17 =	vadd.f32 v18, v17;
	_ =	sdelay $0x1  }
0x1ad: {  	[tilespmem:$0xC5B0] =	vst v17  }
0x1ae: {  	v17 =	vld [tilespmem:s29+$0x7860]  }
0x1af: {  	v18 =	vld [tilespmem:s29+$0x8C60]  }
0x1b0: {  	v19 =	vld [tilespmem:s29+$0x7870]  }
0x1b1: {  	v53 =	vld [tilespmem:s29+$0x8C70]  }
0x1b2: {  	v54 =	vld [tilespmem:s29+$0x7880]  }
0x1b3: {  	v55 =	vld [tilespmem:s29+$0x8C80]  }
0x1b4: {  	v56 =	vld [tilespmem:s29+$0x7890]  }
0x1b5: {  	v57 =	vld [tilespmem:s29+$0x8C90];
	_ =	sdelay $0x3  }
0x1b6: {  	v17 =	vmul.f32 v18, v17;
	v18 =	vmul.f32 v53, v19  }
0x1b7: {  	v19 =	vmul.f32 v55, v54;
	v58 =	vmul.f32 v57, v56;
	_ =	sdelay $0x1  }
0x1b8: {  	v17 =	vadd.f32 v18, v17;
	v18 =	vadd.f32 v58, v19;
	_ =	sdelay $0x1  }
0x1b9: {  	v17 =	vadd.f32 v18, v17;
	_ =	sdelay $0x1  }
0x1ba: {  	[tilespmem:$0xC5C0] =	vst v17  }
0x1bb: {  	v17 =	vld [tilespmem:s29+$0x78A0]  }
0x1bc: {  	v18 =	vld [tilespmem:s29+$0x8CA0]  }
0x1bd: {  	v19 =	vld [tilespmem:s29+$0x78B0]  }
0x1be: {  	v59 =	vld [tilespmem:s29+$0x8CB0]  }
0x1bf: {  	v60 =	vld [tilespmem:s29+$0x78C0]  }
0x1c0: {  	v61 =	vld [tilespmem:s29+$0x8CC0]  }
0x1c1: {  	v62 =	vld [tilespmem:s29+$0x78D0]  }
0x1c2: {  	v63 =	vld [tilespmem:s29+$0x8CD0];
	_ =	sdelay $0x3  }
0x1c3: {  	v17 =	vmul.f32 v18, v17;
	v18 =	vmul.f32 v59, v19  }
0x1c4: {  	v19 =	vmul.f32 v61, v60;
	v28 =	vmul.f32 v63, v62;
	_ =	sdelay $0x1  }
0x1c5: {  	v17 =	vadd.f32 v18, v17;
	v18 =	vadd.f32 v28, v19;
	_ =	sdelay $0x1  }
0x1c6: {  	v17 =	vadd.f32 v18, v17;
	_ =	sdelay $0x1  }
0x1c7: {  	[tilespmem:$0xC5D0] =	vst v17  }
0x1c8: {  	v17 =	vld [tilespmem:s29+$0x78E0]  }
0x1c9: {  	v18 =	vld [tilespmem:s29+$0x8CE0]  }
0x1ca: {  	v19 =	vld [tilespmem:s29+$0x78F0]  }
0x1cb: {  	v29 =	vld [tilespmem:s29+$0x8CF0]  }
0x1cc: {  	v30 =	vld [tilespmem:s29+$0x7900]  }
0x1cd: {  	v31 =	vld [tilespmem:s29+$0x8D00]  }
0x1ce: {  	v32 =	vld [tilespmem:s29+$0x7910]  }
0x1cf: {  	v33 =	vld [tilespmem:s29+$0x8D10];
	_ =	sdelay $0x3  }
0x1d0: {  	v17 =	vmul.f32 v18, v17;
	v18 =	vmul.f32 v29, v19  }
0x1d1: {  	v19 =	vmul.f32 v31, v30;
	v34 =	vmul.f32 v33, v32;
	_ =	sdelay $0x1  }
0x1d2: {  	v17 =	vadd.f32 v18, v17;
	v18 =	vadd.f32 v34, v19;
	_ =	sdelay $0x1  }
0x1d3: {  	v17 =	vadd.f32 v18, v17;
	_ =	sdelay $0x1  }
0x1d4: {  	[tilespmem:$0xC5E0] =	vst v17  }
0x1d5: {  	v17 =	vld [tilespmem:s29+$0x7920]  }
0x1d6: {  	v18 =	vld [tilespmem:s29+$0x8D20]  }
0x1d7: {  	v19 =	vld [tilespmem:s29+$0x7930]  }
0x1d8: {  	v35 =	vld [tilespmem:s29+$0x8D30]  }
0x1d9: {  	v36 =	vld [tilespmem:s29+$0x7940]  }
0x1da: {  	v37 =	vld [tilespmem:s29+$0x8D40]  }
0x1db: {  	v38 =	vld [tilespmem:s29+$0x7950]  }
0x1dc: {  	v39 =	vld [tilespmem:s29+$0x8D50];
	_ =	sdelay $0x3  }
0x1dd: {  	v17 =	vmul.f32 v18, v17;
	v18 =	vmul.f32 v35, v19  }
0x1de: {  	v19 =	vmul.f32 v37, v36;
	v40 =	vmul.f32 v39, v38;
	_ =	sdelay $0x1  }
0x1df: {  	v17 =	vadd.f32 v18, v17;
	v18 =	vadd.f32 v40, v19;
	_ =	sdelay $0x1  }
0x1e0: {  	v17 =	vadd.f32 v18, v17;
	_ =	sdelay $0x1  }
0x1e1: {  	[tilespmem:$0xC5F0] =	vst v17  }
0x1e2: {  	v17 =	vld [tilespmem:s29+$0x7960]  }
0x1e3: {  	v18 =	vld [tilespmem:s29+$0x8D60]  }
0x1e4: {  	v19 =	vld [tilespmem:s29+$0x7970]  }
0x1e5: {  	v41 =	vld [tilespmem:s29+$0x8D70]  }
0x1e6: {  	v42 =	vld [tilespmem:s29+$0x7980]  }
0x1e7: {  	v43 =	vld [tilespmem:s29+$0x8D80]  }
0x1e8: {  	v44 =	vld [tilespmem:s29+$0x7990]  }
0x1e9: {  	v45 =	vld [tilespmem:s29+$0x8D90];
	_ =	sdelay $0x3  }
0x1ea: {  	v17 =	vmul.f32 v18, v17;
	v18 =	vmul.f32 v41, v19  }
0x1eb: {  	v19 =	vmul.f32 v43, v42;
	v46 =	vmul.f32 v45, v44;
	_ =	sdelay $0x1  }
0x1ec: {  	v17 =	vadd.f32 v18, v17;
	v18 =	vadd.f32 v46, v19;
	_ =	sdelay $0x1  }
0x1ed: {  	v17 =	vadd.f32 v18, v17;
	_ =	sdelay $0x1  }
0x1ee: {  	[tilespmem:$0xC600] =	vst v17  }
0x1ef: {  	v17 =	vld [tilespmem:s29+$0x79A0]  }
0x1f0: {  	v18 =	vld [tilespmem:s29+$0x8DA0]  }
0x1f1: {  	v19 =	vld [tilespmem:s29+$0x79B0]  }
0x1f2: {  	v47 =	vld [tilespmem:s29+$0x8DB0]  }
0x1f3: {  	v48 =	vld [tilespmem:s29+$0x79C0]  }
0x1f4: {  	v49 =	vld [tilespmem:s29+$0x8DC0]  }
0x1f5: {  	v50 =	vld [tilespmem:s29+$0x79D0]  }
0x1f6: {  	v51 =	vld [tilespmem:s29+$0x8DD0];
	_ =	sdelay $0x3  }
0x1f7: {  	v17 =	vmul.f32 v18, v17;
	v18 =	vmul.f32 v47, v19  }
0x1f8: {  	v19 =	vmul.f32 v49, v48;
	v52 =	vmul.f32 v51, v50;
	_ =	sdelay $0x1  }
0x1f9: {  	v17 =	vadd.f32 v18, v17;
	v18 =	vadd.f32 v52, v19;
	_ =	sdelay $0x1  }
0x1fa: {  	v17 =	vadd.f32 v18, v17;
	_ =	sdelay $0x1  }
0x1fb: {  	[tilespmem:$0xC610] =	vst v17  }
0x1fc: {  	v17 =	vld [tilespmem:s29+$0x79E0]  }
0x1fd: {  	v18 =	vld [tilespmem:s29+$0x8DE0]  }
0x1fe: {  	v19 =	vld [tilespmem:s29+$0x79F0]  }
0x1ff: {  	v53 =	vld [tilespmem:s29+$0x8DF0]  }
0x200: {  	v54 =	vld [tilespmem:s29+$0x7A00]  }
0x201: {  	v55 =	vld [tilespmem:s29+$0x8E00]  }
0x202: {  	v56 =	vld [tilespmem:s29+$0x7A10]  }
0x203: {  	v57 =	vld [tilespmem:s29+$0x8E10];
	_ =	sdelay $0x3  }
0x204: {  	v17 =	vmul.f32 v18, v17;
	v18 =	vmul.f32 v53, v19  }
0x205: {  	v19 =	vmul.f32 v55, v54;
	v58 =	vmul.f32 v57, v56;
	_ =	sdelay $0x1  }
0x206: {  	v17 =	vadd.f32 v18, v17;
	v18 =	vadd.f32 v58, v19;
	_ =	sdelay $0x1  }
0x207: {  	v17 =	vadd.f32 v18, v17;
	_ =	sdelay $0x1  }
0x208: {  	[tilespmem:$0xC620] =	vst v17  }
0x209: {  	v17 =	vld.idx.msk [tilespmem:v0+s25+$0x0], $0xffff;
	_ =	sdelay $0x1  }
0x20a: {  	v18 =	vld.idx.msk [tilespmem:v1+s25+$0x0], $0xffff;
	_ =	sdelay $0x1  }
0x20b: {  	v19 =	vld.idx.msk [tilespmem:v2+s25+$0x0], $0xffff  }
0x20c: {  	v17 =	vadd.f32 v17, v16  }
0x20d: {  	v59 =	vld.idx.msk [tilespmem:v3+s25+$0x0], $0xffff  }
0x20e: {  	v17 =	vadd.f32 v18, v17  }
0x20f: {  	v18 =	vld.idx.msk [tilespmem:v4+s25+$0x0], $0xffff  }
0x210: {  	v17 =	vadd.f32 v19, v17  }
0x211: {  	v19 =	vld.idx.msk [tilespmem:v5+s25+$0x0], $0xffff  }
0x212: {  	v17 =	vadd.f32 v59, v17  }
0x213: {  	v60 =	vld.idx.msk [tilespmem:v6+s25+$0x0], $0xffff  }
0x214: {  	v17 =	vadd.f32 v18, v17  }
0x215: {  	v18 =	vld.idx.msk [tilespmem:v7+s25+$0x0], $0xffff  }
0x216: {  	v17 =	vadd.f32 v19, v17  }
0x217: {  	v19 =	vld.idx.msk [tilespmem:v8+s25+$0x0], $0xffff  }
0x218: {  	v17 =	vadd.f32 v60, v17  }
0x219: {  	v61 =	vld.idx.msk [tilespmem:v9+s25+$0x0], $0xffff  }
0x21a: {  	v17 =	vadd.f32 v18, v17  }
0x21b: {  	v18 =	vld.idx.msk [tilespmem:v10+s25+$0x0], $0xffff  }
0x21c: {  	v17 =	vadd.f32 v19, v17  }
0x21d: {  	v19 =	vld.idx.msk [tilespmem:v11+s25+$0x0], $0xffff  }
0x21e: {  	v17 =	vadd.f32 v61, v17  }
0x21f: {  	v62 =	vld.idx.msk [tilespmem:v12+s25+$0x0], $0xffff  }
0x220: {  	v17 =	vadd.f32 v18, v17  }
0x221: {  	v18 =	vld.idx.msk [tilespmem:v13+s25+$0x0], $0xffff  }
0x222: {  	v17 =	vadd.f32 v19, v17  }
0x223: {  	v19 =	vld.idx.msk [tilespmem:v14+s25+$0x0], $0xffff  }
0x224: {  	v17 =	vadd.f32 v62, v17  }
0x225: {  	v63 =	vld.idx.msk [tilespmem:v15+s25+$0x0], $0xffff  }
0x226: {  	v17 =	vadd.f32 v18, v17  }
0x227: {  	p2 =	sne.s32 s1, $0x4000  }
.Ltmp1:
0x228: {  	v17 =	vadd.f32 v19, v17;
	(pc) =	sbr.rel @p2 .LBB2_5-.Ltmp1, $3  }
0x229: {  	_ = 	snop  }
0x22a: {  	v17 =	vadd.f32 v63, v17;
	_ =	sdelay $0x1  }
0x22b: {  	s1 =	sadd.s32 $0x1000, s1;
	[tilespmem:s9+$0x0] =	vst v17;
	s9 =	sadd.s32 $0x10, s9  }
0x22c: {  	s0 =	sadd.s32 $0x1, s0  }
0x22d: {  	p2 =	sne.s32 s0, $0x3E  }
.Ltmp2:
0x22e: {  	_ = 	snop;
	(pc) =	sbr.rel @p2 .LBB2_2-.Ltmp2, $2  }
0x22f: {  	_ =	sdelay $0x2  }
0x230: {  	s28 =	sadd.s32 $0xA0, s28;
	s12 =	sadd.s32 $0xA0, s12  }
0x231: {  	s0 =	simm.s32 $0x26C0  }
0x232: {  	[tilespmem:s20], [sflag:$0x1] =	stream.indirect.gather [spmem:s2], $0x40, s0, s19, $0xb8;
	[tilespmem:$0x1FEC0] =	vst v63  }
0x233: {  	s30 =	simm.s32 $0x4DD0  }
0x234: {  	[tilespmem:s21], [sflag:$0x1] =	stream.indirect.gather [spmem:s3], $0x40, s30, s19, $0xb8;
	[tilespmem:$0x1FEC0] =	vst v63  }
0x235: {  	_ =	swait.ge [sflag:s24], $0x1400  }
0x236: {  	[sflag:s24] =	ssyncset.done $0x0  }
0x237: {  	[sflag:s24] =	ssyncadd.s32 $0xFFFFEC00  }
0x238: {  	_ =	swait.ge [sflag:s24], $0x1400  }
0x239: {  	[sflag:s24] =	ssyncset.done $0x0  }
0x23a: {  	s1 =	simm.s32 $0xC4E0;
	s0 =	simm.s32 $0x0;
	[sflag:s24] =	ssyncadd.s32 $0xFFFFEC00  }
.LBB2_8:
0x23b: {  	s9 =	sshra.s32 s0, $0x2  }
0x23c: {  	v17 =	vld [tilespmem:s9+$0x4E20]  }
0x23d: {  	v18 =	vld [tilespmem:s9+$0x6220]  }
0x23e: {  	v19 =	vld [tilespmem:s9+$0x4E30]  }
0x23f: {  	v20 =	vld [tilespmem:s9+$0x6230]  }
0x240: {  	v21 =	vld [tilespmem:s9+$0x4E40]  }
0x241: {  	v22 =	vld [tilespmem:s9+$0x6240]  }
0x242: {  	v23 =	vld [tilespmem:s9+$0x4E50]  }
0x243: {  	v24 =	vld [tilespmem:s9+$0x6250];
	_ =	sdelay $0x3  }
0x244: {  	v17 =	vmul.f32 v18, v17;
	v18 =	vmul.f32 v20, v19  }
0x245: {  	v19 =	vmul.f32 v22, v21;
	v40 =	vmul.f32 v24, v23;
	_ =	sdelay $0x1  }
0x246: {  	v17 =	vadd.f32 v18, v17;
	v18 =	vadd.f32 v40, v19;
	_ =	sdelay $0x1  }
0x247: {  	v17 =	vadd.f32 v18, v17;
	_ =	sdelay $0x1  }
0x248: {  	[tilespmem:$0xC530] =	vst v17  }
0x249: {  	v17 =	vld [tilespmem:s9+$0x4E60]  }
0x24a: {  	v18 =	vld [tilespmem:s9+$0x6260]  }
0x24b: {  	v19 =	vld [tilespmem:s9+$0x4E70]  }
0x24c: {  	v41 =	vld [tilespmem:s9+$0x6270]  }
0x24d: {  	v42 =	vld [tilespmem:s9+$0x4E80]  }
0x24e: {  	v43 =	vld [tilespmem:s9+$0x6280]  }
0x24f: {  	v44 =	vld [tilespmem:s9+$0x4E90]  }
0x250: {  	v45 =	vld [tilespmem:s9+$0x6290];
	_ =	sdelay $0x3  }
0x251: {  	v17 =	vmul.f32 v18, v17;
	v18 =	vmul.f32 v41, v19  }
0x252: {  	v19 =	vmul.f32 v43, v42;
	v46 =	vmul.f32 v45, v44;
	_ =	sdelay $0x1  }
0x253: {  	v17 =	vadd.f32 v18, v17;
	v18 =	vadd.f32 v46, v19;
	_ =	sdelay $0x1  }
0x254: {  	v17 =	vadd.f32 v18, v17;
	_ =	sdelay $0x1  }
0x255: {  	[tilespmem:$0xC540] =	vst v17  }
0x256: {  	v17 =	vld [tilespmem:s9+$0x4EA0]  }
0x257: {  	v18 =	vld [tilespmem:s9+$0x62A0]  }
0x258: {  	v19 =	vld [tilespmem:s9+$0x4EB0]  }
0x259: {  	v47 =	vld [tilespmem:s9+$0x62B0]  }
0x25a: {  	v48 =	vld [tilespmem:s9+$0x4EC0]  }
0x25b: {  	v49 =	vld [tilespmem:s9+$0x62C0]  }
0x25c: {  	v50 =	vld [tilespmem:s9+$0x4ED0]  }
0x25d: {  	v51 =	vld [tilespmem:s9+$0x62D0];
	_ =	sdelay $0x3  }
0x25e: {  	v17 =	vmul.f32 v18, v17;
	v18 =	vmul.f32 v47, v19  }
0x25f: {  	v19 =	vmul.f32 v49, v48;
	v52 =	vmul.f32 v51, v50;
	_ =	sdelay $0x1  }
0x260: {  	v17 =	vadd.f32 v18, v17;
	v18 =	vadd.f32 v52, v19;
	_ =	sdelay $0x1  }
0x261: {  	v17 =	vadd.f32 v18, v17;
	_ =	sdelay $0x1  }
0x262: {  	[tilespmem:$0xC550] =	vst v17  }
0x263: {  	v17 =	vld [tilespmem:s9+$0x4EE0]  }
0x264: {  	v18 =	vld [tilespmem:s9+$0x62E0]  }
0x265: {  	v19 =	vld [tilespmem:s9+$0x4EF0]  }
0x266: {  	v53 =	vld [tilespmem:s9+$0x62F0]  }
0x267: {  	v54 =	vld [tilespmem:s9+$0x4F00]  }
0x268: {  	v55 =	vld [tilespmem:s9+$0x6300]  }
0x269: {  	v56 =	vld [tilespmem:s9+$0x4F10]  }
0x26a: {  	v57 =	vld [tilespmem:s9+$0x6310];
	_ =	sdelay $0x3  }
0x26b: {  	v17 =	vmul.f32 v18, v17;
	v18 =	vmul.f32 v53, v19  }
0x26c: {  	v19 =	vmul.f32 v55, v54;
	v58 =	vmul.f32 v57, v56;
	_ =	sdelay $0x1  }
0x26d: {  	v17 =	vadd.f32 v18, v17;
	v18 =	vadd.f32 v58, v19;
	_ =	sdelay $0x1  }
0x26e: {  	v17 =	vadd.f32 v18, v17;
	_ =	sdelay $0x1  }
0x26f: {  	[tilespmem:$0xC560] =	vst v17  }
0x270: {  	v17 =	vld [tilespmem:s9+$0x4F20]  }
0x271: {  	v18 =	vld [tilespmem:s9+$0x6320]  }
0x272: {  	v19 =	vld [tilespmem:s9+$0x4F30]  }
0x273: {  	v59 =	vld [tilespmem:s9+$0x6330]  }
0x274: {  	v60 =	vld [tilespmem:s9+$0x4F40]  }
0x275: {  	v61 =	vld [tilespmem:s9+$0x6340]  }
0x276: {  	v62 =	vld [tilespmem:s9+$0x4F50]  }
0x277: {  	v63 =	vld [tilespmem:s9+$0x6350];
	_ =	sdelay $0x3  }
0x278: {  	v17 =	vmul.f32 v18, v17;
	v18 =	vmul.f32 v59, v19  }
0x279: {  	v19 =	vmul.f32 v61, v60;
	v28 =	vmul.f32 v63, v62;
	_ =	sdelay $0x1  }
0x27a: {  	v17 =	vadd.f32 v18, v17;
	v18 =	vadd.f32 v28, v19;
	_ =	sdelay $0x1  }
0x27b: {  	v17 =	vadd.f32 v18, v17;
	_ =	sdelay $0x1  }
0x27c: {  	[tilespmem:$0xC570] =	vst v17  }
0x27d: {  	v17 =	vld [tilespmem:s9+$0x4F60]  }
0x27e: {  	v18 =	vld [tilespmem:s9+$0x6360]  }
0x27f: {  	v19 =	vld [tilespmem:s9+$0x4F70]  }
0x280: {  	v29 =	vld [tilespmem:s9+$0x6370]  }
0x281: {  	v30 =	vld [tilespmem:s9+$0x4F80]  }
0x282: {  	v31 =	vld [tilespmem:s9+$0x6380]  }
0x283: {  	v32 =	vld [tilespmem:s9+$0x4F90]  }
0x284: {  	v33 =	vld [tilespmem:s9+$0x6390];
	_ =	sdelay $0x3  }
0x285: {  	v17 =	vmul.f32 v18, v17;
	v18 =	vmul.f32 v29, v19  }
0x286: {  	v19 =	vmul.f32 v31, v30;
	v34 =	vmul.f32 v33, v32;
	_ =	sdelay $0x1  }
0x287: {  	v17 =	vadd.f32 v18, v17;
	v18 =	vadd.f32 v34, v19;
	_ =	sdelay $0x1  }
0x288: {  	v17 =	vadd.f32 v18, v17;
	_ =	sdelay $0x1  }
0x289: {  	[tilespmem:$0xC580] =	vst v17  }
0x28a: {  	v17 =	vld [tilespmem:s9+$0x4FA0]  }
0x28b: {  	v18 =	vld [tilespmem:s9+$0x63A0]  }
0x28c: {  	v19 =	vld [tilespmem:s9+$0x4FB0]  }
0x28d: {  	v35 =	vld [tilespmem:s9+$0x63B0]  }
0x28e: {  	v36 =	vld [tilespmem:s9+$0x4FC0]  }
0x28f: {  	v37 =	vld [tilespmem:s9+$0x63C0]  }
0x290: {  	v38 =	vld [tilespmem:s9+$0x4FD0]  }
0x291: {  	v39 =	vld [tilespmem:s9+$0x63D0];
	_ =	sdelay $0x3  }
0x292: {  	v17 =	vmul.f32 v18, v17;
	v18 =	vmul.f32 v35, v19  }
0x293: {  	v19 =	vmul.f32 v37, v36;
	v40 =	vmul.f32 v39, v38;
	_ =	sdelay $0x1  }
0x294: {  	v17 =	vadd.f32 v18, v17;
	v18 =	vadd.f32 v40, v19;
	_ =	sdelay $0x1  }
0x295: {  	v17 =	vadd.f32 v18, v17;
	_ =	sdelay $0x1  }
0x296: {  	[tilespmem:$0xC590] =	vst v17  }
0x297: {  	v17 =	vld [tilespmem:s9+$0x4FE0]  }
0x298: {  	v18 =	vld [tilespmem:s9+$0x63E0]  }
0x299: {  	v19 =	vld [tilespmem:s9+$0x4FF0]  }
0x29a: {  	v41 =	vld [tilespmem:s9+$0x63F0]  }
0x29b: {  	v42 =	vld [tilespmem:s9+$0x5000]  }
0x29c: {  	v43 =	vld [tilespmem:s9+$0x6400]  }
0x29d: {  	v44 =	vld [tilespmem:s9+$0x5010]  }
0x29e: {  	v45 =	vld [tilespmem:s9+$0x6410];
	_ =	sdelay $0x3  }
0x29f: {  	v17 =	vmul.f32 v18, v17;
	v18 =	vmul.f32 v41, v19  }
0x2a0: {  	v19 =	vmul.f32 v43, v42;
	v46 =	vmul.f32 v45, v44;
	_ =	sdelay $0x1  }
0x2a1: {  	v17 =	vadd.f32 v18, v17;
	v18 =	vadd.f32 v46, v19;
	_ =	sdelay $0x1  }
0x2a2: {  	v17 =	vadd.f32 v18, v17;
	_ =	sdelay $0x1  }
0x2a3: {  	[tilespmem:$0xC5A0] =	vst v17  }
0x2a4: {  	v17 =	vld [tilespmem:s9+$0x5020]  }
0x2a5: {  	v18 =	vld [tilespmem:s9+$0x6420]  }
0x2a6: {  	v19 =	vld [tilespmem:s9+$0x5030]  }
0x2a7: {  	v47 =	vld [tilespmem:s9+$0x6430]  }
0x2a8: {  	v48 =	vld [tilespmem:s9+$0x5040]  }
0x2a9: {  	v49 =	vld [tilespmem:s9+$0x6440]  }
0x2aa: {  	v50 =	vld [tilespmem:s9+$0x5050]  }
0x2ab: {  	v51 =	vld [tilespmem:s9+$0x6450];
	_ =	sdelay $0x3  }
0x2ac: {  	v17 =	vmul.f32 v18, v17;
	v18 =	vmul.f32 v47, v19  }
0x2ad: {  	v19 =	vmul.f32 v49, v48;
	v52 =	vmul.f32 v51, v50;
	_ =	sdelay $0x1  }
0x2ae: {  	v17 =	vadd.f32 v18, v17;
	v18 =	vadd.f32 v52, v19;
	_ =	sdelay $0x1  }
0x2af: {  	v17 =	vadd.f32 v18, v17;
	_ =	sdelay $0x1  }
0x2b0: {  	[tilespmem:$0xC5B0] =	vst v17  }
0x2b1: {  	v17 =	vld [tilespmem:s9+$0x5060]  }
0x2b2: {  	v18 =	vld [tilespmem:s9+$0x6460]  }
0x2b3: {  	v19 =	vld [tilespmem:s9+$0x5070]  }
0x2b4: {  	v53 =	vld [tilespmem:s9+$0x6470]  }
0x2b5: {  	v54 =	vld [tilespmem:s9+$0x5080]  }
0x2b6: {  	v55 =	vld [tilespmem:s9+$0x6480]  }
0x2b7: {  	v56 =	vld [tilespmem:s9+$0x5090]  }
0x2b8: {  	v57 =	vld [tilespmem:s9+$0x6490];
	_ =	sdelay $0x3  }
0x2b9: {  	v17 =	vmul.f32 v18, v17;
	v18 =	vmul.f32 v53, v19  }
0x2ba: {  	v19 =	vmul.f32 v55, v54;
	v58 =	vmul.f32 v57, v56;
	_ =	sdelay $0x1  }
0x2bb: {  	v17 =	vadd.f32 v18, v17;
	v18 =	vadd.f32 v58, v19;
	_ =	sdelay $0x1  }
0x2bc: {  	v17 =	vadd.f32 v18, v17;
	_ =	sdelay $0x1  }
0x2bd: {  	[tilespmem:$0xC5C0] =	vst v17  }
0x2be: {  	v17 =	vld [tilespmem:s9+$0x50A0]  }
0x2bf: {  	v18 =	vld [tilespmem:s9+$0x64A0]  }
0x2c0: {  	v19 =	vld [tilespmem:s9+$0x50B0]  }
0x2c1: {  	v59 =	vld [tilespmem:s9+$0x64B0]  }
0x2c2: {  	v60 =	vld [tilespmem:s9+$0x50C0]  }
0x2c3: {  	v61 =	vld [tilespmem:s9+$0x64C0]  }
0x2c4: {  	v62 =	vld [tilespmem:s9+$0x50D0]  }
0x2c5: {  	v63 =	vld [tilespmem:s9+$0x64D0];
	_ =	sdelay $0x3  }
0x2c6: {  	v17 =	vmul.f32 v18, v17;
	v18 =	vmul.f32 v59, v19  }
0x2c7: {  	v19 =	vmul.f32 v61, v60;
	v28 =	vmul.f32 v63, v62;
	_ =	sdelay $0x1  }
0x2c8: {  	v17 =	vadd.f32 v18, v17;
	v18 =	vadd.f32 v28, v19;
	_ =	sdelay $0x1  }
0x2c9: {  	v17 =	vadd.f32 v18, v17;
	_ =	sdelay $0x1  }
0x2ca: {  	[tilespmem:$0xC5D0] =	vst v17  }
0x2cb: {  	v17 =	vld [tilespmem:s9+$0x50E0]  }
0x2cc: {  	v18 =	vld [tilespmem:s9+$0x64E0]  }
0x2cd: {  	v19 =	vld [tilespmem:s9+$0x50F0]  }
0x2ce: {  	v29 =	vld [tilespmem:s9+$0x64F0]  }
0x2cf: {  	v30 =	vld [tilespmem:s9+$0x5100]  }
0x2d0: {  	v31 =	vld [tilespmem:s9+$0x6500]  }
0x2d1: {  	v32 =	vld [tilespmem:s9+$0x5110]  }
0x2d2: {  	v33 =	vld [tilespmem:s9+$0x6510];
	_ =	sdelay $0x3  }
0x2d3: {  	v17 =	vmul.f32 v18, v17;
	v18 =	vmul.f32 v29, v19  }
0x2d4: {  	v19 =	vmul.f32 v31, v30;
	v34 =	vmul.f32 v33, v32;
	_ =	sdelay $0x1  }
0x2d5: {  	v17 =	vadd.f32 v18, v17;
	v18 =	vadd.f32 v34, v19;
	_ =	sdelay $0x1  }
0x2d6: {  	v17 =	vadd.f32 v18, v17;
	_ =	sdelay $0x1  }
0x2d7: {  	[tilespmem:$0xC5E0] =	vst v17  }
0x2d8: {  	v17 =	vld [tilespmem:s9+$0x5120]  }
0x2d9: {  	v18 =	vld [tilespmem:s9+$0x6520]  }
0x2da: {  	v19 =	vld [tilespmem:s9+$0x5130]  }
0x2db: {  	v35 =	vld [tilespmem:s9+$0x6530]  }
0x2dc: {  	v36 =	vld [tilespmem:s9+$0x5140]  }
0x2dd: {  	v37 =	vld [tilespmem:s9+$0x6540]  }
0x2de: {  	v38 =	vld [tilespmem:s9+$0x5150]  }
0x2df: {  	v39 =	vld [tilespmem:s9+$0x6550];
	_ =	sdelay $0x3  }
0x2e0: {  	v17 =	vmul.f32 v18, v17;
	v18 =	vmul.f32 v35, v19  }
0x2e1: {  	v19 =	vmul.f32 v37, v36;
	v40 =	vmul.f32 v39, v38;
	_ =	sdelay $0x1  }
0x2e2: {  	v17 =	vadd.f32 v18, v17;
	v18 =	vadd.f32 v40, v19;
	_ =	sdelay $0x1  }
0x2e3: {  	v17 =	vadd.f32 v18, v17;
	_ =	sdelay $0x1  }
0x2e4: {  	[tilespmem:$0xC5F0] =	vst v17  }
0x2e5: {  	v17 =	vld [tilespmem:s9+$0x5160]  }
0x2e6: {  	v18 =	vld [tilespmem:s9+$0x6560]  }
0x2e7: {  	v19 =	vld [tilespmem:s9+$0x5170]  }
0x2e8: {  	v41 =	vld [tilespmem:s9+$0x6570]  }
0x2e9: {  	v42 =	vld [tilespmem:s9+$0x5180]  }
0x2ea: {  	v43 =	vld [tilespmem:s9+$0x6580]  }
0x2eb: {  	v44 =	vld [tilespmem:s9+$0x5190]  }
0x2ec: {  	v45 =	vld [tilespmem:s9+$0x6590];
	_ =	sdelay $0x3  }
0x2ed: {  	v17 =	vmul.f32 v18, v17;
	v18 =	vmul.f32 v41, v19  }
0x2ee: {  	v19 =	vmul.f32 v43, v42;
	v46 =	vmul.f32 v45, v44;
	_ =	sdelay $0x1  }
0x2ef: {  	v17 =	vadd.f32 v18, v17;
	v18 =	vadd.f32 v46, v19;
	_ =	sdelay $0x1  }
0x2f0: {  	v17 =	vadd.f32 v18, v17;
	_ =	sdelay $0x1  }
0x2f1: {  	[tilespmem:$0xC600] =	vst v17  }
0x2f2: {  	v17 =	vld [tilespmem:s9+$0x51A0]  }
0x2f3: {  	v18 =	vld [tilespmem:s9+$0x65A0]  }
0x2f4: {  	v19 =	vld [tilespmem:s9+$0x51B0]  }
0x2f5: {  	v47 =	vld [tilespmem:s9+$0x65B0]  }
0x2f6: {  	v48 =	vld [tilespmem:s9+$0x51C0]  }
0x2f7: {  	v49 =	vld [tilespmem:s9+$0x65C0]  }
0x2f8: {  	v50 =	vld [tilespmem:s9+$0x51D0]  }
0x2f9: {  	v51 =	vld [tilespmem:s9+$0x65D0];
	_ =	sdelay $0x3  }
0x2fa: {  	v17 =	vmul.f32 v18, v17;
	v18 =	vmul.f32 v47, v19  }
0x2fb: {  	v19 =	vmul.f32 v49, v48;
	v52 =	vmul.f32 v51, v50;
	_ =	sdelay $0x1  }
0x2fc: {  	v17 =	vadd.f32 v18, v17;
	v18 =	vadd.f32 v52, v19;
	_ =	sdelay $0x1  }
0x2fd: {  	v17 =	vadd.f32 v18, v17;
	_ =	sdelay $0x1  }
0x2fe: {  	[tilespmem:$0xC610] =	vst v17  }
0x2ff: {  	v17 =	vld [tilespmem:s9+$0x51E0]  }
0x300: {  	v18 =	vld [tilespmem:s9+$0x65E0]  }
0x301: {  	v19 =	vld [tilespmem:s9+$0x51F0]  }
0x302: {  	v53 =	vld [tilespmem:s9+$0x65F0]  }
0x303: {  	v54 =	vld [tilespmem:s9+$0x5200]  }
0x304: {  	v55 =	vld [tilespmem:s9+$0x6600]  }
0x305: {  	v56 =	vld [tilespmem:s9+$0x5210]  }
0x306: {  	v57 =	vld [tilespmem:s9+$0x6610];
	_ =	sdelay $0x3  }
0x307: {  	v17 =	vmul.f32 v18, v17;
	v18 =	vmul.f32 v53, v19  }
0x308: {  	v19 =	vmul.f32 v55, v54;
	v58 =	vmul.f32 v57, v56;
	_ =	sdelay $0x1  }
0x309: {  	v17 =	vadd.f32 v18, v17;
	v18 =	vadd.f32 v58, v19;
	_ =	sdelay $0x1  }
0x30a: {  	v17 =	vadd.f32 v18, v17;
	_ =	sdelay $0x1  }
0x30b: {  	[tilespmem:$0xC620] =	vst v17  }
0x30c: {  	v17 =	vld.idx.msk [tilespmem:v0+s25+$0x0], $0xffff;
	_ =	sdelay $0x1  }
0x30d: {  	v18 =	vld.idx.msk [tilespmem:v1+s25+$0x0], $0xffff;
	_ =	sdelay $0x1  }
0x30e: {  	v19 =	vld.idx.msk [tilespmem:v2+s25+$0x0], $0xffff  }
0x30f: {  	v17 =	vadd.f32 v17, v16  }
0x310: {  	v59 =	vld.idx.msk [tilespmem:v3+s25+$0x0], $0xffff  }
0x311: {  	v17 =	vadd.f32 v18, v17  }
0x312: {  	v18 =	vld.idx.msk [tilespmem:v4+s25+$0x0], $0xffff  }
0x313: {  	v17 =	vadd.f32 v19, v17  }
0x314: {  	v19 =	vld.idx.msk [tilespmem:v5+s25+$0x0], $0xffff  }
0x315: {  	v17 =	vadd.f32 v59, v17  }
0x316: {  	v60 =	vld.idx.msk [tilespmem:v6+s25+$0x0], $0xffff  }
0x317: {  	v17 =	vadd.f32 v18, v17  }
0x318: {  	v18 =	vld.idx.msk [tilespmem:v7+s25+$0x0], $0xffff  }
0x319: {  	v17 =	vadd.f32 v19, v17  }
0x31a: {  	v19 =	vld.idx.msk [tilespmem:v8+s25+$0x0], $0xffff  }
0x31b: {  	v17 =	vadd.f32 v60, v17  }
0x31c: {  	v61 =	vld.idx.msk [tilespmem:v9+s25+$0x0], $0xffff  }
0x31d: {  	v17 =	vadd.f32 v18, v17  }
0x31e: {  	v18 =	vld.idx.msk [tilespmem:v10+s25+$0x0], $0xffff  }
0x31f: {  	v17 =	vadd.f32 v19, v17  }
0x320: {  	v19 =	vld.idx.msk [tilespmem:v11+s25+$0x0], $0xffff  }
0x321: {  	v17 =	vadd.f32 v61, v17  }
0x322: {  	v62 =	vld.idx.msk [tilespmem:v12+s25+$0x0], $0xffff  }
0x323: {  	v17 =	vadd.f32 v18, v17  }
0x324: {  	v18 =	vld.idx.msk [tilespmem:v13+s25+$0x0], $0xffff  }
0x325: {  	v17 =	vadd.f32 v19, v17  }
0x326: {  	v19 =	vld.idx.msk [tilespmem:v14+s25+$0x0], $0xffff  }
0x327: {  	v17 =	vadd.f32 v62, v17  }
0x328: {  	v63 =	vld.idx.msk [tilespmem:v15+s25+$0x0], $0xffff  }
0x329: {  	v17 =	vadd.f32 v18, v17  }
0x32a: {  	p2 =	sne.s32 s0, $0x4000  }
.Ltmp3:
0x32b: {  	v17 =	vadd.f32 v19, v17;
	(pc) =	sbr.rel @p2 .LBB2_8-.Ltmp3, $3  }
0x32c: {  	_ = 	snop  }
0x32d: {  	v17 =	vadd.f32 v63, v17;
	_ =	sdelay $0x1  }
0x32e: {  	s0 =	sadd.s32 $0x1000, s0;
	[tilespmem:s1+$0x0] =	vst v17;
	s1 =	sadd.s32 $0x10, s1  }
0x32f: {  	s31 =	sadd.s32 $0x1, s31  }
0x330: {  	p2 =	sne.s32 s31, s11  }
.Ltmp4:
0x331: {  	s0 =	simm.s32 $0x9E20;
	(pc) =	sbr.rel @p2 .LBB2_1-.Ltmp4, $4  }
0x332: {  	[hbm4b:s10+s4] =	stream.linear.scatter [tilespmem:s0], [sflag:$0x3], $0x2710, $0x38;
	[tilespmem:$0x1FEC0] =	vst v63  }
0x333: {  	_ =	swait.ge [sflag:s13], $0x2710  }
0x334: {  	[sflag:s13] =	ssyncset.done $0x0  }
0x335: {  	[sflag:s13] =	ssyncadd.s32 $0xFFFFD8F0  }
0x336: {  	_ =	sfence.sel $0x180000  }
0x337: {  	[bflag:$0x0] =	sbarrier.arrive $0xFFFF  }
0x338: {  	_ =	strace $0x90000050  }
0x339: {  	s0 =	stileid.u32;
	[bflag:$0x2] =	sbarrier.arrive $0xFFFF  }
0x33a: {  	p0 =	sne.s32 s0, $0x0;
	s0 =	rddreg [dreg:$0x4]  }
0x33b: {  	s0 =	sadd.s32 @!p0 $0x100000, s0  }
0x33c: {  	[sflag:s0] =	ssyncadd.tile.s32 @!p0 $0x1;
	_ =	shalt  }
.Lfunc_end2:
_tile_overlayer_lowered:
.L_overlay_start_2:
0x33d: {  	(tag) =	ssettag $0x2  }
0x33e: {  	s0 =	rddreg [dreg:$0x0];
	s2 =	stileid.u32  }
0x33f: {  	s1 =	rddreg [dreg:$0x1];
	p0 =	sne.s32 s2, $0x0  }
0x340: {  	s3 =	rddreg [dreg:$0x2];
	[bflag:$0x3] =	sbarrier.arrive $0xFFFF;
	s2 =	simm.s32 @!p0 $0x1C03  }
0x341: {  	[timem:s3], [sflag:s2] =	dma.local @!p0 [hbm:s0], s1  }
0x342: {  	s0 =	simm.s32 @!p0 $0x3  }
0x343: {  	_ =	swait.ge @!p0 [sflag:s0], s1  }
0x344: {  	s1 =	ssub.s32 @!p0 $0x0, s1;
	[sflag:s0] =	ssyncset.done @!p0 $0x0  }
0x345: {  	[sflag:s0] =	ssyncadd.s32 @!p0 s1  }
0x346: {  	[bflag:$0x3] =	sbarrier.arrive $0xFFFF  }
0x347: {  	_ =	shalt  }

// kernel: kernel.9.cloned.1.call-start
scs
__scs_entry_jumppad:
0x0: {  	(pc) =	sbr.rel $0x88, $3  }
0x1: {  	(tag) =	ssettag $0x0;
	lr =	simm.s32 $0x1  }
0x2: {  	[smem:$0x3F97] =	sst lr;
	_ =	strace $0xD0000000  }
0x3: {  	_ = 	snop  }
0x4: {  	_ = 	snop  }
0x5: {  	_ = 	snop  }
0x6: {  	_ = 	snop  }
0x7: {  	_ = 	snop  }
__scs_overlays_trampoline_lowered:
0x8: {  	[smem:$0x3FA6] =	sst s0  }
0x9: {  	[smem:$0x3FA7] =	sst s1  }
0xa: {  	[smem:$0x3FA8] =	sst s2  }
0xb: {  	[smem:$0x3FA9] =	sst s3  }
0xc: {  	[smem:$0x3FAA] =	sst s4  }
0xd: {  	[smem:$0x3FAB] =	sst s5  }
0xe: {  	[smem:$0x3FAC] =	sst s6  }
0xf: {  	[smem:$0x3FAD] =	sst s7  }
0x10: {  	[smem:$0x3FAE] =	sst s8  }
0x11: {  	[smem:$0x3FAF] =	sst s9;
	s0 =	simm.s32 @!p0 $0x0  }
0x12: {  	s1 =	sld [smem:$0x3F95];
	s0 =	simm.s32 @p0 $0x1  }
0x13: {  	[smem:$0x3FB0] =	sst s0;
	s0 =	simm.s32 @!p1 $0x0  }
0x14: {  	s2 =	sld [smem:$0x3F94];
	s0 =	simm.s32 @p1 $0x1  }
0x15: {  	[smem:$0x3FB1] =	sst s0;
	s0 =	simm.s32 @!p2 $0x0  }
0x16: {  	s3 =	sld [smem:$0x3FDB];
	s0 =	simm.s32 @p2 $0x1  }
0x17: {  	s4 =	simm.s32 $0x1BF5;
	[smem:$0x3FB3] =	sst s0  }
0x18: {  	s0 =	sld [smem:$0x3F96];
	_ =	swait.ge [sflag:s4], $0x0  }
0x19: {  	s7 =	sld [smem:$0x3F97]  }
0x1a: {  	s8 =	sadd.s32 $0xFFFFE003, lr  }
0x1b: {  	s9 =	sadd.s32 $0xFFFFFEF7, lr;
	s5 =	simm.s32 $0xFFFFFFFF;
	p2 =	slt.u32 s8, $0xFFFFF086  }
0x1c: {  	p1 =	slt.u32 s9, $0xF7A;
	s5 =	simm.s32 @!p2 $0x0  }
0x1d: {  	s5 =	simm.s32 @p1 $0x1;
	p0 =	seq.s32 s7, s2  }
0x1e: {  	s7 =	smul.u32 @!p0 $0xF7A, s2;
	p2 =	seq.s32 @!p0 s5, $0x0  }
0x1f: {  	s9 =	smul.u32 $0xF7A, s1;
	s8 =	simm.s32 @!p0 $0x1BF5;
	p2 =	por !p2, p0  }
0x20: {  	[sflag:s8] =	ssyncset.s32 @!p0 $0xFFFFF086;
	s6 =	sadd.s32 @!p0 s3, s7;
	s7 =	simm.s32 @!p0 $0x108  }
0x21: {  	s3 =	sadd.s32 s3, s9;
	s6 =	sadd.s32 @!p0 $0x88, s6;
	s7 =	simm.s32 @p2 $0x1082  }
0x22: {  	[simem:s7], [sflag:s8] =	dma.local @!p0 [hbm:s6], $0xF7A  }
0x23: {  	s9 =	sor.u32 $0xD0000000, s2;
	s6 =	simm.s32 $0x108;
	_ =	swait.ge @!p0 [sflag:s8], $0x0  }
0x24: {  	s3 =	sadd.s32 $0x88, s3;
	s6 =	simm.s32 @!p1 $0x1082;
	[sflag:s4] =	ssyncset.s32 $0xFFFFF086  }
0x25: {  	[simem:s6], [sflag:s4] =	dma.local [hbm:s3], $0xF7A  }
0x26: {  	[smem:$0x3F97] =	sst s1;
	(tag) =	ssettag s2;
	_ =	strace s9  }
0x27: {  	s1 =	sld [smem:$0x3FA7]  }
0x28: {  	s2 =	sld [smem:$0x3FA8]  }
0x29: {  	s4 =	sld [smem:$0x3FAA]  }
0x2a: {  	p0 =	seq.s32 s5, $0x0;
	s5 =	sld [smem:$0x3FAB]  }
0x2b: {  	s6 =	sld [smem:$0x3FAC]  }
0x2c: {  	s7 =	sld [smem:$0x3FAD]  }
0x2d: {  	s3 =	simm.s32 $0x108;
	s8 =	sld [smem:$0x3FAE]  }
0x2e: {  	s3 =	simm.s32 @!p0 $0x1082;
	s9 =	sld [smem:$0x3FAF]  }
0x2f: {  	lr =	sadd.s32 s0, s3;
	s0 =	sld [smem:$0x3FA6]  }
0x30: {  	s3 =	sld [smem:$0x3FA9]  }
0x31: {  	[smem:$0x3FB2] =	sst s10  }
0x32: {  	s10 =	sld [smem:$0x3FB0];
	_ =	sdelay $0x3  }
0x33: {  	p0 =	seq.s32 s10, $0x1;
	s10 =	sld [smem:$0x3FB2];
	_ =	sdelay $0x3  }
0x34: {  	[smem:$0x3FB2] =	sst s10  }
0x35: {  	s10 =	sld [smem:$0x3FB1];
	_ =	sdelay $0x3  }
0x36: {  	p1 =	seq.s32 s10, $0x1;
	s10 =	sld [smem:$0x3FB2];
	_ =	sdelay $0x3  }
0x37: {  	[smem:$0x3FB2] =	sst s10  }
0x38: {  	s10 =	sld [smem:$0x3FB3]  }
0x39: {  	_ = 	snop;
	(pc) =	sbr.ind lr, $3  }
0x3a: {  	_ = 	snop  }
0x3b: {  	_ = 	snop  }
0x3c: {  	p2 =	seq.s32 s10, $0x1;
	s10 =	sld [smem:$0x3FB2]  }
0x3d: {  	_ =	shalt  }
0x3e: {  	_ =	shalt  }
0x3f: {  	_ =	shalt  }
0x40: {  	_ =	shalt  }
0x41: {  	_ =	shalt  }
0x42: {  	_ =	shalt  }
0x43: {  	_ =	shalt  }
0x44: {  	_ =	shalt  }
0x45: {  	_ =	shalt  }
0x46: {  	_ =	shalt  }
0x47: {  	_ =	shalt  }
0x48: {  	_ =	shalt  }
0x49: {  	_ =	shalt  }
0x4a: {  	_ =	shalt  }
0x4b: {  	_ =	shalt  }
0x4c: {  	_ =	shalt  }
0x4d: {  	_ =	shalt  }
0x4e: {  	_ =	shalt  }
0x4f: {  	_ =	shalt  }
0x50: {  	_ =	shalt  }
0x51: {  	_ =	shalt  }
0x52: {  	_ =	shalt  }
0x53: {  	_ =	shalt  }
0x54: {  	_ =	shalt  }
0x55: {  	_ =	shalt  }
0x56: {  	_ =	shalt  }
0x57: {  	_ =	shalt  }
0x58: {  	_ =	shalt  }
0x59: {  	_ =	shalt  }
0x5a: {  	_ =	shalt  }
0x5b: {  	_ =	shalt  }
0x5c: {  	_ =	shalt  }
0x5d: {  	_ =	shalt  }
0x5e: {  	_ =	shalt  }
0x5f: {  	_ =	shalt  }
0x60: {  	_ =	shalt  }
0x61: {  	_ =	shalt  }
0x62: {  	_ =	shalt  }
0x63: {  	_ =	shalt  }
0x64: {  	_ =	shalt  }
0x65: {  	_ =	shalt  }
0x66: {  	_ =	shalt  }
0x67: {  	_ =	shalt  }
0x68: {  	_ =	shalt  }
0x69: {  	_ =	shalt  }
0x6a: {  	_ =	shalt  }
0x6b: {  	_ =	shalt  }
0x6c: {  	_ =	shalt  }
0x6d: {  	_ =	shalt  }
0x6e: {  	_ =	shalt  }
0x6f: {  	_ =	shalt  }
0x70: {  	_ =	shalt  }
0x71: {  	_ =	shalt  }
0x72: {  	_ =	shalt  }
0x73: {  	_ =	shalt  }
0x74: {  	_ =	shalt  }
0x75: {  	_ =	shalt  }
0x76: {  	_ =	shalt  }
0x77: {  	_ =	shalt  }
0x78: {  	_ =	shalt  }
0x79: {  	_ =	shalt  }
0x7a: {  	_ =	shalt  }
0x7b: {  	_ =	shalt  }
0x7c: {  	_ =	shalt  }
0x7d: {  	_ =	shalt  }
0x7e: {  	_ =	shalt  }
0x7f: {  	_ =	shalt  }
0x80: {  	_ =	shalt  }
0x81: {  	_ =	shalt  }
0x82: {  	_ =	shalt  }
0x83: {  	_ =	shalt  }
0x84: {  	_ =	shalt  }
0x85: {  	_ =	shalt  }
0x86: {  	_ =	shalt  }
0x87: {  	_ =	shalt  }
.Lfunc_end0:
.L_simem_size_0:
called_computation_lowered:
.L_overlay_start_0:
0x88: {  	s2 =	sld [smem:$0x3FD9]  }
0x89: {  	s3 =	sld [smem:$0x3FFE];
	_ =	sdelay $0x1  }
0x8a: {  	s1 =	srdreg.scid  }
0x8b: {  	s0 =	sand.u32 $0x1, s1  }
0x8c: {  	s17 =	sshll.u32 s0, $0xA;
	s2 =	sadd.s32 s3, s2  }
0x8d: {  	s2 =	sadd.s32 s2, s17  }
0x8e: {  	[smem:$0x3FBE] =	sst s2  }
0x8f: {  	_ = 	snop  }
0x90: {  	s2 =	sld [smem:$0x3FD0];
	(tm) =	ssettm $0x1  }
0x91: {  	s18 =	sld [smem:$0x3FFB];
	_ =	sdelay $0x3  }
0x92: {  	_ =	strace s18  }
0x93: {  	s3 =	sld [smem:$0x3FFC];
	_ =	sdelay $0x3  }
0x94: {  	_ =	strace s3  }
0x95: {  	s3 =	sld [smem:$0x3FFD];
	_ =	sdelay $0x3  }
0x96: {  	_ =	strace s3  }
0x97: {  	_ =	strace $0x8FFFFFFF  }
0x98: {  	s19 =	sld [smem:$0x3FDB];
	_ =	sdelay $0x1  }
0x99: {  	s4 =	simm.s32 $_scs_section_size  }
0x9a: {  	s5 =	simm.s32 $_size__tile_overlayer_lowered;
	s6 =	simm.s32 $_tile_overlayer_lowered  }
0x9b: {  	s22 =	simm.s32 $0x1BFF;
	s21 =	sshll.u32 s6, $0x1;
	s3 =	sadd.s32 s4, s19  }
0x9c: {  	s7 =	simm.s32 $0x0;
	s20 =	sshll.u32 s5, $0x1;
	s5 =	sadd.s32 s21, s3  }
0x9d: {  	[timem:s7], [sflag:s22] =	dma.local [hbm:s5], s20  }
0x9e: {  	_ =	swait.ge [sflag:s22], s20  }
0x9f: {  	s4 =	ssub.s32 $0x0, s20;
	[sflag:s22] =	ssyncset.done $0x0  }
0xa0: {  	[sflag:s22] =	ssyncadd.s32 s4;
	_ =	sdelay $0x1  }
0xa1: {  	s23 =	simm.s32 $0x1B8B  }
0xa2: {  	_ =	swait.ge [sflag:s23], $0x1  }
0xa3: {  	[sflag:s23] =	ssyncset.done $0x0  }
0xa4: {  	s25 =	simm.s32 $0x1B8E;
	s24 =	sld [smem:$0x3FFE];
	[sflag:s23] =	ssyncadd.s32 $0xFFFFFFFF  }
0xa5: {  	s26 =	simm.s32 $execute0_lowered;
	[smem:$0x3FD2] =	sst s25  }
0xa6: {  	s5 =	sshll.u32 s26, $0x1;
	_ =	strace $0x80000046;
	[dreg:$0x1] =	wrdreg $0xFFFFFFFF  }
0xa7: {  	s28 =	simm.s32 $_size_execute0_lowered;
	s3 =	sadd.s32 s3, s5;
	[dreg:$0x0] =	wrdreg $0x0  }
0xa8: {  	s5 =	sshll.u32 s28, $0x1;
	[dreg:$0x2] =	wrdreg s3  }
0xa9: {  	[dreg:$0x3] =	wrdreg s5  }
0xaa: {  	[dreg:$0x4] =	wrdreg $0xC0  }
0xab: {  	_ =	task [dreg:s7], $0x5FFFF  }
0xac: {  	[dreg:$0x1] =	wrdreg $0xFFFFFFFF  }
0xad: {  	[dreg:$0x0] =	wrdreg $0x60  }
0xae: {  	[dreg:$0x2] =	wrdreg s24  }
0xaf: {  	[dreg:$0x3] =	wrdreg s2  }
0xb0: {  	[dreg:$0x4] =	wrdreg $0x9  }
0xb1: {  	_ =	task.clear_ibuf [dreg:s7], $0x5FFFF;
	_ =	strace $0x90000046  }
0xb2: {  	s29 =	simm.s32 $0x9;
	_ =	strace $0x80000048  }
0xb3: {  	_ =	swait.ge [sflag:s29], $0x1  }
0xb4: {  	[sflag:s29] =	ssyncadd.s32 $0xFFFFFFFF  }
0xb5: {  	_ =	strace $0x90000048  }
0xb6: {  	_ =	sfence  }
0xb7: {  	s30 =	sld [smem:$0x0];
	_ =	sdelay $0x2  }
0xb8: {  	s31 =	sshll.u32 s1, $0xD;
	s1 =	sshrl.u32 s1, $0x2  }
0xb9: {  	s3 =	sand.u32 $0x4000, s31;
	s1 =	sadd.s32 s1, s30  }
0xba: {  	s0 =	sor.u32 s3, s0;
	s1 =	sshll.u32 s1, $0x11  }
0xbb: {  	s0 =	sor.u32 s1, s0  }
0xbc: {  	s0 =	sadd.s32 $0x8F2B, s0  }
0xbd: {  	[sflag:s0] =	ssyncadd.remote.s32 $0x1  }
0xbe: {  	_ =	sfence.sel $0xFFFF  }
0xbf: {  	[dreg:$0x0] =	wrdreg $0xFFFFFFFF;
	(pc) =	sbr.abs _section_cstart, $3  }
0xc0: {  	[dreg:$0x1] =	wrdreg $0xFFFFFFFF  }
0xc1: {  	_ =	task.clear_ibuf [dreg:s7], $0x2FFFF;
	_ =	strace $0x9FFFFFFF  }
0xc2: {  	(tm) =	ssettm $0x7FFFFFFF  }
0xc3: {  	_ =	shalt  }
tec
execute0_lowered:
.L_overlay_start_1:
0x0: {  	(tag) =	ssettag $0x1  }
0x1: {  	s0 =	srdreg.scid  }
0x2: {  	s4 =	sand.u32 $0x1, s0  }
0x3: {  	s3 =	rddreg [dreg:$0x0];
	s1 =	stileid.u32;
	s6 =	sshll.u32 s4, $0x4  }
0x4: {  	s5 =	rddreg [dreg:$0x1];
	s2 =	simm.s32 $0x0;
	s6 =	sor.u32 s1, s6  }
0x5: {  	s0 =	rddreg [dreg:$0x2];
	s4 =	ssub.s32 $0x2, s4;
	s6 =	smul.u32 $0x4E2, s6  }
0x6: {  	s9 =	simm.s32 $0x0;
	[smem:$0x7FF] =	sst s2;
	s7 =	sshrl.u32 s4, $0x1  }
0x7: {  	_ =	strace $0x80000047;
	s7 =	ssub.s32 s4, s7;
	s8 =	sadd.s32 s6, s3  }
0x8: {  	s3 =	sadd.s32 $0x16600, s3;
	s5 =	sadd.s32 s5, s6;
	s6 =	smax.u32 s7, $0x1  }
0x9: {  	v0 =	vimm.f32 $1.000000000e+00;
	s7 =	simm.s32 $0x2710;
	s4 =	sadd.s32 $0xC800, s8;
	s8 =	simm.s32 $0x1  }
.LBB2_1:
0xa: {  	[tilespmem:s7], [sflag:$0x1] =	stream.linear.gather [hbm4b:s3+s2], $0x2710, $0x38;
	[tilespmem:$0x4E20] =	vst v63  }
0xb: {  	_ =	swait.ge [sflag:s8], $0x2710  }
0xc: {  	[sflag:s8] =	ssyncset.done $0x0  }
0xd: {  	[sflag:s8] =	ssyncadd.s32 $0xFFFFD8F0  }
0xe: {  	[tilespmem:s2], [sflag:$0x1] =	stream.linear.gather [hbm4b:s4+s2], $0x2710, $0x38;
	[tilespmem:$0x4E20] =	vst v63  }
0xf: {  	_ =	swait.ge [sflag:s8], $0x2710  }
0x10: {  	[sflag:s8] =	ssyncset.done $0x0  }
0x11: {  	s11 =	simm.s32 $0x0;
	s10 =	simm.s32 $0x40;
	[sflag:s8] =	ssyncadd.s32 $0xFFFFD8F0  }
.LBB2_2:
0x12: {  	p0 =	sne.s32 s10, $0x9C00;
	v1 =	vld [tilespmem:s11+$0x0];
	_ =	sdelay $0x3  }
.Ltmp0:
0x13: {  	(pc) =	sbr.rel @p0 .LBB2_2-.Ltmp0, $2  }
0x14: {  	_ =	sdelay $0x2  }
0x15: {  	s11 =	sshra.s32 s10, $0x2;
	s10 =	sadd.s32 $0x40, s10;
	[tilespmem:v1+s7+$0x0] =	vst.idx.add.f32.msk $0xffff, v0  }
0x16: {  	v1 =	vld [tilespmem:s11+$0x0];
	_ =	sdelay $0x5  }
0x17: {  	s9 =	sadd.s32 $0x1, s9  }
0x18: {  	p0 =	sne.s32 s9, s6  }
.Ltmp1:
0x19: {  	[tilespmem:v1+s7+$0x0] =	vst.idx.add.f32.msk $0xffff, v0;
	(pc) =	sbr.rel @p0 .LBB2_1-.Ltmp1, $4  }
0x1a: {  	[hbm4b:s5+s2] =	stream.linear.scatter [tilespmem:s7], [sflag:$0x1], $0x2710, $0x38;
	[tilespmem:$0x4E20] =	vst v63  }
0x1b: {  	_ =	swait.ge [sflag:s8], $0x2710  }
0x1c: {  	[sflag:s8] =	ssyncset.done $0x0  }
0x1d: {  	[sflag:s8] =	ssyncadd.s32 $0xFFFFD8F0  }
0x1e: {  	_ =	sfence.sel $0x180000  }
0x1f: {  	[bflag:$0x0] =	sbarrier.arrive $0xFFFF  }
0x20: {  	p0 =	sne.s32 s1, $0x0;
	_ =	strace $0x90000047  }
0x21: {  	s0 =	sadd.s32 @!p0 $0x100000, s0;
	[bflag:$0x2] =	sbarrier.arrive $0xFFFF  }
0x22: {  	[sflag:s0] =	ssyncadd.tile.s32 @!p0 $0x1;
	_ =	shalt  }
.Lfunc_end2:
_tile_overlayer_lowered:
.L_overlay_start_2:
0x23: {  	(tag) =	ssettag $0x2  }
0x24: {  	s0 =	rddreg [dreg:$0x0];
	s2 =	stileid.u32  }
0x25: {  	s1 =	rddreg [dreg:$0x1];
	p0 =	sne.s32 s2, $0x0  }
0x26: {  	s3 =	rddreg [dreg:$0x2];
	[bflag:$0x3] =	sbarrier.arrive $0xFFFF;
	s2 =	simm.s32 @!p0 $0x1C01  }
0x27: {  	[timem:s3], [sflag:s2] =	dma.local @!p0 [hbm:s0], s1  }
0x28: {  	s0 =	simm.s32 @!p0 $0x1  }
0x29: {  	_ =	swait.ge @!p0 [sflag:s0], s1  }
0x2a: {  	s1 =	ssub.s32 @!p0 $0x0, s1;
	[sflag:s0] =	ssyncset.done @!p0 $0x0  }
0x2b: {  	[sflag:s0] =	ssyncadd.s32 @!p0 s1  }
0x2c: {  	[bflag:$0x3] =	sbarrier.arrive $0xFFFF  }
0x2d: {  	_ =	shalt  }

</sc_bundles>
